<compile_context>
chip_gen: v7x
topology: tpu7x:2x2x1
jax: 0.10.2.dev20260603
libtpu: 0.0.44.dev20260713+nightly
codegen_flags: <defaults>
</compile_context>

<pallas_src>
import jax
import jax.numpy as jnp
from jax import lax
from jax.experimental import pallas as pl
from jax.experimental.pallas import tpu as pltpu
from jax.experimental.pallas import tpu_sc as plsc

_B = 16384
_K = 64
_LANES = 16

_INFO = plsc.get_sparse_core_info()
_NC = _INFO.num_cores
_NS = _INFO.num_subcores
_NW = _NC * _NS
_BPW = _B // _NW
_NGRP = _BPW // _LANES
_RING = 8

_PARAMS = pltpu.CompilerParams(
    needs_layout_passes=False, disable_bounds_checks=True)


def _body(uidx_hbm, iidx_hbm, t_hbm, ut_hbm, it_hbm, tt_hbm, bias_hbm,
          out_hbm, ue_hbm, ie_hbm,
          idx_u, idx_i, u_ring, i_ring, t_v, tt_v, bias_v, out_v,
          s0, s1, s2, s3, s4, s5, s6, s7, sem, sem_i, sem2):
  slabs = (s0, s1, s2, s3, s4, s5, s6, s7)
  wid = lax.axis_index("s") * _NC + lax.axis_index("c")
  base = wid * _BPW

  pltpu.sync_copy(uidx_hbm.at[pl.ds(base, _BPW)], idx_u)
  pltpu.sync_copy(iidx_hbm.at[pl.ds(base, _BPW)], idx_i)

  rows4 = [k * _LANES + lax.iota(jnp.int32, _LANES) for k in range(4)]
  lane_iota = lax.iota(jnp.int32, _LANES)

  def fetch(table, r, slab, s):
    c0 = pl.multiple_of((r >> 7) * 128, 128)
    pltpu.async_copy(table.at[:, pl.ds(c0, 128)], slab, s)
    return r - c0

  def drain_fetch(slot, s):
    pltpu.make_async_copy(ut_hbm.at[:, pl.ds(0, 128)], slabs[slot],
                          s).wait()

  def extract(slot, rr):
    col = jnp.full((_LANES,), rr, jnp.int32)
    return [plsc.load_gather(slabs[slot], [rows4[k], col]) for k in range(4)]

  def drain_iouts(n):
    pltpu.make_async_copy(ie_hbm.at[pl.ds(0, n * _K)],
                          i_ring.at[pl.ds(0, n * _K)], sem2).wait()

  def do_i_row(slot, rr_sel, b_local, lane, dv):
    drain_fetch(slot, sem_i)
    vecs = extract(slot, rr_sel)
    im = (b_local & 31) * _K
    acc = u_ring[pl.ds(im, _LANES)] * vecs[0]
    for k in range(4):
      i_ring[pl.ds(im + k * _LANES, _LANES)] = vecs[k]
      if k:
        acc = acc + u_ring[pl.ds(im + k * _LANES, _LANES)] * vecs[k]
    d = jnp.sum(acc)
    pltpu.async_copy(i_ring.at[pl.ds(im, _K)],
                     ie_hbm.at[pl.ds((base + b_local) * _K, _K)], sem2)
    return jnp.where(lane_iota == lane, d, dv)

  def body(g, carry):
    rrs = list(carry[:_RING])
    dotvec = carry[_RING]

    lax.switch(jnp.clip(g, 0, 2),
               [lambda: None, lambda: drain_iouts(24), lambda: drain_iouts(32)])

    vu = idx_u[pl.ds(g * _LANES, _LANES)]
    vi = idx_i[pl.ds(g * _LANES, _LANES)]
    new_rrs = []
    for l in range(32):
      slot = l % _RING
      if l < _RING:
        lp, gb = l + 32 - _RING, g - 1
      else:
        lp, gb = l - _RING, g
      is_u = lp < 16
      b_local = gb * _LANES + (lp if is_u else lp - _LANES)
      rr_sel = rrs[l] if l < _RING else new_rrs[l - _RING]

      if is_u:
        def de_u(slot=slot, rr_sel=rr_sel, b_local=b_local):
          um = (b_local & 31) * _K
          drain_fetch(slot, sem)
          vecs = extract(slot, rr_sel)
          for k in range(4):
            u_ring[pl.ds(um + k * _LANES, _LANES)] = vecs[k]
        de_u()
        if l == 23:
          pltpu.async_copy(
              u_ring.at[pl.ds((g & 1) * _LANES * _K, _LANES * _K)],
              ue_hbm.at[pl.ds((base + g * _LANES) * _K, _LANES * _K)], sem2)
      else:
        lane = lp - _LANES
        def de_i(slot=slot, rr_sel=rr_sel, b_local=b_local, lane=lane,
                 dv=dotvec):
          return do_i_row(slot, rr_sel, b_local, lane, dv)
        if l < _RING:
          dotvec = lax.cond(g > 0, de_i, lambda dv=dotvec: dv)
        else:
          dotvec = de_i()

      if l == _RING - 1:
        def store_dots(dv=dotvec, g=g):
          out_v[pl.ds((g - 1) * _LANES, _LANES)] = dv
        lax.cond(g > 0, store_dots, lambda: None)

      if l < 16:
        new_rrs.append(fetch(ut_hbm, vu[l], slabs[slot], sem))
      else:
        new_rrs.append(fetch(it_hbm, vi[l - 16], slabs[slot], sem_i))
    return (*new_rrs[32 - _RING:], dotvec)

  carry0 = tuple(jnp.int32(0) for _ in range(_RING)) + (
      jnp.zeros((_LANES,), jnp.float32),)
  carry = lax.fori_loop(0, _NGRP, body, carry0)
  dotvec = carry[_RING]

  for l in range(_RING):
    b_local = _BPW - _RING + l
    dotvec = do_i_row(l % _RING, carry[l], b_local, 16 - _RING + l, dotvec)
  out_v[pl.ds((_NGRP - 1) * _LANES, _LANES)] = dotvec
  drain_iouts(32)
  drain_iouts(_RING)

  pltpu.sync_copy(tt_hbm, tt_v)
  pltpu.sync_copy(bias_hbm, bias_v)
  def t_step(i, acc):
    return acc + t_v[pl.ds(i * _LANES, _LANES)]
  n1v = jnp.zeros((_LANES,), jnp.int32)
  for c in range(4):
    pltpu.sync_copy(t_hbm.at[pl.ds(c * 4096, 4096)], t_v)
    n1v = lax.fori_loop(0, 4096 // _LANES, t_step, n1v)
  n1 = jnp.sum(n1v.astype(jnp.float32))
  sm0 = jnp.sum(tt_v[pl.ds(0, _LANES)] + tt_v[pl.ds(_LANES, _LANES)])
  sm1 = jnp.sum(tt_v[pl.ds(2 * _LANES, _LANES)] + tt_v[pl.ds(3 * _LANES, _LANES)])
  scalar = (jnp.float32(_B) - n1) * sm0 + n1 * sm1 + bias_v[:][0]
  def add_s(j, carry):
    out_v[pl.ds(j * _LANES, _LANES)] = (
        out_v[pl.ds(j * _LANES, _LANES)] + scalar)
    return carry
  lax.fori_loop(0, _NGRP, add_s, 0)

  pltpu.sync_copy(out_v, out_hbm.at[pl.ds(base, _BPW)])


@jax.jit
def _sc_forward(uidx, iidx, t, ut_t, it_t, tt, bias16):
  mesh = plsc.VectorSubcoreMesh(core_axis_name="c", subcore_axis_name="s")
  call = pl.kernel(
      _body,
      out_type=[
          jax.ShapeDtypeStruct((_B,), jnp.float32),
          jax.ShapeDtypeStruct((_B * _K,), jnp.float32),
          jax.ShapeDtypeStruct((_B * _K,), jnp.float32),
      ],
      mesh=mesh,
      compiler_params=_PARAMS,
      scratch_types=(
          [pltpu.VMEM((_BPW,), jnp.int32)] * 2
          + [pltpu.VMEM((32 * _K,), jnp.float32)]
          + [pltpu.VMEM((32 * _K,), jnp.float32)]
          + [pltpu.VMEM((4096,), jnp.int32)]
          + [pltpu.VMEM((4 * _LANES,), jnp.float32)]
          + [pltpu.VMEM((_LANES,), jnp.float32)]
          + [pltpu.VMEM((_BPW,), jnp.float32)]
          + [pltpu.VMEM((_K, 128), jnp.float32)] * _RING
          + [pltpu.SemaphoreType.DMA] * 3
      ),
  )
  return call(uidx, iidx, t, ut_t, it_t, tt, bias16)


def kernel(x, user_table, item_table, treatment_table, bias):
  x = x.astype(jnp.int32)
  uidx = x[:, 0]
  iidx = x[:, 1]
  t = x[:, 2]
  tt = treatment_table.reshape(4 * _LANES)
  bias16 = jnp.broadcast_to(bias.astype(jnp.float32), (_LANES,))
  out_flat, ue_flat, ie_flat = _sc_forward(
      uidx, iidx, t, user_table.T, item_table.T, tt, bias16)
  return (out_flat.reshape(_B, 1), ue_flat.reshape(_B, _K),
          ie_flat.reshape(_B, _K))

# --- scband reference (transcript-rebuilt; emitter-appended) ---
"""Pipeline reference for scband-com-mf-32177894981896 (READ-ONLY COPY).

The authoritative reference and input builder live on the scoring server;
editing this copy changes nothing except your own understanding.
"""

import jax, jax.numpy as jnp
import numpy as np

NUM_USERS = 1000000
NUM_ITEMS = 1000000
EMBED_K = 64
BATCH = 16384


def setup_inputs(seed: int = 0) -> dict:
    key = jax.random.key(seed)
    k1, k2, k3, k4, k5, k6 = jax.random.split(key, 6)
    user_idx = jax.random.randint(k1, (BATCH,), 0, NUM_USERS, dtype=jnp.int64 if jax.config.read('jax_enable_x64') else jnp.int32)
    item_idx = jax.random.randint(k2, (BATCH,), 0, NUM_ITEMS, dtype=user_idx.dtype)
    t = jax.random.randint(k3, (BATCH,), 0, 2, dtype=user_idx.dtype)
    x = jnp.stack([user_idx, item_idx, t], axis=1)
    user_table = jax.random.normal(k4, (NUM_USERS, EMBED_K), dtype=jnp.float32) * 0.02
    item_table = jax.random.normal(k5, (NUM_ITEMS, EMBED_K), dtype=jnp.float32) * 0.02
    treatment_table = jax.random.normal(k6, (2, EMBED_K // 2), dtype=jnp.float32) * 0.02
    bias = jnp.zeros((1,), dtype=jnp.float32)
    return {"x": x, "user_table": user_table, "item_table": item_table, "treatment_table": treatment_table, "bias": bias}


def reference(x, user_table, item_table, treatment_table, bias):
    user_idx = x[:, 0]
    item_idx = x[:, 1]
    t = x[:, 2]
    user_embed = jnp.take(user_table, user_idx, axis=0)
    item_embed = jnp.take(item_table, item_idx, axis=0)
    # Faithful to torch: .sum([-1, -2]) over the [B, k//2] lookup reduces to a scalar
    treatment_embed = jnp.sum(jnp.take(treatment_table, t, axis=0), axis=(-1, -2))
    out = (jnp.sum(user_embed * item_embed, axis=-1) + treatment_embed)[..., None] + bias
    return (out, user_embed, item_embed)

if __name__ == "__main__":
    import jax
    _d = setup_inputs()
    print(jax.jit(kernel)(*tuple(_d.values())))

</pallas_src>

<mosaic_0001>
#map = affine_map<(d0, d1) -> (0)>
#map1 = affine_map<(d0, d1) -> (0, 0)>
module attributes {stable_mosaic.version = 14 : i64} {
  func.func @_body(%arg0: i32, %arg1: i32, %arg2: memref<16384xi32, #tpu.memory_space<hbm>>, %arg3: memref<16384xi32, #tpu.memory_space<hbm>>, %arg4: memref<16384xi32, #tpu.memory_space<hbm>>, %arg5: memref<64x1000000xf32, #tpu.memory_space<hbm>>, %arg6: memref<64x1000000xf32, #tpu.memory_space<hbm>>, %arg7: memref<64xf32, #tpu.memory_space<hbm>>, %arg8: memref<16xf32, #tpu.memory_space<hbm>>, %arg9: memref<16384xf32, #tpu.memory_space<hbm>>, %arg10: memref<1048576xf32, #tpu.memory_space<hbm>>, %arg11: memref<1048576xf32, #tpu.memory_space<hbm>>, %arg12: memref<512xi32, #tpu.memory_space<vmem>>, %arg13: memref<512xi32, #tpu.memory_space<vmem>>, %arg14: memref<2048xf32, #tpu.memory_space<vmem>>, %arg15: memref<2048xf32, #tpu.memory_space<vmem>>, %arg16: memref<4096xi32, #tpu.memory_space<vmem>>, %arg17: memref<64xf32, #tpu.memory_space<vmem>>, %arg18: memref<16xf32, #tpu.memory_space<vmem>>, %arg19: memref<512xf32, #tpu.memory_space<vmem>>, %arg20: memref<64x128xf32, #tpu.memory_space<vmem>>, %arg21: memref<64x128xf32, #tpu.memory_space<vmem>>, %arg22: memref<64x128xf32, #tpu.memory_space<vmem>>, %arg23: memref<64x128xf32, #tpu.memory_space<vmem>>, %arg24: memref<64x128xf32, #tpu.memory_space<vmem>>, %arg25: memref<64x128xf32, #tpu.memory_space<vmem>>, %arg26: memref<64x128xf32, #tpu.memory_space<vmem>>, %arg27: memref<64x128xf32, #tpu.memory_space<vmem>>, %arg28: memref<!tpu.dma_semaphore, #tpu.memory_space<semaphore_mem>>, %arg29: memref<!tpu.dma_semaphore, #tpu.memory_space<semaphore_mem>>, %arg30: memref<!tpu.dma_semaphore, #tpu.memory_space<semaphore_mem>>) attributes {dimension_semantics = [#tpu.dimension_semantics<core_parallel>, #tpu.dimension_semantics<subcore_parallel>], iteration_bounds = array<i64: 2, 16>, scalar_prefetch = 0 : i64, scratch_operands = 19 : i64, tpu.core_type = #tpu.core_type<sc_vector_subcore>, window_params = [{transform_indices = #map}, {transform_indices = #map}, {transform_indices = #map}, {transform_indices = #map1}, {transform_indices = #map1}, {transform_indices = #map}, {transform_indices = #map}, {transform_indices = #map}, {transform_indices = #map}, {transform_indices = #map}]} {
    %mul3A = arith.constant 2 : i32
    %mul3A_0 = arith.muli %arg1, %mul3A : i32
    %add3A = arith.addi %mul3A_0, %arg0 : i32
    %mul3A_1 = arith.constant 512 : i32
    %mul3A_2 = arith.muli %add3A, %mul3A_1 : i32
    "tpu.region"() ({
      %run_scoped3A = tpu.sem_alloc : memref<!tpu.dma_semaphore, #tpu.memory_space<semaphore_mem>>
      %dma_start3A_528 = tpu.memref_slice %arg2[%mul3A_2] : memref<16384xi32, #tpu.memory_space<hbm>> -> memref<512xi32, #tpu.memory_space<hbm>>
      %dma_start3A_529 = tpu.memref_slice %arg2[%mul3A_2] : memref<16384xi32, #tpu.memory_space<hbm>> -> memref<512xi32, #tpu.memory_space<hbm>>
      tpu.enqueue_dma source(%dma_start3A_529 : memref<512xi32, #tpu.memory_space<hbm>>) target(%arg12 : memref<512xi32, #tpu.memory_space<vmem>>) target_semaphore(%run_scoped3A : memref<!tpu.dma_semaphore, #tpu.memory_space<semaphore_mem>>)
      %dma_wait3A_530 = tpu.memref_slice %arg2[%mul3A_2] : memref<16384xi32, #tpu.memory_space<hbm>> -> memref<512xi32, #tpu.memory_space<hbm>>
      %dma_wait3A_531 = tpu.memref_slice %arg2[%mul3A_2] : memref<16384xi32, #tpu.memory_space<hbm>> -> memref<512xi32, #tpu.memory_space<hbm>>
      tpu.wait_dma2 semaphore(%run_scoped3A : memref<!tpu.dma_semaphore, #tpu.memory_space<semaphore_mem>>) src(%dma_wait3A_531 : memref<512xi32, #tpu.memory_space<hbm>>) dst(%arg12 : memref<512xi32, #tpu.memory_space<vmem>>)
      tpu.yield
    }) : () -> ()
    "tpu.region"() ({
      %run_scoped3A = tpu.sem_alloc : memref<!tpu.dma_semaphore, #tpu.memory_space<semaphore_mem>>
      %dma_start3A_528 = tpu.memref_slice %arg3[%mul3A_2] : memref<16384xi32, #tpu.memory_space<hbm>> -> memref<512xi32, #tpu.memory_space<hbm>>
      %dma_start3A_529 = tpu.memref_slice %arg3[%mul3A_2] : memref<16384xi32, #tpu.memory_space<hbm>> -> memref<512xi32, #tpu.memory_space<hbm>>
      tpu.enqueue_dma source(%dma_start3A_529 : memref<512xi32, #tpu.memory_space<hbm>>) target(%arg13 : memref<512xi32, #tpu.memory_space<vmem>>) target_semaphore(%run_scoped3A : memref<!tpu.dma_semaphore, #tpu.memory_space<semaphore_mem>>)
      %dma_wait3A_530 = tpu.memref_slice %arg3[%mul3A_2] : memref<16384xi32, #tpu.memory_space<hbm>> -> memref<512xi32, #tpu.memory_space<hbm>>
      %dma_wait3A_531 = tpu.memref_slice %arg3[%mul3A_2] : memref<16384xi32, #tpu.memory_space<hbm>> -> memref<512xi32, #tpu.memory_space<hbm>>
      tpu.wait_dma2 semaphore(%run_scoped3A : memref<!tpu.dma_semaphore, #tpu.memory_space<semaphore_mem>>) src(%dma_wait3A_531 : memref<512xi32, #tpu.memory_space<hbm>>) dst(%arg13 : memref<512xi32, #tpu.memory_space<vmem>>)
      tpu.yield
    }) : () -> ()
    %iota3A = tpu.iota {dimensions = array<i32: 0>} : vector<16xi32>
    %add3A_3 = arith.constant 0 : i32
    %add3A_4 = vector.broadcast %add3A_3 : i32 to vector<16xi32>
    %add3A_5 = arith.addi %add3A_4, %iota3A : vector<16xi32>
    %iota3A_6 = tpu.iota {dimensions = array<i32: 0>} : vector<16xi32>
    %add3A_7 = arith.constant 16 : i32
    %add3A_8 = vector.broadcast %add3A_7 : i32 to vector<16xi32>
    %add3A_9 = arith.addi %add3A_8, %iota3A_6 : vector<16xi32>
    %iota3A_10 = tpu.iota {dimensions = array<i32: 0>} : vector<16xi32>
    %add3A_11 = arith.constant 32 : i32
    %add3A_12 = vector.broadcast %add3A_11 : i32 to vector<16xi32>
    %add3A_13 = arith.addi %add3A_12, %iota3A_10 : vector<16xi32>
    %iota3A_14 = tpu.iota {dimensions = array<i32: 0>} : vector<16xi32>
    %add3A_15 = arith.constant 48 : i32
    %add3A_16 = vector.broadcast %add3A_15 : i32 to vector<16xi32>
    %add3A_17 = arith.addi %add3A_16, %iota3A_14 : vector<16xi32>
    %iota3A_18 = tpu.iota {dimensions = array<i32: 0>} : vector<16xi32>
    %broadcast_in_dim3A = arith.constant 0.000000e+00 : f32
    %broadcast_in_dim3A_19 = vector.broadcast %broadcast_in_dim3A : f32 to vector<16xf32>
    %scan3A = arith.constant 0 : i32
    %scan3A_20 = arith.constant 0 : i32
    %scan3A_21 = arith.constant 0 : i32
    %scan3A_22 = arith.constant 0 : i32
    %scan3A_23 = arith.constant 0 : i32
    %scan3A_24 = arith.constant 0 : i32
    %scan3A_25 = arith.constant 0 : i32
    %scan3A_26 = arith.constant 0 : i32
    %scan3A_27 = arith.constant 0 : i32
    %scan3A_28 = arith.constant 32 : i32
    %scan3A_29 = arith.addi %scan3A_27, %scan3A_28 : i32
    %scan3A_30 = arith.constant 1 : i32
    %scan3A_31:9 = scf.for %scan3A_528 = %scan3A_27 to %scan3A_29 step %scan3A_30 iter_args(%scan3A_529 = %scan3A, %scan3A_530 = %scan3A_20, %scan3A_531 = %scan3A_21, %scan3A_532 = %scan3A_22, %scan3A_533 = %scan3A_23, %scan3A_534 = %scan3A_24, %scan3A_535 = %scan3A_25, %scan3A_536 = %scan3A_26, %scan3A_537 = %broadcast_in_dim3A_19) -> (i32, i32, i32, i32, i32, i32, i32, i32, vector<16xf32>)  : i32 {
      %jit3A = arith.constant 0 : i32
      %jit3A_538 = arith.constant 2 : i32
      %max3A = arith.maxsi %jit3A, %scan3A_528 : i32
      %min3A = arith.minsi %jit3A_538, %max3A : i32
      %clamp3A = arith.constant 0 : i32
      %clamp3A_539 = arith.constant 2 : i32
      %clamp3A_540 = arith.maxsi %min3A, %clamp3A : i32
      %clamp3A_541 = arith.minsi %clamp3A_540, %clamp3A_539 : i32
      %cond3A = arith.constant 0 : i32
      %cond3A_542 = arith.cmpi ne, %clamp3A_541, %cond3A : i32
      scf.if %cond3A_542 {
        %cond3A_2183 = arith.constant 1 : i32
        %cond3A_2184 = arith.subi %clamp3A_541, %cond3A_2183 : i32
        %cond3A_2185 = arith.constant 0 : i32
        %cond3A_2186 = arith.cmpi ne, %cond3A_2184, %cond3A_2185 : i32
        scf.if %cond3A_2186 {
          %dma_wait3A_2187 = arith.constant 0 : i32
          %dma_wait3A_2188 = tpu.memref_slice %arg15[%dma_wait3A_2187] : memref<2048xf32, #tpu.memory_space<vmem>> -> memref<2048xf32, #tpu.memory_space<vmem>>
          %dma_wait3A_2189 = arith.constant 0 : i32
          %dma_wait3A_2190 = tpu.memref_slice %arg11[%dma_wait3A_2189] : memref<1048576xf32, #tpu.memory_space<hbm>> -> memref<2048xf32, #tpu.memory_space<hbm>>
          %dma_wait3A_2191 = arith.constant 0 : i32
          %dma_wait3A_2192 = tpu.memref_slice %arg15[%dma_wait3A_2191] : memref<2048xf32, #tpu.memory_space<vmem>> -> memref<2048xf32, #tpu.memory_space<vmem>>
          %dma_wait3A_2193 = arith.constant 0 : i32
          %dma_wait3A_2194 = tpu.memref_slice %arg11[%dma_wait3A_2193] : memref<1048576xf32, #tpu.memory_space<hbm>> -> memref<2048xf32, #tpu.memory_space<hbm>>
          tpu.wait_dma2 semaphore(%arg30 : memref<!tpu.dma_semaphore, #tpu.memory_space<semaphore_mem>>) src(%dma_wait3A_2194 : memref<2048xf32, #tpu.memory_space<hbm>>) dst(%dma_wait3A_2192 : memref<2048xf32, #tpu.memory_space<vmem>>)
        } else {
          %dma_wait3A_2187 = arith.constant 0 : i32
          %dma_wait3A_2188 = tpu.memref_slice %arg15[%dma_wait3A_2187] : memref<2048xf32, #tpu.memory_space<vmem>> -> memref<1536xf32, #tpu.memory_space<vmem>>
          %dma_wait3A_2189 = arith.constant 0 : i32
          %dma_wait3A_2190 = tpu.memref_slice %arg11[%dma_wait3A_2189] : memref<1048576xf32, #tpu.memory_space<hbm>> -> memref<1536xf32, #tpu.memory_space<hbm>>
          %dma_wait3A_2191 = arith.constant 0 : i32
          %dma_wait3A_2192 = tpu.memref_slice %arg15[%dma_wait3A_2191] : memref<2048xf32, #tpu.memory_space<vmem>> -> memref<1536xf32, #tpu.memory_space<vmem>>
          %dma_wait3A_2193 = arith.constant 0 : i32
          %dma_wait3A_2194 = tpu.memref_slice %arg11[%dma_wait3A_2193] : memref<1048576xf32, #tpu.memory_space<hbm>> -> memref<1536xf32, #tpu.memory_space<hbm>>
          tpu.wait_dma2 semaphore(%arg30 : memref<!tpu.dma_semaphore, #tpu.memory_space<semaphore_mem>>) src(%dma_wait3A_2194 : memref<1536xf32, #tpu.memory_space<hbm>>) dst(%dma_wait3A_2192 : memref<1536xf32, #tpu.memory_space<vmem>>)
        }
      } else {
      }
      %mul3A_543 = arith.constant 16 : i32
      %mul3A_544 = arith.muli %scan3A_528, %mul3A_543 : i32
      %get3A_545 = arith.index_cast %mul3A_544 : i32 to index
      %get3A_546 = tpu.vector_load %arg12[%get3A_545] {strides = array<i32>} : memref<512xi32, #tpu.memory_space<vmem>>, vector<16xi32>,
      %mul3A_547 = arith.constant 16 : i32
      %mul3A_548 = arith.muli %scan3A_528, %mul3A_547 : i32
      %get3A_549 = arith.index_cast %mul3A_548 : i32 to index
      %get3A_550 = tpu.vector_load %arg13[%get3A_549] {strides = array<i32>} : memref<512xi32, #tpu.memory_space<vmem>>, vector<16xi32>,
      %sub3A_551 = arith.constant 1 : i32
      %sub3A_552 = arith.subi %scan3A_528, %sub3A_551 : i32
      %mul3A_553 = arith.constant 16 : i32
      %mul3A_554 = arith.muli %sub3A_552, %mul3A_553 : i32
      %add3A_555 = arith.constant 8 : i32
      %add3A_556 = arith.addi %mul3A_554, %add3A_555 : i32
      %gt3A = arith.constant 0 : i32
      %gt3A_557 = arith.cmpi sgt, %scan3A_528, %gt3A : i32
      %convert_element_type3A_558 = arith.extui %gt3A_557 : i1 to i32
      %cond3A_559 = arith.constant 0 : i32
      %cond3A_560 = arith.cmpi ne, %convert_element_type3A_558, %cond3A_559 : i32
      %cond3A_561 = scf.if %cond3A_560 -> (vector<16xf32>) {
        %dma_wait3A_2183 = arith.constant 0 : i32
        %dma_wait3A_2184 = arith.constant 0 : i32
        %dma_wait3A_2185 = tpu.memref_slice %arg5[%dma_wait3A_2183, %dma_wait3A_2184] : memref<64x1000000xf32, #tpu.memory_space<hbm>> -> memref<64x128xf32, #tpu.memory_space<hbm>>
        %dma_wait3A_2186 = arith.constant 0 : i32
        %dma_wait3A_2187 = arith.constant 0 : i32
        %dma_wait3A_2188 = tpu.memref_slice %arg5[%dma_wait3A_2186, %dma_wait3A_2187] : memref<64x1000000xf32, #tpu.memory_space<hbm>> -> memref<64x128xf32, #tpu.memory_space<hbm>>
        tpu.wait_dma2 semaphore(%arg29 : memref<!tpu.dma_semaphore, #tpu.memory_space<semaphore_mem>>) src(%dma_wait3A_2188 : memref<64x128xf32, #tpu.memory_space<hbm>>) dst(%arg20 : memref<64x128xf32, #tpu.memory_space<vmem>>)
        %broadcast_in_dim3A_2189 = vector.broadcast %scan3A_529 : i32 to vector<16xi32>
        %gather3A_2190 = tpu.vector_load_idx %arg20[%add3A_5, %broadcast_in_dim3A_2189] : memref<64x128xf32, #tpu.memory_space<vmem>>[vector<16xi32>, vector<16xi32>], vector<16xf32>,
        %gather3A_2191 = tpu.vector_load_idx %arg20[%add3A_9, %broadcast_in_dim3A_2189] : memref<64x128xf32, #tpu.memory_space<vmem>>[vector<16xi32>, vector<16xi32>], vector<16xf32>,
        %gather3A_2192 = tpu.vector_load_idx %arg20[%add3A_13, %broadcast_in_dim3A_2189] : memref<64x128xf32, #tpu.memory_space<vmem>>[vector<16xi32>, vector<16xi32>], vector<16xf32>,
        %gather3A_2193 = tpu.vector_load_idx %arg20[%add3A_17, %broadcast_in_dim3A_2189] : memref<64x128xf32, #tpu.memory_space<vmem>>[vector<16xi32>, vector<16xi32>], vector<16xf32>,
        %and3A_2194 = arith.constant 31 : i32
        %and3A_2195 = arith.andi %add3A_556, %and3A_2194 : i32
        %mul3A_2196 = arith.constant 64 : i32
        %mul3A_2197 = arith.muli %and3A_2195, %mul3A_2196 : i32
        %get3A_2198 = arith.index_cast %mul3A_2197 : i32 to index
        %get3A_2199 = tpu.vector_load %arg14[%get3A_2198] {strides = array<i32>} : memref<2048xf32, #tpu.memory_space<vmem>>, vector<16xf32>,
        %mul3A_2200 = arith.mulf %get3A_2199, %gather3A_2190 : vector<16xf32>
        %add3A_2201 = arith.constant 0 : i32
        %add3A_2202 = arith.addi %mul3A_2197, %add3A_2201 : i32
        %swap3A_2203 = arith.index_cast %add3A_2202 : i32 to index
        %swap3A_2204 = tpu.vector_load %arg15[%swap3A_2203] {strides = array<i32>} : memref<2048xf32, #tpu.memory_space<vmem>>, vector<16xf32>,
        tpu.vector_store %arg15[%swap3A_2203], %gather3A_2190 {strides = array<i32>} : memref<2048xf32, #tpu.memory_space<vmem>>, vector<16xf32>,
        %add3A_2205 = arith.constant 16 : i32
        %add3A_2206 = arith.addi %mul3A_2197, %add3A_2205 : i32
        %swap3A_2207 = arith.index_cast %add3A_2206 : i32 to index
        %swap3A_2208 = tpu.vector_load %arg15[%swap3A_2207] {strides = array<i32>} : memref<2048xf32, #tpu.memory_space<vmem>>, vector<16xf32>,
        tpu.vector_store %arg15[%swap3A_2207], %gather3A_2191 {strides = array<i32>} : memref<2048xf32, #tpu.memory_space<vmem>>, vector<16xf32>,
        %add3A_2209 = arith.constant 16 : i32
        %add3A_2210 = arith.addi %mul3A_2197, %add3A_2209 : i32
        %get3A_2211 = arith.index_cast %add3A_2210 : i32 to index
        %get3A_2212 = tpu.vector_load %arg14[%get3A_2211] {strides = array<i32>} : memref<2048xf32, #tpu.memory_space<vmem>>, vector<16xf32>,
        %mul3A_2213 = arith.mulf %get3A_2212, %gather3A_2191 : vector<16xf32>
        %add3A_2214 = arith.addf %mul3A_2200, %mul3A_2213 : vector<16xf32>
        %add3A_2215 = arith.constant 32 : i32
        %add3A_2216 = arith.addi %mul3A_2197, %add3A_2215 : i32
        %swap3A_2217 = arith.index_cast %add3A_2216 : i32 to index
        %swap3A_2218 = tpu.vector_load %arg15[%swap3A_2217] {strides = array<i32>} : memref<2048xf32, #tpu.memory_space<vmem>>, vector<16xf32>,
        tpu.vector_store %arg15[%swap3A_2217], %gather3A_2192 {strides = array<i32>} : memref<2048xf32, #tpu.memory_space<vmem>>, vector<16xf32>,
        %add3A_2219 = arith.constant 32 : i32
        %add3A_2220 = arith.addi %mul3A_2197, %add3A_2219 : i32
        %get3A_2221 = arith.index_cast %add3A_2220 : i32 to index
        %get3A_2222 = tpu.vector_load %arg14[%get3A_2221] {strides = array<i32>} : memref<2048xf32, #tpu.memory_space<vmem>>, vector<16xf32>,
        %mul3A_2223 = arith.mulf %get3A_2222, %gather3A_2192 : vector<16xf32>
        %add3A_2224 = arith.addf %add3A_2214, %mul3A_2223 : vector<16xf32>
        %add3A_2225 = arith.constant 48 : i32
        %add3A_2226 = arith.addi %mul3A_2197, %add3A_2225 : i32
        %swap3A_2227 = arith.index_cast %add3A_2226 : i32 to index
        %swap3A_2228 = tpu.vector_load %arg15[%swap3A_2227] {strides = array<i32>} : memref<2048xf32, #tpu.memory_space<vmem>>, vector<16xf32>,
        tpu.vector_store %arg15[%swap3A_2227], %gather3A_2193 {strides = array<i32>} : memref<2048xf32, #tpu.memory_space<vmem>>, vector<16xf32>,
        %add3A_2229 = arith.constant 48 : i32
        %add3A_2230 = arith.addi %mul3A_2197, %add3A_2229 : i32
        %get3A_2231 = arith.index_cast %add3A_2230 : i32 to index
        %get3A_2232 = tpu.vector_load %arg14[%get3A_2231] {strides = array<i32>} : memref<2048xf32, #tpu.memory_space<vmem>>, vector<16xf32>,
        %mul3A_2233 = arith.mulf %get3A_2232, %gather3A_2193 : vector<16xf32>
        %add3A_2234 = arith.addf %add3A_2224, %mul3A_2233 : vector<16xf32>
        %reduce_sum3A_2235 = arith.constant true
        %reduce_sum3A_2236 = vector.broadcast %reduce_sum3A_2235 : i1 to vector<16xi1>
        %reduce_sum3A_2237 = tpu.scan <sum>, %add3A_2234 masked %reduce_sum3A_2236 : vector<16xf32>, vector<16xi1> -> vector<16xf32>
        %reduce_sum3A_2238 = vector.extract %reduce_sum3A_2237[15] : f32 from vector<16xf32>
        %add3A_2239 = arith.addi %mul3A_2, %add3A_556 : i32
        %mul3A_2240 = arith.constant 64 : i32
        %mul3A_2241 = arith.muli %add3A_2239, %mul3A_2240 : i32
        %dma_start3A_2242 = tpu.memref_slice %arg15[%mul3A_2197] : memref<2048xf32, #tpu.memory_space<vmem>> -> memref<64xf32, #tpu.memory_space<vmem>>
        %dma_start3A_2243 = tpu.memref_slice %arg11[%mul3A_2241] : memref<1048576xf32, #tpu.memory_space<hbm>> -> memref<64xf32, #tpu.memory_space<hbm>>
        %dma_start3A_2244 = tpu.memref_slice %arg11[%mul3A_2241] : memref<1048576xf32, #tpu.memory_space<hbm>> -> memref<64xf32, #tpu.memory_space<hbm>>
        %dma_start3A_2245 = tpu.memref_slice %arg15[%mul3A_2197] : memref<2048xf32, #tpu.memory_space<vmem>> -> memref<64xf32, #tpu.memory_space<vmem>>
        tpu.enqueue_dma source(%dma_start3A_2245 : memref<64xf32, #tpu.memory_space<vmem>>) target(%dma_start3A_2244 : memref<64xf32, #tpu.memory_space<hbm>>) target_semaphore(%arg30 : memref<!tpu.dma_semaphore, #tpu.memory_space<semaphore_mem>>)
        %eq3A_2246 = arith.constant 8 : i32
        %eq3A_2247 = vector.broadcast %eq3A_2246 : i32 to vector<16xi32>
        %eq3A_2248 = arith.cmpi eq, %iota3A_18, %eq3A_2247 : vector<16xi32>
        %broadcast_in_dim3A_2249 = vector.broadcast %reduce_sum3A_2238 : f32 to vector<16xf32>
        %select_n3A_2250 = arith.select %eq3A_2248, %broadcast_in_dim3A_2249, %scan3A_537 : vector<16xi1>, vector<16xf32>
        scf.yield %select_n3A_2250 : vector<16xf32>
      } else {
        scf.yield %scan3A_537 : vector<16xf32>
      }
      %slice3A_562 = vector.extract_strided_slice %get3A_546 {offsets = [0], sizes = [1], strides = [1]} : vector<16xi32> to vector<1xi32>
      %squeeze3A_563 = vector.extract %slice3A_562[0] : i32 from vector<1xi32>
      %shift_right_arithmetic3A = arith.constant 7 : i32
      %shift_right_arithmetic3A_564 = arith.shrsi %squeeze3A_563, %shift_right_arithmetic3A : i32
      %mul3A_565 = arith.constant 128 : i32
      %mul3A_566 = arith.muli %shift_right_arithmetic3A_564, %mul3A_565 : i32
      %multiple_of3A = tpu.assume_multiple %mul3A_566, 128 : i32
      %dma_start3A_567 = arith.constant 0 : i32
      %dma_start3A_568 = tpu.memref_slice %arg5[%dma_start3A_567, %multiple_of3A] : memref<64x1000000xf32, #tpu.memory_space<hbm>> -> memref<64x128xf32, #tpu.memory_space<hbm>>
      %dma_start3A_569 = arith.constant 0 : i32
      %dma_start3A_570 = tpu.memref_slice %arg5[%dma_start3A_569, %multiple_of3A] : memref<64x1000000xf32, #tpu.memory_space<hbm>> -> memref<64x128xf32, #tpu.memory_space<hbm>>
      tpu.enqueue_dma source(%dma_start3A_570 : memref<64x128xf32, #tpu.memory_space<hbm>>) target(%arg20 : memref<64x128xf32, #tpu.memory_space<vmem>>) target_semaphore(%arg28 : memref<!tpu.dma_semaphore, #tpu.memory_space<semaphore_mem>>)
      %sub3A_571 = arith.subi %squeeze3A_563, %multiple_of3A : i32
      %sub3A_572 = arith.constant 1 : i32
      %sub3A_573 = arith.subi %scan3A_528, %sub3A_572 : i32
      %mul3A_574 = arith.constant 16 : i32
      %mul3A_575 = arith.muli %sub3A_573, %mul3A_574 : i32
      %add3A_576 = arith.constant 9 : i32
      %add3A_577 = arith.addi %mul3A_575, %add3A_576 : i32
      %gt3A_578 = arith.constant 0 : i32
      %gt3A_579 = arith.cmpi sgt, %scan3A_528, %gt3A_578 : i32
      %convert_element_type3A_580 = arith.extui %gt3A_579 : i1 to i32
      %cond3A_581 = arith.constant 0 : i32
      %cond3A_582 = arith.cmpi ne, %convert_element_type3A_580, %cond3A_581 : i32
      %cond3A_583 = scf.if %cond3A_582 -> (vector<16xf32>) {
        %dma_wait3A_2183 = arith.constant 0 : i32
        %dma_wait3A_2184 = arith.constant 0 : i32
        %dma_wait3A_2185 = tpu.memref_slice %arg5[%dma_wait3A_2183, %dma_wait3A_2184] : memref<64x1000000xf32, #tpu.memory_space<hbm>> -> memref<64x128xf32, #tpu.memory_space<hbm>>
        %dma_wait3A_2186 = arith.constant 0 : i32
        %dma_wait3A_2187 = arith.constant 0 : i32
        %dma_wait3A_2188 = tpu.memref_slice %arg5[%dma_wait3A_2186, %dma_wait3A_2187] : memref<64x1000000xf32, #tpu.memory_space<hbm>> -> memref<64x128xf32, #tpu.memory_space<hbm>>
        tpu.wait_dma2 semaphore(%arg29 : memref<!tpu.dma_semaphore, #tpu.memory_space<semaphore_mem>>) src(%dma_wait3A_2188 : memref<64x128xf32, #tpu.memory_space<hbm>>) dst(%arg21 : memref<64x128xf32, #tpu.memory_space<vmem>>)
        %broadcast_in_dim3A_2189 = vector.broadcast %scan3A_530 : i32 to vector<16xi32>
        %gather3A_2190 = tpu.vector_load_idx %arg21[%add3A_5, %broadcast_in_dim3A_2189] : memref<64x128xf32, #tpu.memory_space<vmem>>[vector<16xi32>, vector<16xi32>], vector<16xf32>,
        %gather3A_2191 = tpu.vector_load_idx %arg21[%add3A_9, %broadcast_in_dim3A_2189] : memref<64x128xf32, #tpu.memory_space<vmem>>[vector<16xi32>, vector<16xi32>], vector<16xf32>,
        %gather3A_2192 = tpu.vector_load_idx %arg21[%add3A_13, %broadcast_in_dim3A_2189] : memref<64x128xf32, #tpu.memory_space<vmem>>[vector<16xi32>, vector<16xi32>], vector<16xf32>,
        %gather3A_2193 = tpu.vector_load_idx %arg21[%add3A_17, %broadcast_in_dim3A_2189] : memref<64x128xf32, #tpu.memory_space<vmem>>[vector<16xi32>, vector<16xi32>], vector<16xf32>,
        %and3A_2194 = arith.constant 31 : i32
        %and3A_2195 = arith.andi %add3A_577, %and3A_2194 : i32
        %mul3A_2196 = arith.constant 64 : i32
        %mul3A_2197 = arith.muli %and3A_2195, %mul3A_2196 : i32
        %get3A_2198 = arith.index_cast %mul3A_2197 : i32 to index
        %get3A_2199 = tpu.vector_load %arg14[%get3A_2198] {strides = array<i32>} : memref<2048xf32, #tpu.memory_space<vmem>>, vector<16xf32>,
        %mul3A_2200 = arith.mulf %get3A_2199, %gather3A_2190 : vector<16xf32>
        %add3A_2201 = arith.constant 0 : i32
        %add3A_2202 = arith.addi %mul3A_2197, %add3A_2201 : i32
        %swap3A_2203 = arith.index_cast %add3A_2202 : i32 to index
        %swap3A_2204 = tpu.vector_load %arg15[%swap3A_2203] {strides = array<i32>} : memref<2048xf32, #tpu.memory_space<vmem>>, vector<16xf32>,
        tpu.vector_store %arg15[%swap3A_2203], %gather3A_2190 {strides = array<i32>} : memref<2048xf32, #tpu.memory_space<vmem>>, vector<16xf32>,
        %add3A_2205 = arith.constant 16 : i32
        %add3A_2206 = arith.addi %mul3A_2197, %add3A_2205 : i32
        %swap3A_2207 = arith.index_cast %add3A_2206 : i32 to index
        %swap3A_2208 = tpu.vector_load %arg15[%swap3A_2207] {strides = array<i32>} : memref<2048xf32, #tpu.memory_space<vmem>>, vector<16xf32>,
        tpu.vector_store %arg15[%swap3A_2207], %gather3A_2191 {strides = array<i32>} : memref<2048xf32, #tpu.memory_space<vmem>>, vector<16xf32>,
        %add3A_2209 = arith.constant 16 : i32
        %add3A_2210 = arith.addi %mul3A_2197, %add3A_2209 : i32
        %get3A_2211 = arith.index_cast %add3A_2210 : i32 to index
        %get3A_2212 = tpu.vector_load %arg14[%get3A_2211] {strides = array<i32>} : memref<2048xf32, #tpu.memory_space<vmem>>, vector<16xf32>,
        %mul3A_2213 = arith.mulf %get3A_2212, %gather3A_2191 : vector<16xf32>
        %add3A_2214 = arith.addf %mul3A_2200, %mul3A_2213 : vector<16xf32>
        %add3A_2215 = arith.constant 32 : i32
        %add3A_2216 = arith.addi %mul3A_2197, %add3A_2215 : i32
        %swap3A_2217 = arith.index_cast %add3A_2216 : i32 to index
        %swap3A_2218 = tpu.vector_load %arg15[%swap3A_2217] {strides = array<i32>} : memref<2048xf32, #tpu.memory_space<vmem>>, vector<16xf32>,
        tpu.vector_store %arg15[%swap3A_2217], %gather3A_2192 {strides = array<i32>} : memref<2048xf32, #tpu.memory_space<vmem>>, vector<16xf32>,
        %add3A_2219 = arith.constant 32 : i32
        %add3A_2220 = arith.addi %mul3A_2197, %add3A_2219 : i32
        %get3A_2221 = arith.index_cast %add3A_2220 : i32 to index
        %get3A_2222 = tpu.vector_load %arg14[%get3A_2221] {strides = array<i32>} : memref<2048xf32, #tpu.memory_space<vmem>>, vector<16xf32>,
        %mul3A_2223 = arith.mulf %get3A_2222, %gather3A_2192 : vector<16xf32>
        %add3A_2224 = arith.addf %add3A_2214, %mul3A_2223 : vector<16xf32>
        %add3A_2225 = arith.constant 48 : i32
        %add3A_2226 = arith.addi %mul3A_2197, %add3A_2225 : i32
        %swap3A_2227 = arith.index_cast %add3A_2226 : i32 to index
        %swap3A_2228 = tpu.vector_load %arg15[%swap3A_2227] {strides = array<i32>} : memref<2048xf32, #tpu.memory_space<vmem>>, vector<16xf32>,
        tpu.vector_store %arg15[%swap3A_2227], %gather3A_2193 {strides = array<i32>} : memref<2048xf32, #tpu.memory_space<vmem>>, vector<16xf32>,
        %add3A_2229 = arith.constant 48 : i32
        %add3A_2230 = arith.addi %mul3A_2197, %add3A_2229 : i32
        %get3A_2231 = arith.index_cast %add3A_2230 : i32 to index
        %get3A_2232 = tpu.vector_load %arg14[%get3A_2231] {strides = array<i32>} : memref<2048xf32, #tpu.memory_space<vmem>>, vector<16xf32>,
        %mul3A_2233 = arith.mulf %get3A_2232, %gather3A_2193 : vector<16xf32>
        %add3A_2234 = arith.addf %add3A_2224, %mul3A_2233 : vector<16xf32>
        %reduce_sum3A_2235 = arith.constant true
        %reduce_sum3A_2236 = vector.broadcast %reduce_sum3A_2235 : i1 to vector<16xi1>
        %reduce_sum3A_2237 = tpu.scan <sum>, %add3A_2234 masked %reduce_sum3A_2236 : vector<16xf32>, vector<16xi1> -> vector<16xf32>
        %reduce_sum3A_2238 = vector.extract %reduce_sum3A_2237[15] : f32 from vector<16xf32>
        %add3A_2239 = arith.addi %mul3A_2, %add3A_577 : i32
        %mul3A_2240 = arith.constant 64 : i32
        %mul3A_2241 = arith.muli %add3A_2239, %mul3A_2240 : i32
        %dma_start3A_2242 = tpu.memref_slice %arg15[%mul3A_2197] : memref<2048xf32, #tpu.memory_space<vmem>> -> memref<64xf32, #tpu.memory_space<vmem>>
        %dma_start3A_2243 = tpu.memref_slice %arg11[%mul3A_2241] : memref<1048576xf32, #tpu.memory_space<hbm>> -> memref<64xf32, #tpu.memory_space<hbm>>
        %dma_start3A_2244 = tpu.memref_slice %arg11[%mul3A_2241] : memref<1048576xf32, #tpu.memory_space<hbm>> -> memref<64xf32, #tpu.memory_space<hbm>>
        %dma_start3A_2245 = tpu.memref_slice %arg15[%mul3A_2197] : memref<2048xf32, #tpu.memory_space<vmem>> -> memref<64xf32, #tpu.memory_space<vmem>>
        tpu.enqueue_dma source(%dma_start3A_2245 : memref<64xf32, #tpu.memory_space<vmem>>) target(%dma_start3A_2244 : memref<64xf32, #tpu.memory_space<hbm>>) target_semaphore(%arg30 : memref<!tpu.dma_semaphore, #tpu.memory_space<semaphore_mem>>)
        %eq3A_2246 = arith.constant 9 : i32
        %eq3A_2247 = vector.broadcast %eq3A_2246 : i32 to vector<16xi32>
        %eq3A_2248 = arith.cmpi eq, %iota3A_18, %eq3A_2247 : vector<16xi32>
        %broadcast_in_dim3A_2249 = vector.broadcast %reduce_sum3A_2238 : f32 to vector<16xf32>
        %select_n3A_2250 = arith.select %eq3A_2248, %broadcast_in_dim3A_2249, %cond3A_561 : vector<16xi1>, vector<16xf32>
        scf.yield %select_n3A_2250 : vector<16xf32>
      } else {
        scf.yield %cond3A_561 : vector<16xf32>
      }
      %slice3A_584 = vector.extract_strided_slice %get3A_546 {offsets = [1], sizes = [1], strides = [1]} : vector<16xi32> to vector<1xi32>
      %squeeze3A_585 = vector.extract %slice3A_584[0] : i32 from vector<1xi32>
      %shift_right_arithmetic3A_586 = arith.constant 7 : i32
      %shift_right_arithmetic3A_587 = arith.shrsi %squeeze3A_585, %shift_right_arithmetic3A_586 : i32
      %mul3A_588 = arith.constant 128 : i32
      %mul3A_589 = arith.muli %shift_right_arithmetic3A_587, %mul3A_588 : i32
      %multiple_of3A_590 = tpu.assume_multiple %mul3A_589, 128 : i32
      %dma_start3A_591 = arith.constant 0 : i32
      %dma_start3A_592 = tpu.memref_slice %arg5[%dma_start3A_591, %multiple_of3A_590] : memref<64x1000000xf32, #tpu.memory_space<hbm>> -> memref<64x128xf32, #tpu.memory_space<hbm>>
      %dma_start3A_593 = arith.constant 0 : i32
      %dma_start3A_594 = tpu.memref_slice %arg5[%dma_start3A_593, %multiple_of3A_590] : memref<64x1000000xf32, #tpu.memory_space<hbm>> -> memref<64x128xf32, #tpu.memory_space<hbm>>
      tpu.enqueue_dma source(%dma_start3A_594 : memref<64x128xf32, #tpu.memory_space<hbm>>) target(%arg21 : memref<64x128xf32, #tpu.memory_space<vmem>>) target_semaphore(%arg28 : memref<!tpu.dma_semaphore, #tpu.memory_space<semaphore_mem>>)
      %sub3A_595 = arith.subi %squeeze3A_585, %multiple_of3A_590 : i32
      %sub3A_596 = arith.constant 1 : i32
      %sub3A_597 = arith.subi %scan3A_528, %sub3A_596 : i32
      %mul3A_598 = arith.constant 16 : i32
      %mul3A_599 = arith.muli %sub3A_597, %mul3A_598 : i32
      %add3A_600 = arith.constant 10 : i32
      %add3A_601 = arith.addi %mul3A_599, %add3A_600 : i32
      %gt3A_602 = arith.constant 0 : i32
      %gt3A_603 = arith.cmpi sgt, %scan3A_528, %gt3A_602 : i32
      %convert_element_type3A_604 = arith.extui %gt3A_603 : i1 to i32
      %cond3A_605 = arith.constant 0 : i32
      %cond3A_606 = arith.cmpi ne, %convert_element_type3A_604, %cond3A_605 : i32
      %cond3A_607 = scf.if %cond3A_606 -> (vector<16xf32>) {
        %dma_wait3A_2183 = arith.constant 0 : i32
        %dma_wait3A_2184 = arith.constant 0 : i32
        %dma_wait3A_2185 = tpu.memref_slice %arg5[%dma_wait3A_2183, %dma_wait3A_2184] : memref<64x1000000xf32, #tpu.memory_space<hbm>> -> memref<64x128xf32, #tpu.memory_space<hbm>>
        %dma_wait3A_2186 = arith.constant 0 : i32
        %dma_wait3A_2187 = arith.constant 0 : i32
        %dma_wait3A_2188 = tpu.memref_slice %arg5[%dma_wait3A_2186, %dma_wait3A_2187] : memref<64x1000000xf32, #tpu.memory_space<hbm>> -> memref<64x128xf32, #tpu.memory_space<hbm>>
        tpu.wait_dma2 semaphore(%arg29 : memref<!tpu.dma_semaphore, #tpu.memory_space<semaphore_mem>>) src(%dma_wait3A_2188 : memref<64x128xf32, #tpu.memory_space<hbm>>) dst(%arg22 : memref<64x128xf32, #tpu.memory_space<vmem>>)
        %broadcast_in_dim3A_2189 = vector.broadcast %scan3A_531 : i32 to vector<16xi32>
        %gather3A_2190 = tpu.vector_load_idx %arg22[%add3A_5, %broadcast_in_dim3A_2189] : memref<64x128xf32, #tpu.memory_space<vmem>>[vector<16xi32>, vector<16xi32>], vector<16xf32>,
        %gather3A_2191 = tpu.vector_load_idx %arg22[%add3A_9, %broadcast_in_dim3A_2189] : memref<64x128xf32, #tpu.memory_space<vmem>>[vector<16xi32>, vector<16xi32>], vector<16xf32>,
        %gather3A_2192 = tpu.vector_load_idx %arg22[%add3A_13, %broadcast_in_dim3A_2189] : memref<64x128xf32, #tpu.memory_space<vmem>>[vector<16xi32>, vector<16xi32>], vector<16xf32>,
        %gather3A_2193 = tpu.vector_load_idx %arg22[%add3A_17, %broadcast_in_dim3A_2189] : memref<64x128xf32, #tpu.memory_space<vmem>>[vector<16xi32>, vector<16xi32>], vector<16xf32>,
        %and3A_2194 = arith.constant 31 : i32
        %and3A_2195 = arith.andi %add3A_601, %and3A_2194 : i32
        %mul3A_2196 = arith.constant 64 : i32
        %mul3A_2197 = arith.muli %and3A_2195, %mul3A_2196 : i32
        %get3A_2198 = arith.index_cast %mul3A_2197 : i32 to index
        %get3A_2199 = tpu.vector_load %arg14[%get3A_2198] {strides = array<i32>} : memref<2048xf32, #tpu.memory_space<vmem>>, vector<16xf32>,
        %mul3A_2200 = arith.mulf %get3A_2199, %gather3A_2190 : vector<16xf32>
        %add3A_2201 = arith.constant 0 : i32
        %add3A_2202 = arith.addi %mul3A_2197, %add3A_2201 : i32
        %swap3A_2203 = arith.index_cast %add3A_2202 : i32 to index
        %swap3A_2204 = tpu.vector_load %arg15[%swap3A_2203] {strides = array<i32>} : memref<2048xf32, #tpu.memory_space<vmem>>, vector<16xf32>,
        tpu.vector_store %arg15[%swap3A_2203], %gather3A_2190 {strides = array<i32>} : memref<2048xf32, #tpu.memory_space<vmem>>, vector<16xf32>,
        %add3A_2205 = arith.constant 16 : i32
        %add3A_2206 = arith.addi %mul3A_2197, %add3A_2205 : i32
        %swap3A_2207 = arith.index_cast %add3A_2206 : i32 to index
        %swap3A_2208 = tpu.vector_load %arg15[%swap3A_2207] {strides = array<i32>} : memref<2048xf32, #tpu.memory_space<vmem>>, vector<16xf32>,
        tpu.vector_store %arg15[%swap3A_2207], %gather3A_2191 {strides = array<i32>} : memref<2048xf32, #tpu.memory_space<vmem>>, vector<16xf32>,
        %add3A_2209 = arith.constant 16 : i32
        %add3A_2210 = arith.addi %mul3A_2197, %add3A_2209 : i32
        %get3A_2211 = arith.index_cast %add3A_2210 : i32 to index
        %get3A_2212 = tpu.vector_load %arg14[%get3A_2211] {strides = array<i32>} : memref<2048xf32, #tpu.memory_space<vmem>>, vector<16xf32>,
        %mul3A_2213 = arith.mulf %get3A_2212, %gather3A_2191 : vector<16xf32>
        %add3A_2214 = arith.addf %mul3A_2200, %mul3A_2213 : vector<16xf32>
        %add3A_2215 = arith.constant 32 : i32
        %add3A_2216 = arith.addi %mul3A_2197, %add3A_2215 : i32
        %swap3A_2217 = arith.index_cast %add3A_2216 : i32 to index
        %swap3A_2218 = tpu.vector_load %arg15[%swap3A_2217] {strides = array<i32>} : memref<2048xf32, #tpu.memory_space<vmem>>, vector<16xf32>,
        tpu.vector_store %arg15[%swap3A_2217], %gather3A_2192 {strides = array<i32>} : memref<2048xf32, #tpu.memory_space<vmem>>, vector<16xf32>,
        %add3A_2219 = arith.constant 32 : i32
        %add3A_2220 = arith.addi %mul3A_2197, %add3A_2219 : i32
        %get3A_2221 = arith.index_cast %add3A_2220 : i32 to index
        %get3A_2222 = tpu.vector_load %arg14[%get3A_2221] {strides = array<i32>} : memref<2048xf32, #tpu.memory_space<vmem>>, vector<16xf32>,
        %mul3A_2223 = arith.mulf %get3A_2222, %gather3A_2192 : vector<16xf32>
        %add3A_2224 = arith.addf %add3A_2214, %mul3A_2223 : vector<16xf32>
        %add3A_2225 = arith.constant 48 : i32
        %add3A_2226 = arith.addi %mul3A_2197, %add3A_2225 : i32
        %swap3A_2227 = arith.index_cast %add3A_2226 : i32 to index
        %swap3A_2228 = tpu.vector_load %arg15[%swap3A_2227] {strides = array<i32>} : memref<2048xf32, #tpu.memory_space<vmem>>, vector<16xf32>,
        tpu.vector_store %arg15[%swap3A_2227], %gather3A_2193 {strides = array<i32>} : memref<2048xf32, #tpu.memory_space<vmem>>, vector<16xf32>,
        %add3A_2229 = arith.constant 48 : i32
        %add3A_2230 = arith.addi %mul3A_2197, %add3A_2229 : i32
        %get3A_2231 = arith.index_cast %add3A_2230 : i32 to index
        %get3A_2232 = tpu.vector_load %arg14[%get3A_2231] {strides = array<i32>} : memref<2048xf32, #tpu.memory_space<vmem>>, vector<16xf32>,
        %mul3A_2233 = arith.mulf %get3A_2232, %gather3A_2193 : vector<16xf32>
        %add3A_2234 = arith.addf %add3A_2224, %mul3A_2233 : vector<16xf32>
        %reduce_sum3A_2235 = arith.constant true
        %reduce_sum3A_2236 = vector.broadcast %reduce_sum3A_2235 : i1 to vector<16xi1>
        %reduce_sum3A_2237 = tpu.scan <sum>, %add3A_2234 masked %reduce_sum3A_2236 : vector<16xf32>, vector<16xi1> -> vector<16xf32>
        %reduce_sum3A_2238 = vector.extract %reduce_sum3A_2237[15] : f32 from vector<16xf32>
        %add3A_2239 = arith.addi %mul3A_2, %add3A_601 : i32
        %mul3A_2240 = arith.constant 64 : i32
        %mul3A_2241 = arith.muli %add3A_2239, %mul3A_2240 : i32
        %dma_start3A_2242 = tpu.memref_slice %arg15[%mul3A_2197] : memref<2048xf32, #tpu.memory_space<vmem>> -> memref<64xf32, #tpu.memory_space<vmem>>
        %dma_start3A_2243 = tpu.memref_slice %arg11[%mul3A_2241] : memref<1048576xf32, #tpu.memory_space<hbm>> -> memref<64xf32, #tpu.memory_space<hbm>>
        %dma_start3A_2244 = tpu.memref_slice %arg11[%mul3A_2241] : memref<1048576xf32, #tpu.memory_space<hbm>> -> memref<64xf32, #tpu.memory_space<hbm>>
        %dma_start3A_2245 = tpu.memref_slice %arg15[%mul3A_2197] : memref<2048xf32, #tpu.memory_space<vmem>> -> memref<64xf32, #tpu.memory_space<vmem>>
        tpu.enqueue_dma source(%dma_start3A_2245 : memref<64xf32, #tpu.memory_space<vmem>>) target(%dma_start3A_2244 : memref<64xf32, #tpu.memory_space<hbm>>) target_semaphore(%arg30 : memref<!tpu.dma_semaphore, #tpu.memory_space<semaphore_mem>>)
        %eq3A_2246 = arith.constant 10 : i32
        %eq3A_2247 = vector.broadcast %eq3A_2246 : i32 to vector<16xi32>
        %eq3A_2248 = arith.cmpi eq, %iota3A_18, %eq3A_2247 : vector<16xi32>
        %broadcast_in_dim3A_2249 = vector.broadcast %reduce_sum3A_2238 : f32 to vector<16xf32>
        %select_n3A_2250 = arith.select %eq3A_2248, %broadcast_in_dim3A_2249, %cond3A_583 : vector<16xi1>, vector<16xf32>
        scf.yield %select_n3A_2250 : vector<16xf32>
      } else {
        scf.yield %cond3A_583 : vector<16xf32>
      }
      %slice3A_608 = vector.extract_strided_slice %get3A_546 {offsets = [2], sizes = [1], strides = [1]} : vector<16xi32> to vector<1xi32>
      %squeeze3A_609 = vector.extract %slice3A_608[0] : i32 from vector<1xi32>
      %shift_right_arithmetic3A_610 = arith.constant 7 : i32
      %shift_right_arithmetic3A_611 = arith.shrsi %squeeze3A_609, %shift_right_arithmetic3A_610 : i32
      %mul3A_612 = arith.constant 128 : i32
      %mul3A_613 = arith.muli %shift_right_arithmetic3A_611, %mul3A_612 : i32
      %multiple_of3A_614 = tpu.assume_multiple %mul3A_613, 128 : i32
      %dma_start3A_615 = arith.constant 0 : i32
      %dma_start3A_616 = tpu.memref_slice %arg5[%dma_start3A_615, %multiple_of3A_614] : memref<64x1000000xf32, #tpu.memory_space<hbm>> -> memref<64x128xf32, #tpu.memory_space<hbm>>
      %dma_start3A_617 = arith.constant 0 : i32
      %dma_start3A_618 = tpu.memref_slice %arg5[%dma_start3A_617, %multiple_of3A_614] : memref<64x1000000xf32, #tpu.memory_space<hbm>> -> memref<64x128xf32, #tpu.memory_space<hbm>>
      tpu.enqueue_dma source(%dma_start3A_618 : memref<64x128xf32, #tpu.memory_space<hbm>>) target(%arg22 : memref<64x128xf32, #tpu.memory_space<vmem>>) target_semaphore(%arg28 : memref<!tpu.dma_semaphore, #tpu.memory_space<semaphore_mem>>)
      %sub3A_619 = arith.subi %squeeze3A_609, %multiple_of3A_614 : i32
      %sub3A_620 = arith.constant 1 : i32
      %sub3A_621 = arith.subi %scan3A_528, %sub3A_620 : i32
      %mul3A_622 = arith.constant 16 : i32
      %mul3A_623 = arith.muli %sub3A_621, %mul3A_622 : i32
      %add3A_624 = arith.constant 11 : i32
      %add3A_625 = arith.addi %mul3A_623, %add3A_624 : i32
      %gt3A_626 = arith.constant 0 : i32
      %gt3A_627 = arith.cmpi sgt, %scan3A_528, %gt3A_626 : i32
      %convert_element_type3A_628 = arith.extui %gt3A_627 : i1 to i32
      %cond3A_629 = arith.constant 0 : i32
      %cond3A_630 = arith.cmpi ne, %convert_element_type3A_628, %cond3A_629 : i32
      %cond3A_631 = scf.if %cond3A_630 -> (vector<16xf32>) {
        %dma_wait3A_2183 = arith.constant 0 : i32
        %dma_wait3A_2184 = arith.constant 0 : i32
        %dma_wait3A_2185 = tpu.memref_slice %arg5[%dma_wait3A_2183, %dma_wait3A_2184] : memref<64x1000000xf32, #tpu.memory_space<hbm>> -> memref<64x128xf32, #tpu.memory_space<hbm>>
        %dma_wait3A_2186 = arith.constant 0 : i32
        %dma_wait3A_2187 = arith.constant 0 : i32
        %dma_wait3A_2188 = tpu.memref_slice %arg5[%dma_wait3A_2186, %dma_wait3A_2187] : memref<64x1000000xf32, #tpu.memory_space<hbm>> -> memref<64x128xf32, #tpu.memory_space<hbm>>
        tpu.wait_dma2 semaphore(%arg29 : memref<!tpu.dma_semaphore, #tpu.memory_space<semaphore_mem>>) src(%dma_wait3A_2188 : memref<64x128xf32, #tpu.memory_space<hbm>>) dst(%arg23 : memref<64x128xf32, #tpu.memory_space<vmem>>)
        %broadcast_in_dim3A_2189 = vector.broadcast %scan3A_532 : i32 to vector<16xi32>
        %gather3A_2190 = tpu.vector_load_idx %arg23[%add3A_5, %broadcast_in_dim3A_2189] : memref<64x128xf32, #tpu.memory_space<vmem>>[vector<16xi32>, vector<16xi32>], vector<16xf32>,
        %gather3A_2191 = tpu.vector_load_idx %arg23[%add3A_9, %broadcast_in_dim3A_2189] : memref<64x128xf32, #tpu.memory_space<vmem>>[vector<16xi32>, vector<16xi32>], vector<16xf32>,
        %gather3A_2192 = tpu.vector_load_idx %arg23[%add3A_13, %broadcast_in_dim3A_2189] : memref<64x128xf32, #tpu.memory_space<vmem>>[vector<16xi32>, vector<16xi32>], vector<16xf32>,
        %gather3A_2193 = tpu.vector_load_idx %arg23[%add3A_17, %broadcast_in_dim3A_2189] : memref<64x128xf32, #tpu.memory_space<vmem>>[vector<16xi32>, vector<16xi32>], vector<16xf32>,
        %and3A_2194 = arith.constant 31 : i32
        %and3A_2195 = arith.andi %add3A_625, %and3A_2194 : i32
        %mul3A_2196 = arith.constant 64 : i32
        %mul3A_2197 = arith.muli %and3A_2195, %mul3A_2196 : i32
        %get3A_2198 = arith.index_cast %mul3A_2197 : i32 to index
        %get3A_2199 = tpu.vector_load %arg14[%get3A_2198] {strides = array<i32>} : memref<2048xf32, #tpu.memory_space<vmem>>, vector<16xf32>,
        %mul3A_2200 = arith.mulf %get3A_2199, %gather3A_2190 : vector<16xf32>
        %add3A_2201 = arith.constant 0 : i32
        %add3A_2202 = arith.addi %mul3A_2197, %add3A_2201 : i32
        %swap3A_2203 = arith.index_cast %add3A_2202 : i32 to index
        %swap3A_2204 = tpu.vector_load %arg15[%swap3A_2203] {strides = array<i32>} : memref<2048xf32, #tpu.memory_space<vmem>>, vector<16xf32>,
        tpu.vector_store %arg15[%swap3A_2203], %gather3A_2190 {strides = array<i32>} : memref<2048xf32, #tpu.memory_space<vmem>>, vector<16xf32>,
        %add3A_2205 = arith.constant 16 : i32
        %add3A_2206 = arith.addi %mul3A_2197, %add3A_2205 : i32
        %swap3A_2207 = arith.index_cast %add3A_2206 : i32 to index
        %swap3A_2208 = tpu.vector_load %arg15[%swap3A_2207] {strides = array<i32>} : memref<2048xf32, #tpu.memory_space<vmem>>, vector<16xf32>,
        tpu.vector_store %arg15[%swap3A_2207], %gather3A_2191 {strides = array<i32>} : memref<2048xf32, #tpu.memory_space<vmem>>, vector<16xf32>,
        %add3A_2209 = arith.constant 16 : i32
        %add3A_2210 = arith.addi %mul3A_2197, %add3A_2209 : i32
        %get3A_2211 = arith.index_cast %add3A_2210 : i32 to index
        %get3A_2212 = tpu.vector_load %arg14[%get3A_2211] {strides = array<i32>} : memref<2048xf32, #tpu.memory_space<vmem>>, vector<16xf32>,
        %mul3A_2213 = arith.mulf %get3A_2212, %gather3A_2191 : vector<16xf32>
        %add3A_2214 = arith.addf %mul3A_2200, %mul3A_2213 : vector<16xf32>
        %add3A_2215 = arith.constant 32 : i32
        %add3A_2216 = arith.addi %mul3A_2197, %add3A_2215 : i32
        %swap3A_2217 = arith.index_cast %add3A_2216 : i32 to index
        %swap3A_2218 = tpu.vector_load %arg15[%swap3A_2217] {strides = array<i32>} : memref<2048xf32, #tpu.memory_space<vmem>>, vector<16xf32>,
        tpu.vector_store %arg15[%swap3A_2217], %gather3A_2192 {strides = array<i32>} : memref<2048xf32, #tpu.memory_space<vmem>>, vector<16xf32>,
        %add3A_2219 = arith.constant 32 : i32
        %add3A_2220 = arith.addi %mul3A_2197, %add3A_2219 : i32
        %get3A_2221 = arith.index_cast %add3A_2220 : i32 to index
        %get3A_2222 = tpu.vector_load %arg14[%get3A_2221] {strides = array<i32>} : memref<2048xf32, #tpu.memory_space<vmem>>, vector<16xf32>,
        %mul3A_2223 = arith.mulf %get3A_2222, %gather3A_2192 : vector<16xf32>
        %add3A_2224 = arith.addf %add3A_2214, %mul3A_2223 : vector<16xf32>
        %add3A_2225 = arith.constant 48 : i32
        %add3A_2226 = arith.addi %mul3A_2197, %add3A_2225 : i32
        %swap3A_2227 = arith.index_cast %add3A_2226 : i32 to index
        %swap3A_2228 = tpu.vector_load %arg15[%swap3A_2227] {strides = array<i32>} : memref<2048xf32, #tpu.memory_space<vmem>>, vector<16xf32>,
        tpu.vector_store %arg15[%swap3A_2227], %gather3A_2193 {strides = array<i32>} : memref<2048xf32, #tpu.memory_space<vmem>>, vector<16xf32>,
        %add3A_2229 = arith.constant 48 : i32
        %add3A_2230 = arith.addi %mul3A_2197, %add3A_2229 : i32
        %get3A_2231 = arith.index_cast %add3A_2230 : i32 to index
        %get3A_2232 = tpu.vector_load %arg14[%get3A_2231] {strides = array<i32>} : memref<2048xf32, #tpu.memory_space<vmem>>, vector<16xf32>,
        %mul3A_2233 = arith.mulf %get3A_2232, %gather3A_2193 : vector<16xf32>
        %add3A_2234 = arith.addf %add3A_2224, %mul3A_2233 : vector<16xf32>
        %reduce_sum3A_2235 = arith.constant true
        %reduce_sum3A_2236 = vector.broadcast %reduce_sum3A_2235 : i1 to vector<16xi1>
        %reduce_sum3A_2237 = tpu.scan <sum>, %add3A_2234 masked %reduce_sum3A_2236 : vector<16xf32>, vector<16xi1> -> vector<16xf32>
        %reduce_sum3A_2238 = vector.extract %reduce_sum3A_2237[15] : f32 from vector<16xf32>
        %add3A_2239 = arith.addi %mul3A_2, %add3A_625 : i32
        %mul3A_2240 = arith.constant 64 : i32
        %mul3A_2241 = arith.muli %add3A_2239, %mul3A_2240 : i32
        %dma_start3A_2242 = tpu.memref_slice %arg15[%mul3A_2197] : memref<2048xf32, #tpu.memory_space<vmem>> -> memref<64xf32, #tpu.memory_space<vmem>>
        %dma_start3A_2243 = tpu.memref_slice %arg11[%mul3A_2241] : memref<1048576xf32, #tpu.memory_space<hbm>> -> memref<64xf32, #tpu.memory_space<hbm>>
        %dma_start3A_2244 = tpu.memref_slice %arg11[%mul3A_2241] : memref<1048576xf32, #tpu.memory_space<hbm>> -> memref<64xf32, #tpu.memory_space<hbm>>
        %dma_start3A_2245 = tpu.memref_slice %arg15[%mul3A_2197] : memref<2048xf32, #tpu.memory_space<vmem>> -> memref<64xf32, #tpu.memory_space<vmem>>
        tpu.enqueue_dma source(%dma_start3A_2245 : memref<64xf32, #tpu.memory_space<vmem>>) target(%dma_start3A_2244 : memref<64xf32, #tpu.memory_space<hbm>>) target_semaphore(%arg30 : memref<!tpu.dma_semaphore, #tpu.memory_space<semaphore_mem>>)
        %eq3A_2246 = arith.constant 11 : i32
        %eq3A_2247 = vector.broadcast %eq3A_2246 : i32 to vector<16xi32>
        %eq3A_2248 = arith.cmpi eq, %iota3A_18, %eq3A_2247 : vector<16xi32>
        %broadcast_in_dim3A_2249 = vector.broadcast %reduce_sum3A_2238 : f32 to vector<16xf32>
        %select_n3A_2250 = arith.select %eq3A_2248, %broadcast_in_dim3A_2249, %cond3A_607 : vector<16xi1>, vector<16xf32>
        scf.yield %select_n3A_2250 : vector<16xf32>
      } else {
        scf.yield %cond3A_607 : vector<16xf32>
      }
      %slice3A_632 = vector.extract_strided_slice %get3A_546 {offsets = [3], sizes = [1], strides = [1]} : vector<16xi32> to vector<1xi32>
      %squeeze3A_633 = vector.extract %slice3A_632[0] : i32 from vector<1xi32>
      %shift_right_arithmetic3A_634 = arith.constant 7 : i32
      %shift_right_arithmetic3A_635 = arith.shrsi %squeeze3A_633, %shift_right_arithmetic3A_634 : i32
      %mul3A_636 = arith.constant 128 : i32
      %mul3A_637 = arith.muli %shift_right_arithmetic3A_635, %mul3A_636 : i32
      %multiple_of3A_638 = tpu.assume_multiple %mul3A_637, 128 : i32
      %dma_start3A_639 = arith.constant 0 : i32
      %dma_start3A_640 = tpu.memref_slice %arg5[%dma_start3A_639, %multiple_of3A_638] : memref<64x1000000xf32, #tpu.memory_space<hbm>> -> memref<64x128xf32, #tpu.memory_space<hbm>>
      %dma_start3A_641 = arith.constant 0 : i32
      %dma_start3A_642 = tpu.memref_slice %arg5[%dma_start3A_641, %multiple_of3A_638] : memref<64x1000000xf32, #tpu.memory_space<hbm>> -> memref<64x128xf32, #tpu.memory_space<hbm>>
      tpu.enqueue_dma source(%dma_start3A_642 : memref<64x128xf32, #tpu.memory_space<hbm>>) target(%arg23 : memref<64x128xf32, #tpu.memory_space<vmem>>) target_semaphore(%arg28 : memref<!tpu.dma_semaphore, #tpu.memory_space<semaphore_mem>>)
      %sub3A_643 = arith.subi %squeeze3A_633, %multiple_of3A_638 : i32
      %sub3A_644 = arith.constant 1 : i32
      %sub3A_645 = arith.subi %scan3A_528, %sub3A_644 : i32
      %mul3A_646 = arith.constant 16 : i32
      %mul3A_647 = arith.muli %sub3A_645, %mul3A_646 : i32
      %add3A_648 = arith.constant 12 : i32
      %add3A_649 = arith.addi %mul3A_647, %add3A_648 : i32
      %gt3A_650 = arith.constant 0 : i32
      %gt3A_651 = arith.cmpi sgt, %scan3A_528, %gt3A_650 : i32
      %convert_element_type3A_652 = arith.extui %gt3A_651 : i1 to i32
      %cond3A_653 = arith.constant 0 : i32
      %cond3A_654 = arith.cmpi ne, %convert_element_type3A_652, %cond3A_653 : i32
      %cond3A_655 = scf.if %cond3A_654 -> (vector<16xf32>) {
        %dma_wait3A_2183 = arith.constant 0 : i32
        %dma_wait3A_2184 = arith.constant 0 : i32
        %dma_wait3A_2185 = tpu.memref_slice %arg5[%dma_wait3A_2183, %dma_wait3A_2184] : memref<64x1000000xf32, #tpu.memory_space<hbm>> -> memref<64x128xf32, #tpu.memory_space<hbm>>
        %dma_wait3A_2186 = arith.constant 0 : i32
        %dma_wait3A_2187 = arith.constant 0 : i32
        %dma_wait3A_2188 = tpu.memref_slice %arg5[%dma_wait3A_2186, %dma_wait3A_2187] : memref<64x1000000xf32, #tpu.memory_space<hbm>> -> memref<64x128xf32, #tpu.memory_space<hbm>>
        tpu.wait_dma2 semaphore(%arg29 : memref<!tpu.dma_semaphore, #tpu.memory_space<semaphore_mem>>) src(%dma_wait3A_2188 : memref<64x128xf32, #tpu.memory_space<hbm>>) dst(%arg24 : memref<64x128xf32, #tpu.memory_space<vmem>>)
        %broadcast_in_dim3A_2189 = vector.broadcast %scan3A_533 : i32 to vector<16xi32>
        %gather3A_2190 = tpu.vector_load_idx %arg24[%add3A_5, %broadcast_in_dim3A_2189] : memref<64x128xf32, #tpu.memory_space<vmem>>[vector<16xi32>, vector<16xi32>], vector<16xf32>,
        %gather3A_2191 = tpu.vector_load_idx %arg24[%add3A_9, %broadcast_in_dim3A_2189] : memref<64x128xf32, #tpu.memory_space<vmem>>[vector<16xi32>, vector<16xi32>], vector<16xf32>,
        %gather3A_2192 = tpu.vector_load_idx %arg24[%add3A_13, %broadcast_in_dim3A_2189] : memref<64x128xf32, #tpu.memory_space<vmem>>[vector<16xi32>, vector<16xi32>], vector<16xf32>,
        %gather3A_2193 = tpu.vector_load_idx %arg24[%add3A_17, %broadcast_in_dim3A_2189] : memref<64x128xf32, #tpu.memory_space<vmem>>[vector<16xi32>, vector<16xi32>], vector<16xf32>,
        %and3A_2194 = arith.constant 31 : i32
        %and3A_2195 = arith.andi %add3A_649, %and3A_2194 : i32
        %mul3A_2196 = arith.constant 64 : i32
        %mul3A_2197 = arith.muli %and3A_2195, %mul3A_2196 : i32
        %get3A_2198 = arith.index_cast %mul3A_2197 : i32 to index
        %get3A_2199 = tpu.vector_load %arg14[%get3A_2198] {strides = array<i32>} : memref<2048xf32, #tpu.memory_space<vmem>>, vector<16xf32>,
        %mul3A_2200 = arith.mulf %get3A_2199, %gather3A_2190 : vector<16xf32>
        %add3A_2201 = arith.constant 0 : i32
        %add3A_2202 = arith.addi %mul3A_2197, %add3A_2201 : i32
        %swap3A_2203 = arith.index_cast %add3A_2202 : i32 to index
        %swap3A_2204 = tpu.vector_load %arg15[%swap3A_2203] {strides = array<i32>} : memref<2048xf32, #tpu.memory_space<vmem>>, vector<16xf32>,
        tpu.vector_store %arg15[%swap3A_2203], %gather3A_2190 {strides = array<i32>} : memref<2048xf32, #tpu.memory_space<vmem>>, vector<16xf32>,
        %add3A_2205 = arith.constant 16 : i32
        %add3A_2206 = arith.addi %mul3A_2197, %add3A_2205 : i32
        %swap3A_2207 = arith.index_cast %add3A_2206 : i32 to index
        %swap3A_2208 = tpu.vector_load %arg15[%swap3A_2207] {strides = array<i32>} : memref<2048xf32, #tpu.memory_space<vmem>>, vector<16xf32>,
        tpu.vector_store %arg15[%swap3A_2207], %gather3A_2191 {strides = array<i32>} : memref<2048xf32, #tpu.memory_space<vmem>>, vector<16xf32>,
        %add3A_2209 = arith.constant 16 : i32
        %add3A_2210 = arith.addi %mul3A_2197, %add3A_2209 : i32
        %get3A_2211 = arith.index_cast %add3A_2210 : i32 to index
        %get3A_2212 = tpu.vector_load %arg14[%get3A_2211] {strides = array<i32>} : memref<2048xf32, #tpu.memory_space<vmem>>, vector<16xf32>,
        %mul3A_2213 = arith.mulf %get3A_2212, %gather3A_2191 : vector<16xf32>
        %add3A_2214 = arith.addf %mul3A_2200, %mul3A_2213 : vector<16xf32>
        %add3A_2215 = arith.constant 32 : i32
        %add3A_2216 = arith.addi %mul3A_2197, %add3A_2215 : i32
        %swap3A_2217 = arith.index_cast %add3A_2216 : i32 to index
        %swap3A_2218 = tpu.vector_load %arg15[%swap3A_2217] {strides = array<i32>} : memref<2048xf32, #tpu.memory_space<vmem>>, vector<16xf32>,
        tpu.vector_store %arg15[%swap3A_2217], %gather3A_2192 {strides = array<i32>} : memref<2048xf32, #tpu.memory_space<vmem>>, vector<16xf32>,
        %add3A_2219 = arith.constant 32 : i32
        %add3A_2220 = arith.addi %mul3A_2197, %add3A_2219 : i32
        %get3A_2221 = arith.index_cast %add3A_2220 : i32 to index
        %get3A_2222 = tpu.vector_load %arg14[%get3A_2221] {strides = array<i32>} : memref<2048xf32, #tpu.memory_space<vmem>>, vector<16xf32>,
        %mul3A_2223 = arith.mulf %get3A_2222, %gather3A_2192 : vector<16xf32>
        %add3A_2224 = arith.addf %add3A_2214, %mul3A_2223 : vector<16xf32>
        %add3A_2225 = arith.constant 48 : i32
        %add3A_2226 = arith.addi %mul3A_2197, %add3A_2225 : i32
        %swap3A_2227 = arith.index_cast %add3A_2226 : i32 to index
        %swap3A_2228 = tpu.vector_load %arg15[%swap3A_2227] {strides = array<i32>} : memref<2048xf32, #tpu.memory_space<vmem>>, vector<16xf32>,
        tpu.vector_store %arg15[%swap3A_2227], %gather3A_2193 {strides = array<i32>} : memref<2048xf32, #tpu.memory_space<vmem>>, vector<16xf32>,
        %add3A_2229 = arith.constant 48 : i32
        %add3A_2230 = arith.addi %mul3A_2197, %add3A_2229 : i32
        %get3A_2231 = arith.index_cast %add3A_2230 : i32 to index
        %get3A_2232 = tpu.vector_load %arg14[%get3A_2231] {strides = array<i32>} : memref<2048xf32, #tpu.memory_space<vmem>>, vector<16xf32>,
        %mul3A_2233 = arith.mulf %get3A_2232, %gather3A_2193 : vector<16xf32>
        %add3A_2234 = arith.addf %add3A_2224, %mul3A_2233 : vector<16xf32>
        %reduce_sum3A_2235 = arith.constant true
        %reduce_sum3A_2236 = vector.broadcast %reduce_sum3A_2235 : i1 to vector<16xi1>
        %reduce_sum3A_2237 = tpu.scan <sum>, %add3A_2234 masked %reduce_sum3A_2236 : vector<16xf32>, vector<16xi1> -> vector<16xf32>
        %reduce_sum3A_2238 = vector.extract %reduce_sum3A_2237[15] : f32 from vector<16xf32>
        %add3A_2239 = arith.addi %mul3A_2, %add3A_649 : i32
        %mul3A_2240 = arith.constant 64 : i32
        %mul3A_2241 = arith.muli %add3A_2239, %mul3A_2240 : i32
        %dma_start3A_2242 = tpu.memref_slice %arg15[%mul3A_2197] : memref<2048xf32, #tpu.memory_space<vmem>> -> memref<64xf32, #tpu.memory_space<vmem>>
        %dma_start3A_2243 = tpu.memref_slice %arg11[%mul3A_2241] : memref<1048576xf32, #tpu.memory_space<hbm>> -> memref<64xf32, #tpu.memory_space<hbm>>
        %dma_start3A_2244 = tpu.memref_slice %arg11[%mul3A_2241] : memref<1048576xf32, #tpu.memory_space<hbm>> -> memref<64xf32, #tpu.memory_space<hbm>>
        %dma_start3A_2245 = tpu.memref_slice %arg15[%mul3A_2197] : memref<2048xf32, #tpu.memory_space<vmem>> -> memref<64xf32, #tpu.memory_space<vmem>>
        tpu.enqueue_dma source(%dma_start3A_2245 : memref<64xf32, #tpu.memory_space<vmem>>) target(%dma_start3A_2244 : memref<64xf32, #tpu.memory_space<hbm>>) target_semaphore(%arg30 : memref<!tpu.dma_semaphore, #tpu.memory_space<semaphore_mem>>)
        %eq3A_2246 = arith.constant 12 : i32
        %eq3A_2247 = vector.broadcast %eq3A_2246 : i32 to vector<16xi32>
        %eq3A_2248 = arith.cmpi eq, %iota3A_18, %eq3A_2247 : vector<16xi32>
        %broadcast_in_dim3A_2249 = vector.broadcast %reduce_sum3A_2238 : f32 to vector<16xf32>
        %select_n3A_2250 = arith.select %eq3A_2248, %broadcast_in_dim3A_2249, %cond3A_631 : vector<16xi1>, vector<16xf32>
        scf.yield %select_n3A_2250 : vector<16xf32>
      } else {
        scf.yield %cond3A_631 : vector<16xf32>
      }
      %slice3A_656 = vector.extract_strided_slice %get3A_546 {offsets = [4], sizes = [1], strides = [1]} : vector<16xi32> to vector<1xi32>
      %squeeze3A_657 = vector.extract %slice3A_656[0] : i32 from vector<1xi32>
      %shift_right_arithmetic3A_658 = arith.constant 7 : i32
      %shift_right_arithmetic3A_659 = arith.shrsi %squeeze3A_657, %shift_right_arithmetic3A_658 : i32
      %mul3A_660 = arith.constant 128 : i32
      %mul3A_661 = arith.muli %shift_right_arithmetic3A_659, %mul3A_660 : i32
      %multiple_of3A_662 = tpu.assume_multiple %mul3A_661, 128 : i32
      %dma_start3A_663 = arith.constant 0 : i32
      %dma_start3A_664 = tpu.memref_slice %arg5[%dma_start3A_663, %multiple_of3A_662] : memref<64x1000000xf32, #tpu.memory_space<hbm>> -> memref<64x128xf32, #tpu.memory_space<hbm>>
      %dma_start3A_665 = arith.constant 0 : i32
      %dma_start3A_666 = tpu.memref_slice %arg5[%dma_start3A_665, %multiple_of3A_662] : memref<64x1000000xf32, #tpu.memory_space<hbm>> -> memref<64x128xf32, #tpu.memory_space<hbm>>
      tpu.enqueue_dma source(%dma_start3A_666 : memref<64x128xf32, #tpu.memory_space<hbm>>) target(%arg24 : memref<64x128xf32, #tpu.memory_space<vmem>>) target_semaphore(%arg28 : memref<!tpu.dma_semaphore, #tpu.memory_space<semaphore_mem>>)
      %sub3A_667 = arith.subi %squeeze3A_657, %multiple_of3A_662 : i32
      %sub3A_668 = arith.constant 1 : i32
      %sub3A_669 = arith.subi %scan3A_528, %sub3A_668 : i32
      %mul3A_670 = arith.constant 16 : i32
      %mul3A_671 = arith.muli %sub3A_669, %mul3A_670 : i32
      %add3A_672 = arith.constant 13 : i32
      %add3A_673 = arith.addi %mul3A_671, %add3A_672 : i32
      %gt3A_674 = arith.constant 0 : i32
      %gt3A_675 = arith.cmpi sgt, %scan3A_528, %gt3A_674 : i32
      %convert_element_type3A_676 = arith.extui %gt3A_675 : i1 to i32
      %cond3A_677 = arith.constant 0 : i32
      %cond3A_678 = arith.cmpi ne, %convert_element_type3A_676, %cond3A_677 : i32
      %cond3A_679 = scf.if %cond3A_678 -> (vector<16xf32>) {
        %dma_wait3A_2183 = arith.constant 0 : i32
        %dma_wait3A_2184 = arith.constant 0 : i32
        %dma_wait3A_2185 = tpu.memref_slice %arg5[%dma_wait3A_2183, %dma_wait3A_2184] : memref<64x1000000xf32, #tpu.memory_space<hbm>> -> memref<64x128xf32, #tpu.memory_space<hbm>>
        %dma_wait3A_2186 = arith.constant 0 : i32
        %dma_wait3A_2187 = arith.constant 0 : i32
        %dma_wait3A_2188 = tpu.memref_slice %arg5[%dma_wait3A_2186, %dma_wait3A_2187] : memref<64x1000000xf32, #tpu.memory_space<hbm>> -> memref<64x128xf32, #tpu.memory_space<hbm>>
        tpu.wait_dma2 semaphore(%arg29 : memref<!tpu.dma_semaphore, #tpu.memory_space<semaphore_mem>>) src(%dma_wait3A_2188 : memref<64x128xf32, #tpu.memory_space<hbm>>) dst(%arg25 : memref<64x128xf32, #tpu.memory_space<vmem>>)
        %broadcast_in_dim3A_2189 = vector.broadcast %scan3A_534 : i32 to vector<16xi32>
        %gather3A_2190 = tpu.vector_load_idx %arg25[%add3A_5, %broadcast_in_dim3A_2189] : memref<64x128xf32, #tpu.memory_space<vmem>>[vector<16xi32>, vector<16xi32>], vector<16xf32>,
        %gather3A_2191 = tpu.vector_load_idx %arg25[%add3A_9, %broadcast_in_dim3A_2189] : memref<64x128xf32, #tpu.memory_space<vmem>>[vector<16xi32>, vector<16xi32>], vector<16xf32>,
        %gather3A_2192 = tpu.vector_load_idx %arg25[%add3A_13, %broadcast_in_dim3A_2189] : memref<64x128xf32, #tpu.memory_space<vmem>>[vector<16xi32>, vector<16xi32>], vector<16xf32>,
        %gather3A_2193 = tpu.vector_load_idx %arg25[%add3A_17, %broadcast_in_dim3A_2189] : memref<64x128xf32, #tpu.memory_space<vmem>>[vector<16xi32>, vector<16xi32>], vector<16xf32>,
        %and3A_2194 = arith.constant 31 : i32
        %and3A_2195 = arith.andi %add3A_673, %and3A_2194 : i32
        %mul3A_2196 = arith.constant 64 : i32
        %mul3A_2197 = arith.muli %and3A_2195, %mul3A_2196 : i32
        %get3A_2198 = arith.index_cast %mul3A_2197 : i32 to index
        %get3A_2199 = tpu.vector_load %arg14[%get3A_2198] {strides = array<i32>} : memref<2048xf32, #tpu.memory_space<vmem>>, vector<16xf32>,
        %mul3A_2200 = arith.mulf %get3A_2199, %gather3A_2190 : vector<16xf32>
        %add3A_2201 = arith.constant 0 : i32
        %add3A_2202 = arith.addi %mul3A_2197, %add3A_2201 : i32
        %swap3A_2203 = arith.index_cast %add3A_2202 : i32 to index
        %swap3A_2204 = tpu.vector_load %arg15[%swap3A_2203] {strides = array<i32>} : memref<2048xf32, #tpu.memory_space<vmem>>, vector<16xf32>,
        tpu.vector_store %arg15[%swap3A_2203], %gather3A_2190 {strides = array<i32>} : memref<2048xf32, #tpu.memory_space<vmem>>, vector<16xf32>,
        %add3A_2205 = arith.constant 16 : i32
        %add3A_2206 = arith.addi %mul3A_2197, %add3A_2205 : i32
        %swap3A_2207 = arith.index_cast %add3A_2206 : i32 to index
        %swap3A_2208 = tpu.vector_load %arg15[%swap3A_2207] {strides = array<i32>} : memref<2048xf32, #tpu.memory_space<vmem>>, vector<16xf32>,
        tpu.vector_store %arg15[%swap3A_2207], %gather3A_2191 {strides = array<i32>} : memref<2048xf32, #tpu.memory_space<vmem>>, vector<16xf32>,
        %add3A_2209 = arith.constant 16 : i32
        %add3A_2210 = arith.addi %mul3A_2197, %add3A_2209 : i32
        %get3A_2211 = arith.index_cast %add3A_2210 : i32 to index
        %get3A_2212 = tpu.vector_load %arg14[%get3A_2211] {strides = array<i32>} : memref<2048xf32, #tpu.memory_space<vmem>>, vector<16xf32>,
        %mul3A_2213 = arith.mulf %get3A_2212, %gather3A_2191 : vector<16xf32>
        %add3A_2214 = arith.addf %mul3A_2200, %mul3A_2213 : vector<16xf32>
        %add3A_2215 = arith.constant 32 : i32
        %add3A_2216 = arith.addi %mul3A_2197, %add3A_2215 : i32
        %swap3A_2217 = arith.index_cast %add3A_2216 : i32 to index
        %swap3A_2218 = tpu.vector_load %arg15[%swap3A_2217] {strides = array<i32>} : memref<2048xf32, #tpu.memory_space<vmem>>, vector<16xf32>,
        tpu.vector_store %arg15[%swap3A_2217], %gather3A_2192 {strides = array<i32>} : memref<2048xf32, #tpu.memory_space<vmem>>, vector<16xf32>,
        %add3A_2219 = arith.constant 32 : i32
        %add3A_2220 = arith.addi %mul3A_2197, %add3A_2219 : i32
        %get3A_2221 = arith.index_cast %add3A_2220 : i32 to index
        %get3A_2222 = tpu.vector_load %arg14[%get3A_2221] {strides = array<i32>} : memref<2048xf32, #tpu.memory_space<vmem>>, vector<16xf32>,
        %mul3A_2223 = arith.mulf %get3A_2222, %gather3A_2192 : vector<16xf32>
        %add3A_2224 = arith.addf %add3A_2214, %mul3A_2223 : vector<16xf32>
        %add3A_2225 = arith.constant 48 : i32
        %add3A_2226 = arith.addi %mul3A_2197, %add3A_2225 : i32
        %swap3A_2227 = arith.index_cast %add3A_2226 : i32 to index
        %swap3A_2228 = tpu.vector_load %arg15[%swap3A_2227] {strides = array<i32>} : memref<2048xf32, #tpu.memory_space<vmem>>, vector<16xf32>,
        tpu.vector_store %arg15[%swap3A_2227], %gather3A_2193 {strides = array<i32>} : memref<2048xf32, #tpu.memory_space<vmem>>, vector<16xf32>,
        %add3A_2229 = arith.constant 48 : i32
        %add3A_2230 = arith.addi %mul3A_2197, %add3A_2229 : i32
        %get3A_2231 = arith.index_cast %add3A_2230 : i32 to index
        %get3A_2232 = tpu.vector_load %arg14[%get3A_2231] {strides = array<i32>} : memref<2048xf32, #tpu.memory_space<vmem>>, vector<16xf32>,
        %mul3A_2233 = arith.mulf %get3A_2232, %gather3A_2193 : vector<16xf32>
        %add3A_2234 = arith.addf %add3A_2224, %mul3A_2233 : vector<16xf32>
        %reduce_sum3A_2235 = arith.constant true
        %reduce_sum3A_2236 = vector.broadcast %reduce_sum3A_2235 : i1 to vector<16xi1>
        %reduce_sum3A_2237 = tpu.scan <sum>, %add3A_2234 masked %reduce_sum3A_2236 : vector<16xf32>, vector<16xi1> -> vector<16xf32>
        %reduce_sum3A_2238 = vector.extract %reduce_sum3A_2237[15] : f32 from vector<16xf32>
        %add3A_2239 = arith.addi %mul3A_2, %add3A_673 : i32
        %mul3A_2240 = arith.constant 64 : i32
        %mul3A_2241 = arith.muli %add3A_2239, %mul3A_2240 : i32
        %dma_start3A_2242 = tpu.memref_slice %arg15[%mul3A_2197] : memref<2048xf32, #tpu.memory_space<vmem>> -> memref<64xf32, #tpu.memory_space<vmem>>
        %dma_start3A_2243 = tpu.memref_slice %arg11[%mul3A_2241] : memref<1048576xf32, #tpu.memory_space<hbm>> -> memref<64xf32, #tpu.memory_space<hbm>>
        %dma_start3A_2244 = tpu.memref_slice %arg11[%mul3A_2241] : memref<1048576xf32, #tpu.memory_space<hbm>> -> memref<64xf32, #tpu.memory_space<hbm>>
        %dma_start3A_2245 = tpu.memref_slice %arg15[%mul3A_2197] : memref<2048xf32, #tpu.memory_space<vmem>> -> memref<64xf32, #tpu.memory_space<vmem>>
        tpu.enqueue_dma source(%dma_start3A_2245 : memref<64xf32, #tpu.memory_space<vmem>>) target(%dma_start3A_2244 : memref<64xf32, #tpu.memory_space<hbm>>) target_semaphore(%arg30 : memref<!tpu.dma_semaphore, #tpu.memory_space<semaphore_mem>>)
        %eq3A_2246 = arith.constant 13 : i32
        %eq3A_2247 = vector.broadcast %eq3A_2246 : i32 to vector<16xi32>
        %eq3A_2248 = arith.cmpi eq, %iota3A_18, %eq3A_2247 : vector<16xi32>
        %broadcast_in_dim3A_2249 = vector.broadcast %reduce_sum3A_2238 : f32 to vector<16xf32>
        %select_n3A_2250 = arith.select %eq3A_2248, %broadcast_in_dim3A_2249, %cond3A_655 : vector<16xi1>, vector<16xf32>
        scf.yield %select_n3A_2250 : vector<16xf32>
      } else {
        scf.yield %cond3A_655 : vector<16xf32>
      }
      %slice3A_680 = vector.extract_strided_slice %get3A_546 {offsets = [5], sizes = [1], strides = [1]} : vector<16xi32> to vector<1xi32>
      %squeeze3A_681 = vector.extract %slice3A_680[0] : i32 from vector<1xi32>
      %shift_right_arithmetic3A_682 = arith.constant 7 : i32
      %shift_right_arithmetic3A_683 = arith.shrsi %squeeze3A_681, %shift_right_arithmetic3A_682 : i32
      %mul3A_684 = arith.constant 128 : i32
      %mul3A_685 = arith.muli %shift_right_arithmetic3A_683, %mul3A_684 : i32
      %multiple_of3A_686 = tpu.assume_multiple %mul3A_685, 128 : i32
      %dma_start3A_687 = arith.constant 0 : i32
      %dma_start3A_688 = tpu.memref_slice %arg5[%dma_start3A_687, %multiple_of3A_686] : memref<64x1000000xf32, #tpu.memory_space<hbm>> -> memref<64x128xf32, #tpu.memory_space<hbm>>
      %dma_start3A_689 = arith.constant 0 : i32
      %dma_start3A_690 = tpu.memref_slice %arg5[%dma_start3A_689, %multiple_of3A_686] : memref<64x1000000xf32, #tpu.memory_space<hbm>> -> memref<64x128xf32, #tpu.memory_space<hbm>>
      tpu.enqueue_dma source(%dma_start3A_690 : memref<64x128xf32, #tpu.memory_space<hbm>>) target(%arg25 : memref<64x128xf32, #tpu.memory_space<vmem>>) target_semaphore(%arg28 : memref<!tpu.dma_semaphore, #tpu.memory_space<semaphore_mem>>)
      %sub3A_691 = arith.subi %squeeze3A_681, %multiple_of3A_686 : i32
      %sub3A_692 = arith.constant 1 : i32
      %sub3A_693 = arith.subi %scan3A_528, %sub3A_692 : i32
      %mul3A_694 = arith.constant 16 : i32
      %mul3A_695 = arith.muli %sub3A_693, %mul3A_694 : i32
      %add3A_696 = arith.constant 14 : i32
      %add3A_697 = arith.addi %mul3A_695, %add3A_696 : i32
      %gt3A_698 = arith.constant 0 : i32
      %gt3A_699 = arith.cmpi sgt, %scan3A_528, %gt3A_698 : i32
      %convert_element_type3A_700 = arith.extui %gt3A_699 : i1 to i32
      %cond3A_701 = arith.constant 0 : i32
      %cond3A_702 = arith.cmpi ne, %convert_element_type3A_700, %cond3A_701 : i32
      %cond3A_703 = scf.if %cond3A_702 -> (vector<16xf32>) {
        %dma_wait3A_2183 = arith.constant 0 : i32
        %dma_wait3A_2184 = arith.constant 0 : i32
        %dma_wait3A_2185 = tpu.memref_slice %arg5[%dma_wait3A_2183, %dma_wait3A_2184] : memref<64x1000000xf32, #tpu.memory_space<hbm>> -> memref<64x128xf32, #tpu.memory_space<hbm>>
        %dma_wait3A_2186 = arith.constant 0 : i32
        %dma_wait3A_2187 = arith.constant 0 : i32
        %dma_wait3A_2188 = tpu.memref_slice %arg5[%dma_wait3A_2186, %dma_wait3A_2187] : memref<64x1000000xf32, #tpu.memory_space<hbm>> -> memref<64x128xf32, #tpu.memory_space<hbm>>
        tpu.wait_dma2 semaphore(%arg29 : memref<!tpu.dma_semaphore, #tpu.memory_space<semaphore_mem>>) src(%dma_wait3A_2188 : memref<64x128xf32, #tpu.memory_space<hbm>>) dst(%arg26 : memref<64x128xf32, #tpu.memory_space<vmem>>)
        %broadcast_in_dim3A_2189 = vector.broadcast %scan3A_535 : i32 to vector<16xi32>
        %gather3A_2190 = tpu.vector_load_idx %arg26[%add3A_5, %broadcast_in_dim3A_2189] : memref<64x128xf32, #tpu.memory_space<vmem>>[vector<16xi32>, vector<16xi32>], vector<16xf32>,
        %gather3A_2191 = tpu.vector_load_idx %arg26[%add3A_9, %broadcast_in_dim3A_2189] : memref<64x128xf32, #tpu.memory_space<vmem>>[vector<16xi32>, vector<16xi32>], vector<16xf32>,
        %gather3A_2192 = tpu.vector_load_idx %arg26[%add3A_13, %broadcast_in_dim3A_2189] : memref<64x128xf32, #tpu.memory_space<vmem>>[vector<16xi32>, vector<16xi32>], vector<16xf32>,
        %gather3A_2193 = tpu.vector_load_idx %arg26[%add3A_17, %broadcast_in_dim3A_2189] : memref<64x128xf32, #tpu.memory_space<vmem>>[vector<16xi32>, vector<16xi32>], vector<16xf32>,
        %and3A_2194 = arith.constant 31 : i32
        %and3A_2195 = arith.andi %add3A_697, %and3A_2194 : i32
        %mul3A_2196 = arith.constant 64 : i32
        %mul3A_2197 = arith.muli %and3A_2195, %mul3A_2196 : i32
        %get3A_2198 = arith.index_cast %mul3A_2197 : i32 to index
        %get3A_2199 = tpu.vector_load %arg14[%get3A_2198] {strides = array<i32>} : memref<2048xf32, #tpu.memory_space<vmem>>, vector<16xf32>,
        %mul3A_2200 = arith.mulf %get3A_2199, %gather3A_2190 : vector<16xf32>
        %add3A_2201 = arith.constant 0 : i32
        %add3A_2202 = arith.addi %mul3A_2197, %add3A_2201 : i32
        %swap3A_2203 = arith.index_cast %add3A_2202 : i32 to index
        %swap3A_2204 = tpu.vector_load %arg15[%swap3A_2203] {strides = array<i32>} : memref<2048xf32, #tpu.memory_space<vmem>>, vector<16xf32>,
        tpu.vector_store %arg15[%swap3A_2203], %gather3A_2190 {strides = array<i32>} : memref<2048xf32, #tpu.memory_space<vmem>>, vector<16xf32>,
        %add3A_2205 = arith.constant 16 : i32
        %add3A_2206 = arith.addi %mul3A_2197, %add3A_2205 : i32
        %swap3A_2207 = arith.index_cast %add3A_2206 : i32 to index
        %swap3A_2208 = tpu.vector_load %arg15[%swap3A_2207] {strides = array<i32>} : memref<2048xf32, #tpu.memory_space<vmem>>, vector<16xf32>,
        tpu.vector_store %arg15[%swap3A_2207], %gather3A_2191 {strides = array<i32>} : memref<2048xf32, #tpu.memory_space<vmem>>, vector<16xf32>,
        %add3A_2209 = arith.constant 16 : i32
        %add3A_2210 = arith.addi %mul3A_2197, %add3A_2209 : i32
        %get3A_2211 = arith.index_cast %add3A_2210 : i32 to index
        %get3A_2212 = tpu.vector_load %arg14[%get3A_2211] {strides = array<i32>} : memref<2048xf32, #tpu.memory_space<vmem>>, vector<16xf32>,
        %mul3A_2213 = arith.mulf %get3A_2212, %gather3A_2191 : vector<16xf32>
        %add3A_2214 = arith.addf %mul3A_2200, %mul3A_2213 : vector<16xf32>
        %add3A_2215 = arith.constant 32 : i32
        %add3A_2216 = arith.addi %mul3A_2197, %add3A_2215 : i32
        %swap3A_2217 = arith.index_cast %add3A_2216 : i32 to index
        %swap3A_2218 = tpu.vector_load %arg15[%swap3A_2217] {strides = array<i32>} : memref<2048xf32, #tpu.memory_space<vmem>>, vector<16xf32>,
        tpu.vector_store %arg15[%swap3A_2217], %gather3A_2192 {strides = array<i32>} : memref<2048xf32, #tpu.memory_space<vmem>>, vector<16xf32>,
        %add3A_2219 = arith.constant 32 : i32
        %add3A_2220 = arith.addi %mul3A_2197, %add3A_2219 : i32
        %get3A_2221 = arith.index_cast %add3A_2220 : i32 to index
        %get3A_2222 = tpu.vector_load %arg14[%get3A_2221] {strides = array<i32>} : memref<2048xf32, #tpu.memory_space<vmem>>, vector<16xf32>,
        %mul3A_2223 = arith.mulf %get3A_2222, %gather3A_2192 : vector<16xf32>
        %add3A_2224 = arith.addf %add3A_2214, %mul3A_2223 : vector<16xf32>
        %add3A_2225 = arith.constant 48 : i32
        %add3A_2226 = arith.addi %mul3A_2197, %add3A_2225 : i32
        %swap3A_2227 = arith.index_cast %add3A_2226 : i32 to index
        %swap3A_2228 = tpu.vector_load %arg15[%swap3A_2227] {strides = array<i32>} : memref<2048xf32, #tpu.memory_space<vmem>>, vector<16xf32>,
        tpu.vector_store %arg15[%swap3A_2227], %gather3A_2193 {strides = array<i32>} : memref<2048xf32, #tpu.memory_space<vmem>>, vector<16xf32>,
        %add3A_2229 = arith.constant 48 : i32
        %add3A_2230 = arith.addi %mul3A_2197, %add3A_2229 : i32
        %get3A_2231 = arith.index_cast %add3A_2230 : i32 to index
        %get3A_2232 = tpu.vector_load %arg14[%get3A_2231] {strides = array<i32>} : memref<2048xf32, #tpu.memory_space<vmem>>, vector<16xf32>,
        %mul3A_2233 = arith.mulf %get3A_2232, %gather3A_2193 : vector<16xf32>
        %add3A_2234 = arith.addf %add3A_2224, %mul3A_2233 : vector<16xf32>
        %reduce_sum3A_2235 = arith.constant true
        %reduce_sum3A_2236 = vector.broadcast %reduce_sum3A_2235 : i1 to vector<16xi1>
        %reduce_sum3A_2237 = tpu.scan <sum>, %add3A_2234 masked %reduce_sum3A_2236 : vector<16xf32>, vector<16xi1> -> vector<16xf32>
        %reduce_sum3A_2238 = vector.extract %reduce_sum3A_2237[15] : f32 from vector<16xf32>
        %add3A_2239 = arith.addi %mul3A_2, %add3A_697 : i32
        %mul3A_2240 = arith.constant 64 : i32
        %mul3A_2241 = arith.muli %add3A_2239, %mul3A_2240 : i32
        %dma_start3A_2242 = tpu.memref_slice %arg15[%mul3A_2197] : memref<2048xf32, #tpu.memory_space<vmem>> -> memref<64xf32, #tpu.memory_space<vmem>>
        %dma_start3A_2243 = tpu.memref_slice %arg11[%mul3A_2241] : memref<1048576xf32, #tpu.memory_space<hbm>> -> memref<64xf32, #tpu.memory_space<hbm>>
        %dma_start3A_2244 = tpu.memref_slice %arg11[%mul3A_2241] : memref<1048576xf32, #tpu.memory_space<hbm>> -> memref<64xf32, #tpu.memory_space<hbm>>
        %dma_start3A_2245 = tpu.memref_slice %arg15[%mul3A_2197] : memref<2048xf32, #tpu.memory_space<vmem>> -> memref<64xf32, #tpu.memory_space<vmem>>
        tpu.enqueue_dma source(%dma_start3A_2245 : memref<64xf32, #tpu.memory_space<vmem>>) target(%dma_start3A_2244 : memref<64xf32, #tpu.memory_space<hbm>>) target_semaphore(%arg30 : memref<!tpu.dma_semaphore, #tpu.memory_space<semaphore_mem>>)
        %eq3A_2246 = arith.constant 14 : i32
        %eq3A_2247 = vector.broadcast %eq3A_2246 : i32 to vector<16xi32>
        %eq3A_2248 = arith.cmpi eq, %iota3A_18, %eq3A_2247 : vector<16xi32>
        %broadcast_in_dim3A_2249 = vector.broadcast %reduce_sum3A_2238 : f32 to vector<16xf32>
        %select_n3A_2250 = arith.select %eq3A_2248, %broadcast_in_dim3A_2249, %cond3A_679 : vector<16xi1>, vector<16xf32>
        scf.yield %select_n3A_2250 : vector<16xf32>
      } else {
        scf.yield %cond3A_679 : vector<16xf32>
      }
      %slice3A_704 = vector.extract_strided_slice %get3A_546 {offsets = [6], sizes = [1], strides = [1]} : vector<16xi32> to vector<1xi32>
      %squeeze3A_705 = vector.extract %slice3A_704[0] : i32 from vector<1xi32>
      %shift_right_arithmetic3A_706 = arith.constant 7 : i32
      %shift_right_arithmetic3A_707 = arith.shrsi %squeeze3A_705, %shift_right_arithmetic3A_706 : i32
      %mul3A_708 = arith.constant 128 : i32
      %mul3A_709 = arith.muli %shift_right_arithmetic3A_707, %mul3A_708 : i32
      %multiple_of3A_710 = tpu.assume_multiple %mul3A_709, 128 : i32
      %dma_start3A_711 = arith.constant 0 : i32
      %dma_start3A_712 = tpu.memref_slice %arg5[%dma_start3A_711, %multiple_of3A_710] : memref<64x1000000xf32, #tpu.memory_space<hbm>> -> memref<64x128xf32, #tpu.memory_space<hbm>>
      %dma_start3A_713 = arith.constant 0 : i32
      %dma_start3A_714 = tpu.memref_slice %arg5[%dma_start3A_713, %multiple_of3A_710] : memref<64x1000000xf32, #tpu.memory_space<hbm>> -> memref<64x128xf32, #tpu.memory_space<hbm>>
      tpu.enqueue_dma source(%dma_start3A_714 : memref<64x128xf32, #tpu.memory_space<hbm>>) target(%arg26 : memref<64x128xf32, #tpu.memory_space<vmem>>) target_semaphore(%arg28 : memref<!tpu.dma_semaphore, #tpu.memory_space<semaphore_mem>>)
      %sub3A_715 = arith.subi %squeeze3A_705, %multiple_of3A_710 : i32
      %sub3A_716 = arith.constant 1 : i32
      %sub3A_717 = arith.subi %scan3A_528, %sub3A_716 : i32
      %mul3A_718 = arith.constant 16 : i32
      %mul3A_719 = arith.muli %sub3A_717, %mul3A_718 : i32
      %add3A_720 = arith.constant 15 : i32
      %add3A_721 = arith.addi %mul3A_719, %add3A_720 : i32
      %gt3A_722 = arith.constant 0 : i32
      %gt3A_723 = arith.cmpi sgt, %scan3A_528, %gt3A_722 : i32
      %convert_element_type3A_724 = arith.extui %gt3A_723 : i1 to i32
      %cond3A_725 = arith.constant 0 : i32
      %cond3A_726 = arith.cmpi ne, %convert_element_type3A_724, %cond3A_725 : i32
      %cond3A_727 = scf.if %cond3A_726 -> (vector<16xf32>) {
        %dma_wait3A_2183 = arith.constant 0 : i32
        %dma_wait3A_2184 = arith.constant 0 : i32
        %dma_wait3A_2185 = tpu.memref_slice %arg5[%dma_wait3A_2183, %dma_wait3A_2184] : memref<64x1000000xf32, #tpu.memory_space<hbm>> -> memref<64x128xf32, #tpu.memory_space<hbm>>
        %dma_wait3A_2186 = arith.constant 0 : i32
        %dma_wait3A_2187 = arith.constant 0 : i32
        %dma_wait3A_2188 = tpu.memref_slice %arg5[%dma_wait3A_2186, %dma_wait3A_2187] : memref<64x1000000xf32, #tpu.memory_space<hbm>> -> memref<64x128xf32, #tpu.memory_space<hbm>>
        tpu.wait_dma2 semaphore(%arg29 : memref<!tpu.dma_semaphore, #tpu.memory_space<semaphore_mem>>) src(%dma_wait3A_2188 : memref<64x128xf32, #tpu.memory_space<hbm>>) dst(%arg27 : memref<64x128xf32, #tpu.memory_space<vmem>>)
        %broadcast_in_dim3A_2189 = vector.broadcast %scan3A_536 : i32 to vector<16xi32>
        %gather3A_2190 = tpu.vector_load_idx %arg27[%add3A_5, %broadcast_in_dim3A_2189] : memref<64x128xf32, #tpu.memory_space<vmem>>[vector<16xi32>, vector<16xi32>], vector<16xf32>,
        %gather3A_2191 = tpu.vector_load_idx %arg27[%add3A_9, %broadcast_in_dim3A_2189] : memref<64x128xf32, #tpu.memory_space<vmem>>[vector<16xi32>, vector<16xi32>], vector<16xf32>,
        %gather3A_2192 = tpu.vector_load_idx %arg27[%add3A_13, %broadcast_in_dim3A_2189] : memref<64x128xf32, #tpu.memory_space<vmem>>[vector<16xi32>, vector<16xi32>], vector<16xf32>,
        %gather3A_2193 = tpu.vector_load_idx %arg27[%add3A_17, %broadcast_in_dim3A_2189] : memref<64x128xf32, #tpu.memory_space<vmem>>[vector<16xi32>, vector<16xi32>], vector<16xf32>,
        %and3A_2194 = arith.constant 31 : i32
        %and3A_2195 = arith.andi %add3A_721, %and3A_2194 : i32
        %mul3A_2196 = arith.constant 64 : i32
        %mul3A_2197 = arith.muli %and3A_2195, %mul3A_2196 : i32
        %get3A_2198 = arith.index_cast %mul3A_2197 : i32 to index
        %get3A_2199 = tpu.vector_load %arg14[%get3A_2198] {strides = array<i32>} : memref<2048xf32, #tpu.memory_space<vmem>>, vector<16xf32>,
        %mul3A_2200 = arith.mulf %get3A_2199, %gather3A_2190 : vector<16xf32>
        %add3A_2201 = arith.constant 0 : i32
        %add3A_2202 = arith.addi %mul3A_2197, %add3A_2201 : i32
        %swap3A_2203 = arith.index_cast %add3A_2202 : i32 to index
        %swap3A_2204 = tpu.vector_load %arg15[%swap3A_2203] {strides = array<i32>} : memref<2048xf32, #tpu.memory_space<vmem>>, vector<16xf32>,
        tpu.vector_store %arg15[%swap3A_2203], %gather3A_2190 {strides = array<i32>} : memref<2048xf32, #tpu.memory_space<vmem>>, vector<16xf32>,
        %add3A_2205 = arith.constant 16 : i32
        %add3A_2206 = arith.addi %mul3A_2197, %add3A_2205 : i32
        %swap3A_2207 = arith.index_cast %add3A_2206 : i32 to index
        %swap3A_2208 = tpu.vector_load %arg15[%swap3A_2207] {strides = array<i32>} : memref<2048xf32, #tpu.memory_space<vmem>>, vector<16xf32>,
        tpu.vector_store %arg15[%swap3A_2207], %gather3A_2191 {strides = array<i32>} : memref<2048xf32, #tpu.memory_space<vmem>>, vector<16xf32>,
        %add3A_2209 = arith.constant 16 : i32
        %add3A_2210 = arith.addi %mul3A_2197, %add3A_2209 : i32
        %get3A_2211 = arith.index_cast %add3A_2210 : i32 to index
        %get3A_2212 = tpu.vector_load %arg14[%get3A_2211] {strides = array<i32>} : memref<2048xf32, #tpu.memory_space<vmem>>, vector<16xf32>,
        %mul3A_2213 = arith.mulf %get3A_2212, %gather3A_2191 : vector<16xf32>
        %add3A_2214 = arith.addf %mul3A_2200, %mul3A_2213 : vector<16xf32>
        %add3A_2215 = arith.constant 32 : i32
        %add3A_2216 = arith.addi %mul3A_2197, %add3A_2215 : i32
        %swap3A_2217 = arith.index_cast %add3A_2216 : i32 to index
        %swap3A_2218 = tpu.vector_load %arg15[%swap3A_2217] {strides = array<i32>} : memref<2048xf32, #tpu.memory_space<vmem>>, vector<16xf32>,
        tpu.vector_store %arg15[%swap3A_2217], %gather3A_2192 {strides = array<i32>} : memref<2048xf32, #tpu.memory_space<vmem>>, vector<16xf32>,
        %add3A_2219 = arith.constant 32 : i32
        %add3A_2220 = arith.addi %mul3A_2197, %add3A_2219 : i32
        %get3A_2221 = arith.index_cast %add3A_2220 : i32 to index
        %get3A_2222 = tpu.vector_load %arg14[%get3A_2221] {strides = array<i32>} : memref<2048xf32, #tpu.memory_space<vmem>>, vector<16xf32>,
        %mul3A_2223 = arith.mulf %get3A_2222, %gather3A_2192 : vector<16xf32>
        %add3A_2224 = arith.addf %add3A_2214, %mul3A_2223 : vector<16xf32>
        %add3A_2225 = arith.constant 48 : i32
        %add3A_2226 = arith.addi %mul3A_2197, %add3A_2225 : i32
        %swap3A_2227 = arith.index_cast %add3A_2226 : i32 to index
        %swap3A_2228 = tpu.vector_load %arg15[%swap3A_2227] {strides = array<i32>} : memref<2048xf32, #tpu.memory_space<vmem>>, vector<16xf32>,
        tpu.vector_store %arg15[%swap3A_2227], %gather3A_2193 {strides = array<i32>} : memref<2048xf32, #tpu.memory_space<vmem>>, vector<16xf32>,
        %add3A_2229 = arith.constant 48 : i32
        %add3A_2230 = arith.addi %mul3A_2197, %add3A_2229 : i32
        %get3A_2231 = arith.index_cast %add3A_2230 : i32 to index
        %get3A_2232 = tpu.vector_load %arg14[%get3A_2231] {strides = array<i32>} : memref<2048xf32, #tpu.memory_space<vmem>>, vector<16xf32>,
        %mul3A_2233 = arith.mulf %get3A_2232, %gather3A_2193 : vector<16xf32>
        %add3A_2234 = arith.addf %add3A_2224, %mul3A_2233 : vector<16xf32>
        %reduce_sum3A_2235 = arith.constant true
        %reduce_sum3A_2236 = vector.broadcast %reduce_sum3A_2235 : i1 to vector<16xi1>
        %reduce_sum3A_2237 = tpu.scan <sum>, %add3A_2234 masked %reduce_sum3A_2236 : vector<16xf32>, vector<16xi1> -> vector<16xf32>
        %reduce_sum3A_2238 = vector.extract %reduce_sum3A_2237[15] : f32 from vector<16xf32>
        %add3A_2239 = arith.addi %mul3A_2, %add3A_721 : i32
        %mul3A_2240 = arith.constant 64 : i32
        %mul3A_2241 = arith.muli %add3A_2239, %mul3A_2240 : i32
        %dma_start3A_2242 = tpu.memref_slice %arg15[%mul3A_2197] : memref<2048xf32, #tpu.memory_space<vmem>> -> memref<64xf32, #tpu.memory_space<vmem>>
        %dma_start3A_2243 = tpu.memref_slice %arg11[%mul3A_2241] : memref<1048576xf32, #tpu.memory_space<hbm>> -> memref<64xf32, #tpu.memory_space<hbm>>
        %dma_start3A_2244 = tpu.memref_slice %arg11[%mul3A_2241] : memref<1048576xf32, #tpu.memory_space<hbm>> -> memref<64xf32, #tpu.memory_space<hbm>>
        %dma_start3A_2245 = tpu.memref_slice %arg15[%mul3A_2197] : memref<2048xf32, #tpu.memory_space<vmem>> -> memref<64xf32, #tpu.memory_space<vmem>>
        tpu.enqueue_dma source(%dma_start3A_2245 : memref<64xf32, #tpu.memory_space<vmem>>) target(%dma_start3A_2244 : memref<64xf32, #tpu.memory_space<hbm>>) target_semaphore(%arg30 : memref<!tpu.dma_semaphore, #tpu.memory_space<semaphore_mem>>)
        %eq3A_2246 = arith.constant 15 : i32
        %eq3A_2247 = vector.broadcast %eq3A_2246 : i32 to vector<16xi32>
        %eq3A_2248 = arith.cmpi eq, %iota3A_18, %eq3A_2247 : vector<16xi32>
        %broadcast_in_dim3A_2249 = vector.broadcast %reduce_sum3A_2238 : f32 to vector<16xf32>
        %select_n3A_2250 = arith.select %eq3A_2248, %broadcast_in_dim3A_2249, %cond3A_703 : vector<16xi1>, vector<16xf32>
        scf.yield %select_n3A_2250 : vector<16xf32>
      } else {
        scf.yield %cond3A_703 : vector<16xf32>
      }
      %gt3A_728 = arith.constant 0 : i32
      %gt3A_729 = arith.cmpi sgt, %scan3A_528, %gt3A_728 : i32
      %convert_element_type3A_730 = arith.extui %gt3A_729 : i1 to i32
      %cond3A_731 = arith.constant 0 : i32
      %cond3A_732 = arith.cmpi ne, %convert_element_type3A_730, %cond3A_731 : i32
      scf.if %cond3A_732 {
        %sub3A_2183 = arith.constant 1 : i32
        %sub3A_2184 = arith.subi %scan3A_528, %sub3A_2183 : i32
        %mul3A_2185 = arith.constant 16 : i32
        %mul3A_2186 = arith.muli %sub3A_2184, %mul3A_2185 : i32
        %swap3A_2187 = arith.index_cast %mul3A_2186 : i32 to index
        %swap3A_2188 = tpu.vector_load %arg19[%swap3A_2187] {strides = array<i32>} : memref<512xf32, #tpu.memory_space<vmem>>, vector<16xf32>,
        tpu.vector_store %arg19[%swap3A_2187], %cond3A_727 {strides = array<i32>} : memref<512xf32, #tpu.memory_space<vmem>>, vector<16xf32>,
      } else {
      }
      %slice3A_733 = vector.extract_strided_slice %get3A_546 {offsets = [7], sizes = [1], strides = [1]} : vector<16xi32> to vector<1xi32>
      %squeeze3A_734 = vector.extract %slice3A_733[0] : i32 from vector<1xi32>
      %shift_right_arithmetic3A_735 = arith.constant 7 : i32
      %shift_right_arithmetic3A_736 = arith.shrsi %squeeze3A_734, %shift_right_arithmetic3A_735 : i32
      %mul3A_737 = arith.constant 128 : i32
      %mul3A_738 = arith.muli %shift_right_arithmetic3A_736, %mul3A_737 : i32
      %multiple_of3A_739 = tpu.assume_multiple %mul3A_738, 128 : i32
      %dma_start3A_740 = arith.constant 0 : i32
      %dma_start3A_741 = tpu.memref_slice %arg5[%dma_start3A_740, %multiple_of3A_739] : memref<64x1000000xf32, #tpu.memory_space<hbm>> -> memref<64x128xf32, #tpu.memory_space<hbm>>
      %dma_start3A_742 = arith.constant 0 : i32
      %dma_start3A_743 = tpu.memref_slice %arg5[%dma_start3A_742, %multiple_of3A_739] : memref<64x1000000xf32, #tpu.memory_space<hbm>> -> memref<64x128xf32, #tpu.memory_space<hbm>>
      tpu.enqueue_dma source(%dma_start3A_743 : memref<64x128xf32, #tpu.memory_space<hbm>>) target(%arg27 : memref<64x128xf32, #tpu.memory_space<vmem>>) target_semaphore(%arg28 : memref<!tpu.dma_semaphore, #tpu.memory_space<semaphore_mem>>)
      %sub3A_744 = arith.subi %squeeze3A_734, %multiple_of3A_739 : i32
      %mul3A_745 = arith.constant 16 : i32
      %mul3A_746 = arith.muli %scan3A_528, %mul3A_745 : i32
      %add3A_747 = arith.constant 0 : i32
      %add3A_748 = arith.addi %mul3A_746, %add3A_747 : i32
      %and3A = arith.constant 31 : i32
      %and3A_749 = arith.andi %add3A_748, %and3A : i32
      %mul3A_750 = arith.constant 64 : i32
      %mul3A_751 = arith.muli %and3A_749, %mul3A_750 : i32
      %dma_wait3A_752 = arith.constant 0 : i32
      %dma_wait3A_753 = arith.constant 0 : i32
      %dma_wait3A_754 = tpu.memref_slice %arg5[%dma_wait3A_752, %dma_wait3A_753] : memref<64x1000000xf32, #tpu.memory_space<hbm>> -> memref<64x128xf32, #tpu.memory_space<hbm>>
      %dma_wait3A_755 = arith.constant 0 : i32
      %dma_wait3A_756 = arith.constant 0 : i32
      %dma_wait3A_757 = tpu.memref_slice %arg5[%dma_wait3A_755, %dma_wait3A_756] : memref<64x1000000xf32, #tpu.memory_space<hbm>> -> memref<64x128xf32, #tpu.memory_space<hbm>>
      tpu.wait_dma2 semaphore(%arg28 : memref<!tpu.dma_semaphore, #tpu.memory_space<semaphore_mem>>) src(%dma_wait3A_757 : memref<64x128xf32, #tpu.memory_space<hbm>>) dst(%arg20 : memref<64x128xf32, #tpu.memory_space<vmem>>)
      %broadcast_in_dim3A_758 = vector.broadcast %sub3A_571 : i32 to vector<16xi32>
      %gather3A_759 = tpu.vector_load_idx %arg20[%add3A_5, %broadcast_in_dim3A_758] : memref<64x128xf32, #tpu.memory_space<vmem>>[vector<16xi32>, vector<16xi32>], vector<16xf32>,
      %gather3A_760 = tpu.vector_load_idx %arg20[%add3A_9, %broadcast_in_dim3A_758] : memref<64x128xf32, #tpu.memory_space<vmem>>[vector<16xi32>, vector<16xi32>], vector<16xf32>,
      %gather3A_761 = tpu.vector_load_idx %arg20[%add3A_13, %broadcast_in_dim3A_758] : memref<64x128xf32, #tpu.memory_space<vmem>>[vector<16xi32>, vector<16xi32>], vector<16xf32>,
      %gather3A_762 = tpu.vector_load_idx %arg20[%add3A_17, %broadcast_in_dim3A_758] : memref<64x128xf32, #tpu.memory_space<vmem>>[vector<16xi32>, vector<16xi32>], vector<16xf32>,
      %add3A_763 = arith.constant 0 : i32
      %add3A_764 = arith.addi %mul3A_751, %add3A_763 : i32
      %swap3A_765 = arith.index_cast %add3A_764 : i32 to index
      %swap3A_766 = tpu.vector_load %arg14[%swap3A_765] {strides = array<i32>} : memref<2048xf32, #tpu.memory_space<vmem>>, vector<16xf32>,
      tpu.vector_store %arg14[%swap3A_765], %gather3A_759 {strides = array<i32>} : memref<2048xf32, #tpu.memory_space<vmem>>, vector<16xf32>,
      %add3A_767 = arith.constant 16 : i32
      %add3A_768 = arith.addi %mul3A_751, %add3A_767 : i32
      %swap3A_769 = arith.index_cast %add3A_768 : i32 to index
      %swap3A_770 = tpu.vector_load %arg14[%swap3A_769] {strides = array<i32>} : memref<2048xf32, #tpu.memory_space<vmem>>, vector<16xf32>,
      tpu.vector_store %arg14[%swap3A_769], %gather3A_760 {strides = array<i32>} : memref<2048xf32, #tpu.memory_space<vmem>>, vector<16xf32>,
      %add3A_771 = arith.constant 32 : i32
      %add3A_772 = arith.addi %mul3A_751, %add3A_771 : i32
      %swap3A_773 = arith.index_cast %add3A_772 : i32 to index
      %swap3A_774 = tpu.vector_load %arg14[%swap3A_773] {strides = array<i32>} : memref<2048xf32, #tpu.memory_space<vmem>>, vector<16xf32>,
      tpu.vector_store %arg14[%swap3A_773], %gather3A_761 {strides = array<i32>} : memref<2048xf32, #tpu.memory_space<vmem>>, vector<16xf32>,
      %add3A_775 = arith.constant 48 : i32
      %add3A_776 = arith.addi %mul3A_751, %add3A_775 : i32
      %swap3A_777 = arith.index_cast %add3A_776 : i32 to index
      %swap3A_778 = tpu.vector_load %arg14[%swap3A_777] {strides = array<i32>} : memref<2048xf32, #tpu.memory_space<vmem>>, vector<16xf32>,
      tpu.vector_store %arg14[%swap3A_777], %gather3A_762 {strides = array<i32>} : memref<2048xf32, #tpu.memory_space<vmem>>, vector<16xf32>,
      %slice3A_779 = vector.extract_strided_slice %get3A_546 {offsets = [8], sizes = [1], strides = [1]} : vector<16xi32> to vector<1xi32>
      %squeeze3A_780 = vector.extract %slice3A_779[0] : i32 from vector<1xi32>
      %shift_right_arithmetic3A_781 = arith.constant 7 : i32
      %shift_right_arithmetic3A_782 = arith.shrsi %squeeze3A_780, %shift_right_arithmetic3A_781 : i32
      %mul3A_783 = arith.constant 128 : i32
      %mul3A_784 = arith.muli %shift_right_arithmetic3A_782, %mul3A_783 : i32
      %multiple_of3A_785 = tpu.assume_multiple %mul3A_784, 128 : i32
      %dma_start3A_786 = arith.constant 0 : i32
      %dma_start3A_787 = tpu.memref_slice %arg5[%dma_start3A_786, %multiple_of3A_785] : memref<64x1000000xf32, #tpu.memory_space<hbm>> -> memref<64x128xf32, #tpu.memory_space<hbm>>
      %dma_start3A_788 = arith.constant 0 : i32
      %dma_start3A_789 = tpu.memref_slice %arg5[%dma_start3A_788, %multiple_of3A_785] : memref<64x1000000xf32, #tpu.memory_space<hbm>> -> memref<64x128xf32, #tpu.memory_space<hbm>>
      tpu.enqueue_dma source(%dma_start3A_789 : memref<64x128xf32, #tpu.memory_space<hbm>>) target(%arg20 : memref<64x128xf32, #tpu.memory_space<vmem>>) target_semaphore(%arg28 : memref<!tpu.dma_semaphore, #tpu.memory_space<semaphore_mem>>)
      %sub3A_790 = arith.subi %squeeze3A_780, %multiple_of3A_785 : i32
      %mul3A_791 = arith.constant 16 : i32
      %mul3A_792 = arith.muli %scan3A_528, %mul3A_791 : i32
      %add3A_793 = arith.constant 1 : i32
      %add3A_794 = arith.addi %mul3A_792, %add3A_793 : i32
      %and3A_795 = arith.constant 31 : i32
      %and3A_796 = arith.andi %add3A_794, %and3A_795 : i32
      %mul3A_797 = arith.constant 64 : i32
      %mul3A_798 = arith.muli %and3A_796, %mul3A_797 : i32
      %dma_wait3A_799 = arith.constant 0 : i32
      %dma_wait3A_800 = arith.constant 0 : i32
      %dma_wait3A_801 = tpu.memref_slice %arg5[%dma_wait3A_799, %dma_wait3A_800] : memref<64x1000000xf32, #tpu.memory_space<hbm>> -> memref<64x128xf32, #tpu.memory_space<hbm>>
      %dma_wait3A_802 = arith.constant 0 : i32
      %dma_wait3A_803 = arith.constant 0 : i32
      %dma_wait3A_804 = tpu.memref_slice %arg5[%dma_wait3A_802, %dma_wait3A_803] : memref<64x1000000xf32, #tpu.memory_space<hbm>> -> memref<64x128xf32, #tpu.memory_space<hbm>>
      tpu.wait_dma2 semaphore(%arg28 : memref<!tpu.dma_semaphore, #tpu.memory_space<semaphore_mem>>) src(%dma_wait3A_804 : memref<64x128xf32, #tpu.memory_space<hbm>>) dst(%arg21 : memref<64x128xf32, #tpu.memory_space<vmem>>)
      %broadcast_in_dim3A_805 = vector.broadcast %sub3A_595 : i32 to vector<16xi32>
      %gather3A_806 = tpu.vector_load_idx %arg21[%add3A_5, %broadcast_in_dim3A_805] : memref<64x128xf32, #tpu.memory_space<vmem>>[vector<16xi32>, vector<16xi32>], vector<16xf32>,
      %gather3A_807 = tpu.vector_load_idx %arg21[%add3A_9, %broadcast_in_dim3A_805] : memref<64x128xf32, #tpu.memory_space<vmem>>[vector<16xi32>, vector<16xi32>], vector<16xf32>,
      %gather3A_808 = tpu.vector_load_idx %arg21[%add3A_13, %broadcast_in_dim3A_805] : memref<64x128xf32, #tpu.memory_space<vmem>>[vector<16xi32>, vector<16xi32>], vector<16xf32>,
      %gather3A_809 = tpu.vector_load_idx %arg21[%add3A_17, %broadcast_in_dim3A_805] : memref<64x128xf32, #tpu.memory_space<vmem>>[vector<16xi32>, vector<16xi32>], vector<16xf32>,
      %add3A_810 = arith.constant 0 : i32
      %add3A_811 = arith.addi %mul3A_798, %add3A_810 : i32
      %swap3A_812 = arith.index_cast %add3A_811 : i32 to index
      %swap3A_813 = tpu.vector_load %arg14[%swap3A_812] {strides = array<i32>} : memref<2048xf32, #tpu.memory_space<vmem>>, vector<16xf32>,
      tpu.vector_store %arg14[%swap3A_812], %gather3A_806 {strides = array<i32>} : memref<2048xf32, #tpu.memory_space<vmem>>, vector<16xf32>,
      %add3A_814 = arith.constant 16 : i32
      %add3A_815 = arith.addi %mul3A_798, %add3A_814 : i32
      %swap3A_816 = arith.index_cast %add3A_815 : i32 to index
      %swap3A_817 = tpu.vector_load %arg14[%swap3A_816] {strides = array<i32>} : memref<2048xf32, #tpu.memory_space<vmem>>, vector<16xf32>,
      tpu.vector_store %arg14[%swap3A_816], %gather3A_807 {strides = array<i32>} : memref<2048xf32, #tpu.memory_space<vmem>>, vector<16xf32>,
      %add3A_818 = arith.constant 32 : i32
      %add3A_819 = arith.addi %mul3A_798, %add3A_818 : i32
      %swap3A_820 = arith.index_cast %add3A_819 : i32 to index
      %swap3A_821 = tpu.vector_load %arg14[%swap3A_820] {strides = array<i32>} : memref<2048xf32, #tpu.memory_space<vmem>>, vector<16xf32>,
      tpu.vector_store %arg14[%swap3A_820], %gather3A_808 {strides = array<i32>} : memref<2048xf32, #tpu.memory_space<vmem>>, vector<16xf32>,
      %add3A_822 = arith.constant 48 : i32
      %add3A_823 = arith.addi %mul3A_798, %add3A_822 : i32
      %swap3A_824 = arith.index_cast %add3A_823 : i32 to index
      %swap3A_825 = tpu.vector_load %arg14[%swap3A_824] {strides = array<i32>} : memref<2048xf32, #tpu.memory_space<vmem>>, vector<16xf32>,
      tpu.vector_store %arg14[%swap3A_824], %gather3A_809 {strides = array<i32>} : memref<2048xf32, #tpu.memory_space<vmem>>, vector<16xf32>,
      %slice3A_826 = vector.extract_strided_slice %get3A_546 {offsets = [9], sizes = [1], strides = [1]} : vector<16xi32> to vector<1xi32>
      %squeeze3A_827 = vector.extract %slice3A_826[0] : i32 from vector<1xi32>
      %shift_right_arithmetic3A_828 = arith.constant 7 : i32
      %shift_right_arithmetic3A_829 = arith.shrsi %squeeze3A_827, %shift_right_arithmetic3A_828 : i32
      %mul3A_830 = arith.constant 128 : i32
      %mul3A_831 = arith.muli %shift_right_arithmetic3A_829, %mul3A_830 : i32
      %multiple_of3A_832 = tpu.assume_multiple %mul3A_831, 128 : i32
      %dma_start3A_833 = arith.constant 0 : i32
      %dma_start3A_834 = tpu.memref_slice %arg5[%dma_start3A_833, %multiple_of3A_832] : memref<64x1000000xf32, #tpu.memory_space<hbm>> -> memref<64x128xf32, #tpu.memory_space<hbm>>
      %dma_start3A_835 = arith.constant 0 : i32
      %dma_start3A_836 = tpu.memref_slice %arg5[%dma_start3A_835, %multiple_of3A_832] : memref<64x1000000xf32, #tpu.memory_space<hbm>> -> memref<64x128xf32, #tpu.memory_space<hbm>>
      tpu.enqueue_dma source(%dma_start3A_836 : memref<64x128xf32, #tpu.memory_space<hbm>>) target(%arg21 : memref<64x128xf32, #tpu.memory_space<vmem>>) target_semaphore(%arg28 : memref<!tpu.dma_semaphore, #tpu.memory_space<semaphore_mem>>)
      %sub3A_837 = arith.subi %squeeze3A_827, %multiple_of3A_832 : i32
      %mul3A_838 = arith.constant 16 : i32
      %mul3A_839 = arith.muli %scan3A_528, %mul3A_838 : i32
      %add3A_840 = arith.constant 2 : i32
      %add3A_841 = arith.addi %mul3A_839, %add3A_840 : i32
      %and3A_842 = arith.constant 31 : i32
      %and3A_843 = arith.andi %add3A_841, %and3A_842 : i32
      %mul3A_844 = arith.constant 64 : i32
      %mul3A_845 = arith.muli %and3A_843, %mul3A_844 : i32
      %dma_wait3A_846 = arith.constant 0 : i32
      %dma_wait3A_847 = arith.constant 0 : i32
      %dma_wait3A_848 = tpu.memref_slice %arg5[%dma_wait3A_846, %dma_wait3A_847] : memref<64x1000000xf32, #tpu.memory_space<hbm>> -> memref<64x128xf32, #tpu.memory_space<hbm>>
      %dma_wait3A_849 = arith.constant 0 : i32
      %dma_wait3A_850 = arith.constant 0 : i32
      %dma_wait3A_851 = tpu.memref_slice %arg5[%dma_wait3A_849, %dma_wait3A_850] : memref<64x1000000xf32, #tpu.memory_space<hbm>> -> memref<64x128xf32, #tpu.memory_space<hbm>>
      tpu.wait_dma2 semaphore(%arg28 : memref<!tpu.dma_semaphore, #tpu.memory_space<semaphore_mem>>) src(%dma_wait3A_851 : memref<64x128xf32, #tpu.memory_space<hbm>>) dst(%arg22 : memref<64x128xf32, #tpu.memory_space<vmem>>)
      %broadcast_in_dim3A_852 = vector.broadcast %sub3A_619 : i32 to vector<16xi32>
      %gather3A_853 = tpu.vector_load_idx %arg22[%add3A_5, %broadcast_in_dim3A_852] : memref<64x128xf32, #tpu.memory_space<vmem>>[vector<16xi32>, vector<16xi32>], vector<16xf32>,
      %gather3A_854 = tpu.vector_load_idx %arg22[%add3A_9, %broadcast_in_dim3A_852] : memref<64x128xf32, #tpu.memory_space<vmem>>[vector<16xi32>, vector<16xi32>], vector<16xf32>,
      %gather3A_855 = tpu.vector_load_idx %arg22[%add3A_13, %broadcast_in_dim3A_852] : memref<64x128xf32, #tpu.memory_space<vmem>>[vector<16xi32>, vector<16xi32>], vector<16xf32>,
      %gather3A_856 = tpu.vector_load_idx %arg22[%add3A_17, %broadcast_in_dim3A_852] : memref<64x128xf32, #tpu.memory_space<vmem>>[vector<16xi32>, vector<16xi32>], vector<16xf32>,
      %add3A_857 = arith.constant 0 : i32
      %add3A_858 = arith.addi %mul3A_845, %add3A_857 : i32
      %swap3A_859 = arith.index_cast %add3A_858 : i32 to index
      %swap3A_860 = tpu.vector_load %arg14[%swap3A_859] {strides = array<i32>} : memref<2048xf32, #tpu.memory_space<vmem>>, vector<16xf32>,
      tpu.vector_store %arg14[%swap3A_859], %gather3A_853 {strides = array<i32>} : memref<2048xf32, #tpu.memory_space<vmem>>, vector<16xf32>,
      %add3A_861 = arith.constant 16 : i32
      %add3A_862 = arith.addi %mul3A_845, %add3A_861 : i32
      %swap3A_863 = arith.index_cast %add3A_862 : i32 to index
      %swap3A_864 = tpu.vector_load %arg14[%swap3A_863] {strides = array<i32>} : memref<2048xf32, #tpu.memory_space<vmem>>, vector<16xf32>,
      tpu.vector_store %arg14[%swap3A_863], %gather3A_854 {strides = array<i32>} : memref<2048xf32, #tpu.memory_space<vmem>>, vector<16xf32>,
      %add3A_865 = arith.constant 32 : i32
      %add3A_866 = arith.addi %mul3A_845, %add3A_865 : i32
      %swap3A_867 = arith.index_cast %add3A_866 : i32 to index
      %swap3A_868 = tpu.vector_load %arg14[%swap3A_867] {strides = array<i32>} : memref<2048xf32, #tpu.memory_space<vmem>>, vector<16xf32>,
      tpu.vector_store %arg14[%swap3A_867], %gather3A_855 {strides = array<i32>} : memref<2048xf32, #tpu.memory_space<vmem>>, vector<16xf32>,
      %add3A_869 = arith.constant 48 : i32
      %add3A_870 = arith.addi %mul3A_845, %add3A_869 : i32
      %swap3A_871 = arith.index_cast %add3A_870 : i32 to index
      %swap3A_872 = tpu.vector_load %arg14[%swap3A_871] {strides = array<i32>} : memref<2048xf32, #tpu.memory_space<vmem>>, vector<16xf32>,
      tpu.vector_store %arg14[%swap3A_871], %gather3A_856 {strides = array<i32>} : memref<2048xf32, #tpu.memory_space<vmem>>, vector<16xf32>,
      %slice3A_873 = vector.extract_strided_slice %get3A_546 {offsets = [10], sizes = [1], strides = [1]} : vector<16xi32> to vector<1xi32>
      %squeeze3A_874 = vector.extract %slice3A_873[0] : i32 from vector<1xi32>
      %shift_right_arithmetic3A_875 = arith.constant 7 : i32
      %shift_right_arithmetic3A_876 = arith.shrsi %squeeze3A_874, %shift_right_arithmetic3A_875 : i32
      %mul3A_877 = arith.constant 128 : i32
      %mul3A_878 = arith.muli %shift_right_arithmetic3A_876, %mul3A_877 : i32
      %multiple_of3A_879 = tpu.assume_multiple %mul3A_878, 128 : i32
      %dma_start3A_880 = arith.constant 0 : i32
      %dma_start3A_881 = tpu.memref_slice %arg5[%dma_start3A_880, %multiple_of3A_879] : memref<64x1000000xf32, #tpu.memory_space<hbm>> -> memref<64x128xf32, #tpu.memory_space<hbm>>
      %dma_start3A_882 = arith.constant 0 : i32
      %dma_start3A_883 = tpu.memref_slice %arg5[%dma_start3A_882, %multiple_of3A_879] : memref<64x1000000xf32, #tpu.memory_space<hbm>> -> memref<64x128xf32, #tpu.memory_space<hbm>>
      tpu.enqueue_dma source(%dma_start3A_883 : memref<64x128xf32, #tpu.memory_space<hbm>>) target(%arg22 : memref<64x128xf32, #tpu.memory_space<vmem>>) target_semaphore(%arg28 : memref<!tpu.dma_semaphore, #tpu.memory_space<semaphore_mem>>)
      %sub3A_884 = arith.subi %squeeze3A_874, %multiple_of3A_879 : i32
      %mul3A_885 = arith.constant 16 : i32
      %mul3A_886 = arith.muli %scan3A_528, %mul3A_885 : i32
      %add3A_887 = arith.constant 3 : i32
      %add3A_888 = arith.addi %mul3A_886, %add3A_887 : i32
      %and3A_889 = arith.constant 31 : i32
      %and3A_890 = arith.andi %add3A_888, %and3A_889 : i32
      %mul3A_891 = arith.constant 64 : i32
      %mul3A_892 = arith.muli %and3A_890, %mul3A_891 : i32
      %dma_wait3A_893 = arith.constant 0 : i32
      %dma_wait3A_894 = arith.constant 0 : i32
      %dma_wait3A_895 = tpu.memref_slice %arg5[%dma_wait3A_893, %dma_wait3A_894] : memref<64x1000000xf32, #tpu.memory_space<hbm>> -> memref<64x128xf32, #tpu.memory_space<hbm>>
      %dma_wait3A_896 = arith.constant 0 : i32
      %dma_wait3A_897 = arith.constant 0 : i32
      %dma_wait3A_898 = tpu.memref_slice %arg5[%dma_wait3A_896, %dma_wait3A_897] : memref<64x1000000xf32, #tpu.memory_space<hbm>> -> memref<64x128xf32, #tpu.memory_space<hbm>>
      tpu.wait_dma2 semaphore(%arg28 : memref<!tpu.dma_semaphore, #tpu.memory_space<semaphore_mem>>) src(%dma_wait3A_898 : memref<64x128xf32, #tpu.memory_space<hbm>>) dst(%arg23 : memref<64x128xf32, #tpu.memory_space<vmem>>)
      %broadcast_in_dim3A_899 = vector.broadcast %sub3A_643 : i32 to vector<16xi32>
      %gather3A_900 = tpu.vector_load_idx %arg23[%add3A_5, %broadcast_in_dim3A_899] : memref<64x128xf32, #tpu.memory_space<vmem>>[vector<16xi32>, vector<16xi32>], vector<16xf32>,
      %gather3A_901 = tpu.vector_load_idx %arg23[%add3A_9, %broadcast_in_dim3A_899] : memref<64x128xf32, #tpu.memory_space<vmem>>[vector<16xi32>, vector<16xi32>], vector<16xf32>,
      %gather3A_902 = tpu.vector_load_idx %arg23[%add3A_13, %broadcast_in_dim3A_899] : memref<64x128xf32, #tpu.memory_space<vmem>>[vector<16xi32>, vector<16xi32>], vector<16xf32>,
      %gather3A_903 = tpu.vector_load_idx %arg23[%add3A_17, %broadcast_in_dim3A_899] : memref<64x128xf32, #tpu.memory_space<vmem>>[vector<16xi32>, vector<16xi32>], vector<16xf32>,
      %add3A_904 = arith.constant 0 : i32
      %add3A_905 = arith.addi %mul3A_892, %add3A_904 : i32
      %swap3A_906 = arith.index_cast %add3A_905 : i32 to index
      %swap3A_907 = tpu.vector_load %arg14[%swap3A_906] {strides = array<i32>} : memref<2048xf32, #tpu.memory_space<vmem>>, vector<16xf32>,
      tpu.vector_store %arg14[%swap3A_906], %gather3A_900 {strides = array<i32>} : memref<2048xf32, #tpu.memory_space<vmem>>, vector<16xf32>,
      %add3A_908 = arith.constant 16 : i32
      %add3A_909 = arith.addi %mul3A_892, %add3A_908 : i32
      %swap3A_910 = arith.index_cast %add3A_909 : i32 to index
      %swap3A_911 = tpu.vector_load %arg14[%swap3A_910] {strides = array<i32>} : memref<2048xf32, #tpu.memory_space<vmem>>, vector<16xf32>,
      tpu.vector_store %arg14[%swap3A_910], %gather3A_901 {strides = array<i32>} : memref<2048xf32, #tpu.memory_space<vmem>>, vector<16xf32>,
      %add3A_912 = arith.constant 32 : i32
      %add3A_913 = arith.addi %mul3A_892, %add3A_912 : i32
      %swap3A_914 = arith.index_cast %add3A_913 : i32 to index
      %swap3A_915 = tpu.vector_load %arg14[%swap3A_914] {strides = array<i32>} : memref<2048xf32, #tpu.memory_space<vmem>>, vector<16xf32>,
      tpu.vector_store %arg14[%swap3A_914], %gather3A_902 {strides = array<i32>} : memref<2048xf32, #tpu.memory_space<vmem>>, vector<16xf32>,
      %add3A_916 = arith.constant 48 : i32
      %add3A_917 = arith.addi %mul3A_892, %add3A_916 : i32
      %swap3A_918 = arith.index_cast %add3A_917 : i32 to index
      %swap3A_919 = tpu.vector_load %arg14[%swap3A_918] {strides = array<i32>} : memref<2048xf32, #tpu.memory_space<vmem>>, vector<16xf32>,
      tpu.vector_store %arg14[%swap3A_918], %gather3A_903 {strides = array<i32>} : memref<2048xf32, #tpu.memory_space<vmem>>, vector<16xf32>,
      %slice3A_920 = vector.extract_strided_slice %get3A_546 {offsets = [11], sizes = [1], strides = [1]} : vector<16xi32> to vector<1xi32>
      %squeeze3A_921 = vector.extract %slice3A_920[0] : i32 from vector<1xi32>
      %shift_right_arithmetic3A_922 = arith.constant 7 : i32
      %shift_right_arithmetic3A_923 = arith.shrsi %squeeze3A_921, %shift_right_arithmetic3A_922 : i32
      %mul3A_924 = arith.constant 128 : i32
      %mul3A_925 = arith.muli %shift_right_arithmetic3A_923, %mul3A_924 : i32
      %multiple_of3A_926 = tpu.assume_multiple %mul3A_925, 128 : i32
      %dma_start3A_927 = arith.constant 0 : i32
      %dma_start3A_928 = tpu.memref_slice %arg5[%dma_start3A_927, %multiple_of3A_926] : memref<64x1000000xf32, #tpu.memory_space<hbm>> -> memref<64x128xf32, #tpu.memory_space<hbm>>
      %dma_start3A_929 = arith.constant 0 : i32
      %dma_start3A_930 = tpu.memref_slice %arg5[%dma_start3A_929, %multiple_of3A_926] : memref<64x1000000xf32, #tpu.memory_space<hbm>> -> memref<64x128xf32, #tpu.memory_space<hbm>>
      tpu.enqueue_dma source(%dma_start3A_930 : memref<64x128xf32, #tpu.memory_space<hbm>>) target(%arg23 : memref<64x128xf32, #tpu.memory_space<vmem>>) target_semaphore(%arg28 : memref<!tpu.dma_semaphore, #tpu.memory_space<semaphore_mem>>)
      %sub3A_931 = arith.subi %squeeze3A_921, %multiple_of3A_926 : i32
      %mul3A_932 = arith.constant 16 : i32
      %mul3A_933 = arith.muli %scan3A_528, %mul3A_932 : i32
      %add3A_934 = arith.constant 4 : i32
      %add3A_935 = arith.addi %mul3A_933, %add3A_934 : i32
      %and3A_936 = arith.constant 31 : i32
      %and3A_937 = arith.andi %add3A_935, %and3A_936 : i32
      %mul3A_938 = arith.constant 64 : i32
      %mul3A_939 = arith.muli %and3A_937, %mul3A_938 : i32
      %dma_wait3A_940 = arith.constant 0 : i32
      %dma_wait3A_941 = arith.constant 0 : i32
      %dma_wait3A_942 = tpu.memref_slice %arg5[%dma_wait3A_940, %dma_wait3A_941] : memref<64x1000000xf32, #tpu.memory_space<hbm>> -> memref<64x128xf32, #tpu.memory_space<hbm>>
      %dma_wait3A_943 = arith.constant 0 : i32
      %dma_wait3A_944 = arith.constant 0 : i32
      %dma_wait3A_945 = tpu.memref_slice %arg5[%dma_wait3A_943, %dma_wait3A_944] : memref<64x1000000xf32, #tpu.memory_space<hbm>> -> memref<64x128xf32, #tpu.memory_space<hbm>>
      tpu.wait_dma2 semaphore(%arg28 : memref<!tpu.dma_semaphore, #tpu.memory_space<semaphore_mem>>) src(%dma_wait3A_945 : memref<64x128xf32, #tpu.memory_space<hbm>>) dst(%arg24 : memref<64x128xf32, #tpu.memory_space<vmem>>)
      %broadcast_in_dim3A_946 = vector.broadcast %sub3A_667 : i32 to vector<16xi32>
      %gather3A_947 = tpu.vector_load_idx %arg24[%add3A_5, %broadcast_in_dim3A_946] : memref<64x128xf32, #tpu.memory_space<vmem>>[vector<16xi32>, vector<16xi32>], vector<16xf32>,
      %gather3A_948 = tpu.vector_load_idx %arg24[%add3A_9, %broadcast_in_dim3A_946] : memref<64x128xf32, #tpu.memory_space<vmem>>[vector<16xi32>, vector<16xi32>], vector<16xf32>,
      %gather3A_949 = tpu.vector_load_idx %arg24[%add3A_13, %broadcast_in_dim3A_946] : memref<64x128xf32, #tpu.memory_space<vmem>>[vector<16xi32>, vector<16xi32>], vector<16xf32>,
      %gather3A_950 = tpu.vector_load_idx %arg24[%add3A_17, %broadcast_in_dim3A_946] : memref<64x128xf32, #tpu.memory_space<vmem>>[vector<16xi32>, vector<16xi32>], vector<16xf32>,
      %add3A_951 = arith.constant 0 : i32
      %add3A_952 = arith.addi %mul3A_939, %add3A_951 : i32
      %swap3A_953 = arith.index_cast %add3A_952 : i32 to index
      %swap3A_954 = tpu.vector_load %arg14[%swap3A_953] {strides = array<i32>} : memref<2048xf32, #tpu.memory_space<vmem>>, vector<16xf32>,
      tpu.vector_store %arg14[%swap3A_953], %gather3A_947 {strides = array<i32>} : memref<2048xf32, #tpu.memory_space<vmem>>, vector<16xf32>,
      %add3A_955 = arith.constant 16 : i32
      %add3A_956 = arith.addi %mul3A_939, %add3A_955 : i32
      %swap3A_957 = arith.index_cast %add3A_956 : i32 to index
      %swap3A_958 = tpu.vector_load %arg14[%swap3A_957] {strides = array<i32>} : memref<2048xf32, #tpu.memory_space<vmem>>, vector<16xf32>,
      tpu.vector_store %arg14[%swap3A_957], %gather3A_948 {strides = array<i32>} : memref<2048xf32, #tpu.memory_space<vmem>>, vector<16xf32>,
      %add3A_959 = arith.constant 32 : i32
      %add3A_960 = arith.addi %mul3A_939, %add3A_959 : i32
      %swap3A_961 = arith.index_cast %add3A_960 : i32 to index
      %swap3A_962 = tpu.vector_load %arg14[%swap3A_961] {strides = array<i32>} : memref<2048xf32, #tpu.memory_space<vmem>>, vector<16xf32>,
      tpu.vector_store %arg14[%swap3A_961], %gather3A_949 {strides = array<i32>} : memref<2048xf32, #tpu.memory_space<vmem>>, vector<16xf32>,
      %add3A_963 = arith.constant 48 : i32
      %add3A_964 = arith.addi %mul3A_939, %add3A_963 : i32
      %swap3A_965 = arith.index_cast %add3A_964 : i32 to index
      %swap3A_966 = tpu.vector_load %arg14[%swap3A_965] {strides = array<i32>} : memref<2048xf32, #tpu.memory_space<vmem>>, vector<16xf32>,
      tpu.vector_store %arg14[%swap3A_965], %gather3A_950 {strides = array<i32>} : memref<2048xf32, #tpu.memory_space<vmem>>, vector<16xf32>,
      %slice3A_967 = vector.extract_strided_slice %get3A_546 {offsets = [12], sizes = [1], strides = [1]} : vector<16xi32> to vector<1xi32>
      %squeeze3A_968 = vector.extract %slice3A_967[0] : i32 from vector<1xi32>
      %shift_right_arithmetic3A_969 = arith.constant 7 : i32
      %shift_right_arithmetic3A_970 = arith.shrsi %squeeze3A_968, %shift_right_arithmetic3A_969 : i32
      %mul3A_971 = arith.constant 128 : i32
      %mul3A_972 = arith.muli %shift_right_arithmetic3A_970, %mul3A_971 : i32
      %multiple_of3A_973 = tpu.assume_multiple %mul3A_972, 128 : i32
      %dma_start3A_974 = arith.constant 0 : i32
      %dma_start3A_975 = tpu.memref_slice %arg5[%dma_start3A_974, %multiple_of3A_973] : memref<64x1000000xf32, #tpu.memory_space<hbm>> -> memref<64x128xf32, #tpu.memory_space<hbm>>
      %dma_start3A_976 = arith.constant 0 : i32
      %dma_start3A_977 = tpu.memref_slice %arg5[%dma_start3A_976, %multiple_of3A_973] : memref<64x1000000xf32, #tpu.memory_space<hbm>> -> memref<64x128xf32, #tpu.memory_space<hbm>>
      tpu.enqueue_dma source(%dma_start3A_977 : memref<64x128xf32, #tpu.memory_space<hbm>>) target(%arg24 : memref<64x128xf32, #tpu.memory_space<vmem>>) target_semaphore(%arg28 : memref<!tpu.dma_semaphore, #tpu.memory_space<semaphore_mem>>)
      %sub3A_978 = arith.subi %squeeze3A_968, %multiple_of3A_973 : i32
      %mul3A_979 = arith.constant 16 : i32
      %mul3A_980 = arith.muli %scan3A_528, %mul3A_979 : i32
      %add3A_981 = arith.constant 5 : i32
      %add3A_982 = arith.addi %mul3A_980, %add3A_981 : i32
      %and3A_983 = arith.constant 31 : i32
      %and3A_984 = arith.andi %add3A_982, %and3A_983 : i32
      %mul3A_985 = arith.constant 64 : i32
      %mul3A_986 = arith.muli %and3A_984, %mul3A_985 : i32
      %dma_wait3A_987 = arith.constant 0 : i32
      %dma_wait3A_988 = arith.constant 0 : i32
      %dma_wait3A_989 = tpu.memref_slice %arg5[%dma_wait3A_987, %dma_wait3A_988] : memref<64x1000000xf32, #tpu.memory_space<hbm>> -> memref<64x128xf32, #tpu.memory_space<hbm>>
      %dma_wait3A_990 = arith.constant 0 : i32
      %dma_wait3A_991 = arith.constant 0 : i32
      %dma_wait3A_992 = tpu.memref_slice %arg5[%dma_wait3A_990, %dma_wait3A_991] : memref<64x1000000xf32, #tpu.memory_space<hbm>> -> memref<64x128xf32, #tpu.memory_space<hbm>>
      tpu.wait_dma2 semaphore(%arg28 : memref<!tpu.dma_semaphore, #tpu.memory_space<semaphore_mem>>) src(%dma_wait3A_992 : memref<64x128xf32, #tpu.memory_space<hbm>>) dst(%arg25 : memref<64x128xf32, #tpu.memory_space<vmem>>)
      %broadcast_in_dim3A_993 = vector.broadcast %sub3A_691 : i32 to vector<16xi32>
      %gather3A_994 = tpu.vector_load_idx %arg25[%add3A_5, %broadcast_in_dim3A_993] : memref<64x128xf32, #tpu.memory_space<vmem>>[vector<16xi32>, vector<16xi32>], vector<16xf32>,
      %gather3A_995 = tpu.vector_load_idx %arg25[%add3A_9, %broadcast_in_dim3A_993] : memref<64x128xf32, #tpu.memory_space<vmem>>[vector<16xi32>, vector<16xi32>], vector<16xf32>,
      %gather3A_996 = tpu.vector_load_idx %arg25[%add3A_13, %broadcast_in_dim3A_993] : memref<64x128xf32, #tpu.memory_space<vmem>>[vector<16xi32>, vector<16xi32>], vector<16xf32>,
      %gather3A_997 = tpu.vector_load_idx %arg25[%add3A_17, %broadcast_in_dim3A_993] : memref<64x128xf32, #tpu.memory_space<vmem>>[vector<16xi32>, vector<16xi32>], vector<16xf32>,
      %add3A_998 = arith.constant 0 : i32
      %add3A_999 = arith.addi %mul3A_986, %add3A_998 : i32
      %swap3A_1000 = arith.index_cast %add3A_999 : i32 to index
      %swap3A_1001 = tpu.vector_load %arg14[%swap3A_1000] {strides = array<i32>} : memref<2048xf32, #tpu.memory_space<vmem>>, vector<16xf32>,
      tpu.vector_store %arg14[%swap3A_1000], %gather3A_994 {strides = array<i32>} : memref<2048xf32, #tpu.memory_space<vmem>>, vector<16xf32>,
      %add3A_1002 = arith.constant 16 : i32
      %add3A_1003 = arith.addi %mul3A_986, %add3A_1002 : i32
      %swap3A_1004 = arith.index_cast %add3A_1003 : i32 to index
      %swap3A_1005 = tpu.vector_load %arg14[%swap3A_1004] {strides = array<i32>} : memref<2048xf32, #tpu.memory_space<vmem>>, vector<16xf32>,
      tpu.vector_store %arg14[%swap3A_1004], %gather3A_995 {strides = array<i32>} : memref<2048xf32, #tpu.memory_space<vmem>>, vector<16xf32>,
      %add3A_1006 = arith.constant 32 : i32
      %add3A_1007 = arith.addi %mul3A_986, %add3A_1006 : i32
      %swap3A_1008 = arith.index_cast %add3A_1007 : i32 to index
      %swap3A_1009 = tpu.vector_load %arg14[%swap3A_1008] {strides = array<i32>} : memref<2048xf32, #tpu.memory_space<vmem>>, vector<16xf32>,
      tpu.vector_store %arg14[%swap3A_1008], %gather3A_996 {strides = array<i32>} : memref<2048xf32, #tpu.memory_space<vmem>>, vector<16xf32>,
      %add3A_1010 = arith.constant 48 : i32
      %add3A_1011 = arith.addi %mul3A_986, %add3A_1010 : i32
      %swap3A_1012 = arith.index_cast %add3A_1011 : i32 to index
      %swap3A_1013 = tpu.vector_load %arg14[%swap3A_1012] {strides = array<i32>} : memref<2048xf32, #tpu.memory_space<vmem>>, vector<16xf32>,
      tpu.vector_store %arg14[%swap3A_1012], %gather3A_997 {strides = array<i32>} : memref<2048xf32, #tpu.memory_space<vmem>>, vector<16xf32>,
      %slice3A_1014 = vector.extract_strided_slice %get3A_546 {offsets = [13], sizes = [1], strides = [1]} : vector<16xi32> to vector<1xi32>
      %squeeze3A_1015 = vector.extract %slice3A_1014[0] : i32 from vector<1xi32>
      %shift_right_arithmetic3A_1016 = arith.constant 7 : i32
      %shift_right_arithmetic3A_1017 = arith.shrsi %squeeze3A_1015, %shift_right_arithmetic3A_1016 : i32
      %mul3A_1018 = arith.constant 128 : i32
      %mul3A_1019 = arith.muli %shift_right_arithmetic3A_1017, %mul3A_1018 : i32
      %multiple_of3A_1020 = tpu.assume_multiple %mul3A_1019, 128 : i32
      %dma_start3A_1021 = arith.constant 0 : i32
      %dma_start3A_1022 = tpu.memref_slice %arg5[%dma_start3A_1021, %multiple_of3A_1020] : memref<64x1000000xf32, #tpu.memory_space<hbm>> -> memref<64x128xf32, #tpu.memory_space<hbm>>
      %dma_start3A_1023 = arith.constant 0 : i32
      %dma_start3A_1024 = tpu.memref_slice %arg5[%dma_start3A_1023, %multiple_of3A_1020] : memref<64x1000000xf32, #tpu.memory_space<hbm>> -> memref<64x128xf32, #tpu.memory_space<hbm>>
      tpu.enqueue_dma source(%dma_start3A_1024 : memref<64x128xf32, #tpu.memory_space<hbm>>) target(%arg25 : memref<64x128xf32, #tpu.memory_space<vmem>>) target_semaphore(%arg28 : memref<!tpu.dma_semaphore, #tpu.memory_space<semaphore_mem>>)
      %sub3A_1025 = arith.subi %squeeze3A_1015, %multiple_of3A_1020 : i32
      %mul3A_1026 = arith.constant 16 : i32
      %mul3A_1027 = arith.muli %scan3A_528, %mul3A_1026 : i32
      %add3A_1028 = arith.constant 6 : i32
      %add3A_1029 = arith.addi %mul3A_1027, %add3A_1028 : i32
      %and3A_1030 = arith.constant 31 : i32
      %and3A_1031 = arith.andi %add3A_1029, %and3A_1030 : i32
      %mul3A_1032 = arith.constant 64 : i32
      %mul3A_1033 = arith.muli %and3A_1031, %mul3A_1032 : i32
      %dma_wait3A_1034 = arith.constant 0 : i32
      %dma_wait3A_1035 = arith.constant 0 : i32
      %dma_wait3A_1036 = tpu.memref_slice %arg5[%dma_wait3A_1034, %dma_wait3A_1035] : memref<64x1000000xf32, #tpu.memory_space<hbm>> -> memref<64x128xf32, #tpu.memory_space<hbm>>
      %dma_wait3A_1037 = arith.constant 0 : i32
      %dma_wait3A_1038 = arith.constant 0 : i32
      %dma_wait3A_1039 = tpu.memref_slice %arg5[%dma_wait3A_1037, %dma_wait3A_1038] : memref<64x1000000xf32, #tpu.memory_space<hbm>> -> memref<64x128xf32, #tpu.memory_space<hbm>>
      tpu.wait_dma2 semaphore(%arg28 : memref<!tpu.dma_semaphore, #tpu.memory_space<semaphore_mem>>) src(%dma_wait3A_1039 : memref<64x128xf32, #tpu.memory_space<hbm>>) dst(%arg26 : memref<64x128xf32, #tpu.memory_space<vmem>>)
      %broadcast_in_dim3A_1040 = vector.broadcast %sub3A_715 : i32 to vector<16xi32>
      %gather3A_1041 = tpu.vector_load_idx %arg26[%add3A_5, %broadcast_in_dim3A_1040] : memref<64x128xf32, #tpu.memory_space<vmem>>[vector<16xi32>, vector<16xi32>], vector<16xf32>,
      %gather3A_1042 = tpu.vector_load_idx %arg26[%add3A_9, %broadcast_in_dim3A_1040] : memref<64x128xf32, #tpu.memory_space<vmem>>[vector<16xi32>, vector<16xi32>], vector<16xf32>,
      %gather3A_1043 = tpu.vector_load_idx %arg26[%add3A_13, %broadcast_in_dim3A_1040] : memref<64x128xf32, #tpu.memory_space<vmem>>[vector<16xi32>, vector<16xi32>], vector<16xf32>,
      %gather3A_1044 = tpu.vector_load_idx %arg26[%add3A_17, %broadcast_in_dim3A_1040] : memref<64x128xf32, #tpu.memory_space<vmem>>[vector<16xi32>, vector<16xi32>], vector<16xf32>,
      %add3A_1045 = arith.constant 0 : i32
      %add3A_1046 = arith.addi %mul3A_1033, %add3A_1045 : i32
      %swap3A_1047 = arith.index_cast %add3A_1046 : i32 to index
      %swap3A_1048 = tpu.vector_load %arg14[%swap3A_1047] {strides = array<i32>} : memref<2048xf32, #tpu.memory_space<vmem>>, vector<16xf32>,
      tpu.vector_store %arg14[%swap3A_1047], %gather3A_1041 {strides = array<i32>} : memref<2048xf32, #tpu.memory_space<vmem>>, vector<16xf32>,
      %add3A_1049 = arith.constant 16 : i32
      %add3A_1050 = arith.addi %mul3A_1033, %add3A_1049 : i32
      %swap3A_1051 = arith.index_cast %add3A_1050 : i32 to index
      %swap3A_1052 = tpu.vector_load %arg14[%swap3A_1051] {strides = array<i32>} : memref<2048xf32, #tpu.memory_space<vmem>>, vector<16xf32>,
      tpu.vector_store %arg14[%swap3A_1051], %gather3A_1042 {strides = array<i32>} : memref<2048xf32, #tpu.memory_space<vmem>>, vector<16xf32>,
      %add3A_1053 = arith.constant 32 : i32
      %add3A_1054 = arith.addi %mul3A_1033, %add3A_1053 : i32
      %swap3A_1055 = arith.index_cast %add3A_1054 : i32 to index
      %swap3A_1056 = tpu.vector_load %arg14[%swap3A_1055] {strides = array<i32>} : memref<2048xf32, #tpu.memory_space<vmem>>, vector<16xf32>,
      tpu.vector_store %arg14[%swap3A_1055], %gather3A_1043 {strides = array<i32>} : memref<2048xf32, #tpu.memory_space<vmem>>, vector<16xf32>,
      %add3A_1057 = arith.constant 48 : i32
      %add3A_1058 = arith.addi %mul3A_1033, %add3A_1057 : i32
      %swap3A_1059 = arith.index_cast %add3A_1058 : i32 to index
      %swap3A_1060 = tpu.vector_load %arg14[%swap3A_1059] {strides = array<i32>} : memref<2048xf32, #tpu.memory_space<vmem>>, vector<16xf32>,
      tpu.vector_store %arg14[%swap3A_1059], %gather3A_1044 {strides = array<i32>} : memref<2048xf32, #tpu.memory_space<vmem>>, vector<16xf32>,
      %slice3A_1061 = vector.extract_strided_slice %get3A_546 {offsets = [14], sizes = [1], strides = [1]} : vector<16xi32> to vector<1xi32>
      %squeeze3A_1062 = vector.extract %slice3A_1061[0] : i32 from vector<1xi32>
      %shift_right_arithmetic3A_1063 = arith.constant 7 : i32
      %shift_right_arithmetic3A_1064 = arith.shrsi %squeeze3A_1062, %shift_right_arithmetic3A_1063 : i32
      %mul3A_1065 = arith.constant 128 : i32
      %mul3A_1066 = arith.muli %shift_right_arithmetic3A_1064, %mul3A_1065 : i32
      %multiple_of3A_1067 = tpu.assume_multiple %mul3A_1066, 128 : i32
      %dma_start3A_1068 = arith.constant 0 : i32
      %dma_start3A_1069 = tpu.memref_slice %arg5[%dma_start3A_1068, %multiple_of3A_1067] : memref<64x1000000xf32, #tpu.memory_space<hbm>> -> memref<64x128xf32, #tpu.memory_space<hbm>>
      %dma_start3A_1070 = arith.constant 0 : i32
      %dma_start3A_1071 = tpu.memref_slice %arg5[%dma_start3A_1070, %multiple_of3A_1067] : memref<64x1000000xf32, #tpu.memory_space<hbm>> -> memref<64x128xf32, #tpu.memory_space<hbm>>
      tpu.enqueue_dma source(%dma_start3A_1071 : memref<64x128xf32, #tpu.memory_space<hbm>>) target(%arg26 : memref<64x128xf32, #tpu.memory_space<vmem>>) target_semaphore(%arg28 : memref<!tpu.dma_semaphore, #tpu.memory_space<semaphore_mem>>)
      %sub3A_1072 = arith.subi %squeeze3A_1062, %multiple_of3A_1067 : i32
      %mul3A_1073 = arith.constant 16 : i32
      %mul3A_1074 = arith.muli %scan3A_528, %mul3A_1073 : i32
      %add3A_1075 = arith.constant 7 : i32
      %add3A_1076 = arith.addi %mul3A_1074, %add3A_1075 : i32
      %and3A_1077 = arith.constant 31 : i32
      %and3A_1078 = arith.andi %add3A_1076, %and3A_1077 : i32
      %mul3A_1079 = arith.constant 64 : i32
      %mul3A_1080 = arith.muli %and3A_1078, %mul3A_1079 : i32
      %dma_wait3A_1081 = arith.constant 0 : i32
      %dma_wait3A_1082 = arith.constant 0 : i32
      %dma_wait3A_1083 = tpu.memref_slice %arg5[%dma_wait3A_1081, %dma_wait3A_1082] : memref<64x1000000xf32, #tpu.memory_space<hbm>> -> memref<64x128xf32, #tpu.memory_space<hbm>>
      %dma_wait3A_1084 = arith.constant 0 : i32
      %dma_wait3A_1085 = arith.constant 0 : i32
      %dma_wait3A_1086 = tpu.memref_slice %arg5[%dma_wait3A_1084, %dma_wait3A_1085] : memref<64x1000000xf32, #tpu.memory_space<hbm>> -> memref<64x128xf32, #tpu.memory_space<hbm>>
      tpu.wait_dma2 semaphore(%arg28 : memref<!tpu.dma_semaphore, #tpu.memory_space<semaphore_mem>>) src(%dma_wait3A_1086 : memref<64x128xf32, #tpu.memory_space<hbm>>) dst(%arg27 : memref<64x128xf32, #tpu.memory_space<vmem>>)
      %broadcast_in_dim3A_1087 = vector.broadcast %sub3A_744 : i32 to vector<16xi32>
      %gather3A_1088 = tpu.vector_load_idx %arg27[%add3A_5, %broadcast_in_dim3A_1087] : memref<64x128xf32, #tpu.memory_space<vmem>>[vector<16xi32>, vector<16xi32>], vector<16xf32>,
      %gather3A_1089 = tpu.vector_load_idx %arg27[%add3A_9, %broadcast_in_dim3A_1087] : memref<64x128xf32, #tpu.memory_space<vmem>>[vector<16xi32>, vector<16xi32>], vector<16xf32>,
      %gather3A_1090 = tpu.vector_load_idx %arg27[%add3A_13, %broadcast_in_dim3A_1087] : memref<64x128xf32, #tpu.memory_space<vmem>>[vector<16xi32>, vector<16xi32>], vector<16xf32>,
      %gather3A_1091 = tpu.vector_load_idx %arg27[%add3A_17, %broadcast_in_dim3A_1087] : memref<64x128xf32, #tpu.memory_space<vmem>>[vector<16xi32>, vector<16xi32>], vector<16xf32>,
      %add3A_1092 = arith.constant 0 : i32
      %add3A_1093 = arith.addi %mul3A_1080, %add3A_1092 : i32
      %swap3A_1094 = arith.index_cast %add3A_1093 : i32 to index
      %swap3A_1095 = tpu.vector_load %arg14[%swap3A_1094] {strides = array<i32>} : memref<2048xf32, #tpu.memory_space<vmem>>, vector<16xf32>,
      tpu.vector_store %arg14[%swap3A_1094], %gather3A_1088 {strides = array<i32>} : memref<2048xf32, #tpu.memory_space<vmem>>, vector<16xf32>,
      %add3A_1096 = arith.constant 16 : i32
      %add3A_1097 = arith.addi %mul3A_1080, %add3A_1096 : i32
      %swap3A_1098 = arith.index_cast %add3A_1097 : i32 to index
      %swap3A_1099 = tpu.vector_load %arg14[%swap3A_1098] {strides = array<i32>} : memref<2048xf32, #tpu.memory_space<vmem>>, vector<16xf32>,
      tpu.vector_store %arg14[%swap3A_1098], %gather3A_1089 {strides = array<i32>} : memref<2048xf32, #tpu.memory_space<vmem>>, vector<16xf32>,
      %add3A_1100 = arith.constant 32 : i32
      %add3A_1101 = arith.addi %mul3A_1080, %add3A_1100 : i32
      %swap3A_1102 = arith.index_cast %add3A_1101 : i32 to index
      %swap3A_1103 = tpu.vector_load %arg14[%swap3A_1102] {strides = array<i32>} : memref<2048xf32, #tpu.memory_space<vmem>>, vector<16xf32>,
      tpu.vector_store %arg14[%swap3A_1102], %gather3A_1090 {strides = array<i32>} : memref<2048xf32, #tpu.memory_space<vmem>>, vector<16xf32>,
      %add3A_1104 = arith.constant 48 : i32
      %add3A_1105 = arith.addi %mul3A_1080, %add3A_1104 : i32
      %swap3A_1106 = arith.index_cast %add3A_1105 : i32 to index
      %swap3A_1107 = tpu.vector_load %arg14[%swap3A_1106] {strides = array<i32>} : memref<2048xf32, #tpu.memory_space<vmem>>, vector<16xf32>,
      tpu.vector_store %arg14[%swap3A_1106], %gather3A_1091 {strides = array<i32>} : memref<2048xf32, #tpu.memory_space<vmem>>, vector<16xf32>,
      %slice3A_1108 = vector.extract_strided_slice %get3A_546 {offsets = [15], sizes = [1], strides = [1]} : vector<16xi32> to vector<1xi32>
      %squeeze3A_1109 = vector.extract %slice3A_1108[0] : i32 from vector<1xi32>
      %shift_right_arithmetic3A_1110 = arith.constant 7 : i32
      %shift_right_arithmetic3A_1111 = arith.shrsi %squeeze3A_1109, %shift_right_arithmetic3A_1110 : i32
      %mul3A_1112 = arith.constant 128 : i32
      %mul3A_1113 = arith.muli %shift_right_arithmetic3A_1111, %mul3A_1112 : i32
      %multiple_of3A_1114 = tpu.assume_multiple %mul3A_1113, 128 : i32
      %dma_start3A_1115 = arith.constant 0 : i32
      %dma_start3A_1116 = tpu.memref_slice %arg5[%dma_start3A_1115, %multiple_of3A_1114] : memref<64x1000000xf32, #tpu.memory_space<hbm>> -> memref<64x128xf32, #tpu.memory_space<hbm>>
      %dma_start3A_1117 = arith.constant 0 : i32
      %dma_start3A_1118 = tpu.memref_slice %arg5[%dma_start3A_1117, %multiple_of3A_1114] : memref<64x1000000xf32, #tpu.memory_space<hbm>> -> memref<64x128xf32, #tpu.memory_space<hbm>>
      tpu.enqueue_dma source(%dma_start3A_1118 : memref<64x128xf32, #tpu.memory_space<hbm>>) target(%arg27 : memref<64x128xf32, #tpu.memory_space<vmem>>) target_semaphore(%arg28 : memref<!tpu.dma_semaphore, #tpu.memory_space<semaphore_mem>>)
      %sub3A_1119 = arith.subi %squeeze3A_1109, %multiple_of3A_1114 : i32
      %mul3A_1120 = arith.constant 16 : i32
      %mul3A_1121 = arith.muli %scan3A_528, %mul3A_1120 : i32
      %add3A_1122 = arith.constant 8 : i32
      %add3A_1123 = arith.addi %mul3A_1121, %add3A_1122 : i32
      %and3A_1124 = arith.constant 31 : i32
      %and3A_1125 = arith.andi %add3A_1123, %and3A_1124 : i32
      %mul3A_1126 = arith.constant 64 : i32
      %mul3A_1127 = arith.muli %and3A_1125, %mul3A_1126 : i32
      %dma_wait3A_1128 = arith.constant 0 : i32
      %dma_wait3A_1129 = arith.constant 0 : i32
      %dma_wait3A_1130 = tpu.memref_slice %arg5[%dma_wait3A_1128, %dma_wait3A_1129] : memref<64x1000000xf32, #tpu.memory_space<hbm>> -> memref<64x128xf32, #tpu.memory_space<hbm>>
      %dma_wait3A_1131 = arith.constant 0 : i32
      %dma_wait3A_1132 = arith.constant 0 : i32
      %dma_wait3A_1133 = tpu.memref_slice %arg5[%dma_wait3A_1131, %dma_wait3A_1132] : memref<64x1000000xf32, #tpu.memory_space<hbm>> -> memref<64x128xf32, #tpu.memory_space<hbm>>
      tpu.wait_dma2 semaphore(%arg28 : memref<!tpu.dma_semaphore, #tpu.memory_space<semaphore_mem>>) src(%dma_wait3A_1133 : memref<64x128xf32, #tpu.memory_space<hbm>>) dst(%arg20 : memref<64x128xf32, #tpu.memory_space<vmem>>)
      %broadcast_in_dim3A_1134 = vector.broadcast %sub3A_790 : i32 to vector<16xi32>
      %gather3A_1135 = tpu.vector_load_idx %arg20[%add3A_5, %broadcast_in_dim3A_1134] : memref<64x128xf32, #tpu.memory_space<vmem>>[vector<16xi32>, vector<16xi32>], vector<16xf32>,
      %gather3A_1136 = tpu.vector_load_idx %arg20[%add3A_9, %broadcast_in_dim3A_1134] : memref<64x128xf32, #tpu.memory_space<vmem>>[vector<16xi32>, vector<16xi32>], vector<16xf32>,
      %gather3A_1137 = tpu.vector_load_idx %arg20[%add3A_13, %broadcast_in_dim3A_1134] : memref<64x128xf32, #tpu.memory_space<vmem>>[vector<16xi32>, vector<16xi32>], vector<16xf32>,
      %gather3A_1138 = tpu.vector_load_idx %arg20[%add3A_17, %broadcast_in_dim3A_1134] : memref<64x128xf32, #tpu.memory_space<vmem>>[vector<16xi32>, vector<16xi32>], vector<16xf32>,
      %add3A_1139 = arith.constant 0 : i32
      %add3A_1140 = arith.addi %mul3A_1127, %add3A_1139 : i32
      %swap3A_1141 = arith.index_cast %add3A_1140 : i32 to index
      %swap3A_1142 = tpu.vector_load %arg14[%swap3A_1141] {strides = array<i32>} : memref<2048xf32, #tpu.memory_space<vmem>>, vector<16xf32>,
      tpu.vector_store %arg14[%swap3A_1141], %gather3A_1135 {strides = array<i32>} : memref<2048xf32, #tpu.memory_space<vmem>>, vector<16xf32>,
      %add3A_1143 = arith.constant 16 : i32
      %add3A_1144 = arith.addi %mul3A_1127, %add3A_1143 : i32
      %swap3A_1145 = arith.index_cast %add3A_1144 : i32 to index
      %swap3A_1146 = tpu.vector_load %arg14[%swap3A_1145] {strides = array<i32>} : memref<2048xf32, #tpu.memory_space<vmem>>, vector<16xf32>,
      tpu.vector_store %arg14[%swap3A_1145], %gather3A_1136 {strides = array<i32>} : memref<2048xf32, #tpu.memory_space<vmem>>, vector<16xf32>,
      %add3A_1147 = arith.constant 32 : i32
      %add3A_1148 = arith.addi %mul3A_1127, %add3A_1147 : i32
      %swap3A_1149 = arith.index_cast %add3A_1148 : i32 to index
      %swap3A_1150 = tpu.vector_load %arg14[%swap3A_1149] {strides = array<i32>} : memref<2048xf32, #tpu.memory_space<vmem>>, vector<16xf32>,
      tpu.vector_store %arg14[%swap3A_1149], %gather3A_1137 {strides = array<i32>} : memref<2048xf32, #tpu.memory_space<vmem>>, vector<16xf32>,
      %add3A_1151 = arith.constant 48 : i32
      %add3A_1152 = arith.addi %mul3A_1127, %add3A_1151 : i32
      %swap3A_1153 = arith.index_cast %add3A_1152 : i32 to index
      %swap3A_1154 = tpu.vector_load %arg14[%swap3A_1153] {strides = array<i32>} : memref<2048xf32, #tpu.memory_space<vmem>>, vector<16xf32>,
      tpu.vector_store %arg14[%swap3A_1153], %gather3A_1138 {strides = array<i32>} : memref<2048xf32, #tpu.memory_space<vmem>>, vector<16xf32>,
      %slice3A_1155 = vector.extract_strided_slice %get3A_550 {offsets = [0], sizes = [1], strides = [1]} : vector<16xi32> to vector<1xi32>
      %squeeze3A_1156 = vector.extract %slice3A_1155[0] : i32 from vector<1xi32>
      %shift_right_arithmetic3A_1157 = arith.constant 7 : i32
      %shift_right_arithmetic3A_1158 = arith.shrsi %squeeze3A_1156, %shift_right_arithmetic3A_1157 : i32
      %mul3A_1159 = arith.constant 128 : i32
      %mul3A_1160 = arith.muli %shift_right_arithmetic3A_1158, %mul3A_1159 : i32
      %multiple_of3A_1161 = tpu.assume_multiple %mul3A_1160, 128 : i32
      %dma_start3A_1162 = arith.constant 0 : i32
      %dma_start3A_1163 = tpu.memref_slice %arg6[%dma_start3A_1162, %multiple_of3A_1161] : memref<64x1000000xf32, #tpu.memory_space<hbm>> -> memref<64x128xf32, #tpu.memory_space<hbm>>
      %dma_start3A_1164 = arith.constant 0 : i32
      %dma_start3A_1165 = tpu.memref_slice %arg6[%dma_start3A_1164, %multiple_of3A_1161] : memref<64x1000000xf32, #tpu.memory_space<hbm>> -> memref<64x128xf32, #tpu.memory_space<hbm>>
      tpu.enqueue_dma source(%dma_start3A_1165 : memref<64x128xf32, #tpu.memory_space<hbm>>) target(%arg20 : memref<64x128xf32, #tpu.memory_space<vmem>>) target_semaphore(%arg29 : memref<!tpu.dma_semaphore, #tpu.memory_space<semaphore_mem>>)
      %sub3A_1166 = arith.subi %squeeze3A_1156, %multiple_of3A_1161 : i32
      %mul3A_1167 = arith.constant 16 : i32
      %mul3A_1168 = arith.muli %scan3A_528, %mul3A_1167 : i32
      %add3A_1169 = arith.constant 9 : i32
      %add3A_1170 = arith.addi %mul3A_1168, %add3A_1169 : i32
      %and3A_1171 = arith.constant 31 : i32
      %and3A_1172 = arith.andi %add3A_1170, %and3A_1171 : i32
      %mul3A_1173 = arith.constant 64 : i32
      %mul3A_1174 = arith.muli %and3A_1172, %mul3A_1173 : i32
      %dma_wait3A_1175 = arith.constant 0 : i32
      %dma_wait3A_1176 = arith.constant 0 : i32
      %dma_wait3A_1177 = tpu.memref_slice %arg5[%dma_wait3A_1175, %dma_wait3A_1176] : memref<64x1000000xf32, #tpu.memory_space<hbm>> -> memref<64x128xf32, #tpu.memory_space<hbm>>
      %dma_wait3A_1178 = arith.constant 0 : i32
      %dma_wait3A_1179 = arith.constant 0 : i32
      %dma_wait3A_1180 = tpu.memref_slice %arg5[%dma_wait3A_1178, %dma_wait3A_1179] : memref<64x1000000xf32, #tpu.memory_space<hbm>> -> memref<64x128xf32, #tpu.memory_space<hbm>>
      tpu.wait_dma2 semaphore(%arg28 : memref<!tpu.dma_semaphore, #tpu.memory_space<semaphore_mem>>) src(%dma_wait3A_1180 : memref<64x128xf32, #tpu.memory_space<hbm>>) dst(%arg21 : memref<64x128xf32, #tpu.memory_space<vmem>>)
      %broadcast_in_dim3A_1181 = vector.broadcast %sub3A_837 : i32 to vector<16xi32>
      %gather3A_1182 = tpu.vector_load_idx %arg21[%add3A_5, %broadcast_in_dim3A_1181] : memref<64x128xf32, #tpu.memory_space<vmem>>[vector<16xi32>, vector<16xi32>], vector<16xf32>,
      %gather3A_1183 = tpu.vector_load_idx %arg21[%add3A_9, %broadcast_in_dim3A_1181] : memref<64x128xf32, #tpu.memory_space<vmem>>[vector<16xi32>, vector<16xi32>], vector<16xf32>,
      %gather3A_1184 = tpu.vector_load_idx %arg21[%add3A_13, %broadcast_in_dim3A_1181] : memref<64x128xf32, #tpu.memory_space<vmem>>[vector<16xi32>, vector<16xi32>], vector<16xf32>,
      %gather3A_1185 = tpu.vector_load_idx %arg21[%add3A_17, %broadcast_in_dim3A_1181] : memref<64x128xf32, #tpu.memory_space<vmem>>[vector<16xi32>, vector<16xi32>], vector<16xf32>,
      %add3A_1186 = arith.constant 0 : i32
      %add3A_1187 = arith.addi %mul3A_1174, %add3A_1186 : i32
      %swap3A_1188 = arith.index_cast %add3A_1187 : i32 to index
      %swap3A_1189 = tpu.vector_load %arg14[%swap3A_1188] {strides = array<i32>} : memref<2048xf32, #tpu.memory_space<vmem>>, vector<16xf32>,
      tpu.vector_store %arg14[%swap3A_1188], %gather3A_1182 {strides = array<i32>} : memref<2048xf32, #tpu.memory_space<vmem>>, vector<16xf32>,
      %add3A_1190 = arith.constant 16 : i32
      %add3A_1191 = arith.addi %mul3A_1174, %add3A_1190 : i32
      %swap3A_1192 = arith.index_cast %add3A_1191 : i32 to index
      %swap3A_1193 = tpu.vector_load %arg14[%swap3A_1192] {strides = array<i32>} : memref<2048xf32, #tpu.memory_space<vmem>>, vector<16xf32>,
      tpu.vector_store %arg14[%swap3A_1192], %gather3A_1183 {strides = array<i32>} : memref<2048xf32, #tpu.memory_space<vmem>>, vector<16xf32>,
      %add3A_1194 = arith.constant 32 : i32
      %add3A_1195 = arith.addi %mul3A_1174, %add3A_1194 : i32
      %swap3A_1196 = arith.index_cast %add3A_1195 : i32 to index
      %swap3A_1197 = tpu.vector_load %arg14[%swap3A_1196] {strides = array<i32>} : memref<2048xf32, #tpu.memory_space<vmem>>, vector<16xf32>,
      tpu.vector_store %arg14[%swap3A_1196], %gather3A_1184 {strides = array<i32>} : memref<2048xf32, #tpu.memory_space<vmem>>, vector<16xf32>,
      %add3A_1198 = arith.constant 48 : i32
      %add3A_1199 = arith.addi %mul3A_1174, %add3A_1198 : i32
      %swap3A_1200 = arith.index_cast %add3A_1199 : i32 to index
      %swap3A_1201 = tpu.vector_load %arg14[%swap3A_1200] {strides = array<i32>} : memref<2048xf32, #tpu.memory_space<vmem>>, vector<16xf32>,
      tpu.vector_store %arg14[%swap3A_1200], %gather3A_1185 {strides = array<i32>} : memref<2048xf32, #tpu.memory_space<vmem>>, vector<16xf32>,
      %slice3A_1202 = vector.extract_strided_slice %get3A_550 {offsets = [1], sizes = [1], strides = [1]} : vector<16xi32> to vector<1xi32>
      %squeeze3A_1203 = vector.extract %slice3A_1202[0] : i32 from vector<1xi32>
      %shift_right_arithmetic3A_1204 = arith.constant 7 : i32
      %shift_right_arithmetic3A_1205 = arith.shrsi %squeeze3A_1203, %shift_right_arithmetic3A_1204 : i32
      %mul3A_1206 = arith.constant 128 : i32
      %mul3A_1207 = arith.muli %shift_right_arithmetic3A_1205, %mul3A_1206 : i32
      %multiple_of3A_1208 = tpu.assume_multiple %mul3A_1207, 128 : i32
      %dma_start3A_1209 = arith.constant 0 : i32
      %dma_start3A_1210 = tpu.memref_slice %arg6[%dma_start3A_1209, %multiple_of3A_1208] : memref<64x1000000xf32, #tpu.memory_space<hbm>> -> memref<64x128xf32, #tpu.memory_space<hbm>>
      %dma_start3A_1211 = arith.constant 0 : i32
      %dma_start3A_1212 = tpu.memref_slice %arg6[%dma_start3A_1211, %multiple_of3A_1208] : memref<64x1000000xf32, #tpu.memory_space<hbm>> -> memref<64x128xf32, #tpu.memory_space<hbm>>
      tpu.enqueue_dma source(%dma_start3A_1212 : memref<64x128xf32, #tpu.memory_space<hbm>>) target(%arg21 : memref<64x128xf32, #tpu.memory_space<vmem>>) target_semaphore(%arg29 : memref<!tpu.dma_semaphore, #tpu.memory_space<semaphore_mem>>)
      %sub3A_1213 = arith.subi %squeeze3A_1203, %multiple_of3A_1208 : i32
      %mul3A_1214 = arith.constant 16 : i32
      %mul3A_1215 = arith.muli %scan3A_528, %mul3A_1214 : i32
      %add3A_1216 = arith.constant 10 : i32
      %add3A_1217 = arith.addi %mul3A_1215, %add3A_1216 : i32
      %and3A_1218 = arith.constant 31 : i32
      %and3A_1219 = arith.andi %add3A_1217, %and3A_1218 : i32
      %mul3A_1220 = arith.constant 64 : i32
      %mul3A_1221 = arith.muli %and3A_1219, %mul3A_1220 : i32
      %dma_wait3A_1222 = arith.constant 0 : i32
      %dma_wait3A_1223 = arith.constant 0 : i32
      %dma_wait3A_1224 = tpu.memref_slice %arg5[%dma_wait3A_1222, %dma_wait3A_1223] : memref<64x1000000xf32, #tpu.memory_space<hbm>> -> memref<64x128xf32, #tpu.memory_space<hbm>>
      %dma_wait3A_1225 = arith.constant 0 : i32
      %dma_wait3A_1226 = arith.constant 0 : i32
      %dma_wait3A_1227 = tpu.memref_slice %arg5[%dma_wait3A_1225, %dma_wait3A_1226] : memref<64x1000000xf32, #tpu.memory_space<hbm>> -> memref<64x128xf32, #tpu.memory_space<hbm>>
      tpu.wait_dma2 semaphore(%arg28 : memref<!tpu.dma_semaphore, #tpu.memory_space<semaphore_mem>>) src(%dma_wait3A_1227 : memref<64x128xf32, #tpu.memory_space<hbm>>) dst(%arg22 : memref<64x128xf32, #tpu.memory_space<vmem>>)
      %broadcast_in_dim3A_1228 = vector.broadcast %sub3A_884 : i32 to vector<16xi32>
      %gather3A_1229 = tpu.vector_load_idx %arg22[%add3A_5, %broadcast_in_dim3A_1228] : memref<64x128xf32, #tpu.memory_space<vmem>>[vector<16xi32>, vector<16xi32>], vector<16xf32>,
      %gather3A_1230 = tpu.vector_load_idx %arg22[%add3A_9, %broadcast_in_dim3A_1228] : memref<64x128xf32, #tpu.memory_space<vmem>>[vector<16xi32>, vector<16xi32>], vector<16xf32>,
      %gather3A_1231 = tpu.vector_load_idx %arg22[%add3A_13, %broadcast_in_dim3A_1228] : memref<64x128xf32, #tpu.memory_space<vmem>>[vector<16xi32>, vector<16xi32>], vector<16xf32>,
      %gather3A_1232 = tpu.vector_load_idx %arg22[%add3A_17, %broadcast_in_dim3A_1228] : memref<64x128xf32, #tpu.memory_space<vmem>>[vector<16xi32>, vector<16xi32>], vector<16xf32>,
      %add3A_1233 = arith.constant 0 : i32
      %add3A_1234 = arith.addi %mul3A_1221, %add3A_1233 : i32
      %swap3A_1235 = arith.index_cast %add3A_1234 : i32 to index
      %swap3A_1236 = tpu.vector_load %arg14[%swap3A_1235] {strides = array<i32>} : memref<2048xf32, #tpu.memory_space<vmem>>, vector<16xf32>,
      tpu.vector_store %arg14[%swap3A_1235], %gather3A_1229 {strides = array<i32>} : memref<2048xf32, #tpu.memory_space<vmem>>, vector<16xf32>,
      %add3A_1237 = arith.constant 16 : i32
      %add3A_1238 = arith.addi %mul3A_1221, %add3A_1237 : i32
      %swap3A_1239 = arith.index_cast %add3A_1238 : i32 to index
      %swap3A_1240 = tpu.vector_load %arg14[%swap3A_1239] {strides = array<i32>} : memref<2048xf32, #tpu.memory_space<vmem>>, vector<16xf32>,
      tpu.vector_store %arg14[%swap3A_1239], %gather3A_1230 {strides = array<i32>} : memref<2048xf32, #tpu.memory_space<vmem>>, vector<16xf32>,
      %add3A_1241 = arith.constant 32 : i32
      %add3A_1242 = arith.addi %mul3A_1221, %add3A_1241 : i32
      %swap3A_1243 = arith.index_cast %add3A_1242 : i32 to index
      %swap3A_1244 = tpu.vector_load %arg14[%swap3A_1243] {strides = array<i32>} : memref<2048xf32, #tpu.memory_space<vmem>>, vector<16xf32>,
      tpu.vector_store %arg14[%swap3A_1243], %gather3A_1231 {strides = array<i32>} : memref<2048xf32, #tpu.memory_space<vmem>>, vector<16xf32>,
      %add3A_1245 = arith.constant 48 : i32
      %add3A_1246 = arith.addi %mul3A_1221, %add3A_1245 : i32
      %swap3A_1247 = arith.index_cast %add3A_1246 : i32 to index
      %swap3A_1248 = tpu.vector_load %arg14[%swap3A_1247] {strides = array<i32>} : memref<2048xf32, #tpu.memory_space<vmem>>, vector<16xf32>,
      tpu.vector_store %arg14[%swap3A_1247], %gather3A_1232 {strides = array<i32>} : memref<2048xf32, #tpu.memory_space<vmem>>, vector<16xf32>,
      %slice3A_1249 = vector.extract_strided_slice %get3A_550 {offsets = [2], sizes = [1], strides = [1]} : vector<16xi32> to vector<1xi32>
      %squeeze3A_1250 = vector.extract %slice3A_1249[0] : i32 from vector<1xi32>
      %shift_right_arithmetic3A_1251 = arith.constant 7 : i32
      %shift_right_arithmetic3A_1252 = arith.shrsi %squeeze3A_1250, %shift_right_arithmetic3A_1251 : i32
      %mul3A_1253 = arith.constant 128 : i32
      %mul3A_1254 = arith.muli %shift_right_arithmetic3A_1252, %mul3A_1253 : i32
      %multiple_of3A_1255 = tpu.assume_multiple %mul3A_1254, 128 : i32
      %dma_start3A_1256 = arith.constant 0 : i32
      %dma_start3A_1257 = tpu.memref_slice %arg6[%dma_start3A_1256, %multiple_of3A_1255] : memref<64x1000000xf32, #tpu.memory_space<hbm>> -> memref<64x128xf32, #tpu.memory_space<hbm>>
      %dma_start3A_1258 = arith.constant 0 : i32
      %dma_start3A_1259 = tpu.memref_slice %arg6[%dma_start3A_1258, %multiple_of3A_1255] : memref<64x1000000xf32, #tpu.memory_space<hbm>> -> memref<64x128xf32, #tpu.memory_space<hbm>>
      tpu.enqueue_dma source(%dma_start3A_1259 : memref<64x128xf32, #tpu.memory_space<hbm>>) target(%arg22 : memref<64x128xf32, #tpu.memory_space<vmem>>) target_semaphore(%arg29 : memref<!tpu.dma_semaphore, #tpu.memory_space<semaphore_mem>>)
      %sub3A_1260 = arith.subi %squeeze3A_1250, %multiple_of3A_1255 : i32
      %mul3A_1261 = arith.constant 16 : i32
      %mul3A_1262 = arith.muli %scan3A_528, %mul3A_1261 : i32
      %add3A_1263 = arith.constant 11 : i32
      %add3A_1264 = arith.addi %mul3A_1262, %add3A_1263 : i32
      %and3A_1265 = arith.constant 31 : i32
      %and3A_1266 = arith.andi %add3A_1264, %and3A_1265 : i32
      %mul3A_1267 = arith.constant 64 : i32
      %mul3A_1268 = arith.muli %and3A_1266, %mul3A_1267 : i32
      %dma_wait3A_1269 = arith.constant 0 : i32
      %dma_wait3A_1270 = arith.constant 0 : i32
      %dma_wait3A_1271 = tpu.memref_slice %arg5[%dma_wait3A_1269, %dma_wait3A_1270] : memref<64x1000000xf32, #tpu.memory_space<hbm>> -> memref<64x128xf32, #tpu.memory_space<hbm>>
      %dma_wait3A_1272 = arith.constant 0 : i32
      %dma_wait3A_1273 = arith.constant 0 : i32
      %dma_wait3A_1274 = tpu.memref_slice %arg5[%dma_wait3A_1272, %dma_wait3A_1273] : memref<64x1000000xf32, #tpu.memory_space<hbm>> -> memref<64x128xf32, #tpu.memory_space<hbm>>
      tpu.wait_dma2 semaphore(%arg28 : memref<!tpu.dma_semaphore, #tpu.memory_space<semaphore_mem>>) src(%dma_wait3A_1274 : memref<64x128xf32, #tpu.memory_space<hbm>>) dst(%arg23 : memref<64x128xf32, #tpu.memory_space<vmem>>)
      %broadcast_in_dim3A_1275 = vector.broadcast %sub3A_931 : i32 to vector<16xi32>
      %gather3A_1276 = tpu.vector_load_idx %arg23[%add3A_5, %broadcast_in_dim3A_1275] : memref<64x128xf32, #tpu.memory_space<vmem>>[vector<16xi32>, vector<16xi32>], vector<16xf32>,
      %gather3A_1277 = tpu.vector_load_idx %arg23[%add3A_9, %broadcast_in_dim3A_1275] : memref<64x128xf32, #tpu.memory_space<vmem>>[vector<16xi32>, vector<16xi32>], vector<16xf32>,
      %gather3A_1278 = tpu.vector_load_idx %arg23[%add3A_13, %broadcast_in_dim3A_1275] : memref<64x128xf32, #tpu.memory_space<vmem>>[vector<16xi32>, vector<16xi32>], vector<16xf32>,
      %gather3A_1279 = tpu.vector_load_idx %arg23[%add3A_17, %broadcast_in_dim3A_1275] : memref<64x128xf32, #tpu.memory_space<vmem>>[vector<16xi32>, vector<16xi32>], vector<16xf32>,
      %add3A_1280 = arith.constant 0 : i32
      %add3A_1281 = arith.addi %mul3A_1268, %add3A_1280 : i32
      %swap3A_1282 = arith.index_cast %add3A_1281 : i32 to index
      %swap3A_1283 = tpu.vector_load %arg14[%swap3A_1282] {strides = array<i32>} : memref<2048xf32, #tpu.memory_space<vmem>>, vector<16xf32>,
      tpu.vector_store %arg14[%swap3A_1282], %gather3A_1276 {strides = array<i32>} : memref<2048xf32, #tpu.memory_space<vmem>>, vector<16xf32>,
      %add3A_1284 = arith.constant 16 : i32
      %add3A_1285 = arith.addi %mul3A_1268, %add3A_1284 : i32
      %swap3A_1286 = arith.index_cast %add3A_1285 : i32 to index
      %swap3A_1287 = tpu.vector_load %arg14[%swap3A_1286] {strides = array<i32>} : memref<2048xf32, #tpu.memory_space<vmem>>, vector<16xf32>,
      tpu.vector_store %arg14[%swap3A_1286], %gather3A_1277 {strides = array<i32>} : memref<2048xf32, #tpu.memory_space<vmem>>, vector<16xf32>,
      %add3A_1288 = arith.constant 32 : i32
      %add3A_1289 = arith.addi %mul3A_1268, %add3A_1288 : i32
      %swap3A_1290 = arith.index_cast %add3A_1289 : i32 to index
      %swap3A_1291 = tpu.vector_load %arg14[%swap3A_1290] {strides = array<i32>} : memref<2048xf32, #tpu.memory_space<vmem>>, vector<16xf32>,
      tpu.vector_store %arg14[%swap3A_1290], %gather3A_1278 {strides = array<i32>} : memref<2048xf32, #tpu.memory_space<vmem>>, vector<16xf32>,
      %add3A_1292 = arith.constant 48 : i32
      %add3A_1293 = arith.addi %mul3A_1268, %add3A_1292 : i32
      %swap3A_1294 = arith.index_cast %add3A_1293 : i32 to index
      %swap3A_1295 = tpu.vector_load %arg14[%swap3A_1294] {strides = array<i32>} : memref<2048xf32, #tpu.memory_space<vmem>>, vector<16xf32>,
      tpu.vector_store %arg14[%swap3A_1294], %gather3A_1279 {strides = array<i32>} : memref<2048xf32, #tpu.memory_space<vmem>>, vector<16xf32>,
      %slice3A_1296 = vector.extract_strided_slice %get3A_550 {offsets = [3], sizes = [1], strides = [1]} : vector<16xi32> to vector<1xi32>
      %squeeze3A_1297 = vector.extract %slice3A_1296[0] : i32 from vector<1xi32>
      %shift_right_arithmetic3A_1298 = arith.constant 7 : i32
      %shift_right_arithmetic3A_1299 = arith.shrsi %squeeze3A_1297, %shift_right_arithmetic3A_1298 : i32
      %mul3A_1300 = arith.constant 128 : i32
      %mul3A_1301 = arith.muli %shift_right_arithmetic3A_1299, %mul3A_1300 : i32
      %multiple_of3A_1302 = tpu.assume_multiple %mul3A_1301, 128 : i32
      %dma_start3A_1303 = arith.constant 0 : i32
      %dma_start3A_1304 = tpu.memref_slice %arg6[%dma_start3A_1303, %multiple_of3A_1302] : memref<64x1000000xf32, #tpu.memory_space<hbm>> -> memref<64x128xf32, #tpu.memory_space<hbm>>
      %dma_start3A_1305 = arith.constant 0 : i32
      %dma_start3A_1306 = tpu.memref_slice %arg6[%dma_start3A_1305, %multiple_of3A_1302] : memref<64x1000000xf32, #tpu.memory_space<hbm>> -> memref<64x128xf32, #tpu.memory_space<hbm>>
      tpu.enqueue_dma source(%dma_start3A_1306 : memref<64x128xf32, #tpu.memory_space<hbm>>) target(%arg23 : memref<64x128xf32, #tpu.memory_space<vmem>>) target_semaphore(%arg29 : memref<!tpu.dma_semaphore, #tpu.memory_space<semaphore_mem>>)
      %sub3A_1307 = arith.subi %squeeze3A_1297, %multiple_of3A_1302 : i32
      %mul3A_1308 = arith.constant 16 : i32
      %mul3A_1309 = arith.muli %scan3A_528, %mul3A_1308 : i32
      %add3A_1310 = arith.constant 12 : i32
      %add3A_1311 = arith.addi %mul3A_1309, %add3A_1310 : i32
      %and3A_1312 = arith.constant 31 : i32
      %and3A_1313 = arith.andi %add3A_1311, %and3A_1312 : i32
      %mul3A_1314 = arith.constant 64 : i32
      %mul3A_1315 = arith.muli %and3A_1313, %mul3A_1314 : i32
      %dma_wait3A_1316 = arith.constant 0 : i32
      %dma_wait3A_1317 = arith.constant 0 : i32
      %dma_wait3A_1318 = tpu.memref_slice %arg5[%dma_wait3A_1316, %dma_wait3A_1317] : memref<64x1000000xf32, #tpu.memory_space<hbm>> -> memref<64x128xf32, #tpu.memory_space<hbm>>
      %dma_wait3A_1319 = arith.constant 0 : i32
      %dma_wait3A_1320 = arith.constant 0 : i32
      %dma_wait3A_1321 = tpu.memref_slice %arg5[%dma_wait3A_1319, %dma_wait3A_1320] : memref<64x1000000xf32, #tpu.memory_space<hbm>> -> memref<64x128xf32, #tpu.memory_space<hbm>>
      tpu.wait_dma2 semaphore(%arg28 : memref<!tpu.dma_semaphore, #tpu.memory_space<semaphore_mem>>) src(%dma_wait3A_1321 : memref<64x128xf32, #tpu.memory_space<hbm>>) dst(%arg24 : memref<64x128xf32, #tpu.memory_space<vmem>>)
      %broadcast_in_dim3A_1322 = vector.broadcast %sub3A_978 : i32 to vector<16xi32>
      %gather3A_1323 = tpu.vector_load_idx %arg24[%add3A_5, %broadcast_in_dim3A_1322] : memref<64x128xf32, #tpu.memory_space<vmem>>[vector<16xi32>, vector<16xi32>], vector<16xf32>,
      %gather3A_1324 = tpu.vector_load_idx %arg24[%add3A_9, %broadcast_in_dim3A_1322] : memref<64x128xf32, #tpu.memory_space<vmem>>[vector<16xi32>, vector<16xi32>], vector<16xf32>,
      %gather3A_1325 = tpu.vector_load_idx %arg24[%add3A_13, %broadcast_in_dim3A_1322] : memref<64x128xf32, #tpu.memory_space<vmem>>[vector<16xi32>, vector<16xi32>], vector<16xf32>,
      %gather3A_1326 = tpu.vector_load_idx %arg24[%add3A_17, %broadcast_in_dim3A_1322] : memref<64x128xf32, #tpu.memory_space<vmem>>[vector<16xi32>, vector<16xi32>], vector<16xf32>,
      %add3A_1327 = arith.constant 0 : i32
      %add3A_1328 = arith.addi %mul3A_1315, %add3A_1327 : i32
      %swap3A_1329 = arith.index_cast %add3A_1328 : i32 to index
      %swap3A_1330 = tpu.vector_load %arg14[%swap3A_1329] {strides = array<i32>} : memref<2048xf32, #tpu.memory_space<vmem>>, vector<16xf32>,
      tpu.vector_store %arg14[%swap3A_1329], %gather3A_1323 {strides = array<i32>} : memref<2048xf32, #tpu.memory_space<vmem>>, vector<16xf32>,
      %add3A_1331 = arith.constant 16 : i32
      %add3A_1332 = arith.addi %mul3A_1315, %add3A_1331 : i32
      %swap3A_1333 = arith.index_cast %add3A_1332 : i32 to index
      %swap3A_1334 = tpu.vector_load %arg14[%swap3A_1333] {strides = array<i32>} : memref<2048xf32, #tpu.memory_space<vmem>>, vector<16xf32>,
      tpu.vector_store %arg14[%swap3A_1333], %gather3A_1324 {strides = array<i32>} : memref<2048xf32, #tpu.memory_space<vmem>>, vector<16xf32>,
      %add3A_1335 = arith.constant 32 : i32
      %add3A_1336 = arith.addi %mul3A_1315, %add3A_1335 : i32
      %swap3A_1337 = arith.index_cast %add3A_1336 : i32 to index
      %swap3A_1338 = tpu.vector_load %arg14[%swap3A_1337] {strides = array<i32>} : memref<2048xf32, #tpu.memory_space<vmem>>, vector<16xf32>,
      tpu.vector_store %arg14[%swap3A_1337], %gather3A_1325 {strides = array<i32>} : memref<2048xf32, #tpu.memory_space<vmem>>, vector<16xf32>,
      %add3A_1339 = arith.constant 48 : i32
      %add3A_1340 = arith.addi %mul3A_1315, %add3A_1339 : i32
      %swap3A_1341 = arith.index_cast %add3A_1340 : i32 to index
      %swap3A_1342 = tpu.vector_load %arg14[%swap3A_1341] {strides = array<i32>} : memref<2048xf32, #tpu.memory_space<vmem>>, vector<16xf32>,
      tpu.vector_store %arg14[%swap3A_1341], %gather3A_1326 {strides = array<i32>} : memref<2048xf32, #tpu.memory_space<vmem>>, vector<16xf32>,
      %slice3A_1343 = vector.extract_strided_slice %get3A_550 {offsets = [4], sizes = [1], strides = [1]} : vector<16xi32> to vector<1xi32>
      %squeeze3A_1344 = vector.extract %slice3A_1343[0] : i32 from vector<1xi32>
      %shift_right_arithmetic3A_1345 = arith.constant 7 : i32
      %shift_right_arithmetic3A_1346 = arith.shrsi %squeeze3A_1344, %shift_right_arithmetic3A_1345 : i32
      %mul3A_1347 = arith.constant 128 : i32
      %mul3A_1348 = arith.muli %shift_right_arithmetic3A_1346, %mul3A_1347 : i32
      %multiple_of3A_1349 = tpu.assume_multiple %mul3A_1348, 128 : i32
      %dma_start3A_1350 = arith.constant 0 : i32
      %dma_start3A_1351 = tpu.memref_slice %arg6[%dma_start3A_1350, %multiple_of3A_1349] : memref<64x1000000xf32, #tpu.memory_space<hbm>> -> memref<64x128xf32, #tpu.memory_space<hbm>>
      %dma_start3A_1352 = arith.constant 0 : i32
      %dma_start3A_1353 = tpu.memref_slice %arg6[%dma_start3A_1352, %multiple_of3A_1349] : memref<64x1000000xf32, #tpu.memory_space<hbm>> -> memref<64x128xf32, #tpu.memory_space<hbm>>
      tpu.enqueue_dma source(%dma_start3A_1353 : memref<64x128xf32, #tpu.memory_space<hbm>>) target(%arg24 : memref<64x128xf32, #tpu.memory_space<vmem>>) target_semaphore(%arg29 : memref<!tpu.dma_semaphore, #tpu.memory_space<semaphore_mem>>)
      %sub3A_1354 = arith.subi %squeeze3A_1344, %multiple_of3A_1349 : i32
      %mul3A_1355 = arith.constant 16 : i32
      %mul3A_1356 = arith.muli %scan3A_528, %mul3A_1355 : i32
      %add3A_1357 = arith.constant 13 : i32
      %add3A_1358 = arith.addi %mul3A_1356, %add3A_1357 : i32
      %and3A_1359 = arith.constant 31 : i32
      %and3A_1360 = arith.andi %add3A_1358, %and3A_1359 : i32
      %mul3A_1361 = arith.constant 64 : i32
      %mul3A_1362 = arith.muli %and3A_1360, %mul3A_1361 : i32
      %dma_wait3A_1363 = arith.constant 0 : i32
      %dma_wait3A_1364 = arith.constant 0 : i32
      %dma_wait3A_1365 = tpu.memref_slice %arg5[%dma_wait3A_1363, %dma_wait3A_1364] : memref<64x1000000xf32, #tpu.memory_space<hbm>> -> memref<64x128xf32, #tpu.memory_space<hbm>>
      %dma_wait3A_1366 = arith.constant 0 : i32
      %dma_wait3A_1367 = arith.constant 0 : i32
      %dma_wait3A_1368 = tpu.memref_slice %arg5[%dma_wait3A_1366, %dma_wait3A_1367] : memref<64x1000000xf32, #tpu.memory_space<hbm>> -> memref<64x128xf32, #tpu.memory_space<hbm>>
      tpu.wait_dma2 semaphore(%arg28 : memref<!tpu.dma_semaphore, #tpu.memory_space<semaphore_mem>>) src(%dma_wait3A_1368 : memref<64x128xf32, #tpu.memory_space<hbm>>) dst(%arg25 : memref<64x128xf32, #tpu.memory_space<vmem>>)
      %broadcast_in_dim3A_1369 = vector.broadcast %sub3A_1025 : i32 to vector<16xi32>
      %gather3A_1370 = tpu.vector_load_idx %arg25[%add3A_5, %broadcast_in_dim3A_1369] : memref<64x128xf32, #tpu.memory_space<vmem>>[vector<16xi32>, vector<16xi32>], vector<16xf32>,
      %gather3A_1371 = tpu.vector_load_idx %arg25[%add3A_9, %broadcast_in_dim3A_1369] : memref<64x128xf32, #tpu.memory_space<vmem>>[vector<16xi32>, vector<16xi32>], vector<16xf32>,
      %gather3A_1372 = tpu.vector_load_idx %arg25[%add3A_13, %broadcast_in_dim3A_1369] : memref<64x128xf32, #tpu.memory_space<vmem>>[vector<16xi32>, vector<16xi32>], vector<16xf32>,
      %gather3A_1373 = tpu.vector_load_idx %arg25[%add3A_17, %broadcast_in_dim3A_1369] : memref<64x128xf32, #tpu.memory_space<vmem>>[vector<16xi32>, vector<16xi32>], vector<16xf32>,
      %add3A_1374 = arith.constant 0 : i32
      %add3A_1375 = arith.addi %mul3A_1362, %add3A_1374 : i32
      %swap3A_1376 = arith.index_cast %add3A_1375 : i32 to index
      %swap3A_1377 = tpu.vector_load %arg14[%swap3A_1376] {strides = array<i32>} : memref<2048xf32, #tpu.memory_space<vmem>>, vector<16xf32>,
      tpu.vector_store %arg14[%swap3A_1376], %gather3A_1370 {strides = array<i32>} : memref<2048xf32, #tpu.memory_space<vmem>>, vector<16xf32>,
      %add3A_1378 = arith.constant 16 : i32
      %add3A_1379 = arith.addi %mul3A_1362, %add3A_1378 : i32
      %swap3A_1380 = arith.index_cast %add3A_1379 : i32 to index
      %swap3A_1381 = tpu.vector_load %arg14[%swap3A_1380] {strides = array<i32>} : memref<2048xf32, #tpu.memory_space<vmem>>, vector<16xf32>,
      tpu.vector_store %arg14[%swap3A_1380], %gather3A_1371 {strides = array<i32>} : memref<2048xf32, #tpu.memory_space<vmem>>, vector<16xf32>,
      %add3A_1382 = arith.constant 32 : i32
      %add3A_1383 = arith.addi %mul3A_1362, %add3A_1382 : i32
      %swap3A_1384 = arith.index_cast %add3A_1383 : i32 to index
      %swap3A_1385 = tpu.vector_load %arg14[%swap3A_1384] {strides = array<i32>} : memref<2048xf32, #tpu.memory_space<vmem>>, vector<16xf32>,
      tpu.vector_store %arg14[%swap3A_1384], %gather3A_1372 {strides = array<i32>} : memref<2048xf32, #tpu.memory_space<vmem>>, vector<16xf32>,
      %add3A_1386 = arith.constant 48 : i32
      %add3A_1387 = arith.addi %mul3A_1362, %add3A_1386 : i32
      %swap3A_1388 = arith.index_cast %add3A_1387 : i32 to index
      %swap3A_1389 = tpu.vector_load %arg14[%swap3A_1388] {strides = array<i32>} : memref<2048xf32, #tpu.memory_space<vmem>>, vector<16xf32>,
      tpu.vector_store %arg14[%swap3A_1388], %gather3A_1373 {strides = array<i32>} : memref<2048xf32, #tpu.memory_space<vmem>>, vector<16xf32>,
      %slice3A_1390 = vector.extract_strided_slice %get3A_550 {offsets = [5], sizes = [1], strides = [1]} : vector<16xi32> to vector<1xi32>
      %squeeze3A_1391 = vector.extract %slice3A_1390[0] : i32 from vector<1xi32>
      %shift_right_arithmetic3A_1392 = arith.constant 7 : i32
      %shift_right_arithmetic3A_1393 = arith.shrsi %squeeze3A_1391, %shift_right_arithmetic3A_1392 : i32
      %mul3A_1394 = arith.constant 128 : i32
      %mul3A_1395 = arith.muli %shift_right_arithmetic3A_1393, %mul3A_1394 : i32
      %multiple_of3A_1396 = tpu.assume_multiple %mul3A_1395, 128 : i32
      %dma_start3A_1397 = arith.constant 0 : i32
      %dma_start3A_1398 = tpu.memref_slice %arg6[%dma_start3A_1397, %multiple_of3A_1396] : memref<64x1000000xf32, #tpu.memory_space<hbm>> -> memref<64x128xf32, #tpu.memory_space<hbm>>
      %dma_start3A_1399 = arith.constant 0 : i32
      %dma_start3A_1400 = tpu.memref_slice %arg6[%dma_start3A_1399, %multiple_of3A_1396] : memref<64x1000000xf32, #tpu.memory_space<hbm>> -> memref<64x128xf32, #tpu.memory_space<hbm>>
      tpu.enqueue_dma source(%dma_start3A_1400 : memref<64x128xf32, #tpu.memory_space<hbm>>) target(%arg25 : memref<64x128xf32, #tpu.memory_space<vmem>>) target_semaphore(%arg29 : memref<!tpu.dma_semaphore, #tpu.memory_space<semaphore_mem>>)
      %sub3A_1401 = arith.subi %squeeze3A_1391, %multiple_of3A_1396 : i32
      %mul3A_1402 = arith.constant 16 : i32
      %mul3A_1403 = arith.muli %scan3A_528, %mul3A_1402 : i32
      %add3A_1404 = arith.constant 14 : i32
      %add3A_1405 = arith.addi %mul3A_1403, %add3A_1404 : i32
      %and3A_1406 = arith.constant 31 : i32
      %and3A_1407 = arith.andi %add3A_1405, %and3A_1406 : i32
      %mul3A_1408 = arith.constant 64 : i32
      %mul3A_1409 = arith.muli %and3A_1407, %mul3A_1408 : i32
      %dma_wait3A_1410 = arith.constant 0 : i32
      %dma_wait3A_1411 = arith.constant 0 : i32
      %dma_wait3A_1412 = tpu.memref_slice %arg5[%dma_wait3A_1410, %dma_wait3A_1411] : memref<64x1000000xf32, #tpu.memory_space<hbm>> -> memref<64x128xf32, #tpu.memory_space<hbm>>
      %dma_wait3A_1413 = arith.constant 0 : i32
      %dma_wait3A_1414 = arith.constant 0 : i32
      %dma_wait3A_1415 = tpu.memref_slice %arg5[%dma_wait3A_1413, %dma_wait3A_1414] : memref<64x1000000xf32, #tpu.memory_space<hbm>> -> memref<64x128xf32, #tpu.memory_space<hbm>>
      tpu.wait_dma2 semaphore(%arg28 : memref<!tpu.dma_semaphore, #tpu.memory_space<semaphore_mem>>) src(%dma_wait3A_1415 : memref<64x128xf32, #tpu.memory_space<hbm>>) dst(%arg26 : memref<64x128xf32, #tpu.memory_space<vmem>>)
      %broadcast_in_dim3A_1416 = vector.broadcast %sub3A_1072 : i32 to vector<16xi32>
      %gather3A_1417 = tpu.vector_load_idx %arg26[%add3A_5, %broadcast_in_dim3A_1416] : memref<64x128xf32, #tpu.memory_space<vmem>>[vector<16xi32>, vector<16xi32>], vector<16xf32>,
      %gather3A_1418 = tpu.vector_load_idx %arg26[%add3A_9, %broadcast_in_dim3A_1416] : memref<64x128xf32, #tpu.memory_space<vmem>>[vector<16xi32>, vector<16xi32>], vector<16xf32>,
      %gather3A_1419 = tpu.vector_load_idx %arg26[%add3A_13, %broadcast_in_dim3A_1416] : memref<64x128xf32, #tpu.memory_space<vmem>>[vector<16xi32>, vector<16xi32>], vector<16xf32>,
      %gather3A_1420 = tpu.vector_load_idx %arg26[%add3A_17, %broadcast_in_dim3A_1416] : memref<64x128xf32, #tpu.memory_space<vmem>>[vector<16xi32>, vector<16xi32>], vector<16xf32>,
      %add3A_1421 = arith.constant 0 : i32
      %add3A_1422 = arith.addi %mul3A_1409, %add3A_1421 : i32
      %swap3A_1423 = arith.index_cast %add3A_1422 : i32 to index
      %swap3A_1424 = tpu.vector_load %arg14[%swap3A_1423] {strides = array<i32>} : memref<2048xf32, #tpu.memory_space<vmem>>, vector<16xf32>,
      tpu.vector_store %arg14[%swap3A_1423], %gather3A_1417 {strides = array<i32>} : memref<2048xf32, #tpu.memory_space<vmem>>, vector<16xf32>,
      %add3A_1425 = arith.constant 16 : i32
      %add3A_1426 = arith.addi %mul3A_1409, %add3A_1425 : i32
      %swap3A_1427 = arith.index_cast %add3A_1426 : i32 to index
      %swap3A_1428 = tpu.vector_load %arg14[%swap3A_1427] {strides = array<i32>} : memref<2048xf32, #tpu.memory_space<vmem>>, vector<16xf32>,
      tpu.vector_store %arg14[%swap3A_1427], %gather3A_1418 {strides = array<i32>} : memref<2048xf32, #tpu.memory_space<vmem>>, vector<16xf32>,
      %add3A_1429 = arith.constant 32 : i32
      %add3A_1430 = arith.addi %mul3A_1409, %add3A_1429 : i32
      %swap3A_1431 = arith.index_cast %add3A_1430 : i32 to index
      %swap3A_1432 = tpu.vector_load %arg14[%swap3A_1431] {strides = array<i32>} : memref<2048xf32, #tpu.memory_space<vmem>>, vector<16xf32>,
      tpu.vector_store %arg14[%swap3A_1431], %gather3A_1419 {strides = array<i32>} : memref<2048xf32, #tpu.memory_space<vmem>>, vector<16xf32>,
      %add3A_1433 = arith.constant 48 : i32
      %add3A_1434 = arith.addi %mul3A_1409, %add3A_1433 : i32
      %swap3A_1435 = arith.index_cast %add3A_1434 : i32 to index
      %swap3A_1436 = tpu.vector_load %arg14[%swap3A_1435] {strides = array<i32>} : memref<2048xf32, #tpu.memory_space<vmem>>, vector<16xf32>,
      tpu.vector_store %arg14[%swap3A_1435], %gather3A_1420 {strides = array<i32>} : memref<2048xf32, #tpu.memory_space<vmem>>, vector<16xf32>,
      %slice3A_1437 = vector.extract_strided_slice %get3A_550 {offsets = [6], sizes = [1], strides = [1]} : vector<16xi32> to vector<1xi32>
      %squeeze3A_1438 = vector.extract %slice3A_1437[0] : i32 from vector<1xi32>
      %shift_right_arithmetic3A_1439 = arith.constant 7 : i32
      %shift_right_arithmetic3A_1440 = arith.shrsi %squeeze3A_1438, %shift_right_arithmetic3A_1439 : i32
      %mul3A_1441 = arith.constant 128 : i32
      %mul3A_1442 = arith.muli %shift_right_arithmetic3A_1440, %mul3A_1441 : i32
      %multiple_of3A_1443 = tpu.assume_multiple %mul3A_1442, 128 : i32
      %dma_start3A_1444 = arith.constant 0 : i32
      %dma_start3A_1445 = tpu.memref_slice %arg6[%dma_start3A_1444, %multiple_of3A_1443] : memref<64x1000000xf32, #tpu.memory_space<hbm>> -> memref<64x128xf32, #tpu.memory_space<hbm>>
      %dma_start3A_1446 = arith.constant 0 : i32
      %dma_start3A_1447 = tpu.memref_slice %arg6[%dma_start3A_1446, %multiple_of3A_1443] : memref<64x1000000xf32, #tpu.memory_space<hbm>> -> memref<64x128xf32, #tpu.memory_space<hbm>>
      tpu.enqueue_dma source(%dma_start3A_1447 : memref<64x128xf32, #tpu.memory_space<hbm>>) target(%arg26 : memref<64x128xf32, #tpu.memory_space<vmem>>) target_semaphore(%arg29 : memref<!tpu.dma_semaphore, #tpu.memory_space<semaphore_mem>>)
      %sub3A_1448 = arith.subi %squeeze3A_1438, %multiple_of3A_1443 : i32
      %mul3A_1449 = arith.constant 16 : i32
      %mul3A_1450 = arith.muli %scan3A_528, %mul3A_1449 : i32
      %add3A_1451 = arith.constant 15 : i32
      %add3A_1452 = arith.addi %mul3A_1450, %add3A_1451 : i32
      %and3A_1453 = arith.constant 31 : i32
      %and3A_1454 = arith.andi %add3A_1452, %and3A_1453 : i32
      %mul3A_1455 = arith.constant 64 : i32
      %mul3A_1456 = arith.muli %and3A_1454, %mul3A_1455 : i32
      %dma_wait3A_1457 = arith.constant 0 : i32
      %dma_wait3A_1458 = arith.constant 0 : i32
      %dma_wait3A_1459 = tpu.memref_slice %arg5[%dma_wait3A_1457, %dma_wait3A_1458] : memref<64x1000000xf32, #tpu.memory_space<hbm>> -> memref<64x128xf32, #tpu.memory_space<hbm>>
      %dma_wait3A_1460 = arith.constant 0 : i32
      %dma_wait3A_1461 = arith.constant 0 : i32
      %dma_wait3A_1462 = tpu.memref_slice %arg5[%dma_wait3A_1460, %dma_wait3A_1461] : memref<64x1000000xf32, #tpu.memory_space<hbm>> -> memref<64x128xf32, #tpu.memory_space<hbm>>
      tpu.wait_dma2 semaphore(%arg28 : memref<!tpu.dma_semaphore, #tpu.memory_space<semaphore_mem>>) src(%dma_wait3A_1462 : memref<64x128xf32, #tpu.memory_space<hbm>>) dst(%arg27 : memref<64x128xf32, #tpu.memory_space<vmem>>)
      %broadcast_in_dim3A_1463 = vector.broadcast %sub3A_1119 : i32 to vector<16xi32>
      %gather3A_1464 = tpu.vector_load_idx %arg27[%add3A_5, %broadcast_in_dim3A_1463] : memref<64x128xf32, #tpu.memory_space<vmem>>[vector<16xi32>, vector<16xi32>], vector<16xf32>,
      %gather3A_1465 = tpu.vector_load_idx %arg27[%add3A_9, %broadcast_in_dim3A_1463] : memref<64x128xf32, #tpu.memory_space<vmem>>[vector<16xi32>, vector<16xi32>], vector<16xf32>,
      %gather3A_1466 = tpu.vector_load_idx %arg27[%add3A_13, %broadcast_in_dim3A_1463] : memref<64x128xf32, #tpu.memory_space<vmem>>[vector<16xi32>, vector<16xi32>], vector<16xf32>,
      %gather3A_1467 = tpu.vector_load_idx %arg27[%add3A_17, %broadcast_in_dim3A_1463] : memref<64x128xf32, #tpu.memory_space<vmem>>[vector<16xi32>, vector<16xi32>], vector<16xf32>,
      %add3A_1468 = arith.constant 0 : i32
      %add3A_1469 = arith.addi %mul3A_1456, %add3A_1468 : i32
      %swap3A_1470 = arith.index_cast %add3A_1469 : i32 to index
      %swap3A_1471 = tpu.vector_load %arg14[%swap3A_1470] {strides = array<i32>} : memref<2048xf32, #tpu.memory_space<vmem>>, vector<16xf32>,
      tpu.vector_store %arg14[%swap3A_1470], %gather3A_1464 {strides = array<i32>} : memref<2048xf32, #tpu.memory_space<vmem>>, vector<16xf32>,
      %add3A_1472 = arith.constant 16 : i32
      %add3A_1473 = arith.addi %mul3A_1456, %add3A_1472 : i32
      %swap3A_1474 = arith.index_cast %add3A_1473 : i32 to index
      %swap3A_1475 = tpu.vector_load %arg14[%swap3A_1474] {strides = array<i32>} : memref<2048xf32, #tpu.memory_space<vmem>>, vector<16xf32>,
      tpu.vector_store %arg14[%swap3A_1474], %gather3A_1465 {strides = array<i32>} : memref<2048xf32, #tpu.memory_space<vmem>>, vector<16xf32>,
      %add3A_1476 = arith.constant 32 : i32
      %add3A_1477 = arith.addi %mul3A_1456, %add3A_1476 : i32
      %swap3A_1478 = arith.index_cast %add3A_1477 : i32 to index
      %swap3A_1479 = tpu.vector_load %arg14[%swap3A_1478] {strides = array<i32>} : memref<2048xf32, #tpu.memory_space<vmem>>, vector<16xf32>,
      tpu.vector_store %arg14[%swap3A_1478], %gather3A_1466 {strides = array<i32>} : memref<2048xf32, #tpu.memory_space<vmem>>, vector<16xf32>,
      %add3A_1480 = arith.constant 48 : i32
      %add3A_1481 = arith.addi %mul3A_1456, %add3A_1480 : i32
      %swap3A_1482 = arith.index_cast %add3A_1481 : i32 to index
      %swap3A_1483 = tpu.vector_load %arg14[%swap3A_1482] {strides = array<i32>} : memref<2048xf32, #tpu.memory_space<vmem>>, vector<16xf32>,
      tpu.vector_store %arg14[%swap3A_1482], %gather3A_1467 {strides = array<i32>} : memref<2048xf32, #tpu.memory_space<vmem>>, vector<16xf32>,
      %and3A_1484 = arith.constant 1 : i32
      %and3A_1485 = arith.andi %scan3A_528, %and3A_1484 : i32
      %mul3A_1486 = arith.constant 16 : i32
      %mul3A_1487 = arith.muli %and3A_1485, %mul3A_1486 : i32
      %mul3A_1488 = arith.constant 64 : i32
      %mul3A_1489 = arith.muli %mul3A_1487, %mul3A_1488 : i32
      %mul3A_1490 = arith.constant 16 : i32
      %mul3A_1491 = arith.muli %scan3A_528, %mul3A_1490 : i32
      %add3A_1492 = arith.addi %mul3A_2, %mul3A_1491 : i32
      %mul3A_1493 = arith.constant 64 : i32
      %mul3A_1494 = arith.muli %add3A_1492, %mul3A_1493 : i32
      %dma_start3A_1495 = tpu.memref_slice %arg14[%mul3A_1489] : memref<2048xf32, #tpu.memory_space<vmem>> -> memref<1024xf32, #tpu.memory_space<vmem>>
      %dma_start3A_1496 = tpu.memref_slice %arg10[%mul3A_1494] : memref<1048576xf32, #tpu.memory_space<hbm>> -> memref<1024xf32, #tpu.memory_space<hbm>>
      %dma_start3A_1497 = tpu.memref_slice %arg10[%mul3A_1494] : memref<1048576xf32, #tpu.memory_space<hbm>> -> memref<1024xf32, #tpu.memory_space<hbm>>
      %dma_start3A_1498 = tpu.memref_slice %arg14[%mul3A_1489] : memref<2048xf32, #tpu.memory_space<vmem>> -> memref<1024xf32, #tpu.memory_space<vmem>>
      tpu.enqueue_dma source(%dma_start3A_1498 : memref<1024xf32, #tpu.memory_space<vmem>>) target(%dma_start3A_1497 : memref<1024xf32, #tpu.memory_space<hbm>>) target_semaphore(%arg30 : memref<!tpu.dma_semaphore, #tpu.memory_space<semaphore_mem>>)
      %slice3A_1499 = vector.extract_strided_slice %get3A_550 {offsets = [7], sizes = [1], strides = [1]} : vector<16xi32> to vector<1xi32>
      %squeeze3A_1500 = vector.extract %slice3A_1499[0] : i32 from vector<1xi32>
      %shift_right_arithmetic3A_1501 = arith.constant 7 : i32
      %shift_right_arithmetic3A_1502 = arith.shrsi %squeeze3A_1500, %shift_right_arithmetic3A_1501 : i32
      %mul3A_1503 = arith.constant 128 : i32
      %mul3A_1504 = arith.muli %shift_right_arithmetic3A_1502, %mul3A_1503 : i32
      %multiple_of3A_1505 = tpu.assume_multiple %mul3A_1504, 128 : i32
      %dma_start3A_1506 = arith.constant 0 : i32
      %dma_start3A_1507 = tpu.memref_slice %arg6[%dma_start3A_1506, %multiple_of3A_1505] : memref<64x1000000xf32, #tpu.memory_space<hbm>> -> memref<64x128xf32, #tpu.memory_space<hbm>>
      %dma_start3A_1508 = arith.constant 0 : i32
      %dma_start3A_1509 = tpu.memref_slice %arg6[%dma_start3A_1508, %multiple_of3A_1505] : memref<64x1000000xf32, #tpu.memory_space<hbm>> -> memref<64x128xf32, #tpu.memory_space<hbm>>
      tpu.enqueue_dma source(%dma_start3A_1509 : memref<64x128xf32, #tpu.memory_space<hbm>>) target(%arg27 : memref<64x128xf32, #tpu.memory_space<vmem>>) target_semaphore(%arg29 : memref<!tpu.dma_semaphore, #tpu.memory_space<semaphore_mem>>)
      %sub3A_1510 = arith.subi %squeeze3A_1500, %multiple_of3A_1505 : i32
      %mul3A_1511 = arith.constant 16 : i32
      %mul3A_1512 = arith.muli %scan3A_528, %mul3A_1511 : i32
      %add3A_1513 = arith.constant 0 : i32
      %add3A_1514 = arith.addi %mul3A_1512, %add3A_1513 : i32
      %dma_wait3A_1515 = arith.constant 0 : i32
      %dma_wait3A_1516 = arith.constant 0 : i32
      %dma_wait3A_1517 = tpu.memref_slice %arg5[%dma_wait3A_1515, %dma_wait3A_1516] : memref<64x1000000xf32, #tpu.memory_space<hbm>> -> memref<64x128xf32, #tpu.memory_space<hbm>>
      %dma_wait3A_1518 = arith.constant 0 : i32
      %dma_wait3A_1519 = arith.constant 0 : i32
      %dma_wait3A_1520 = tpu.memref_slice %arg5[%dma_wait3A_1518, %dma_wait3A_1519] : memref<64x1000000xf32, #tpu.memory_space<hbm>> -> memref<64x128xf32, #tpu.memory_space<hbm>>
      tpu.wait_dma2 semaphore(%arg29 : memref<!tpu.dma_semaphore, #tpu.memory_space<semaphore_mem>>) src(%dma_wait3A_1520 : memref<64x128xf32, #tpu.memory_space<hbm>>) dst(%arg20 : memref<64x128xf32, #tpu.memory_space<vmem>>)
      %broadcast_in_dim3A_1521 = vector.broadcast %sub3A_1166 : i32 to vector<16xi32>
      %gather3A_1522 = tpu.vector_load_idx %arg20[%add3A_5, %broadcast_in_dim3A_1521] : memref<64x128xf32, #tpu.memory_space<vmem>>[vector<16xi32>, vector<16xi32>], vector<16xf32>,
      %gather3A_1523 = tpu.vector_load_idx %arg20[%add3A_9, %broadcast_in_dim3A_1521] : memref<64x128xf32, #tpu.memory_space<vmem>>[vector<16xi32>, vector<16xi32>], vector<16xf32>,
      %gather3A_1524 = tpu.vector_load_idx %arg20[%add3A_13, %broadcast_in_dim3A_1521] : memref<64x128xf32, #tpu.memory_space<vmem>>[vector<16xi32>, vector<16xi32>], vector<16xf32>,
      %gather3A_1525 = tpu.vector_load_idx %arg20[%add3A_17, %broadcast_in_dim3A_1521] : memref<64x128xf32, #tpu.memory_space<vmem>>[vector<16xi32>, vector<16xi32>], vector<16xf32>,
      %and3A_1526 = arith.constant 31 : i32
      %and3A_1527 = arith.andi %add3A_1514, %and3A_1526 : i32
      %mul3A_1528 = arith.constant 64 : i32
      %mul3A_1529 = arith.muli %and3A_1527, %mul3A_1528 : i32
      %get3A_1530 = arith.index_cast %mul3A_1529 : i32 to index
      %get3A_1531 = tpu.vector_load %arg14[%get3A_1530] {strides = array<i32>} : memref<2048xf32, #tpu.memory_space<vmem>>, vector<16xf32>,
      %mul3A_1532 = arith.mulf %get3A_1531, %gather3A_1522 : vector<16xf32>
      %add3A_1533 = arith.constant 0 : i32
      %add3A_1534 = arith.addi %mul3A_1529, %add3A_1533 : i32
      %swap3A_1535 = arith.index_cast %add3A_1534 : i32 to index
      %swap3A_1536 = tpu.vector_load %arg15[%swap3A_1535] {strides = array<i32>} : memref<2048xf32, #tpu.memory_space<vmem>>, vector<16xf32>,
      tpu.vector_store %arg15[%swap3A_1535], %gather3A_1522 {strides = array<i32>} : memref<2048xf32, #tpu.memory_space<vmem>>, vector<16xf32>,
      %add3A_1537 = arith.constant 16 : i32
      %add3A_1538 = arith.addi %mul3A_1529, %add3A_1537 : i32
      %swap3A_1539 = arith.index_cast %add3A_1538 : i32 to index
      %swap3A_1540 = tpu.vector_load %arg15[%swap3A_1539] {strides = array<i32>} : memref<2048xf32, #tpu.memory_space<vmem>>, vector<16xf32>,
      tpu.vector_store %arg15[%swap3A_1539], %gather3A_1523 {strides = array<i32>} : memref<2048xf32, #tpu.memory_space<vmem>>, vector<16xf32>,
      %add3A_1541 = arith.constant 16 : i32
      %add3A_1542 = arith.addi %mul3A_1529, %add3A_1541 : i32
      %get3A_1543 = arith.index_cast %add3A_1542 : i32 to index
      %get3A_1544 = tpu.vector_load %arg14[%get3A_1543] {strides = array<i32>} : memref<2048xf32, #tpu.memory_space<vmem>>, vector<16xf32>,
      %mul3A_1545 = arith.mulf %get3A_1544, %gather3A_1523 : vector<16xf32>
      %add3A_1546 = arith.addf %mul3A_1532, %mul3A_1545 : vector<16xf32>
      %add3A_1547 = arith.constant 32 : i32
      %add3A_1548 = arith.addi %mul3A_1529, %add3A_1547 : i32
      %swap3A_1549 = arith.index_cast %add3A_1548 : i32 to index
      %swap3A_1550 = tpu.vector_load %arg15[%swap3A_1549] {strides = array<i32>} : memref<2048xf32, #tpu.memory_space<vmem>>, vector<16xf32>,
      tpu.vector_store %arg15[%swap3A_1549], %gather3A_1524 {strides = array<i32>} : memref<2048xf32, #tpu.memory_space<vmem>>, vector<16xf32>,
      %add3A_1551 = arith.constant 32 : i32
      %add3A_1552 = arith.addi %mul3A_1529, %add3A_1551 : i32
      %get3A_1553 = arith.index_cast %add3A_1552 : i32 to index
      %get3A_1554 = tpu.vector_load %arg14[%get3A_1553] {strides = array<i32>} : memref<2048xf32, #tpu.memory_space<vmem>>, vector<16xf32>,
      %mul3A_1555 = arith.mulf %get3A_1554, %gather3A_1524 : vector<16xf32>
      %add3A_1556 = arith.addf %add3A_1546, %mul3A_1555 : vector<16xf32>
      %add3A_1557 = arith.constant 48 : i32
      %add3A_1558 = arith.addi %mul3A_1529, %add3A_1557 : i32
      %swap3A_1559 = arith.index_cast %add3A_1558 : i32 to index
      %swap3A_1560 = tpu.vector_load %arg15[%swap3A_1559] {strides = array<i32>} : memref<2048xf32, #tpu.memory_space<vmem>>, vector<16xf32>,
      tpu.vector_store %arg15[%swap3A_1559], %gather3A_1525 {strides = array<i32>} : memref<2048xf32, #tpu.memory_space<vmem>>, vector<16xf32>,
      %add3A_1561 = arith.constant 48 : i32
      %add3A_1562 = arith.addi %mul3A_1529, %add3A_1561 : i32
      %get3A_1563 = arith.index_cast %add3A_1562 : i32 to index
      %get3A_1564 = tpu.vector_load %arg14[%get3A_1563] {strides = array<i32>} : memref<2048xf32, #tpu.memory_space<vmem>>, vector<16xf32>,
      %mul3A_1565 = arith.mulf %get3A_1564, %gather3A_1525 : vector<16xf32>
      %add3A_1566 = arith.addf %add3A_1556, %mul3A_1565 : vector<16xf32>
      %reduce_sum3A_1567 = arith.constant true
      %reduce_sum3A_1568 = vector.broadcast %reduce_sum3A_1567 : i1 to vector<16xi1>
      %reduce_sum3A_1569 = tpu.scan <sum>, %add3A_1566 masked %reduce_sum3A_1568 : vector<16xf32>, vector<16xi1> -> vector<16xf32>
      %reduce_sum3A_1570 = vector.extract %reduce_sum3A_1569[15] : f32 from vector<16xf32>
      %add3A_1571 = arith.addi %mul3A_2, %add3A_1514 : i32
      %mul3A_1572 = arith.constant 64 : i32
      %mul3A_1573 = arith.muli %add3A_1571, %mul3A_1572 : i32
      %dma_start3A_1574 = tpu.memref_slice %arg15[%mul3A_1529] : memref<2048xf32, #tpu.memory_space<vmem>> -> memref<64xf32, #tpu.memory_space<vmem>>
      %dma_start3A_1575 = tpu.memref_slice %arg11[%mul3A_1573] : memref<1048576xf32, #tpu.memory_space<hbm>> -> memref<64xf32, #tpu.memory_space<hbm>>
      %dma_start3A_1576 = tpu.memref_slice %arg11[%mul3A_1573] : memref<1048576xf32, #tpu.memory_space<hbm>> -> memref<64xf32, #tpu.memory_space<hbm>>
      %dma_start3A_1577 = tpu.memref_slice %arg15[%mul3A_1529] : memref<2048xf32, #tpu.memory_space<vmem>> -> memref<64xf32, #tpu.memory_space<vmem>>
      tpu.enqueue_dma source(%dma_start3A_1577 : memref<64xf32, #tpu.memory_space<vmem>>) target(%dma_start3A_1576 : memref<64xf32, #tpu.memory_space<hbm>>) target_semaphore(%arg30 : memref<!tpu.dma_semaphore, #tpu.memory_space<semaphore_mem>>)
      %eq3A_1578 = arith.constant 0 : i32
      %eq3A_1579 = vector.broadcast %eq3A_1578 : i32 to vector<16xi32>
      %eq3A_1580 = arith.cmpi eq, %iota3A_18, %eq3A_1579 : vector<16xi32>
      %broadcast_in_dim3A_1581 = vector.broadcast %reduce_sum3A_1570 : f32 to vector<16xf32>
      %select_n3A_1582 = arith.select %eq3A_1580, %broadcast_in_dim3A_1581, %cond3A_727 : vector<16xi1>, vector<16xf32>
      %slice3A_1583 = vector.extract_strided_slice %get3A_550 {offsets = [8], sizes = [1], strides = [1]} : vector<16xi32> to vector<1xi32>
      %squeeze3A_1584 = vector.extract %slice3A_1583[0] : i32 from vector<1xi32>
      %shift_right_arithmetic3A_1585 = arith.constant 7 : i32
      %shift_right_arithmetic3A_1586 = arith.shrsi %squeeze3A_1584, %shift_right_arithmetic3A_1585 : i32
      %mul3A_1587 = arith.constant 128 : i32
      %mul3A_1588 = arith.muli %shift_right_arithmetic3A_1586, %mul3A_1587 : i32
      %multiple_of3A_1589 = tpu.assume_multiple %mul3A_1588, 128 : i32
      %dma_start3A_1590 = arith.constant 0 : i32
      %dma_start3A_1591 = tpu.memref_slice %arg6[%dma_start3A_1590, %multiple_of3A_1589] : memref<64x1000000xf32, #tpu.memory_space<hbm>> -> memref<64x128xf32, #tpu.memory_space<hbm>>
      %dma_start3A_1592 = arith.constant 0 : i32
      %dma_start3A_1593 = tpu.memref_slice %arg6[%dma_start3A_1592, %multiple_of3A_1589] : memref<64x1000000xf32, #tpu.memory_space<hbm>> -> memref<64x128xf32, #tpu.memory_space<hbm>>
      tpu.enqueue_dma source(%dma_start3A_1593 : memref<64x128xf32, #tpu.memory_space<hbm>>) target(%arg20 : memref<64x128xf32, #tpu.memory_space<vmem>>) target_semaphore(%arg29 : memref<!tpu.dma_semaphore, #tpu.memory_space<semaphore_mem>>)
      %sub3A_1594 = arith.subi %squeeze3A_1584, %multiple_of3A_1589 : i32
      %mul3A_1595 = arith.constant 16 : i32
      %mul3A_1596 = arith.muli %scan3A_528, %mul3A_1595 : i32
      %add3A_1597 = arith.constant 1 : i32
      %add3A_1598 = arith.addi %mul3A_1596, %add3A_1597 : i32
      %dma_wait3A_1599 = arith.constant 0 : i32
      %dma_wait3A_1600 = arith.constant 0 : i32
      %dma_wait3A_1601 = tpu.memref_slice %arg5[%dma_wait3A_1599, %dma_wait3A_1600] : memref<64x1000000xf32, #tpu.memory_space<hbm>> -> memref<64x128xf32, #tpu.memory_space<hbm>>
      %dma_wait3A_1602 = arith.constant 0 : i32
      %dma_wait3A_1603 = arith.constant 0 : i32
      %dma_wait3A_1604 = tpu.memref_slice %arg5[%dma_wait3A_1602, %dma_wait3A_1603] : memref<64x1000000xf32, #tpu.memory_space<hbm>> -> memref<64x128xf32, #tpu.memory_space<hbm>>
      tpu.wait_dma2 semaphore(%arg29 : memref<!tpu.dma_semaphore, #tpu.memory_space<semaphore_mem>>) src(%dma_wait3A_1604 : memref<64x128xf32, #tpu.memory_space<hbm>>) dst(%arg21 : memref<64x128xf32, #tpu.memory_space<vmem>>)
      %broadcast_in_dim3A_1605 = vector.broadcast %sub3A_1213 : i32 to vector<16xi32>
      %gather3A_1606 = tpu.vector_load_idx %arg21[%add3A_5, %broadcast_in_dim3A_1605] : memref<64x128xf32, #tpu.memory_space<vmem>>[vector<16xi32>, vector<16xi32>], vector<16xf32>,
      %gather3A_1607 = tpu.vector_load_idx %arg21[%add3A_9, %broadcast_in_dim3A_1605] : memref<64x128xf32, #tpu.memory_space<vmem>>[vector<16xi32>, vector<16xi32>], vector<16xf32>,
      %gather3A_1608 = tpu.vector_load_idx %arg21[%add3A_13, %broadcast_in_dim3A_1605] : memref<64x128xf32, #tpu.memory_space<vmem>>[vector<16xi32>, vector<16xi32>], vector<16xf32>,
      %gather3A_1609 = tpu.vector_load_idx %arg21[%add3A_17, %broadcast_in_dim3A_1605] : memref<64x128xf32, #tpu.memory_space<vmem>>[vector<16xi32>, vector<16xi32>], vector<16xf32>,
      %and3A_1610 = arith.constant 31 : i32
      %and3A_1611 = arith.andi %add3A_1598, %and3A_1610 : i32
      %mul3A_1612 = arith.constant 64 : i32
      %mul3A_1613 = arith.muli %and3A_1611, %mul3A_1612 : i32
      %get3A_1614 = arith.index_cast %mul3A_1613 : i32 to index
      %get3A_1615 = tpu.vector_load %arg14[%get3A_1614] {strides = array<i32>} : memref<2048xf32, #tpu.memory_space<vmem>>, vector<16xf32>,
      %mul3A_1616 = arith.mulf %get3A_1615, %gather3A_1606 : vector<16xf32>
      %add3A_1617 = arith.constant 0 : i32
      %add3A_1618 = arith.addi %mul3A_1613, %add3A_1617 : i32
      %swap3A_1619 = arith.index_cast %add3A_1618 : i32 to index
      %swap3A_1620 = tpu.vector_load %arg15[%swap3A_1619] {strides = array<i32>} : memref<2048xf32, #tpu.memory_space<vmem>>, vector<16xf32>,
      tpu.vector_store %arg15[%swap3A_1619], %gather3A_1606 {strides = array<i32>} : memref<2048xf32, #tpu.memory_space<vmem>>, vector<16xf32>,
      %add3A_1621 = arith.constant 16 : i32
      %add3A_1622 = arith.addi %mul3A_1613, %add3A_1621 : i32
      %swap3A_1623 = arith.index_cast %add3A_1622 : i32 to index
      %swap3A_1624 = tpu.vector_load %arg15[%swap3A_1623] {strides = array<i32>} : memref<2048xf32, #tpu.memory_space<vmem>>, vector<16xf32>,
      tpu.vector_store %arg15[%swap3A_1623], %gather3A_1607 {strides = array<i32>} : memref<2048xf32, #tpu.memory_space<vmem>>, vector<16xf32>,
      %add3A_1625 = arith.constant 16 : i32
      %add3A_1626 = arith.addi %mul3A_1613, %add3A_1625 : i32
      %get3A_1627 = arith.index_cast %add3A_1626 : i32 to index
      %get3A_1628 = tpu.vector_load %arg14[%get3A_1627] {strides = array<i32>} : memref<2048xf32, #tpu.memory_space<vmem>>, vector<16xf32>,
      %mul3A_1629 = arith.mulf %get3A_1628, %gather3A_1607 : vector<16xf32>
      %add3A_1630 = arith.addf %mul3A_1616, %mul3A_1629 : vector<16xf32>
      %add3A_1631 = arith.constant 32 : i32
      %add3A_1632 = arith.addi %mul3A_1613, %add3A_1631 : i32
      %swap3A_1633 = arith.index_cast %add3A_1632 : i32 to index
      %swap3A_1634 = tpu.vector_load %arg15[%swap3A_1633] {strides = array<i32>} : memref<2048xf32, #tpu.memory_space<vmem>>, vector<16xf32>,
      tpu.vector_store %arg15[%swap3A_1633], %gather3A_1608 {strides = array<i32>} : memref<2048xf32, #tpu.memory_space<vmem>>, vector<16xf32>,
      %add3A_1635 = arith.constant 32 : i32
      %add3A_1636 = arith.addi %mul3A_1613, %add3A_1635 : i32
      %get3A_1637 = arith.index_cast %add3A_1636 : i32 to index
      %get3A_1638 = tpu.vector_load %arg14[%get3A_1637] {strides = array<i32>} : memref<2048xf32, #tpu.memory_space<vmem>>, vector<16xf32>,
      %mul3A_1639 = arith.mulf %get3A_1638, %gather3A_1608 : vector<16xf32>
      %add3A_1640 = arith.addf %add3A_1630, %mul3A_1639 : vector<16xf32>
      %add3A_1641 = arith.constant 48 : i32
      %add3A_1642 = arith.addi %mul3A_1613, %add3A_1641 : i32
      %swap3A_1643 = arith.index_cast %add3A_1642 : i32 to index
      %swap3A_1644 = tpu.vector_load %arg15[%swap3A_1643] {strides = array<i32>} : memref<2048xf32, #tpu.memory_space<vmem>>, vector<16xf32>,
      tpu.vector_store %arg15[%swap3A_1643], %gather3A_1609 {strides = array<i32>} : memref<2048xf32, #tpu.memory_space<vmem>>, vector<16xf32>,
      %add3A_1645 = arith.constant 48 : i32
      %add3A_1646 = arith.addi %mul3A_1613, %add3A_1645 : i32
      %get3A_1647 = arith.index_cast %add3A_1646 : i32 to index
      %get3A_1648 = tpu.vector_load %arg14[%get3A_1647] {strides = array<i32>} : memref<2048xf32, #tpu.memory_space<vmem>>, vector<16xf32>,
      %mul3A_1649 = arith.mulf %get3A_1648, %gather3A_1609 : vector<16xf32>
      %add3A_1650 = arith.addf %add3A_1640, %mul3A_1649 : vector<16xf32>
      %reduce_sum3A_1651 = arith.constant true
      %reduce_sum3A_1652 = vector.broadcast %reduce_sum3A_1651 : i1 to vector<16xi1>
      %reduce_sum3A_1653 = tpu.scan <sum>, %add3A_1650 masked %reduce_sum3A_1652 : vector<16xf32>, vector<16xi1> -> vector<16xf32>
      %reduce_sum3A_1654 = vector.extract %reduce_sum3A_1653[15] : f32 from vector<16xf32>
      %add3A_1655 = arith.addi %mul3A_2, %add3A_1598 : i32
      %mul3A_1656 = arith.constant 64 : i32
      %mul3A_1657 = arith.muli %add3A_1655, %mul3A_1656 : i32
      %dma_start3A_1658 = tpu.memref_slice %arg15[%mul3A_1613] : memref<2048xf32, #tpu.memory_space<vmem>> -> memref<64xf32, #tpu.memory_space<vmem>>
      %dma_start3A_1659 = tpu.memref_slice %arg11[%mul3A_1657] : memref<1048576xf32, #tpu.memory_space<hbm>> -> memref<64xf32, #tpu.memory_space<hbm>>
      %dma_start3A_1660 = tpu.memref_slice %arg11[%mul3A_1657] : memref<1048576xf32, #tpu.memory_space<hbm>> -> memref<64xf32, #tpu.memory_space<hbm>>
      %dma_start3A_1661 = tpu.memref_slice %arg15[%mul3A_1613] : memref<2048xf32, #tpu.memory_space<vmem>> -> memref<64xf32, #tpu.memory_space<vmem>>
      tpu.enqueue_dma source(%dma_start3A_1661 : memref<64xf32, #tpu.memory_space<vmem>>) target(%dma_start3A_1660 : memref<64xf32, #tpu.memory_space<hbm>>) target_semaphore(%arg30 : memref<!tpu.dma_semaphore, #tpu.memory_space<semaphore_mem>>)
      %eq3A_1662 = arith.constant 1 : i32
      %eq3A_1663 = vector.broadcast %eq3A_1662 : i32 to vector<16xi32>
      %eq3A_1664 = arith.cmpi eq, %iota3A_18, %eq3A_1663 : vector<16xi32>
      %broadcast_in_dim3A_1665 = vector.broadcast %reduce_sum3A_1654 : f32 to vector<16xf32>
      %select_n3A_1666 = arith.select %eq3A_1664, %broadcast_in_dim3A_1665, %select_n3A_1582 : vector<16xi1>, vector<16xf32>
      %slice3A_1667 = vector.extract_strided_slice %get3A_550 {offsets = [9], sizes = [1], strides = [1]} : vector<16xi32> to vector<1xi32>
      %squeeze3A_1668 = vector.extract %slice3A_1667[0] : i32 from vector<1xi32>
      %shift_right_arithmetic3A_1669 = arith.constant 7 : i32
      %shift_right_arithmetic3A_1670 = arith.shrsi %squeeze3A_1668, %shift_right_arithmetic3A_1669 : i32
      %mul3A_1671 = arith.constant 128 : i32
      %mul3A_1672 = arith.muli %shift_right_arithmetic3A_1670, %mul3A_1671 : i32
      %multiple_of3A_1673 = tpu.assume_multiple %mul3A_1672, 128 : i32
      %dma_start3A_1674 = arith.constant 0 : i32
      %dma_start3A_1675 = tpu.memref_slice %arg6[%dma_start3A_1674, %multiple_of3A_1673] : memref<64x1000000xf32, #tpu.memory_space<hbm>> -> memref<64x128xf32, #tpu.memory_space<hbm>>
      %dma_start3A_1676 = arith.constant 0 : i32
      %dma_start3A_1677 = tpu.memref_slice %arg6[%dma_start3A_1676, %multiple_of3A_1673] : memref<64x1000000xf32, #tpu.memory_space<hbm>> -> memref<64x128xf32, #tpu.memory_space<hbm>>
      tpu.enqueue_dma source(%dma_start3A_1677 : memref<64x128xf32, #tpu.memory_space<hbm>>) target(%arg21 : memref<64x128xf32, #tpu.memory_space<vmem>>) target_semaphore(%arg29 : memref<!tpu.dma_semaphore, #tpu.memory_space<semaphore_mem>>)
      %sub3A_1678 = arith.subi %squeeze3A_1668, %multiple_of3A_1673 : i32
      %mul3A_1679 = arith.constant 16 : i32
      %mul3A_1680 = arith.muli %scan3A_528, %mul3A_1679 : i32
      %add3A_1681 = arith.constant 2 : i32
      %add3A_1682 = arith.addi %mul3A_1680, %add3A_1681 : i32
      %dma_wait3A_1683 = arith.constant 0 : i32
      %dma_wait3A_1684 = arith.constant 0 : i32
      %dma_wait3A_1685 = tpu.memref_slice %arg5[%dma_wait3A_1683, %dma_wait3A_1684] : memref<64x1000000xf32, #tpu.memory_space<hbm>> -> memref<64x128xf32, #tpu.memory_space<hbm>>
      %dma_wait3A_1686 = arith.constant 0 : i32
      %dma_wait3A_1687 = arith.constant 0 : i32
      %dma_wait3A_1688 = tpu.memref_slice %arg5[%dma_wait3A_1686, %dma_wait3A_1687] : memref<64x1000000xf32, #tpu.memory_space<hbm>> -> memref<64x128xf32, #tpu.memory_space<hbm>>
      tpu.wait_dma2 semaphore(%arg29 : memref<!tpu.dma_semaphore, #tpu.memory_space<semaphore_mem>>) src(%dma_wait3A_1688 : memref<64x128xf32, #tpu.memory_space<hbm>>) dst(%arg22 : memref<64x128xf32, #tpu.memory_space<vmem>>)
      %broadcast_in_dim3A_1689 = vector.broadcast %sub3A_1260 : i32 to vector<16xi32>
      %gather3A_1690 = tpu.vector_load_idx %arg22[%add3A_5, %broadcast_in_dim3A_1689] : memref<64x128xf32, #tpu.memory_space<vmem>>[vector<16xi32>, vector<16xi32>], vector<16xf32>,
      %gather3A_1691 = tpu.vector_load_idx %arg22[%add3A_9, %broadcast_in_dim3A_1689] : memref<64x128xf32, #tpu.memory_space<vmem>>[vector<16xi32>, vector<16xi32>], vector<16xf32>,
      %gather3A_1692 = tpu.vector_load_idx %arg22[%add3A_13, %broadcast_in_dim3A_1689] : memref<64x128xf32, #tpu.memory_space<vmem>>[vector<16xi32>, vector<16xi32>], vector<16xf32>,
      %gather3A_1693 = tpu.vector_load_idx %arg22[%add3A_17, %broadcast_in_dim3A_1689] : memref<64x128xf32, #tpu.memory_space<vmem>>[vector<16xi32>, vector<16xi32>], vector<16xf32>,
      %and3A_1694 = arith.constant 31 : i32
      %and3A_1695 = arith.andi %add3A_1682, %and3A_1694 : i32
      %mul3A_1696 = arith.constant 64 : i32
      %mul3A_1697 = arith.muli %and3A_1695, %mul3A_1696 : i32
      %get3A_1698 = arith.index_cast %mul3A_1697 : i32 to index
      %get3A_1699 = tpu.vector_load %arg14[%get3A_1698] {strides = array<i32>} : memref<2048xf32, #tpu.memory_space<vmem>>, vector<16xf32>,
      %mul3A_1700 = arith.mulf %get3A_1699, %gather3A_1690 : vector<16xf32>
      %add3A_1701 = arith.constant 0 : i32
      %add3A_1702 = arith.addi %mul3A_1697, %add3A_1701 : i32
      %swap3A_1703 = arith.index_cast %add3A_1702 : i32 to index
      %swap3A_1704 = tpu.vector_load %arg15[%swap3A_1703] {strides = array<i32>} : memref<2048xf32, #tpu.memory_space<vmem>>, vector<16xf32>,
      tpu.vector_store %arg15[%swap3A_1703], %gather3A_1690 {strides = array<i32>} : memref<2048xf32, #tpu.memory_space<vmem>>, vector<16xf32>,
      %add3A_1705 = arith.constant 16 : i32
      %add3A_1706 = arith.addi %mul3A_1697, %add3A_1705 : i32
      %swap3A_1707 = arith.index_cast %add3A_1706 : i32 to index
      %swap3A_1708 = tpu.vector_load %arg15[%swap3A_1707] {strides = array<i32>} : memref<2048xf32, #tpu.memory_space<vmem>>, vector<16xf32>,
      tpu.vector_store %arg15[%swap3A_1707], %gather3A_1691 {strides = array<i32>} : memref<2048xf32, #tpu.memory_space<vmem>>, vector<16xf32>,
      %add3A_1709 = arith.constant 16 : i32
      %add3A_1710 = arith.addi %mul3A_1697, %add3A_1709 : i32
      %get3A_1711 = arith.index_cast %add3A_1710 : i32 to index
      %get3A_1712 = tpu.vector_load %arg14[%get3A_1711] {strides = array<i32>} : memref<2048xf32, #tpu.memory_space<vmem>>, vector<16xf32>,
      %mul3A_1713 = arith.mulf %get3A_1712, %gather3A_1691 : vector<16xf32>
      %add3A_1714 = arith.addf %mul3A_1700, %mul3A_1713 : vector<16xf32>
      %add3A_1715 = arith.constant 32 : i32
      %add3A_1716 = arith.addi %mul3A_1697, %add3A_1715 : i32
      %swap3A_1717 = arith.index_cast %add3A_1716 : i32 to index
      %swap3A_1718 = tpu.vector_load %arg15[%swap3A_1717] {strides = array<i32>} : memref<2048xf32, #tpu.memory_space<vmem>>, vector<16xf32>,
      tpu.vector_store %arg15[%swap3A_1717], %gather3A_1692 {strides = array<i32>} : memref<2048xf32, #tpu.memory_space<vmem>>, vector<16xf32>,
      %add3A_1719 = arith.constant 32 : i32
      %add3A_1720 = arith.addi %mul3A_1697, %add3A_1719 : i32
      %get3A_1721 = arith.index_cast %add3A_1720 : i32 to index
      %get3A_1722 = tpu.vector_load %arg14[%get3A_1721] {strides = array<i32>} : memref<2048xf32, #tpu.memory_space<vmem>>, vector<16xf32>,
      %mul3A_1723 = arith.mulf %get3A_1722, %gather3A_1692 : vector<16xf32>
      %add3A_1724 = arith.addf %add3A_1714, %mul3A_1723 : vector<16xf32>
      %add3A_1725 = arith.constant 48 : i32
      %add3A_1726 = arith.addi %mul3A_1697, %add3A_1725 : i32
      %swap3A_1727 = arith.index_cast %add3A_1726 : i32 to index
      %swap3A_1728 = tpu.vector_load %arg15[%swap3A_1727] {strides = array<i32>} : memref<2048xf32, #tpu.memory_space<vmem>>, vector<16xf32>,
      tpu.vector_store %arg15[%swap3A_1727], %gather3A_1693 {strides = array<i32>} : memref<2048xf32, #tpu.memory_space<vmem>>, vector<16xf32>,
      %add3A_1729 = arith.constant 48 : i32
      %add3A_1730 = arith.addi %mul3A_1697, %add3A_1729 : i32
      %get3A_1731 = arith.index_cast %add3A_1730 : i32 to index
      %get3A_1732 = tpu.vector_load %arg14[%get3A_1731] {strides = array<i32>} : memref<2048xf32, #tpu.memory_space<vmem>>, vector<16xf32>,
      %mul3A_1733 = arith.mulf %get3A_1732, %gather3A_1693 : vector<16xf32>
      %add3A_1734 = arith.addf %add3A_1724, %mul3A_1733 : vector<16xf32>
      %reduce_sum3A_1735 = arith.constant true
      %reduce_sum3A_1736 = vector.broadcast %reduce_sum3A_1735 : i1 to vector<16xi1>
      %reduce_sum3A_1737 = tpu.scan <sum>, %add3A_1734 masked %reduce_sum3A_1736 : vector<16xf32>, vector<16xi1> -> vector<16xf32>
      %reduce_sum3A_1738 = vector.extract %reduce_sum3A_1737[15] : f32 from vector<16xf32>
      %add3A_1739 = arith.addi %mul3A_2, %add3A_1682 : i32
      %mul3A_1740 = arith.constant 64 : i32
      %mul3A_1741 = arith.muli %add3A_1739, %mul3A_1740 : i32
      %dma_start3A_1742 = tpu.memref_slice %arg15[%mul3A_1697] : memref<2048xf32, #tpu.memory_space<vmem>> -> memref<64xf32, #tpu.memory_space<vmem>>
      %dma_start3A_1743 = tpu.memref_slice %arg11[%mul3A_1741] : memref<1048576xf32, #tpu.memory_space<hbm>> -> memref<64xf32, #tpu.memory_space<hbm>>
      %dma_start3A_1744 = tpu.memref_slice %arg11[%mul3A_1741] : memref<1048576xf32, #tpu.memory_space<hbm>> -> memref<64xf32, #tpu.memory_space<hbm>>
      %dma_start3A_1745 = tpu.memref_slice %arg15[%mul3A_1697] : memref<2048xf32, #tpu.memory_space<vmem>> -> memref<64xf32, #tpu.memory_space<vmem>>
      tpu.enqueue_dma source(%dma_start3A_1745 : memref<64xf32, #tpu.memory_space<vmem>>) target(%dma_start3A_1744 : memref<64xf32, #tpu.memory_space<hbm>>) target_semaphore(%arg30 : memref<!tpu.dma_semaphore, #tpu.memory_space<semaphore_mem>>)
      %eq3A_1746 = arith.constant 2 : i32
      %eq3A_1747 = vector.broadcast %eq3A_1746 : i32 to vector<16xi32>
      %eq3A_1748 = arith.cmpi eq, %iota3A_18, %eq3A_1747 : vector<16xi32>
      %broadcast_in_dim3A_1749 = vector.broadcast %reduce_sum3A_1738 : f32 to vector<16xf32>
      %select_n3A_1750 = arith.select %eq3A_1748, %broadcast_in_dim3A_1749, %select_n3A_1666 : vector<16xi1>, vector<16xf32>
      %slice3A_1751 = vector.extract_strided_slice %get3A_550 {offsets = [10], sizes = [1], strides = [1]} : vector<16xi32> to vector<1xi32>
      %squeeze3A_1752 = vector.extract %slice3A_1751[0] : i32 from vector<1xi32>
      %shift_right_arithmetic3A_1753 = arith.constant 7 : i32
      %shift_right_arithmetic3A_1754 = arith.shrsi %squeeze3A_1752, %shift_right_arithmetic3A_1753 : i32
      %mul3A_1755 = arith.constant 128 : i32
      %mul3A_1756 = arith.muli %shift_right_arithmetic3A_1754, %mul3A_1755 : i32
      %multiple_of3A_1757 = tpu.assume_multiple %mul3A_1756, 128 : i32
      %dma_start3A_1758 = arith.constant 0 : i32
      %dma_start3A_1759 = tpu.memref_slice %arg6[%dma_start3A_1758, %multiple_of3A_1757] : memref<64x1000000xf32, #tpu.memory_space<hbm>> -> memref<64x128xf32, #tpu.memory_space<hbm>>
      %dma_start3A_1760 = arith.constant 0 : i32
      %dma_start3A_1761 = tpu.memref_slice %arg6[%dma_start3A_1760, %multiple_of3A_1757] : memref<64x1000000xf32, #tpu.memory_space<hbm>> -> memref<64x128xf32, #tpu.memory_space<hbm>>
      tpu.enqueue_dma source(%dma_start3A_1761 : memref<64x128xf32, #tpu.memory_space<hbm>>) target(%arg22 : memref<64x128xf32, #tpu.memory_space<vmem>>) target_semaphore(%arg29 : memref<!tpu.dma_semaphore, #tpu.memory_space<semaphore_mem>>)
      %sub3A_1762 = arith.subi %squeeze3A_1752, %multiple_of3A_1757 : i32
      %mul3A_1763 = arith.constant 16 : i32
      %mul3A_1764 = arith.muli %scan3A_528, %mul3A_1763 : i32
      %add3A_1765 = arith.constant 3 : i32
      %add3A_1766 = arith.addi %mul3A_1764, %add3A_1765 : i32
      %dma_wait3A_1767 = arith.constant 0 : i32
      %dma_wait3A_1768 = arith.constant 0 : i32
      %dma_wait3A_1769 = tpu.memref_slice %arg5[%dma_wait3A_1767, %dma_wait3A_1768] : memref<64x1000000xf32, #tpu.memory_space<hbm>> -> memref<64x128xf32, #tpu.memory_space<hbm>>
      %dma_wait3A_1770 = arith.constant 0 : i32
      %dma_wait3A_1771 = arith.constant 0 : i32
      %dma_wait3A_1772 = tpu.memref_slice %arg5[%dma_wait3A_1770, %dma_wait3A_1771] : memref<64x1000000xf32, #tpu.memory_space<hbm>> -> memref<64x128xf32, #tpu.memory_space<hbm>>
      tpu.wait_dma2 semaphore(%arg29 : memref<!tpu.dma_semaphore, #tpu.memory_space<semaphore_mem>>) src(%dma_wait3A_1772 : memref<64x128xf32, #tpu.memory_space<hbm>>) dst(%arg23 : memref<64x128xf32, #tpu.memory_space<vmem>>)
      %broadcast_in_dim3A_1773 = vector.broadcast %sub3A_1307 : i32 to vector<16xi32>
      %gather3A_1774 = tpu.vector_load_idx %arg23[%add3A_5, %broadcast_in_dim3A_1773] : memref<64x128xf32, #tpu.memory_space<vmem>>[vector<16xi32>, vector<16xi32>], vector<16xf32>,
      %gather3A_1775 = tpu.vector_load_idx %arg23[%add3A_9, %broadcast_in_dim3A_1773] : memref<64x128xf32, #tpu.memory_space<vmem>>[vector<16xi32>, vector<16xi32>], vector<16xf32>,
      %gather3A_1776 = tpu.vector_load_idx %arg23[%add3A_13, %broadcast_in_dim3A_1773] : memref<64x128xf32, #tpu.memory_space<vmem>>[vector<16xi32>, vector<16xi32>], vector<16xf32>,
      %gather3A_1777 = tpu.vector_load_idx %arg23[%add3A_17, %broadcast_in_dim3A_1773] : memref<64x128xf32, #tpu.memory_space<vmem>>[vector<16xi32>, vector<16xi32>], vector<16xf32>,
      %and3A_1778 = arith.constant 31 : i32
      %and3A_1779 = arith.andi %add3A_1766, %and3A_1778 : i32
      %mul3A_1780 = arith.constant 64 : i32
      %mul3A_1781 = arith.muli %and3A_1779, %mul3A_1780 : i32
      %get3A_1782 = arith.index_cast %mul3A_1781 : i32 to index
      %get3A_1783 = tpu.vector_load %arg14[%get3A_1782] {strides = array<i32>} : memref<2048xf32, #tpu.memory_space<vmem>>, vector<16xf32>,
      %mul3A_1784 = arith.mulf %get3A_1783, %gather3A_1774 : vector<16xf32>
      %add3A_1785 = arith.constant 0 : i32
      %add3A_1786 = arith.addi %mul3A_1781, %add3A_1785 : i32
      %swap3A_1787 = arith.index_cast %add3A_1786 : i32 to index
      %swap3A_1788 = tpu.vector_load %arg15[%swap3A_1787] {strides = array<i32>} : memref<2048xf32, #tpu.memory_space<vmem>>, vector<16xf32>,
      tpu.vector_store %arg15[%swap3A_1787], %gather3A_1774 {strides = array<i32>} : memref<2048xf32, #tpu.memory_space<vmem>>, vector<16xf32>,
      %add3A_1789 = arith.constant 16 : i32
      %add3A_1790 = arith.addi %mul3A_1781, %add3A_1789 : i32
      %swap3A_1791 = arith.index_cast %add3A_1790 : i32 to index
      %swap3A_1792 = tpu.vector_load %arg15[%swap3A_1791] {strides = array<i32>} : memref<2048xf32, #tpu.memory_space<vmem>>, vector<16xf32>,
      tpu.vector_store %arg15[%swap3A_1791], %gather3A_1775 {strides = array<i32>} : memref<2048xf32, #tpu.memory_space<vmem>>, vector<16xf32>,
      %add3A_1793 = arith.constant 16 : i32
      %add3A_1794 = arith.addi %mul3A_1781, %add3A_1793 : i32
      %get3A_1795 = arith.index_cast %add3A_1794 : i32 to index
      %get3A_1796 = tpu.vector_load %arg14[%get3A_1795] {strides = array<i32>} : memref<2048xf32, #tpu.memory_space<vmem>>, vector<16xf32>,
      %mul3A_1797 = arith.mulf %get3A_1796, %gather3A_1775 : vector<16xf32>
      %add3A_1798 = arith.addf %mul3A_1784, %mul3A_1797 : vector<16xf32>
      %add3A_1799 = arith.constant 32 : i32
      %add3A_1800 = arith.addi %mul3A_1781, %add3A_1799 : i32
      %swap3A_1801 = arith.index_cast %add3A_1800 : i32 to index
      %swap3A_1802 = tpu.vector_load %arg15[%swap3A_1801] {strides = array<i32>} : memref<2048xf32, #tpu.memory_space<vmem>>, vector<16xf32>,
      tpu.vector_store %arg15[%swap3A_1801], %gather3A_1776 {strides = array<i32>} : memref<2048xf32, #tpu.memory_space<vmem>>, vector<16xf32>,
      %add3A_1803 = arith.constant 32 : i32
      %add3A_1804 = arith.addi %mul3A_1781, %add3A_1803 : i32
      %get3A_1805 = arith.index_cast %add3A_1804 : i32 to index
      %get3A_1806 = tpu.vector_load %arg14[%get3A_1805] {strides = array<i32>} : memref<2048xf32, #tpu.memory_space<vmem>>, vector<16xf32>,
      %mul3A_1807 = arith.mulf %get3A_1806, %gather3A_1776 : vector<16xf32>
      %add3A_1808 = arith.addf %add3A_1798, %mul3A_1807 : vector<16xf32>
      %add3A_1809 = arith.constant 48 : i32
      %add3A_1810 = arith.addi %mul3A_1781, %add3A_1809 : i32
      %swap3A_1811 = arith.index_cast %add3A_1810 : i32 to index
      %swap3A_1812 = tpu.vector_load %arg15[%swap3A_1811] {strides = array<i32>} : memref<2048xf32, #tpu.memory_space<vmem>>, vector<16xf32>,
      tpu.vector_store %arg15[%swap3A_1811], %gather3A_1777 {strides = array<i32>} : memref<2048xf32, #tpu.memory_space<vmem>>, vector<16xf32>,
      %add3A_1813 = arith.constant 48 : i32
      %add3A_1814 = arith.addi %mul3A_1781, %add3A_1813 : i32
      %get3A_1815 = arith.index_cast %add3A_1814 : i32 to index
      %get3A_1816 = tpu.vector_load %arg14[%get3A_1815] {strides = array<i32>} : memref<2048xf32, #tpu.memory_space<vmem>>, vector<16xf32>,
      %mul3A_1817 = arith.mulf %get3A_1816, %gather3A_1777 : vector<16xf32>
      %add3A_1818 = arith.addf %add3A_1808, %mul3A_1817 : vector<16xf32>
      %reduce_sum3A_1819 = arith.constant true
      %reduce_sum3A_1820 = vector.broadcast %reduce_sum3A_1819 : i1 to vector<16xi1>
      %reduce_sum3A_1821 = tpu.scan <sum>, %add3A_1818 masked %reduce_sum3A_1820 : vector<16xf32>, vector<16xi1> -> vector<16xf32>
      %reduce_sum3A_1822 = vector.extract %reduce_sum3A_1821[15] : f32 from vector<16xf32>
      %add3A_1823 = arith.addi %mul3A_2, %add3A_1766 : i32
      %mul3A_1824 = arith.constant 64 : i32
      %mul3A_1825 = arith.muli %add3A_1823, %mul3A_1824 : i32
      %dma_start3A_1826 = tpu.memref_slice %arg15[%mul3A_1781] : memref<2048xf32, #tpu.memory_space<vmem>> -> memref<64xf32, #tpu.memory_space<vmem>>
      %dma_start3A_1827 = tpu.memref_slice %arg11[%mul3A_1825] : memref<1048576xf32, #tpu.memory_space<hbm>> -> memref<64xf32, #tpu.memory_space<hbm>>
      %dma_start3A_1828 = tpu.memref_slice %arg11[%mul3A_1825] : memref<1048576xf32, #tpu.memory_space<hbm>> -> memref<64xf32, #tpu.memory_space<hbm>>
      %dma_start3A_1829 = tpu.memref_slice %arg15[%mul3A_1781] : memref<2048xf32, #tpu.memory_space<vmem>> -> memref<64xf32, #tpu.memory_space<vmem>>
      tpu.enqueue_dma source(%dma_start3A_1829 : memref<64xf32, #tpu.memory_space<vmem>>) target(%dma_start3A_1828 : memref<64xf32, #tpu.memory_space<hbm>>) target_semaphore(%arg30 : memref<!tpu.dma_semaphore, #tpu.memory_space<semaphore_mem>>)
      %eq3A_1830 = arith.constant 3 : i32
      %eq3A_1831 = vector.broadcast %eq3A_1830 : i32 to vector<16xi32>
      %eq3A_1832 = arith.cmpi eq, %iota3A_18, %eq3A_1831 : vector<16xi32>
      %broadcast_in_dim3A_1833 = vector.broadcast %reduce_sum3A_1822 : f32 to vector<16xf32>
      %select_n3A_1834 = arith.select %eq3A_1832, %broadcast_in_dim3A_1833, %select_n3A_1750 : vector<16xi1>, vector<16xf32>
      %slice3A_1835 = vector.extract_strided_slice %get3A_550 {offsets = [11], sizes = [1], strides = [1]} : vector<16xi32> to vector<1xi32>
      %squeeze3A_1836 = vector.extract %slice3A_1835[0] : i32 from vector<1xi32>
      %shift_right_arithmetic3A_1837 = arith.constant 7 : i32
      %shift_right_arithmetic3A_1838 = arith.shrsi %squeeze3A_1836, %shift_right_arithmetic3A_1837 : i32
      %mul3A_1839 = arith.constant 128 : i32
      %mul3A_1840 = arith.muli %shift_right_arithmetic3A_1838, %mul3A_1839 : i32
      %multiple_of3A_1841 = tpu.assume_multiple %mul3A_1840, 128 : i32
      %dma_start3A_1842 = arith.constant 0 : i32
      %dma_start3A_1843 = tpu.memref_slice %arg6[%dma_start3A_1842, %multiple_of3A_1841] : memref<64x1000000xf32, #tpu.memory_space<hbm>> -> memref<64x128xf32, #tpu.memory_space<hbm>>
      %dma_start3A_1844 = arith.constant 0 : i32
      %dma_start3A_1845 = tpu.memref_slice %arg6[%dma_start3A_1844, %multiple_of3A_1841] : memref<64x1000000xf32, #tpu.memory_space<hbm>> -> memref<64x128xf32, #tpu.memory_space<hbm>>
      tpu.enqueue_dma source(%dma_start3A_1845 : memref<64x128xf32, #tpu.memory_space<hbm>>) target(%arg23 : memref<64x128xf32, #tpu.memory_space<vmem>>) target_semaphore(%arg29 : memref<!tpu.dma_semaphore, #tpu.memory_space<semaphore_mem>>)
      %sub3A_1846 = arith.subi %squeeze3A_1836, %multiple_of3A_1841 : i32
      %mul3A_1847 = arith.constant 16 : i32
      %mul3A_1848 = arith.muli %scan3A_528, %mul3A_1847 : i32
      %add3A_1849 = arith.constant 4 : i32
      %add3A_1850 = arith.addi %mul3A_1848, %add3A_1849 : i32
      %dma_wait3A_1851 = arith.constant 0 : i32
      %dma_wait3A_1852 = arith.constant 0 : i32
      %dma_wait3A_1853 = tpu.memref_slice %arg5[%dma_wait3A_1851, %dma_wait3A_1852] : memref<64x1000000xf32, #tpu.memory_space<hbm>> -> memref<64x128xf32, #tpu.memory_space<hbm>>
      %dma_wait3A_1854 = arith.constant 0 : i32
      %dma_wait3A_1855 = arith.constant 0 : i32
      %dma_wait3A_1856 = tpu.memref_slice %arg5[%dma_wait3A_1854, %dma_wait3A_1855] : memref<64x1000000xf32, #tpu.memory_space<hbm>> -> memref<64x128xf32, #tpu.memory_space<hbm>>
      tpu.wait_dma2 semaphore(%arg29 : memref<!tpu.dma_semaphore, #tpu.memory_space<semaphore_mem>>) src(%dma_wait3A_1856 : memref<64x128xf32, #tpu.memory_space<hbm>>) dst(%arg24 : memref<64x128xf32, #tpu.memory_space<vmem>>)
      %broadcast_in_dim3A_1857 = vector.broadcast %sub3A_1354 : i32 to vector<16xi32>
      %gather3A_1858 = tpu.vector_load_idx %arg24[%add3A_5, %broadcast_in_dim3A_1857] : memref<64x128xf32, #tpu.memory_space<vmem>>[vector<16xi32>, vector<16xi32>], vector<16xf32>,
      %gather3A_1859 = tpu.vector_load_idx %arg24[%add3A_9, %broadcast_in_dim3A_1857] : memref<64x128xf32, #tpu.memory_space<vmem>>[vector<16xi32>, vector<16xi32>], vector<16xf32>,
      %gather3A_1860 = tpu.vector_load_idx %arg24[%add3A_13, %broadcast_in_dim3A_1857] : memref<64x128xf32, #tpu.memory_space<vmem>>[vector<16xi32>, vector<16xi32>], vector<16xf32>,
      %gather3A_1861 = tpu.vector_load_idx %arg24[%add3A_17, %broadcast_in_dim3A_1857] : memref<64x128xf32, #tpu.memory_space<vmem>>[vector<16xi32>, vector<16xi32>], vector<16xf32>,
      %and3A_1862 = arith.constant 31 : i32
      %and3A_1863 = arith.andi %add3A_1850, %and3A_1862 : i32
      %mul3A_1864 = arith.constant 64 : i32
      %mul3A_1865 = arith.muli %and3A_1863, %mul3A_1864 : i32
      %get3A_1866 = arith.index_cast %mul3A_1865 : i32 to index
      %get3A_1867 = tpu.vector_load %arg14[%get3A_1866] {strides = array<i32>} : memref<2048xf32, #tpu.memory_space<vmem>>, vector<16xf32>,
      %mul3A_1868 = arith.mulf %get3A_1867, %gather3A_1858 : vector<16xf32>
      %add3A_1869 = arith.constant 0 : i32
      %add3A_1870 = arith.addi %mul3A_1865, %add3A_1869 : i32
      %swap3A_1871 = arith.index_cast %add3A_1870 : i32 to index
      %swap3A_1872 = tpu.vector_load %arg15[%swap3A_1871] {strides = array<i32>} : memref<2048xf32, #tpu.memory_space<vmem>>, vector<16xf32>,
      tpu.vector_store %arg15[%swap3A_1871], %gather3A_1858 {strides = array<i32>} : memref<2048xf32, #tpu.memory_space<vmem>>, vector<16xf32>,
      %add3A_1873 = arith.constant 16 : i32
      %add3A_1874 = arith.addi %mul3A_1865, %add3A_1873 : i32
      %swap3A_1875 = arith.index_cast %add3A_1874 : i32 to index
      %swap3A_1876 = tpu.vector_load %arg15[%swap3A_1875] {strides = array<i32>} : memref<2048xf32, #tpu.memory_space<vmem>>, vector<16xf32>,
      tpu.vector_store %arg15[%swap3A_1875], %gather3A_1859 {strides = array<i32>} : memref<2048xf32, #tpu.memory_space<vmem>>, vector<16xf32>,
      %add3A_1877 = arith.constant 16 : i32
      %add3A_1878 = arith.addi %mul3A_1865, %add3A_1877 : i32
      %get3A_1879 = arith.index_cast %add3A_1878 : i32 to index
      %get3A_1880 = tpu.vector_load %arg14[%get3A_1879] {strides = array<i32>} : memref<2048xf32, #tpu.memory_space<vmem>>, vector<16xf32>,
      %mul3A_1881 = arith.mulf %get3A_1880, %gather3A_1859 : vector<16xf32>
      %add3A_1882 = arith.addf %mul3A_1868, %mul3A_1881 : vector<16xf32>
      %add3A_1883 = arith.constant 32 : i32
      %add3A_1884 = arith.addi %mul3A_1865, %add3A_1883 : i32
      %swap3A_1885 = arith.index_cast %add3A_1884 : i32 to index
      %swap3A_1886 = tpu.vector_load %arg15[%swap3A_1885] {strides = array<i32>} : memref<2048xf32, #tpu.memory_space<vmem>>, vector<16xf32>,
      tpu.vector_store %arg15[%swap3A_1885], %gather3A_1860 {strides = array<i32>} : memref<2048xf32, #tpu.memory_space<vmem>>, vector<16xf32>,
      %add3A_1887 = arith.constant 32 : i32
      %add3A_1888 = arith.addi %mul3A_1865, %add3A_1887 : i32
      %get3A_1889 = arith.index_cast %add3A_1888 : i32 to index
      %get3A_1890 = tpu.vector_load %arg14[%get3A_1889] {strides = array<i32>} : memref<2048xf32, #tpu.memory_space<vmem>>, vector<16xf32>,
      %mul3A_1891 = arith.mulf %get3A_1890, %gather3A_1860 : vector<16xf32>
      %add3A_1892 = arith.addf %add3A_1882, %mul3A_1891 : vector<16xf32>
      %add3A_1893 = arith.constant 48 : i32
      %add3A_1894 = arith.addi %mul3A_1865, %add3A_1893 : i32
      %swap3A_1895 = arith.index_cast %add3A_1894 : i32 to index
      %swap3A_1896 = tpu.vector_load %arg15[%swap3A_1895] {strides = array<i32>} : memref<2048xf32, #tpu.memory_space<vmem>>, vector<16xf32>,
      tpu.vector_store %arg15[%swap3A_1895], %gather3A_1861 {strides = array<i32>} : memref<2048xf32, #tpu.memory_space<vmem>>, vector<16xf32>,
      %add3A_1897 = arith.constant 48 : i32
      %add3A_1898 = arith.addi %mul3A_1865, %add3A_1897 : i32
      %get3A_1899 = arith.index_cast %add3A_1898 : i32 to index
      %get3A_1900 = tpu.vector_load %arg14[%get3A_1899] {strides = array<i32>} : memref<2048xf32, #tpu.memory_space<vmem>>, vector<16xf32>,
      %mul3A_1901 = arith.mulf %get3A_1900, %gather3A_1861 : vector<16xf32>
      %add3A_1902 = arith.addf %add3A_1892, %mul3A_1901 : vector<16xf32>
      %reduce_sum3A_1903 = arith.constant true
      %reduce_sum3A_1904 = vector.broadcast %reduce_sum3A_1903 : i1 to vector<16xi1>
      %reduce_sum3A_1905 = tpu.scan <sum>, %add3A_1902 masked %reduce_sum3A_1904 : vector<16xf32>, vector<16xi1> -> vector<16xf32>
      %reduce_sum3A_1906 = vector.extract %reduce_sum3A_1905[15] : f32 from vector<16xf32>
      %add3A_1907 = arith.addi %mul3A_2, %add3A_1850 : i32
      %mul3A_1908 = arith.constant 64 : i32
      %mul3A_1909 = arith.muli %add3A_1907, %mul3A_1908 : i32
      %dma_start3A_1910 = tpu.memref_slice %arg15[%mul3A_1865] : memref<2048xf32, #tpu.memory_space<vmem>> -> memref<64xf32, #tpu.memory_space<vmem>>
      %dma_start3A_1911 = tpu.memref_slice %arg11[%mul3A_1909] : memref<1048576xf32, #tpu.memory_space<hbm>> -> memref<64xf32, #tpu.memory_space<hbm>>
      %dma_start3A_1912 = tpu.memref_slice %arg11[%mul3A_1909] : memref<1048576xf32, #tpu.memory_space<hbm>> -> memref<64xf32, #tpu.memory_space<hbm>>
      %dma_start3A_1913 = tpu.memref_slice %arg15[%mul3A_1865] : memref<2048xf32, #tpu.memory_space<vmem>> -> memref<64xf32, #tpu.memory_space<vmem>>
      tpu.enqueue_dma source(%dma_start3A_1913 : memref<64xf32, #tpu.memory_space<vmem>>) target(%dma_start3A_1912 : memref<64xf32, #tpu.memory_space<hbm>>) target_semaphore(%arg30 : memref<!tpu.dma_semaphore, #tpu.memory_space<semaphore_mem>>)
      %eq3A_1914 = arith.constant 4 : i32
      %eq3A_1915 = vector.broadcast %eq3A_1914 : i32 to vector<16xi32>
      %eq3A_1916 = arith.cmpi eq, %iota3A_18, %eq3A_1915 : vector<16xi32>
      %broadcast_in_dim3A_1917 = vector.broadcast %reduce_sum3A_1906 : f32 to vector<16xf32>
      %select_n3A_1918 = arith.select %eq3A_1916, %broadcast_in_dim3A_1917, %select_n3A_1834 : vector<16xi1>, vector<16xf32>
      %slice3A_1919 = vector.extract_strided_slice %get3A_550 {offsets = [12], sizes = [1], strides = [1]} : vector<16xi32> to vector<1xi32>
      %squeeze3A_1920 = vector.extract %slice3A_1919[0] : i32 from vector<1xi32>
      %shift_right_arithmetic3A_1921 = arith.constant 7 : i32
      %shift_right_arithmetic3A_1922 = arith.shrsi %squeeze3A_1920, %shift_right_arithmetic3A_1921 : i32
      %mul3A_1923 = arith.constant 128 : i32
      %mul3A_1924 = arith.muli %shift_right_arithmetic3A_1922, %mul3A_1923 : i32
      %multiple_of3A_1925 = tpu.assume_multiple %mul3A_1924, 128 : i32
      %dma_start3A_1926 = arith.constant 0 : i32
      %dma_start3A_1927 = tpu.memref_slice %arg6[%dma_start3A_1926, %multiple_of3A_1925] : memref<64x1000000xf32, #tpu.memory_space<hbm>> -> memref<64x128xf32, #tpu.memory_space<hbm>>
      %dma_start3A_1928 = arith.constant 0 : i32
      %dma_start3A_1929 = tpu.memref_slice %arg6[%dma_start3A_1928, %multiple_of3A_1925] : memref<64x1000000xf32, #tpu.memory_space<hbm>> -> memref<64x128xf32, #tpu.memory_space<hbm>>
      tpu.enqueue_dma source(%dma_start3A_1929 : memref<64x128xf32, #tpu.memory_space<hbm>>) target(%arg24 : memref<64x128xf32, #tpu.memory_space<vmem>>) target_semaphore(%arg29 : memref<!tpu.dma_semaphore, #tpu.memory_space<semaphore_mem>>)
      %sub3A_1930 = arith.subi %squeeze3A_1920, %multiple_of3A_1925 : i32
      %mul3A_1931 = arith.constant 16 : i32
      %mul3A_1932 = arith.muli %scan3A_528, %mul3A_1931 : i32
      %add3A_1933 = arith.constant 5 : i32
      %add3A_1934 = arith.addi %mul3A_1932, %add3A_1933 : i32
      %dma_wait3A_1935 = arith.constant 0 : i32
      %dma_wait3A_1936 = arith.constant 0 : i32
      %dma_wait3A_1937 = tpu.memref_slice %arg5[%dma_wait3A_1935, %dma_wait3A_1936] : memref<64x1000000xf32, #tpu.memory_space<hbm>> -> memref<64x128xf32, #tpu.memory_space<hbm>>
      %dma_wait3A_1938 = arith.constant 0 : i32
      %dma_wait3A_1939 = arith.constant 0 : i32
      %dma_wait3A_1940 = tpu.memref_slice %arg5[%dma_wait3A_1938, %dma_wait3A_1939] : memref<64x1000000xf32, #tpu.memory_space<hbm>> -> memref<64x128xf32, #tpu.memory_space<hbm>>
      tpu.wait_dma2 semaphore(%arg29 : memref<!tpu.dma_semaphore, #tpu.memory_space<semaphore_mem>>) src(%dma_wait3A_1940 : memref<64x128xf32, #tpu.memory_space<hbm>>) dst(%arg25 : memref<64x128xf32, #tpu.memory_space<vmem>>)
      %broadcast_in_dim3A_1941 = vector.broadcast %sub3A_1401 : i32 to vector<16xi32>
      %gather3A_1942 = tpu.vector_load_idx %arg25[%add3A_5, %broadcast_in_dim3A_1941] : memref<64x128xf32, #tpu.memory_space<vmem>>[vector<16xi32>, vector<16xi32>], vector<16xf32>,
      %gather3A_1943 = tpu.vector_load_idx %arg25[%add3A_9, %broadcast_in_dim3A_1941] : memref<64x128xf32, #tpu.memory_space<vmem>>[vector<16xi32>, vector<16xi32>], vector<16xf32>,
      %gather3A_1944 = tpu.vector_load_idx %arg25[%add3A_13, %broadcast_in_dim3A_1941] : memref<64x128xf32, #tpu.memory_space<vmem>>[vector<16xi32>, vector<16xi32>], vector<16xf32>,
      %gather3A_1945 = tpu.vector_load_idx %arg25[%add3A_17, %broadcast_in_dim3A_1941] : memref<64x128xf32, #tpu.memory_space<vmem>>[vector<16xi32>, vector<16xi32>], vector<16xf32>,
      %and3A_1946 = arith.constant 31 : i32
      %and3A_1947 = arith.andi %add3A_1934, %and3A_1946 : i32
      %mul3A_1948 = arith.constant 64 : i32
      %mul3A_1949 = arith.muli %and3A_1947, %mul3A_1948 : i32
      %get3A_1950 = arith.index_cast %mul3A_1949 : i32 to index
      %get3A_1951 = tpu.vector_load %arg14[%get3A_1950] {strides = array<i32>} : memref<2048xf32, #tpu.memory_space<vmem>>, vector<16xf32>,
      %mul3A_1952 = arith.mulf %get3A_1951, %gather3A_1942 : vector<16xf32>
      %add3A_1953 = arith.constant 0 : i32
      %add3A_1954 = arith.addi %mul3A_1949, %add3A_1953 : i32
      %swap3A_1955 = arith.index_cast %add3A_1954 : i32 to index
      %swap3A_1956 = tpu.vector_load %arg15[%swap3A_1955] {strides = array<i32>} : memref<2048xf32, #tpu.memory_space<vmem>>, vector<16xf32>,
      tpu.vector_store %arg15[%swap3A_1955], %gather3A_1942 {strides = array<i32>} : memref<2048xf32, #tpu.memory_space<vmem>>, vector<16xf32>,
      %add3A_1957 = arith.constant 16 : i32
      %add3A_1958 = arith.addi %mul3A_1949, %add3A_1957 : i32
      %swap3A_1959 = arith.index_cast %add3A_1958 : i32 to index
      %swap3A_1960 = tpu.vector_load %arg15[%swap3A_1959] {strides = array<i32>} : memref<2048xf32, #tpu.memory_space<vmem>>, vector<16xf32>,
      tpu.vector_store %arg15[%swap3A_1959], %gather3A_1943 {strides = array<i32>} : memref<2048xf32, #tpu.memory_space<vmem>>, vector<16xf32>,
      %add3A_1961 = arith.constant 16 : i32
      %add3A_1962 = arith.addi %mul3A_1949, %add3A_1961 : i32
      %get3A_1963 = arith.index_cast %add3A_1962 : i32 to index
      %get3A_1964 = tpu.vector_load %arg14[%get3A_1963] {strides = array<i32>} : memref<2048xf32, #tpu.memory_space<vmem>>, vector<16xf32>,
      %mul3A_1965 = arith.mulf %get3A_1964, %gather3A_1943 : vector<16xf32>
      %add3A_1966 = arith.addf %mul3A_1952, %mul3A_1965 : vector<16xf32>
      %add3A_1967 = arith.constant 32 : i32
      %add3A_1968 = arith.addi %mul3A_1949, %add3A_1967 : i32
      %swap3A_1969 = arith.index_cast %add3A_1968 : i32 to index
      %swap3A_1970 = tpu.vector_load %arg15[%swap3A_1969] {strides = array<i32>} : memref<2048xf32, #tpu.memory_space<vmem>>, vector<16xf32>,
      tpu.vector_store %arg15[%swap3A_1969], %gather3A_1944 {strides = array<i32>} : memref<2048xf32, #tpu.memory_space<vmem>>, vector<16xf32>,
      %add3A_1971 = arith.constant 32 : i32
      %add3A_1972 = arith.addi %mul3A_1949, %add3A_1971 : i32
      %get3A_1973 = arith.index_cast %add3A_1972 : i32 to index
      %get3A_1974 = tpu.vector_load %arg14[%get3A_1973] {strides = array<i32>} : memref<2048xf32, #tpu.memory_space<vmem>>, vector<16xf32>,
      %mul3A_1975 = arith.mulf %get3A_1974, %gather3A_1944 : vector<16xf32>
      %add3A_1976 = arith.addf %add3A_1966, %mul3A_1975 : vector<16xf32>
      %add3A_1977 = arith.constant 48 : i32
      %add3A_1978 = arith.addi %mul3A_1949, %add3A_1977 : i32
      %swap3A_1979 = arith.index_cast %add3A_1978 : i32 to index
      %swap3A_1980 = tpu.vector_load %arg15[%swap3A_1979] {strides = array<i32>} : memref<2048xf32, #tpu.memory_space<vmem>>, vector<16xf32>,
      tpu.vector_store %arg15[%swap3A_1979], %gather3A_1945 {strides = array<i32>} : memref<2048xf32, #tpu.memory_space<vmem>>, vector<16xf32>,
      %add3A_1981 = arith.constant 48 : i32
      %add3A_1982 = arith.addi %mul3A_1949, %add3A_1981 : i32
      %get3A_1983 = arith.index_cast %add3A_1982 : i32 to index
      %get3A_1984 = tpu.vector_load %arg14[%get3A_1983] {strides = array<i32>} : memref<2048xf32, #tpu.memory_space<vmem>>, vector<16xf32>,
      %mul3A_1985 = arith.mulf %get3A_1984, %gather3A_1945 : vector<16xf32>
      %add3A_1986 = arith.addf %add3A_1976, %mul3A_1985 : vector<16xf32>
      %reduce_sum3A_1987 = arith.constant true
      %reduce_sum3A_1988 = vector.broadcast %reduce_sum3A_1987 : i1 to vector<16xi1>
      %reduce_sum3A_1989 = tpu.scan <sum>, %add3A_1986 masked %reduce_sum3A_1988 : vector<16xf32>, vector<16xi1> -> vector<16xf32>
      %reduce_sum3A_1990 = vector.extract %reduce_sum3A_1989[15] : f32 from vector<16xf32>
      %add3A_1991 = arith.addi %mul3A_2, %add3A_1934 : i32
      %mul3A_1992 = arith.constant 64 : i32
      %mul3A_1993 = arith.muli %add3A_1991, %mul3A_1992 : i32
      %dma_start3A_1994 = tpu.memref_slice %arg15[%mul3A_1949] : memref<2048xf32, #tpu.memory_space<vmem>> -> memref<64xf32, #tpu.memory_space<vmem>>
      %dma_start3A_1995 = tpu.memref_slice %arg11[%mul3A_1993] : memref<1048576xf32, #tpu.memory_space<hbm>> -> memref<64xf32, #tpu.memory_space<hbm>>
      %dma_start3A_1996 = tpu.memref_slice %arg11[%mul3A_1993] : memref<1048576xf32, #tpu.memory_space<hbm>> -> memref<64xf32, #tpu.memory_space<hbm>>
      %dma_start3A_1997 = tpu.memref_slice %arg15[%mul3A_1949] : memref<2048xf32, #tpu.memory_space<vmem>> -> memref<64xf32, #tpu.memory_space<vmem>>
      tpu.enqueue_dma source(%dma_start3A_1997 : memref<64xf32, #tpu.memory_space<vmem>>) target(%dma_start3A_1996 : memref<64xf32, #tpu.memory_space<hbm>>) target_semaphore(%arg30 : memref<!tpu.dma_semaphore, #tpu.memory_space<semaphore_mem>>)
      %eq3A_1998 = arith.constant 5 : i32
      %eq3A_1999 = vector.broadcast %eq3A_1998 : i32 to vector<16xi32>
      %eq3A_2000 = arith.cmpi eq, %iota3A_18, %eq3A_1999 : vector<16xi32>
      %broadcast_in_dim3A_2001 = vector.broadcast %reduce_sum3A_1990 : f32 to vector<16xf32>
      %select_n3A_2002 = arith.select %eq3A_2000, %broadcast_in_dim3A_2001, %select_n3A_1918 : vector<16xi1>, vector<16xf32>
      %slice3A_2003 = vector.extract_strided_slice %get3A_550 {offsets = [13], sizes = [1], strides = [1]} : vector<16xi32> to vector<1xi32>
      %squeeze3A_2004 = vector.extract %slice3A_2003[0] : i32 from vector<1xi32>
      %shift_right_arithmetic3A_2005 = arith.constant 7 : i32
      %shift_right_arithmetic3A_2006 = arith.shrsi %squeeze3A_2004, %shift_right_arithmetic3A_2005 : i32
      %mul3A_2007 = arith.constant 128 : i32
      %mul3A_2008 = arith.muli %shift_right_arithmetic3A_2006, %mul3A_2007 : i32
      %multiple_of3A_2009 = tpu.assume_multiple %mul3A_2008, 128 : i32
      %dma_start3A_2010 = arith.constant 0 : i32
      %dma_start3A_2011 = tpu.memref_slice %arg6[%dma_start3A_2010, %multiple_of3A_2009] : memref<64x1000000xf32, #tpu.memory_space<hbm>> -> memref<64x128xf32, #tpu.memory_space<hbm>>
      %dma_start3A_2012 = arith.constant 0 : i32
      %dma_start3A_2013 = tpu.memref_slice %arg6[%dma_start3A_2012, %multiple_of3A_2009] : memref<64x1000000xf32, #tpu.memory_space<hbm>> -> memref<64x128xf32, #tpu.memory_space<hbm>>
      tpu.enqueue_dma source(%dma_start3A_2013 : memref<64x128xf32, #tpu.memory_space<hbm>>) target(%arg25 : memref<64x128xf32, #tpu.memory_space<vmem>>) target_semaphore(%arg29 : memref<!tpu.dma_semaphore, #tpu.memory_space<semaphore_mem>>)
      %sub3A_2014 = arith.subi %squeeze3A_2004, %multiple_of3A_2009 : i32
      %mul3A_2015 = arith.constant 16 : i32
      %mul3A_2016 = arith.muli %scan3A_528, %mul3A_2015 : i32
      %add3A_2017 = arith.constant 6 : i32
      %add3A_2018 = arith.addi %mul3A_2016, %add3A_2017 : i32
      %dma_wait3A_2019 = arith.constant 0 : i32
      %dma_wait3A_2020 = arith.constant 0 : i32
      %dma_wait3A_2021 = tpu.memref_slice %arg5[%dma_wait3A_2019, %dma_wait3A_2020] : memref<64x1000000xf32, #tpu.memory_space<hbm>> -> memref<64x128xf32, #tpu.memory_space<hbm>>
      %dma_wait3A_2022 = arith.constant 0 : i32
      %dma_wait3A_2023 = arith.constant 0 : i32
      %dma_wait3A_2024 = tpu.memref_slice %arg5[%dma_wait3A_2022, %dma_wait3A_2023] : memref<64x1000000xf32, #tpu.memory_space<hbm>> -> memref<64x128xf32, #tpu.memory_space<hbm>>
      tpu.wait_dma2 semaphore(%arg29 : memref<!tpu.dma_semaphore, #tpu.memory_space<semaphore_mem>>) src(%dma_wait3A_2024 : memref<64x128xf32, #tpu.memory_space<hbm>>) dst(%arg26 : memref<64x128xf32, #tpu.memory_space<vmem>>)
      %broadcast_in_dim3A_2025 = vector.broadcast %sub3A_1448 : i32 to vector<16xi32>
      %gather3A_2026 = tpu.vector_load_idx %arg26[%add3A_5, %broadcast_in_dim3A_2025] : memref<64x128xf32, #tpu.memory_space<vmem>>[vector<16xi32>, vector<16xi32>], vector<16xf32>,
      %gather3A_2027 = tpu.vector_load_idx %arg26[%add3A_9, %broadcast_in_dim3A_2025] : memref<64x128xf32, #tpu.memory_space<vmem>>[vector<16xi32>, vector<16xi32>], vector<16xf32>,
      %gather3A_2028 = tpu.vector_load_idx %arg26[%add3A_13, %broadcast_in_dim3A_2025] : memref<64x128xf32, #tpu.memory_space<vmem>>[vector<16xi32>, vector<16xi32>], vector<16xf32>,
      %gather3A_2029 = tpu.vector_load_idx %arg26[%add3A_17, %broadcast_in_dim3A_2025] : memref<64x128xf32, #tpu.memory_space<vmem>>[vector<16xi32>, vector<16xi32>], vector<16xf32>,
      %and3A_2030 = arith.constant 31 : i32
      %and3A_2031 = arith.andi %add3A_2018, %and3A_2030 : i32
      %mul3A_2032 = arith.constant 64 : i32
      %mul3A_2033 = arith.muli %and3A_2031, %mul3A_2032 : i32
      %get3A_2034 = arith.index_cast %mul3A_2033 : i32 to index
      %get3A_2035 = tpu.vector_load %arg14[%get3A_2034] {strides = array<i32>} : memref<2048xf32, #tpu.memory_space<vmem>>, vector<16xf32>,
      %mul3A_2036 = arith.mulf %get3A_2035, %gather3A_2026 : vector<16xf32>
      %add3A_2037 = arith.constant 0 : i32
      %add3A_2038 = arith.addi %mul3A_2033, %add3A_2037 : i32
      %swap3A_2039 = arith.index_cast %add3A_2038 : i32 to index
      %swap3A_2040 = tpu.vector_load %arg15[%swap3A_2039] {strides = array<i32>} : memref<2048xf32, #tpu.memory_space<vmem>>, vector<16xf32>,
      tpu.vector_store %arg15[%swap3A_2039], %gather3A_2026 {strides = array<i32>} : memref<2048xf32, #tpu.memory_space<vmem>>, vector<16xf32>,
      %add3A_2041 = arith.constant 16 : i32
      %add3A_2042 = arith.addi %mul3A_2033, %add3A_2041 : i32
      %swap3A_2043 = arith.index_cast %add3A_2042 : i32 to index
      %swap3A_2044 = tpu.vector_load %arg15[%swap3A_2043] {strides = array<i32>} : memref<2048xf32, #tpu.memory_space<vmem>>, vector<16xf32>,
      tpu.vector_store %arg15[%swap3A_2043], %gather3A_2027 {strides = array<i32>} : memref<2048xf32, #tpu.memory_space<vmem>>, vector<16xf32>,
      %add3A_2045 = arith.constant 16 : i32
      %add3A_2046 = arith.addi %mul3A_2033, %add3A_2045 : i32
      %get3A_2047 = arith.index_cast %add3A_2046 : i32 to index
      %get3A_2048 = tpu.vector_load %arg14[%get3A_2047] {strides = array<i32>} : memref<2048xf32, #tpu.memory_space<vmem>>, vector<16xf32>,
      %mul3A_2049 = arith.mulf %get3A_2048, %gather3A_2027 : vector<16xf32>
      %add3A_2050 = arith.addf %mul3A_2036, %mul3A_2049 : vector<16xf32>
      %add3A_2051 = arith.constant 32 : i32
      %add3A_2052 = arith.addi %mul3A_2033, %add3A_2051 : i32
      %swap3A_2053 = arith.index_cast %add3A_2052 : i32 to index
      %swap3A_2054 = tpu.vector_load %arg15[%swap3A_2053] {strides = array<i32>} : memref<2048xf32, #tpu.memory_space<vmem>>, vector<16xf32>,
      tpu.vector_store %arg15[%swap3A_2053], %gather3A_2028 {strides = array<i32>} : memref<2048xf32, #tpu.memory_space<vmem>>, vector<16xf32>,
      %add3A_2055 = arith.constant 32 : i32
      %add3A_2056 = arith.addi %mul3A_2033, %add3A_2055 : i32
      %get3A_2057 = arith.index_cast %add3A_2056 : i32 to index
      %get3A_2058 = tpu.vector_load %arg14[%get3A_2057] {strides = array<i32>} : memref<2048xf32, #tpu.memory_space<vmem>>, vector<16xf32>,
      %mul3A_2059 = arith.mulf %get3A_2058, %gather3A_2028 : vector<16xf32>
      %add3A_2060 = arith.addf %add3A_2050, %mul3A_2059 : vector<16xf32>
      %add3A_2061 = arith.constant 48 : i32
      %add3A_2062 = arith.addi %mul3A_2033, %add3A_2061 : i32
      %swap3A_2063 = arith.index_cast %add3A_2062 : i32 to index
      %swap3A_2064 = tpu.vector_load %arg15[%swap3A_2063] {strides = array<i32>} : memref<2048xf32, #tpu.memory_space<vmem>>, vector<16xf32>,
      tpu.vector_store %arg15[%swap3A_2063], %gather3A_2029 {strides = array<i32>} : memref<2048xf32, #tpu.memory_space<vmem>>, vector<16xf32>,
      %add3A_2065 = arith.constant 48 : i32
      %add3A_2066 = arith.addi %mul3A_2033, %add3A_2065 : i32
      %get3A_2067 = arith.index_cast %add3A_2066 : i32 to index
      %get3A_2068 = tpu.vector_load %arg14[%get3A_2067] {strides = array<i32>} : memref<2048xf32, #tpu.memory_space<vmem>>, vector<16xf32>,
      %mul3A_2069 = arith.mulf %get3A_2068, %gather3A_2029 : vector<16xf32>
      %add3A_2070 = arith.addf %add3A_2060, %mul3A_2069 : vector<16xf32>
      %reduce_sum3A_2071 = arith.constant true
      %reduce_sum3A_2072 = vector.broadcast %reduce_sum3A_2071 : i1 to vector<16xi1>
      %reduce_sum3A_2073 = tpu.scan <sum>, %add3A_2070 masked %reduce_sum3A_2072 : vector<16xf32>, vector<16xi1> -> vector<16xf32>
      %reduce_sum3A_2074 = vector.extract %reduce_sum3A_2073[15] : f32 from vector<16xf32>
      %add3A_2075 = arith.addi %mul3A_2, %add3A_2018 : i32
      %mul3A_2076 = arith.constant 64 : i32
      %mul3A_2077 = arith.muli %add3A_2075, %mul3A_2076 : i32
      %dma_start3A_2078 = tpu.memref_slice %arg15[%mul3A_2033] : memref<2048xf32, #tpu.memory_space<vmem>> -> memref<64xf32, #tpu.memory_space<vmem>>
      %dma_start3A_2079 = tpu.memref_slice %arg11[%mul3A_2077] : memref<1048576xf32, #tpu.memory_space<hbm>> -> memref<64xf32, #tpu.memory_space<hbm>>
      %dma_start3A_2080 = tpu.memref_slice %arg11[%mul3A_2077] : memref<1048576xf32, #tpu.memory_space<hbm>> -> memref<64xf32, #tpu.memory_space<hbm>>
      %dma_start3A_2081 = tpu.memref_slice %arg15[%mul3A_2033] : memref<2048xf32, #tpu.memory_space<vmem>> -> memref<64xf32, #tpu.memory_space<vmem>>
      tpu.enqueue_dma source(%dma_start3A_2081 : memref<64xf32, #tpu.memory_space<vmem>>) target(%dma_start3A_2080 : memref<64xf32, #tpu.memory_space<hbm>>) target_semaphore(%arg30 : memref<!tpu.dma_semaphore, #tpu.memory_space<semaphore_mem>>)
      %eq3A_2082 = arith.constant 6 : i32
      %eq3A_2083 = vector.broadcast %eq3A_2082 : i32 to vector<16xi32>
      %eq3A_2084 = arith.cmpi eq, %iota3A_18, %eq3A_2083 : vector<16xi32>
      %broadcast_in_dim3A_2085 = vector.broadcast %reduce_sum3A_2074 : f32 to vector<16xf32>
      %select_n3A_2086 = arith.select %eq3A_2084, %broadcast_in_dim3A_2085, %select_n3A_2002 : vector<16xi1>, vector<16xf32>
      %slice3A_2087 = vector.extract_strided_slice %get3A_550 {offsets = [14], sizes = [1], strides = [1]} : vector<16xi32> to vector<1xi32>
      %squeeze3A_2088 = vector.extract %slice3A_2087[0] : i32 from vector<1xi32>
      %shift_right_arithmetic3A_2089 = arith.constant 7 : i32
      %shift_right_arithmetic3A_2090 = arith.shrsi %squeeze3A_2088, %shift_right_arithmetic3A_2089 : i32
      %mul3A_2091 = arith.constant 128 : i32
      %mul3A_2092 = arith.muli %shift_right_arithmetic3A_2090, %mul3A_2091 : i32
      %multiple_of3A_2093 = tpu.assume_multiple %mul3A_2092, 128 : i32
      %dma_start3A_2094 = arith.constant 0 : i32
      %dma_start3A_2095 = tpu.memref_slice %arg6[%dma_start3A_2094, %multiple_of3A_2093] : memref<64x1000000xf32, #tpu.memory_space<hbm>> -> memref<64x128xf32, #tpu.memory_space<hbm>>
      %dma_start3A_2096 = arith.constant 0 : i32
      %dma_start3A_2097 = tpu.memref_slice %arg6[%dma_start3A_2096, %multiple_of3A_2093] : memref<64x1000000xf32, #tpu.memory_space<hbm>> -> memref<64x128xf32, #tpu.memory_space<hbm>>
      tpu.enqueue_dma source(%dma_start3A_2097 : memref<64x128xf32, #tpu.memory_space<hbm>>) target(%arg26 : memref<64x128xf32, #tpu.memory_space<vmem>>) target_semaphore(%arg29 : memref<!tpu.dma_semaphore, #tpu.memory_space<semaphore_mem>>)
      %sub3A_2098 = arith.subi %squeeze3A_2088, %multiple_of3A_2093 : i32
      %mul3A_2099 = arith.constant 16 : i32
      %mul3A_2100 = arith.muli %scan3A_528, %mul3A_2099 : i32
      %add3A_2101 = arith.constant 7 : i32
      %add3A_2102 = arith.addi %mul3A_2100, %add3A_2101 : i32
      %dma_wait3A_2103 = arith.constant 0 : i32
      %dma_wait3A_2104 = arith.constant 0 : i32
      %dma_wait3A_2105 = tpu.memref_slice %arg5[%dma_wait3A_2103, %dma_wait3A_2104] : memref<64x1000000xf32, #tpu.memory_space<hbm>> -> memref<64x128xf32, #tpu.memory_space<hbm>>
      %dma_wait3A_2106 = arith.constant 0 : i32
      %dma_wait3A_2107 = arith.constant 0 : i32
      %dma_wait3A_2108 = tpu.memref_slice %arg5[%dma_wait3A_2106, %dma_wait3A_2107] : memref<64x1000000xf32, #tpu.memory_space<hbm>> -> memref<64x128xf32, #tpu.memory_space<hbm>>
      tpu.wait_dma2 semaphore(%arg29 : memref<!tpu.dma_semaphore, #tpu.memory_space<semaphore_mem>>) src(%dma_wait3A_2108 : memref<64x128xf32, #tpu.memory_space<hbm>>) dst(%arg27 : memref<64x128xf32, #tpu.memory_space<vmem>>)
      %broadcast_in_dim3A_2109 = vector.broadcast %sub3A_1510 : i32 to vector<16xi32>
      %gather3A_2110 = tpu.vector_load_idx %arg27[%add3A_5, %broadcast_in_dim3A_2109] : memref<64x128xf32, #tpu.memory_space<vmem>>[vector<16xi32>, vector<16xi32>], vector<16xf32>,
      %gather3A_2111 = tpu.vector_load_idx %arg27[%add3A_9, %broadcast_in_dim3A_2109] : memref<64x128xf32, #tpu.memory_space<vmem>>[vector<16xi32>, vector<16xi32>], vector<16xf32>,
      %gather3A_2112 = tpu.vector_load_idx %arg27[%add3A_13, %broadcast_in_dim3A_2109] : memref<64x128xf32, #tpu.memory_space<vmem>>[vector<16xi32>, vector<16xi32>], vector<16xf32>,
      %gather3A_2113 = tpu.vector_load_idx %arg27[%add3A_17, %broadcast_in_dim3A_2109] : memref<64x128xf32, #tpu.memory_space<vmem>>[vector<16xi32>, vector<16xi32>], vector<16xf32>,
      %and3A_2114 = arith.constant 31 : i32
      %and3A_2115 = arith.andi %add3A_2102, %and3A_2114 : i32
      %mul3A_2116 = arith.constant 64 : i32
      %mul3A_2117 = arith.muli %and3A_2115, %mul3A_2116 : i32
      %get3A_2118 = arith.index_cast %mul3A_2117 : i32 to index
      %get3A_2119 = tpu.vector_load %arg14[%get3A_2118] {strides = array<i32>} : memref<2048xf32, #tpu.memory_space<vmem>>, vector<16xf32>,
      %mul3A_2120 = arith.mulf %get3A_2119, %gather3A_2110 : vector<16xf32>
      %add3A_2121 = arith.constant 0 : i32
      %add3A_2122 = arith.addi %mul3A_2117, %add3A_2121 : i32
      %swap3A_2123 = arith.index_cast %add3A_2122 : i32 to index
      %swap3A_2124 = tpu.vector_load %arg15[%swap3A_2123] {strides = array<i32>} : memref<2048xf32, #tpu.memory_space<vmem>>, vector<16xf32>,
      tpu.vector_store %arg15[%swap3A_2123], %gather3A_2110 {strides = array<i32>} : memref<2048xf32, #tpu.memory_space<vmem>>, vector<16xf32>,
      %add3A_2125 = arith.constant 16 : i32
      %add3A_2126 = arith.addi %mul3A_2117, %add3A_2125 : i32
      %swap3A_2127 = arith.index_cast %add3A_2126 : i32 to index
      %swap3A_2128 = tpu.vector_load %arg15[%swap3A_2127] {strides = array<i32>} : memref<2048xf32, #tpu.memory_space<vmem>>, vector<16xf32>,
      tpu.vector_store %arg15[%swap3A_2127], %gather3A_2111 {strides = array<i32>} : memref<2048xf32, #tpu.memory_space<vmem>>, vector<16xf32>,
      %add3A_2129 = arith.constant 16 : i32
      %add3A_2130 = arith.addi %mul3A_2117, %add3A_2129 : i32
      %get3A_2131 = arith.index_cast %add3A_2130 : i32 to index
      %get3A_2132 = tpu.vector_load %arg14[%get3A_2131] {strides = array<i32>} : memref<2048xf32, #tpu.memory_space<vmem>>, vector<16xf32>,
      %mul3A_2133 = arith.mulf %get3A_2132, %gather3A_2111 : vector<16xf32>
      %add3A_2134 = arith.addf %mul3A_2120, %mul3A_2133 : vector<16xf32>
      %add3A_2135 = arith.constant 32 : i32
      %add3A_2136 = arith.addi %mul3A_2117, %add3A_2135 : i32
      %swap3A_2137 = arith.index_cast %add3A_2136 : i32 to index
      %swap3A_2138 = tpu.vector_load %arg15[%swap3A_2137] {strides = array<i32>} : memref<2048xf32, #tpu.memory_space<vmem>>, vector<16xf32>,
      tpu.vector_store %arg15[%swap3A_2137], %gather3A_2112 {strides = array<i32>} : memref<2048xf32, #tpu.memory_space<vmem>>, vector<16xf32>,
      %add3A_2139 = arith.constant 32 : i32
      %add3A_2140 = arith.addi %mul3A_2117, %add3A_2139 : i32
      %get3A_2141 = arith.index_cast %add3A_2140 : i32 to index
      %get3A_2142 = tpu.vector_load %arg14[%get3A_2141] {strides = array<i32>} : memref<2048xf32, #tpu.memory_space<vmem>>, vector<16xf32>,
      %mul3A_2143 = arith.mulf %get3A_2142, %gather3A_2112 : vector<16xf32>
      %add3A_2144 = arith.addf %add3A_2134, %mul3A_2143 : vector<16xf32>
      %add3A_2145 = arith.constant 48 : i32
      %add3A_2146 = arith.addi %mul3A_2117, %add3A_2145 : i32
      %swap3A_2147 = arith.index_cast %add3A_2146 : i32 to index
      %swap3A_2148 = tpu.vector_load %arg15[%swap3A_2147] {strides = array<i32>} : memref<2048xf32, #tpu.memory_space<vmem>>, vector<16xf32>,
      tpu.vector_store %arg15[%swap3A_2147], %gather3A_2113 {strides = array<i32>} : memref<2048xf32, #tpu.memory_space<vmem>>, vector<16xf32>,
      %add3A_2149 = arith.constant 48 : i32
      %add3A_2150 = arith.addi %mul3A_2117, %add3A_2149 : i32
      %get3A_2151 = arith.index_cast %add3A_2150 : i32 to index
      %get3A_2152 = tpu.vector_load %arg14[%get3A_2151] {strides = array<i32>} : memref<2048xf32, #tpu.memory_space<vmem>>, vector<16xf32>,
      %mul3A_2153 = arith.mulf %get3A_2152, %gather3A_2113 : vector<16xf32>
      %add3A_2154 = arith.addf %add3A_2144, %mul3A_2153 : vector<16xf32>
      %reduce_sum3A_2155 = arith.constant true
      %reduce_sum3A_2156 = vector.broadcast %reduce_sum3A_2155 : i1 to vector<16xi1>
      %reduce_sum3A_2157 = tpu.scan <sum>, %add3A_2154 masked %reduce_sum3A_2156 : vector<16xf32>, vector<16xi1> -> vector<16xf32>
      %reduce_sum3A_2158 = vector.extract %reduce_sum3A_2157[15] : f32 from vector<16xf32>
      %add3A_2159 = arith.addi %mul3A_2, %add3A_2102 : i32
      %mul3A_2160 = arith.constant 64 : i32
      %mul3A_2161 = arith.muli %add3A_2159, %mul3A_2160 : i32
      %dma_start3A_2162 = tpu.memref_slice %arg15[%mul3A_2117] : memref<2048xf32, #tpu.memory_space<vmem>> -> memref<64xf32, #tpu.memory_space<vmem>>
      %dma_start3A_2163 = tpu.memref_slice %arg11[%mul3A_2161] : memref<1048576xf32, #tpu.memory_space<hbm>> -> memref<64xf32, #tpu.memory_space<hbm>>
      %dma_start3A_2164 = tpu.memref_slice %arg11[%mul3A_2161] : memref<1048576xf32, #tpu.memory_space<hbm>> -> memref<64xf32, #tpu.memory_space<hbm>>
      %dma_start3A_2165 = tpu.memref_slice %arg15[%mul3A_2117] : memref<2048xf32, #tpu.memory_space<vmem>> -> memref<64xf32, #tpu.memory_space<vmem>>
      tpu.enqueue_dma source(%dma_start3A_2165 : memref<64xf32, #tpu.memory_space<vmem>>) target(%dma_start3A_2164 : memref<64xf32, #tpu.memory_space<hbm>>) target_semaphore(%arg30 : memref<!tpu.dma_semaphore, #tpu.memory_space<semaphore_mem>>)
      %eq3A_2166 = arith.constant 7 : i32
      %eq3A_2167 = vector.broadcast %eq3A_2166 : i32 to vector<16xi32>
      %eq3A_2168 = arith.cmpi eq, %iota3A_18, %eq3A_2167 : vector<16xi32>
      %broadcast_in_dim3A_2169 = vector.broadcast %reduce_sum3A_2158 : f32 to vector<16xf32>
      %select_n3A_2170 = arith.select %eq3A_2168, %broadcast_in_dim3A_2169, %select_n3A_2086 : vector<16xi1>, vector<16xf32>
      %slice3A_2171 = vector.extract_strided_slice %get3A_550 {offsets = [15], sizes = [1], strides = [1]} : vector<16xi32> to vector<1xi32>
      %squeeze3A_2172 = vector.extract %slice3A_2171[0] : i32 from vector<1xi32>
      %shift_right_arithmetic3A_2173 = arith.constant 7 : i32
      %shift_right_arithmetic3A_2174 = arith.shrsi %squeeze3A_2172, %shift_right_arithmetic3A_2173 : i32
      %mul3A_2175 = arith.constant 128 : i32
      %mul3A_2176 = arith.muli %shift_right_arithmetic3A_2174, %mul3A_2175 : i32
      %multiple_of3A_2177 = tpu.assume_multiple %mul3A_2176, 128 : i32
      %dma_start3A_2178 = arith.constant 0 : i32
      %dma_start3A_2179 = tpu.memref_slice %arg6[%dma_start3A_2178, %multiple_of3A_2177] : memref<64x1000000xf32, #tpu.memory_space<hbm>> -> memref<64x128xf32, #tpu.memory_space<hbm>>
      %dma_start3A_2180 = arith.constant 0 : i32
      %dma_start3A_2181 = tpu.memref_slice %arg6[%dma_start3A_2180, %multiple_of3A_2177] : memref<64x1000000xf32, #tpu.memory_space<hbm>> -> memref<64x128xf32, #tpu.memory_space<hbm>>
      tpu.enqueue_dma source(%dma_start3A_2181 : memref<64x128xf32, #tpu.memory_space<hbm>>) target(%arg27 : memref<64x128xf32, #tpu.memory_space<vmem>>) target_semaphore(%arg29 : memref<!tpu.dma_semaphore, #tpu.memory_space<semaphore_mem>>)
      %sub3A_2182 = arith.subi %squeeze3A_2172, %multiple_of3A_2177 : i32
      scf.yield %sub3A_1594, %sub3A_1678, %sub3A_1762, %sub3A_1846, %sub3A_1930, %sub3A_2014, %sub3A_2098, %sub3A_2182, %select_n3A_2170 : i32, i32, i32, i32, i32, i32, i32, i32, vector<16xf32>
    }
    %scan3A_32 = arith.constant 32 : i32
    %dma_wait3A = arith.constant 0 : i32
    %dma_wait3A_33 = arith.constant 0 : i32
    %dma_wait3A_34 = tpu.memref_slice %arg5[%dma_wait3A, %dma_wait3A_33] : memref<64x1000000xf32, #tpu.memory_space<hbm>> -> memref<64x128xf32, #tpu.memory_space<hbm>>
    %dma_wait3A_35 = arith.constant 0 : i32
    %dma_wait3A_36 = arith.constant 0 : i32
    %dma_wait3A_37 = tpu.memref_slice %arg5[%dma_wait3A_35, %dma_wait3A_36] : memref<64x1000000xf32, #tpu.memory_space<hbm>> -> memref<64x128xf32, #tpu.memory_space<hbm>>
    tpu.wait_dma2 semaphore(%arg29 : memref<!tpu.dma_semaphore, #tpu.memory_space<semaphore_mem>>) src(%dma_wait3A_37 : memref<64x128xf32, #tpu.memory_space<hbm>>) dst(%arg20 : memref<64x128xf32, #tpu.memory_space<vmem>>)
    %broadcast_in_dim3A_38 = vector.broadcast %scan3A_31#0 : i32 to vector<16xi32>
    %gather3A = tpu.vector_load_idx %arg20[%add3A_5, %broadcast_in_dim3A_38] : memref<64x128xf32, #tpu.memory_space<vmem>>[vector<16xi32>, vector<16xi32>], vector<16xf32>,
    %gather3A_39 = tpu.vector_load_idx %arg20[%add3A_9, %broadcast_in_dim3A_38] : memref<64x128xf32, #tpu.memory_space<vmem>>[vector<16xi32>, vector<16xi32>], vector<16xf32>,
    %gather3A_40 = tpu.vector_load_idx %arg20[%add3A_13, %broadcast_in_dim3A_38] : memref<64x128xf32, #tpu.memory_space<vmem>>[vector<16xi32>, vector<16xi32>], vector<16xf32>,
    %gather3A_41 = tpu.vector_load_idx %arg20[%add3A_17, %broadcast_in_dim3A_38] : memref<64x128xf32, #tpu.memory_space<vmem>>[vector<16xi32>, vector<16xi32>], vector<16xf32>,
    %get3A = arith.constant 1536 : index
    %get3A_42 = tpu.vector_load %arg14[%get3A] {strides = array<i32>} : memref<2048xf32, #tpu.memory_space<vmem>>, vector<16xf32>,
    %mul3A_43 = arith.mulf %get3A_42, %gather3A : vector<16xf32>
    %swap3A = arith.constant 1536 : index
    %swap3A_44 = tpu.vector_load %arg15[%swap3A] {strides = array<i32>} : memref<2048xf32, #tpu.memory_space<vmem>>, vector<16xf32>,
    tpu.vector_store %arg15[%swap3A], %gather3A {strides = array<i32>} : memref<2048xf32, #tpu.memory_space<vmem>>, vector<16xf32>,
    %swap3A_45 = arith.constant 1552 : index
    %swap3A_46 = tpu.vector_load %arg15[%swap3A_45] {strides = array<i32>} : memref<2048xf32, #tpu.memory_space<vmem>>, vector<16xf32>,
    tpu.vector_store %arg15[%swap3A_45], %gather3A_39 {strides = array<i32>} : memref<2048xf32, #tpu.memory_space<vmem>>, vector<16xf32>,
    %get3A_47 = arith.constant 1552 : index
    %get3A_48 = tpu.vector_load %arg14[%get3A_47] {strides = array<i32>} : memref<2048xf32, #tpu.memory_space<vmem>>, vector<16xf32>,
    %mul3A_49 = arith.mulf %get3A_48, %gather3A_39 : vector<16xf32>
    %add3A_50 = arith.addf %mul3A_43, %mul3A_49 : vector<16xf32>
    %swap3A_51 = arith.constant 1568 : index
    %swap3A_52 = tpu.vector_load %arg15[%swap3A_51] {strides = array<i32>} : memref<2048xf32, #tpu.memory_space<vmem>>, vector<16xf32>,
    tpu.vector_store %arg15[%swap3A_51], %gather3A_40 {strides = array<i32>} : memref<2048xf32, #tpu.memory_space<vmem>>, vector<16xf32>,
    %get3A_53 = arith.constant 1568 : index
    %get3A_54 = tpu.vector_load %arg14[%get3A_53] {strides = array<i32>} : memref<2048xf32, #tpu.memory_space<vmem>>, vector<16xf32>,
    %mul3A_55 = arith.mulf %get3A_54, %gather3A_40 : vector<16xf32>
    %add3A_56 = arith.addf %add3A_50, %mul3A_55 : vector<16xf32>
    %swap3A_57 = arith.constant 1584 : index
    %swap3A_58 = tpu.vector_load %arg15[%swap3A_57] {strides = array<i32>} : memref<2048xf32, #tpu.memory_space<vmem>>, vector<16xf32>,
    tpu.vector_store %arg15[%swap3A_57], %gather3A_41 {strides = array<i32>} : memref<2048xf32, #tpu.memory_space<vmem>>, vector<16xf32>,
    %get3A_59 = arith.constant 1584 : index
    %get3A_60 = tpu.vector_load %arg14[%get3A_59] {strides = array<i32>} : memref<2048xf32, #tpu.memory_space<vmem>>, vector<16xf32>,
    %mul3A_61 = arith.mulf %get3A_60, %gather3A_41 : vector<16xf32>
    %add3A_62 = arith.addf %add3A_56, %mul3A_61 : vector<16xf32>
    %reduce_sum3A = arith.constant true
    %reduce_sum3A_63 = vector.broadcast %reduce_sum3A : i1 to vector<16xi1>
    %reduce_sum3A_64 = tpu.scan <sum>, %add3A_62 masked %reduce_sum3A_63 : vector<16xf32>, vector<16xi1> -> vector<16xf32>
    %reduce_sum3A_65 = vector.extract %reduce_sum3A_64[15] : f32 from vector<16xf32>
    %add3A_66 = arith.constant 504 : i32
    %add3A_67 = arith.addi %mul3A_2, %add3A_66 : i32
    %mul3A_68 = arith.constant 64 : i32
    %mul3A_69 = arith.muli %add3A_67, %mul3A_68 : i32
    %dma_start3A = arith.constant 1536 : i32
    %dma_start3A_70 = tpu.memref_slice %arg15[%dma_start3A] : memref<2048xf32, #tpu.memory_space<vmem>> -> memref<64xf32, #tpu.memory_space<vmem>>
    %dma_start3A_71 = tpu.memref_slice %arg11[%mul3A_69] : memref<1048576xf32, #tpu.memory_space<hbm>> -> memref<64xf32, #tpu.memory_space<hbm>>
    %dma_start3A_72 = tpu.memref_slice %arg11[%mul3A_69] : memref<1048576xf32, #tpu.memory_space<hbm>> -> memref<64xf32, #tpu.memory_space<hbm>>
    %dma_start3A_73 = arith.constant 1536 : i32
    %dma_start3A_74 = tpu.memref_slice %arg15[%dma_start3A_73] : memref<2048xf32, #tpu.memory_space<vmem>> -> memref<64xf32, #tpu.memory_space<vmem>>
    tpu.enqueue_dma source(%dma_start3A_74 : memref<64xf32, #tpu.memory_space<vmem>>) target(%dma_start3A_72 : memref<64xf32, #tpu.memory_space<hbm>>) target_semaphore(%arg30 : memref<!tpu.dma_semaphore, #tpu.memory_space<semaphore_mem>>)
    %eq3A = arith.constant 8 : i32
    %eq3A_75 = vector.broadcast %eq3A : i32 to vector<16xi32>
    %eq3A_76 = arith.cmpi eq, %iota3A_18, %eq3A_75 : vector<16xi32>
    %broadcast_in_dim3A_77 = vector.broadcast %reduce_sum3A_65 : f32 to vector<16xf32>
    %select_n3A = arith.select %eq3A_76, %broadcast_in_dim3A_77, %scan3A_31#8 : vector<16xi1>, vector<16xf32>
    %dma_wait3A_78 = arith.constant 0 : i32
    %dma_wait3A_79 = arith.constant 0 : i32
    %dma_wait3A_80 = tpu.memref_slice %arg5[%dma_wait3A_78, %dma_wait3A_79] : memref<64x1000000xf32, #tpu.memory_space<hbm>> -> memref<64x128xf32, #tpu.memory_space<hbm>>
    %dma_wait3A_81 = arith.constant 0 : i32
    %dma_wait3A_82 = arith.constant 0 : i32
    %dma_wait3A_83 = tpu.memref_slice %arg5[%dma_wait3A_81, %dma_wait3A_82] : memref<64x1000000xf32, #tpu.memory_space<hbm>> -> memref<64x128xf32, #tpu.memory_space<hbm>>
    tpu.wait_dma2 semaphore(%arg29 : memref<!tpu.dma_semaphore, #tpu.memory_space<semaphore_mem>>) src(%dma_wait3A_83 : memref<64x128xf32, #tpu.memory_space<hbm>>) dst(%arg21 : memref<64x128xf32, #tpu.memory_space<vmem>>)
    %broadcast_in_dim3A_84 = vector.broadcast %scan3A_31#1 : i32 to vector<16xi32>
    %gather3A_85 = tpu.vector_load_idx %arg21[%add3A_5, %broadcast_in_dim3A_84] : memref<64x128xf32, #tpu.memory_space<vmem>>[vector<16xi32>, vector<16xi32>], vector<16xf32>,
    %gather3A_86 = tpu.vector_load_idx %arg21[%add3A_9, %broadcast_in_dim3A_84] : memref<64x128xf32, #tpu.memory_space<vmem>>[vector<16xi32>, vector<16xi32>], vector<16xf32>,
    %gather3A_87 = tpu.vector_load_idx %arg21[%add3A_13, %broadcast_in_dim3A_84] : memref<64x128xf32, #tpu.memory_space<vmem>>[vector<16xi32>, vector<16xi32>], vector<16xf32>,
    %gather3A_88 = tpu.vector_load_idx %arg21[%add3A_17, %broadcast_in_dim3A_84] : memref<64x128xf32, #tpu.memory_space<vmem>>[vector<16xi32>, vector<16xi32>], vector<16xf32>,
    %get3A_89 = arith.constant 1600 : index
    %get3A_90 = tpu.vector_load %arg14[%get3A_89] {strides = array<i32>} : memref<2048xf32, #tpu.memory_space<vmem>>, vector<16xf32>,
    %mul3A_91 = arith.mulf %get3A_90, %gather3A_85 : vector<16xf32>
    %swap3A_92 = arith.constant 1600 : index
    %swap3A_93 = tpu.vector_load %arg15[%swap3A_92] {strides = array<i32>} : memref<2048xf32, #tpu.memory_space<vmem>>, vector<16xf32>,
    tpu.vector_store %arg15[%swap3A_92], %gather3A_85 {strides = array<i32>} : memref<2048xf32, #tpu.memory_space<vmem>>, vector<16xf32>,
    %swap3A_94 = arith.constant 1616 : index
    %swap3A_95 = tpu.vector_load %arg15[%swap3A_94] {strides = array<i32>} : memref<2048xf32, #tpu.memory_space<vmem>>, vector<16xf32>,
    tpu.vector_store %arg15[%swap3A_94], %gather3A_86 {strides = array<i32>} : memref<2048xf32, #tpu.memory_space<vmem>>, vector<16xf32>,
    %get3A_96 = arith.constant 1616 : index
    %get3A_97 = tpu.vector_load %arg14[%get3A_96] {strides = array<i32>} : memref<2048xf32, #tpu.memory_space<vmem>>, vector<16xf32>,
    %mul3A_98 = arith.mulf %get3A_97, %gather3A_86 : vector<16xf32>
    %add3A_99 = arith.addf %mul3A_91, %mul3A_98 : vector<16xf32>
    %swap3A_100 = arith.constant 1632 : index
    %swap3A_101 = tpu.vector_load %arg15[%swap3A_100] {strides = array<i32>} : memref<2048xf32, #tpu.memory_space<vmem>>, vector<16xf32>,
    tpu.vector_store %arg15[%swap3A_100], %gather3A_87 {strides = array<i32>} : memref<2048xf32, #tpu.memory_space<vmem>>, vector<16xf32>,
    %get3A_102 = arith.constant 1632 : index
    %get3A_103 = tpu.vector_load %arg14[%get3A_102] {strides = array<i32>} : memref<2048xf32, #tpu.memory_space<vmem>>, vector<16xf32>,
    %mul3A_104 = arith.mulf %get3A_103, %gather3A_87 : vector<16xf32>
    %add3A_105 = arith.addf %add3A_99, %mul3A_104 : vector<16xf32>
    %swap3A_106 = arith.constant 1648 : index
    %swap3A_107 = tpu.vector_load %arg15[%swap3A_106] {strides = array<i32>} : memref<2048xf32, #tpu.memory_space<vmem>>, vector<16xf32>,
    tpu.vector_store %arg15[%swap3A_106], %gather3A_88 {strides = array<i32>} : memref<2048xf32, #tpu.memory_space<vmem>>, vector<16xf32>,
    %get3A_108 = arith.constant 1648 : index
    %get3A_109 = tpu.vector_load %arg14[%get3A_108] {strides = array<i32>} : memref<2048xf32, #tpu.memory_space<vmem>>, vector<16xf32>,
    %mul3A_110 = arith.mulf %get3A_109, %gather3A_88 : vector<16xf32>
    %add3A_111 = arith.addf %add3A_105, %mul3A_110 : vector<16xf32>
    %reduce_sum3A_112 = arith.constant true
    %reduce_sum3A_113 = vector.broadcast %reduce_sum3A_112 : i1 to vector<16xi1>
    %reduce_sum3A_114 = tpu.scan <sum>, %add3A_111 masked %reduce_sum3A_113 : vector<16xf32>, vector<16xi1> -> vector<16xf32>
    %reduce_sum3A_115 = vector.extract %reduce_sum3A_114[15] : f32 from vector<16xf32>
    %add3A_116 = arith.constant 505 : i32
    %add3A_117 = arith.addi %mul3A_2, %add3A_116 : i32
    %mul3A_118 = arith.constant 64 : i32
    %mul3A_119 = arith.muli %add3A_117, %mul3A_118 : i32
    %dma_start3A_120 = arith.constant 1600 : i32
    %dma_start3A_121 = tpu.memref_slice %arg15[%dma_start3A_120] : memref<2048xf32, #tpu.memory_space<vmem>> -> memref<64xf32, #tpu.memory_space<vmem>>
    %dma_start3A_122 = tpu.memref_slice %arg11[%mul3A_119] : memref<1048576xf32, #tpu.memory_space<hbm>> -> memref<64xf32, #tpu.memory_space<hbm>>
    %dma_start3A_123 = tpu.memref_slice %arg11[%mul3A_119] : memref<1048576xf32, #tpu.memory_space<hbm>> -> memref<64xf32, #tpu.memory_space<hbm>>
    %dma_start3A_124 = arith.constant 1600 : i32
    %dma_start3A_125 = tpu.memref_slice %arg15[%dma_start3A_124] : memref<2048xf32, #tpu.memory_space<vmem>> -> memref<64xf32, #tpu.memory_space<vmem>>
    tpu.enqueue_dma source(%dma_start3A_125 : memref<64xf32, #tpu.memory_space<vmem>>) target(%dma_start3A_123 : memref<64xf32, #tpu.memory_space<hbm>>) target_semaphore(%arg30 : memref<!tpu.dma_semaphore, #tpu.memory_space<semaphore_mem>>)
    %eq3A_126 = arith.constant 9 : i32
    %eq3A_127 = vector.broadcast %eq3A_126 : i32 to vector<16xi32>
    %eq3A_128 = arith.cmpi eq, %iota3A_18, %eq3A_127 : vector<16xi32>
    %broadcast_in_dim3A_129 = vector.broadcast %reduce_sum3A_115 : f32 to vector<16xf32>
    %select_n3A_130 = arith.select %eq3A_128, %broadcast_in_dim3A_129, %select_n3A : vector<16xi1>, vector<16xf32>
    %dma_wait3A_131 = arith.constant 0 : i32
    %dma_wait3A_132 = arith.constant 0 : i32
    %dma_wait3A_133 = tpu.memref_slice %arg5[%dma_wait3A_131, %dma_wait3A_132] : memref<64x1000000xf32, #tpu.memory_space<hbm>> -> memref<64x128xf32, #tpu.memory_space<hbm>>
    %dma_wait3A_134 = arith.constant 0 : i32
    %dma_wait3A_135 = arith.constant 0 : i32
    %dma_wait3A_136 = tpu.memref_slice %arg5[%dma_wait3A_134, %dma_wait3A_135] : memref<64x1000000xf32, #tpu.memory_space<hbm>> -> memref<64x128xf32, #tpu.memory_space<hbm>>
    tpu.wait_dma2 semaphore(%arg29 : memref<!tpu.dma_semaphore, #tpu.memory_space<semaphore_mem>>) src(%dma_wait3A_136 : memref<64x128xf32, #tpu.memory_space<hbm>>) dst(%arg22 : memref<64x128xf32, #tpu.memory_space<vmem>>)
    %broadcast_in_dim3A_137 = vector.broadcast %scan3A_31#2 : i32 to vector<16xi32>
    %gather3A_138 = tpu.vector_load_idx %arg22[%add3A_5, %broadcast_in_dim3A_137] : memref<64x128xf32, #tpu.memory_space<vmem>>[vector<16xi32>, vector<16xi32>], vector<16xf32>,
    %gather3A_139 = tpu.vector_load_idx %arg22[%add3A_9, %broadcast_in_dim3A_137] : memref<64x128xf32, #tpu.memory_space<vmem>>[vector<16xi32>, vector<16xi32>], vector<16xf32>,
    %gather3A_140 = tpu.vector_load_idx %arg22[%add3A_13, %broadcast_in_dim3A_137] : memref<64x128xf32, #tpu.memory_space<vmem>>[vector<16xi32>, vector<16xi32>], vector<16xf32>,
    %gather3A_141 = tpu.vector_load_idx %arg22[%add3A_17, %broadcast_in_dim3A_137] : memref<64x128xf32, #tpu.memory_space<vmem>>[vector<16xi32>, vector<16xi32>], vector<16xf32>,
    %get3A_142 = arith.constant 1664 : index
    %get3A_143 = tpu.vector_load %arg14[%get3A_142] {strides = array<i32>} : memref<2048xf32, #tpu.memory_space<vmem>>, vector<16xf32>,
    %mul3A_144 = arith.mulf %get3A_143, %gather3A_138 : vector<16xf32>
    %swap3A_145 = arith.constant 1664 : index
    %swap3A_146 = tpu.vector_load %arg15[%swap3A_145] {strides = array<i32>} : memref<2048xf32, #tpu.memory_space<vmem>>, vector<16xf32>,
    tpu.vector_store %arg15[%swap3A_145], %gather3A_138 {strides = array<i32>} : memref<2048xf32, #tpu.memory_space<vmem>>, vector<16xf32>,
    %swap3A_147 = arith.constant 1680 : index
    %swap3A_148 = tpu.vector_load %arg15[%swap3A_147] {strides = array<i32>} : memref<2048xf32, #tpu.memory_space<vmem>>, vector<16xf32>,
    tpu.vector_store %arg15[%swap3A_147], %gather3A_139 {strides = array<i32>} : memref<2048xf32, #tpu.memory_space<vmem>>, vector<16xf32>,
    %get3A_149 = arith.constant 1680 : index
    %get3A_150 = tpu.vector_load %arg14[%get3A_149] {strides = array<i32>} : memref<2048xf32, #tpu.memory_space<vmem>>, vector<16xf32>,
    %mul3A_151 = arith.mulf %get3A_150, %gather3A_139 : vector<16xf32>
    %add3A_152 = arith.addf %mul3A_144, %mul3A_151 : vector<16xf32>
    %swap3A_153 = arith.constant 1696 : index
    %swap3A_154 = tpu.vector_load %arg15[%swap3A_153] {strides = array<i32>} : memref<2048xf32, #tpu.memory_space<vmem>>, vector<16xf32>,
    tpu.vector_store %arg15[%swap3A_153], %gather3A_140 {strides = array<i32>} : memref<2048xf32, #tpu.memory_space<vmem>>, vector<16xf32>,
    %get3A_155 = arith.constant 1696 : index
    %get3A_156 = tpu.vector_load %arg14[%get3A_155] {strides = array<i32>} : memref<2048xf32, #tpu.memory_space<vmem>>, vector<16xf32>,
    %mul3A_157 = arith.mulf %get3A_156, %gather3A_140 : vector<16xf32>
    %add3A_158 = arith.addf %add3A_152, %mul3A_157 : vector<16xf32>
    %swap3A_159 = arith.constant 1712 : index
    %swap3A_160 = tpu.vector_load %arg15[%swap3A_159] {strides = array<i32>} : memref<2048xf32, #tpu.memory_space<vmem>>, vector<16xf32>,
    tpu.vector_store %arg15[%swap3A_159], %gather3A_141 {strides = array<i32>} : memref<2048xf32, #tpu.memory_space<vmem>>, vector<16xf32>,
    %get3A_161 = arith.constant 1712 : index
    %get3A_162 = tpu.vector_load %arg14[%get3A_161] {strides = array<i32>} : memref<2048xf32, #tpu.memory_space<vmem>>, vector<16xf32>,
    %mul3A_163 = arith.mulf %get3A_162, %gather3A_141 : vector<16xf32>
    %add3A_164 = arith.addf %add3A_158, %mul3A_163 : vector<16xf32>
    %reduce_sum3A_165 = arith.constant true
    %reduce_sum3A_166 = vector.broadcast %reduce_sum3A_165 : i1 to vector<16xi1>
    %reduce_sum3A_167 = tpu.scan <sum>, %add3A_164 masked %reduce_sum3A_166 : vector<16xf32>, vector<16xi1> -> vector<16xf32>
    %reduce_sum3A_168 = vector.extract %reduce_sum3A_167[15] : f32 from vector<16xf32>
    %add3A_169 = arith.constant 506 : i32
    %add3A_170 = arith.addi %mul3A_2, %add3A_169 : i32
    %mul3A_171 = arith.constant 64 : i32
    %mul3A_172 = arith.muli %add3A_170, %mul3A_171 : i32
    %dma_start3A_173 = arith.constant 1664 : i32
    %dma_start3A_174 = tpu.memref_slice %arg15[%dma_start3A_173] : memref<2048xf32, #tpu.memory_space<vmem>> -> memref<64xf32, #tpu.memory_space<vmem>>
    %dma_start3A_175 = tpu.memref_slice %arg11[%mul3A_172] : memref<1048576xf32, #tpu.memory_space<hbm>> -> memref<64xf32, #tpu.memory_space<hbm>>
    %dma_start3A_176 = tpu.memref_slice %arg11[%mul3A_172] : memref<1048576xf32, #tpu.memory_space<hbm>> -> memref<64xf32, #tpu.memory_space<hbm>>
    %dma_start3A_177 = arith.constant 1664 : i32
    %dma_start3A_178 = tpu.memref_slice %arg15[%dma_start3A_177] : memref<2048xf32, #tpu.memory_space<vmem>> -> memref<64xf32, #tpu.memory_space<vmem>>
    tpu.enqueue_dma source(%dma_start3A_178 : memref<64xf32, #tpu.memory_space<vmem>>) target(%dma_start3A_176 : memref<64xf32, #tpu.memory_space<hbm>>) target_semaphore(%arg30 : memref<!tpu.dma_semaphore, #tpu.memory_space<semaphore_mem>>)
    %eq3A_179 = arith.constant 10 : i32
    %eq3A_180 = vector.broadcast %eq3A_179 : i32 to vector<16xi32>
    %eq3A_181 = arith.cmpi eq, %iota3A_18, %eq3A_180 : vector<16xi32>
    %broadcast_in_dim3A_182 = vector.broadcast %reduce_sum3A_168 : f32 to vector<16xf32>
    %select_n3A_183 = arith.select %eq3A_181, %broadcast_in_dim3A_182, %select_n3A_130 : vector<16xi1>, vector<16xf32>
    %dma_wait3A_184 = arith.constant 0 : i32
    %dma_wait3A_185 = arith.constant 0 : i32
    %dma_wait3A_186 = tpu.memref_slice %arg5[%dma_wait3A_184, %dma_wait3A_185] : memref<64x1000000xf32, #tpu.memory_space<hbm>> -> memref<64x128xf32, #tpu.memory_space<hbm>>
    %dma_wait3A_187 = arith.constant 0 : i32
    %dma_wait3A_188 = arith.constant 0 : i32
    %dma_wait3A_189 = tpu.memref_slice %arg5[%dma_wait3A_187, %dma_wait3A_188] : memref<64x1000000xf32, #tpu.memory_space<hbm>> -> memref<64x128xf32, #tpu.memory_space<hbm>>
    tpu.wait_dma2 semaphore(%arg29 : memref<!tpu.dma_semaphore, #tpu.memory_space<semaphore_mem>>) src(%dma_wait3A_189 : memref<64x128xf32, #tpu.memory_space<hbm>>) dst(%arg23 : memref<64x128xf32, #tpu.memory_space<vmem>>)
    %broadcast_in_dim3A_190 = vector.broadcast %scan3A_31#3 : i32 to vector<16xi32>
    %gather3A_191 = tpu.vector_load_idx %arg23[%add3A_5, %broadcast_in_dim3A_190] : memref<64x128xf32, #tpu.memory_space<vmem>>[vector<16xi32>, vector<16xi32>], vector<16xf32>,
    %gather3A_192 = tpu.vector_load_idx %arg23[%add3A_9, %broadcast_in_dim3A_190] : memref<64x128xf32, #tpu.memory_space<vmem>>[vector<16xi32>, vector<16xi32>], vector<16xf32>,
    %gather3A_193 = tpu.vector_load_idx %arg23[%add3A_13, %broadcast_in_dim3A_190] : memref<64x128xf32, #tpu.memory_space<vmem>>[vector<16xi32>, vector<16xi32>], vector<16xf32>,
    %gather3A_194 = tpu.vector_load_idx %arg23[%add3A_17, %broadcast_in_dim3A_190] : memref<64x128xf32, #tpu.memory_space<vmem>>[vector<16xi32>, vector<16xi32>], vector<16xf32>,
    %get3A_195 = arith.constant 1728 : index
    %get3A_196 = tpu.vector_load %arg14[%get3A_195] {strides = array<i32>} : memref<2048xf32, #tpu.memory_space<vmem>>, vector<16xf32>,
    %mul3A_197 = arith.mulf %get3A_196, %gather3A_191 : vector<16xf32>
    %swap3A_198 = arith.constant 1728 : index
    %swap3A_199 = tpu.vector_load %arg15[%swap3A_198] {strides = array<i32>} : memref<2048xf32, #tpu.memory_space<vmem>>, vector<16xf32>,
    tpu.vector_store %arg15[%swap3A_198], %gather3A_191 {strides = array<i32>} : memref<2048xf32, #tpu.memory_space<vmem>>, vector<16xf32>,
    %swap3A_200 = arith.constant 1744 : index
    %swap3A_201 = tpu.vector_load %arg15[%swap3A_200] {strides = array<i32>} : memref<2048xf32, #tpu.memory_space<vmem>>, vector<16xf32>,
    tpu.vector_store %arg15[%swap3A_200], %gather3A_192 {strides = array<i32>} : memref<2048xf32, #tpu.memory_space<vmem>>, vector<16xf32>,
    %get3A_202 = arith.constant 1744 : index
    %get3A_203 = tpu.vector_load %arg14[%get3A_202] {strides = array<i32>} : memref<2048xf32, #tpu.memory_space<vmem>>, vector<16xf32>,
    %mul3A_204 = arith.mulf %get3A_203, %gather3A_192 : vector<16xf32>
    %add3A_205 = arith.addf %mul3A_197, %mul3A_204 : vector<16xf32>
    %swap3A_206 = arith.constant 1760 : index
    %swap3A_207 = tpu.vector_load %arg15[%swap3A_206] {strides = array<i32>} : memref<2048xf32, #tpu.memory_space<vmem>>, vector<16xf32>,
    tpu.vector_store %arg15[%swap3A_206], %gather3A_193 {strides = array<i32>} : memref<2048xf32, #tpu.memory_space<vmem>>, vector<16xf32>,
    %get3A_208 = arith.constant 1760 : index
    %get3A_209 = tpu.vector_load %arg14[%get3A_208] {strides = array<i32>} : memref<2048xf32, #tpu.memory_space<vmem>>, vector<16xf32>,
    %mul3A_210 = arith.mulf %get3A_209, %gather3A_193 : vector<16xf32>
    %add3A_211 = arith.addf %add3A_205, %mul3A_210 : vector<16xf32>
    %swap3A_212 = arith.constant 1776 : index
    %swap3A_213 = tpu.vector_load %arg15[%swap3A_212] {strides = array<i32>} : memref<2048xf32, #tpu.memory_space<vmem>>, vector<16xf32>,
    tpu.vector_store %arg15[%swap3A_212], %gather3A_194 {strides = array<i32>} : memref<2048xf32, #tpu.memory_space<vmem>>, vector<16xf32>,
    %get3A_214 = arith.constant 1776 : index
    %get3A_215 = tpu.vector_load %arg14[%get3A_214] {strides = array<i32>} : memref<2048xf32, #tpu.memory_space<vmem>>, vector<16xf32>,
    %mul3A_216 = arith.mulf %get3A_215, %gather3A_194 : vector<16xf32>
    %add3A_217 = arith.addf %add3A_211, %mul3A_216 : vector<16xf32>
    %reduce_sum3A_218 = arith.constant true
    %reduce_sum3A_219 = vector.broadcast %reduce_sum3A_218 : i1 to vector<16xi1>
    %reduce_sum3A_220 = tpu.scan <sum>, %add3A_217 masked %reduce_sum3A_219 : vector<16xf32>, vector<16xi1> -> vector<16xf32>
    %reduce_sum3A_221 = vector.extract %reduce_sum3A_220[15] : f32 from vector<16xf32>
    %add3A_222 = arith.constant 507 : i32
    %add3A_223 = arith.addi %mul3A_2, %add3A_222 : i32
    %mul3A_224 = arith.constant 64 : i32
    %mul3A_225 = arith.muli %add3A_223, %mul3A_224 : i32
    %dma_start3A_226 = arith.constant 1728 : i32
    %dma_start3A_227 = tpu.memref_slice %arg15[%dma_start3A_226] : memref<2048xf32, #tpu.memory_space<vmem>> -> memref<64xf32, #tpu.memory_space<vmem>>
    %dma_start3A_228 = tpu.memref_slice %arg11[%mul3A_225] : memref<1048576xf32, #tpu.memory_space<hbm>> -> memref<64xf32, #tpu.memory_space<hbm>>
    %dma_start3A_229 = tpu.memref_slice %arg11[%mul3A_225] : memref<1048576xf32, #tpu.memory_space<hbm>> -> memref<64xf32, #tpu.memory_space<hbm>>
    %dma_start3A_230 = arith.constant 1728 : i32
    %dma_start3A_231 = tpu.memref_slice %arg15[%dma_start3A_230] : memref<2048xf32, #tpu.memory_space<vmem>> -> memref<64xf32, #tpu.memory_space<vmem>>
    tpu.enqueue_dma source(%dma_start3A_231 : memref<64xf32, #tpu.memory_space<vmem>>) target(%dma_start3A_229 : memref<64xf32, #tpu.memory_space<hbm>>) target_semaphore(%arg30 : memref<!tpu.dma_semaphore, #tpu.memory_space<semaphore_mem>>)
    %eq3A_232 = arith.constant 11 : i32
    %eq3A_233 = vector.broadcast %eq3A_232 : i32 to vector<16xi32>
    %eq3A_234 = arith.cmpi eq, %iota3A_18, %eq3A_233 : vector<16xi32>
    %broadcast_in_dim3A_235 = vector.broadcast %reduce_sum3A_221 : f32 to vector<16xf32>
    %select_n3A_236 = arith.select %eq3A_234, %broadcast_in_dim3A_235, %select_n3A_183 : vector<16xi1>, vector<16xf32>
    %dma_wait3A_237 = arith.constant 0 : i32
    %dma_wait3A_238 = arith.constant 0 : i32
    %dma_wait3A_239 = tpu.memref_slice %arg5[%dma_wait3A_237, %dma_wait3A_238] : memref<64x1000000xf32, #tpu.memory_space<hbm>> -> memref<64x128xf32, #tpu.memory_space<hbm>>
    %dma_wait3A_240 = arith.constant 0 : i32
    %dma_wait3A_241 = arith.constant 0 : i32
    %dma_wait3A_242 = tpu.memref_slice %arg5[%dma_wait3A_240, %dma_wait3A_241] : memref<64x1000000xf32, #tpu.memory_space<hbm>> -> memref<64x128xf32, #tpu.memory_space<hbm>>
    tpu.wait_dma2 semaphore(%arg29 : memref<!tpu.dma_semaphore, #tpu.memory_space<semaphore_mem>>) src(%dma_wait3A_242 : memref<64x128xf32, #tpu.memory_space<hbm>>) dst(%arg24 : memref<64x128xf32, #tpu.memory_space<vmem>>)
    %broadcast_in_dim3A_243 = vector.broadcast %scan3A_31#4 : i32 to vector<16xi32>
    %gather3A_244 = tpu.vector_load_idx %arg24[%add3A_5, %broadcast_in_dim3A_243] : memref<64x128xf32, #tpu.memory_space<vmem>>[vector<16xi32>, vector<16xi32>], vector<16xf32>,
    %gather3A_245 = tpu.vector_load_idx %arg24[%add3A_9, %broadcast_in_dim3A_243] : memref<64x128xf32, #tpu.memory_space<vmem>>[vector<16xi32>, vector<16xi32>], vector<16xf32>,
    %gather3A_246 = tpu.vector_load_idx %arg24[%add3A_13, %broadcast_in_dim3A_243] : memref<64x128xf32, #tpu.memory_space<vmem>>[vector<16xi32>, vector<16xi32>], vector<16xf32>,
    %gather3A_247 = tpu.vector_load_idx %arg24[%add3A_17, %broadcast_in_dim3A_243] : memref<64x128xf32, #tpu.memory_space<vmem>>[vector<16xi32>, vector<16xi32>], vector<16xf32>,
    %get3A_248 = arith.constant 1792 : index
    %get3A_249 = tpu.vector_load %arg14[%get3A_248] {strides = array<i32>} : memref<2048xf32, #tpu.memory_space<vmem>>, vector<16xf32>,
    %mul3A_250 = arith.mulf %get3A_249, %gather3A_244 : vector<16xf32>
    %swap3A_251 = arith.constant 1792 : index
    %swap3A_252 = tpu.vector_load %arg15[%swap3A_251] {strides = array<i32>} : memref<2048xf32, #tpu.memory_space<vmem>>, vector<16xf32>,
    tpu.vector_store %arg15[%swap3A_251], %gather3A_244 {strides = array<i32>} : memref<2048xf32, #tpu.memory_space<vmem>>, vector<16xf32>,
    %swap3A_253 = arith.constant 1808 : index
    %swap3A_254 = tpu.vector_load %arg15[%swap3A_253] {strides = array<i32>} : memref<2048xf32, #tpu.memory_space<vmem>>, vector<16xf32>,
    tpu.vector_store %arg15[%swap3A_253], %gather3A_245 {strides = array<i32>} : memref<2048xf32, #tpu.memory_space<vmem>>, vector<16xf32>,
    %get3A_255 = arith.constant 1808 : index
    %get3A_256 = tpu.vector_load %arg14[%get3A_255] {strides = array<i32>} : memref<2048xf32, #tpu.memory_space<vmem>>, vector<16xf32>,
    %mul3A_257 = arith.mulf %get3A_256, %gather3A_245 : vector<16xf32>
    %add3A_258 = arith.addf %mul3A_250, %mul3A_257 : vector<16xf32>
    %swap3A_259 = arith.constant 1824 : index
    %swap3A_260 = tpu.vector_load %arg15[%swap3A_259] {strides = array<i32>} : memref<2048xf32, #tpu.memory_space<vmem>>, vector<16xf32>,
    tpu.vector_store %arg15[%swap3A_259], %gather3A_246 {strides = array<i32>} : memref<2048xf32, #tpu.memory_space<vmem>>, vector<16xf32>,
    %get3A_261 = arith.constant 1824 : index
    %get3A_262 = tpu.vector_load %arg14[%get3A_261] {strides = array<i32>} : memref<2048xf32, #tpu.memory_space<vmem>>, vector<16xf32>,
    %mul3A_263 = arith.mulf %get3A_262, %gather3A_246 : vector<16xf32>
    %add3A_264 = arith.addf %add3A_258, %mul3A_263 : vector<16xf32>
    %swap3A_265 = arith.constant 1840 : index
    %swap3A_266 = tpu.vector_load %arg15[%swap3A_265] {strides = array<i32>} : memref<2048xf32, #tpu.memory_space<vmem>>, vector<16xf32>,
    tpu.vector_store %arg15[%swap3A_265], %gather3A_247 {strides = array<i32>} : memref<2048xf32, #tpu.memory_space<vmem>>, vector<16xf32>,
    %get3A_267 = arith.constant 1840 : index
    %get3A_268 = tpu.vector_load %arg14[%get3A_267] {strides = array<i32>} : memref<2048xf32, #tpu.memory_space<vmem>>, vector<16xf32>,
    %mul3A_269 = arith.mulf %get3A_268, %gather3A_247 : vector<16xf32>
    %add3A_270 = arith.addf %add3A_264, %mul3A_269 : vector<16xf32>
    %reduce_sum3A_271 = arith.constant true
    %reduce_sum3A_272 = vector.broadcast %reduce_sum3A_271 : i1 to vector<16xi1>
    %reduce_sum3A_273 = tpu.scan <sum>, %add3A_270 masked %reduce_sum3A_272 : vector<16xf32>, vector<16xi1> -> vector<16xf32>
    %reduce_sum3A_274 = vector.extract %reduce_sum3A_273[15] : f32 from vector<16xf32>
    %add3A_275 = arith.constant 508 : i32
    %add3A_276 = arith.addi %mul3A_2, %add3A_275 : i32
    %mul3A_277 = arith.constant 64 : i32
    %mul3A_278 = arith.muli %add3A_276, %mul3A_277 : i32
    %dma_start3A_279 = arith.constant 1792 : i32
    %dma_start3A_280 = tpu.memref_slice %arg15[%dma_start3A_279] : memref<2048xf32, #tpu.memory_space<vmem>> -> memref<64xf32, #tpu.memory_space<vmem>>
    %dma_start3A_281 = tpu.memref_slice %arg11[%mul3A_278] : memref<1048576xf32, #tpu.memory_space<hbm>> -> memref<64xf32, #tpu.memory_space<hbm>>
    %dma_start3A_282 = tpu.memref_slice %arg11[%mul3A_278] : memref<1048576xf32, #tpu.memory_space<hbm>> -> memref<64xf32, #tpu.memory_space<hbm>>
    %dma_start3A_283 = arith.constant 1792 : i32
    %dma_start3A_284 = tpu.memref_slice %arg15[%dma_start3A_283] : memref<2048xf32, #tpu.memory_space<vmem>> -> memref<64xf32, #tpu.memory_space<vmem>>
    tpu.enqueue_dma source(%dma_start3A_284 : memref<64xf32, #tpu.memory_space<vmem>>) target(%dma_start3A_282 : memref<64xf32, #tpu.memory_space<hbm>>) target_semaphore(%arg30 : memref<!tpu.dma_semaphore, #tpu.memory_space<semaphore_mem>>)
    %eq3A_285 = arith.constant 12 : i32
    %eq3A_286 = vector.broadcast %eq3A_285 : i32 to vector<16xi32>
    %eq3A_287 = arith.cmpi eq, %iota3A_18, %eq3A_286 : vector<16xi32>
    %broadcast_in_dim3A_288 = vector.broadcast %reduce_sum3A_274 : f32 to vector<16xf32>
    %select_n3A_289 = arith.select %eq3A_287, %broadcast_in_dim3A_288, %select_n3A_236 : vector<16xi1>, vector<16xf32>
    %dma_wait3A_290 = arith.constant 0 : i32
    %dma_wait3A_291 = arith.constant 0 : i32
    %dma_wait3A_292 = tpu.memref_slice %arg5[%dma_wait3A_290, %dma_wait3A_291] : memref<64x1000000xf32, #tpu.memory_space<hbm>> -> memref<64x128xf32, #tpu.memory_space<hbm>>
    %dma_wait3A_293 = arith.constant 0 : i32
    %dma_wait3A_294 = arith.constant 0 : i32
    %dma_wait3A_295 = tpu.memref_slice %arg5[%dma_wait3A_293, %dma_wait3A_294] : memref<64x1000000xf32, #tpu.memory_space<hbm>> -> memref<64x128xf32, #tpu.memory_space<hbm>>
    tpu.wait_dma2 semaphore(%arg29 : memref<!tpu.dma_semaphore, #tpu.memory_space<semaphore_mem>>) src(%dma_wait3A_295 : memref<64x128xf32, #tpu.memory_space<hbm>>) dst(%arg25 : memref<64x128xf32, #tpu.memory_space<vmem>>)
    %broadcast_in_dim3A_296 = vector.broadcast %scan3A_31#5 : i32 to vector<16xi32>
    %gather3A_297 = tpu.vector_load_idx %arg25[%add3A_5, %broadcast_in_dim3A_296] : memref<64x128xf32, #tpu.memory_space<vmem>>[vector<16xi32>, vector<16xi32>], vector<16xf32>,
    %gather3A_298 = tpu.vector_load_idx %arg25[%add3A_9, %broadcast_in_dim3A_296] : memref<64x128xf32, #tpu.memory_space<vmem>>[vector<16xi32>, vector<16xi32>], vector<16xf32>,
    %gather3A_299 = tpu.vector_load_idx %arg25[%add3A_13, %broadcast_in_dim3A_296] : memref<64x128xf32, #tpu.memory_space<vmem>>[vector<16xi32>, vector<16xi32>], vector<16xf32>,
    %gather3A_300 = tpu.vector_load_idx %arg25[%add3A_17, %broadcast_in_dim3A_296] : memref<64x128xf32, #tpu.memory_space<vmem>>[vector<16xi32>, vector<16xi32>], vector<16xf32>,
    %get3A_301 = arith.constant 1856 : index
    %get3A_302 = tpu.vector_load %arg14[%get3A_301] {strides = array<i32>} : memref<2048xf32, #tpu.memory_space<vmem>>, vector<16xf32>,
    %mul3A_303 = arith.mulf %get3A_302, %gather3A_297 : vector<16xf32>
    %swap3A_304 = arith.constant 1856 : index
    %swap3A_305 = tpu.vector_load %arg15[%swap3A_304] {strides = array<i32>} : memref<2048xf32, #tpu.memory_space<vmem>>, vector<16xf32>,
    tpu.vector_store %arg15[%swap3A_304], %gather3A_297 {strides = array<i32>} : memref<2048xf32, #tpu.memory_space<vmem>>, vector<16xf32>,
    %swap3A_306 = arith.constant 1872 : index
    %swap3A_307 = tpu.vector_load %arg15[%swap3A_306] {strides = array<i32>} : memref<2048xf32, #tpu.memory_space<vmem>>, vector<16xf32>,
    tpu.vector_store %arg15[%swap3A_306], %gather3A_298 {strides = array<i32>} : memref<2048xf32, #tpu.memory_space<vmem>>, vector<16xf32>,
    %get3A_308 = arith.constant 1872 : index
    %get3A_309 = tpu.vector_load %arg14[%get3A_308] {strides = array<i32>} : memref<2048xf32, #tpu.memory_space<vmem>>, vector<16xf32>,
    %mul3A_310 = arith.mulf %get3A_309, %gather3A_298 : vector<16xf32>
    %add3A_311 = arith.addf %mul3A_303, %mul3A_310 : vector<16xf32>
    %swap3A_312 = arith.constant 1888 : index
    %swap3A_313 = tpu.vector_load %arg15[%swap3A_312] {strides = array<i32>} : memref<2048xf32, #tpu.memory_space<vmem>>, vector<16xf32>,
    tpu.vector_store %arg15[%swap3A_312], %gather3A_299 {strides = array<i32>} : memref<2048xf32, #tpu.memory_space<vmem>>, vector<16xf32>,
    %get3A_314 = arith.constant 1888 : index
    %get3A_315 = tpu.vector_load %arg14[%get3A_314] {strides = array<i32>} : memref<2048xf32, #tpu.memory_space<vmem>>, vector<16xf32>,
    %mul3A_316 = arith.mulf %get3A_315, %gather3A_299 : vector<16xf32>
    %add3A_317 = arith.addf %add3A_311, %mul3A_316 : vector<16xf32>
    %swap3A_318 = arith.constant 1904 : index
    %swap3A_319 = tpu.vector_load %arg15[%swap3A_318] {strides = array<i32>} : memref<2048xf32, #tpu.memory_space<vmem>>, vector<16xf32>,
    tpu.vector_store %arg15[%swap3A_318], %gather3A_300 {strides = array<i32>} : memref<2048xf32, #tpu.memory_space<vmem>>, vector<16xf32>,
    %get3A_320 = arith.constant 1904 : index
    %get3A_321 = tpu.vector_load %arg14[%get3A_320] {strides = array<i32>} : memref<2048xf32, #tpu.memory_space<vmem>>, vector<16xf32>,
    %mul3A_322 = arith.mulf %get3A_321, %gather3A_300 : vector<16xf32>
    %add3A_323 = arith.addf %add3A_317, %mul3A_322 : vector<16xf32>
    %reduce_sum3A_324 = arith.constant true
    %reduce_sum3A_325 = vector.broadcast %reduce_sum3A_324 : i1 to vector<16xi1>
    %reduce_sum3A_326 = tpu.scan <sum>, %add3A_323 masked %reduce_sum3A_325 : vector<16xf32>, vector<16xi1> -> vector<16xf32>
    %reduce_sum3A_327 = vector.extract %reduce_sum3A_326[15] : f32 from vector<16xf32>
    %add3A_328 = arith.constant 509 : i32
    %add3A_329 = arith.addi %mul3A_2, %add3A_328 : i32
    %mul3A_330 = arith.constant 64 : i32
    %mul3A_331 = arith.muli %add3A_329, %mul3A_330 : i32
    %dma_start3A_332 = arith.constant 1856 : i32
    %dma_start3A_333 = tpu.memref_slice %arg15[%dma_start3A_332] : memref<2048xf32, #tpu.memory_space<vmem>> -> memref<64xf32, #tpu.memory_space<vmem>>
    %dma_start3A_334 = tpu.memref_slice %arg11[%mul3A_331] : memref<1048576xf32, #tpu.memory_space<hbm>> -> memref<64xf32, #tpu.memory_space<hbm>>
    %dma_start3A_335 = tpu.memref_slice %arg11[%mul3A_331] : memref<1048576xf32, #tpu.memory_space<hbm>> -> memref<64xf32, #tpu.memory_space<hbm>>
    %dma_start3A_336 = arith.constant 1856 : i32
    %dma_start3A_337 = tpu.memref_slice %arg15[%dma_start3A_336] : memref<2048xf32, #tpu.memory_space<vmem>> -> memref<64xf32, #tpu.memory_space<vmem>>
    tpu.enqueue_dma source(%dma_start3A_337 : memref<64xf32, #tpu.memory_space<vmem>>) target(%dma_start3A_335 : memref<64xf32, #tpu.memory_space<hbm>>) target_semaphore(%arg30 : memref<!tpu.dma_semaphore, #tpu.memory_space<semaphore_mem>>)
    %eq3A_338 = arith.constant 13 : i32
    %eq3A_339 = vector.broadcast %eq3A_338 : i32 to vector<16xi32>
    %eq3A_340 = arith.cmpi eq, %iota3A_18, %eq3A_339 : vector<16xi32>
    %broadcast_in_dim3A_341 = vector.broadcast %reduce_sum3A_327 : f32 to vector<16xf32>
    %select_n3A_342 = arith.select %eq3A_340, %broadcast_in_dim3A_341, %select_n3A_289 : vector<16xi1>, vector<16xf32>
    %dma_wait3A_343 = arith.constant 0 : i32
    %dma_wait3A_344 = arith.constant 0 : i32
    %dma_wait3A_345 = tpu.memref_slice %arg5[%dma_wait3A_343, %dma_wait3A_344] : memref<64x1000000xf32, #tpu.memory_space<hbm>> -> memref<64x128xf32, #tpu.memory_space<hbm>>
    %dma_wait3A_346 = arith.constant 0 : i32
    %dma_wait3A_347 = arith.constant 0 : i32
    %dma_wait3A_348 = tpu.memref_slice %arg5[%dma_wait3A_346, %dma_wait3A_347] : memref<64x1000000xf32, #tpu.memory_space<hbm>> -> memref<64x128xf32, #tpu.memory_space<hbm>>
    tpu.wait_dma2 semaphore(%arg29 : memref<!tpu.dma_semaphore, #tpu.memory_space<semaphore_mem>>) src(%dma_wait3A_348 : memref<64x128xf32, #tpu.memory_space<hbm>>) dst(%arg26 : memref<64x128xf32, #tpu.memory_space<vmem>>)
    %broadcast_in_dim3A_349 = vector.broadcast %scan3A_31#6 : i32 to vector<16xi32>
    %gather3A_350 = tpu.vector_load_idx %arg26[%add3A_5, %broadcast_in_dim3A_349] : memref<64x128xf32, #tpu.memory_space<vmem>>[vector<16xi32>, vector<16xi32>], vector<16xf32>,
    %gather3A_351 = tpu.vector_load_idx %arg26[%add3A_9, %broadcast_in_dim3A_349] : memref<64x128xf32, #tpu.memory_space<vmem>>[vector<16xi32>, vector<16xi32>], vector<16xf32>,
    %gather3A_352 = tpu.vector_load_idx %arg26[%add3A_13, %broadcast_in_dim3A_349] : memref<64x128xf32, #tpu.memory_space<vmem>>[vector<16xi32>, vector<16xi32>], vector<16xf32>,
    %gather3A_353 = tpu.vector_load_idx %arg26[%add3A_17, %broadcast_in_dim3A_349] : memref<64x128xf32, #tpu.memory_space<vmem>>[vector<16xi32>, vector<16xi32>], vector<16xf32>,
    %get3A_354 = arith.constant 1920 : index
    %get3A_355 = tpu.vector_load %arg14[%get3A_354] {strides = array<i32>} : memref<2048xf32, #tpu.memory_space<vmem>>, vector<16xf32>,
    %mul3A_356 = arith.mulf %get3A_355, %gather3A_350 : vector<16xf32>
    %swap3A_357 = arith.constant 1920 : index
    %swap3A_358 = tpu.vector_load %arg15[%swap3A_357] {strides = array<i32>} : memref<2048xf32, #tpu.memory_space<vmem>>, vector<16xf32>,
    tpu.vector_store %arg15[%swap3A_357], %gather3A_350 {strides = array<i32>} : memref<2048xf32, #tpu.memory_space<vmem>>, vector<16xf32>,
    %swap3A_359 = arith.constant 1936 : index
    %swap3A_360 = tpu.vector_load %arg15[%swap3A_359] {strides = array<i32>} : memref<2048xf32, #tpu.memory_space<vmem>>, vector<16xf32>,
    tpu.vector_store %arg15[%swap3A_359], %gather3A_351 {strides = array<i32>} : memref<2048xf32, #tpu.memory_space<vmem>>, vector<16xf32>,
    %get3A_361 = arith.constant 1936 : index
    %get3A_362 = tpu.vector_load %arg14[%get3A_361] {strides = array<i32>} : memref<2048xf32, #tpu.memory_space<vmem>>, vector<16xf32>,
    %mul3A_363 = arith.mulf %get3A_362, %gather3A_351 : vector<16xf32>
    %add3A_364 = arith.addf %mul3A_356, %mul3A_363 : vector<16xf32>
    %swap3A_365 = arith.constant 1952 : index
    %swap3A_366 = tpu.vector_load %arg15[%swap3A_365] {strides = array<i32>} : memref<2048xf32, #tpu.memory_space<vmem>>, vector<16xf32>,
    tpu.vector_store %arg15[%swap3A_365], %gather3A_352 {strides = array<i32>} : memref<2048xf32, #tpu.memory_space<vmem>>, vector<16xf32>,
    %get3A_367 = arith.constant 1952 : index
    %get3A_368 = tpu.vector_load %arg14[%get3A_367] {strides = array<i32>} : memref<2048xf32, #tpu.memory_space<vmem>>, vector<16xf32>,
    %mul3A_369 = arith.mulf %get3A_368, %gather3A_352 : vector<16xf32>
    %add3A_370 = arith.addf %add3A_364, %mul3A_369 : vector<16xf32>
    %swap3A_371 = arith.constant 1968 : index
    %swap3A_372 = tpu.vector_load %arg15[%swap3A_371] {strides = array<i32>} : memref<2048xf32, #tpu.memory_space<vmem>>, vector<16xf32>,
    tpu.vector_store %arg15[%swap3A_371], %gather3A_353 {strides = array<i32>} : memref<2048xf32, #tpu.memory_space<vmem>>, vector<16xf32>,
    %get3A_373 = arith.constant 1968 : index
    %get3A_374 = tpu.vector_load %arg14[%get3A_373] {strides = array<i32>} : memref<2048xf32, #tpu.memory_space<vmem>>, vector<16xf32>,
    %mul3A_375 = arith.mulf %get3A_374, %gather3A_353 : vector<16xf32>
    %add3A_376 = arith.addf %add3A_370, %mul3A_375 : vector<16xf32>
    %reduce_sum3A_377 = arith.constant true
    %reduce_sum3A_378 = vector.broadcast %reduce_sum3A_377 : i1 to vector<16xi1>
    %reduce_sum3A_379 = tpu.scan <sum>, %add3A_376 masked %reduce_sum3A_378 : vector<16xf32>, vector<16xi1> -> vector<16xf32>
    %reduce_sum3A_380 = vector.extract %reduce_sum3A_379[15] : f32 from vector<16xf32>
    %add3A_381 = arith.constant 510 : i32
    %add3A_382 = arith.addi %mul3A_2, %add3A_381 : i32
    %mul3A_383 = arith.constant 64 : i32
    %mul3A_384 = arith.muli %add3A_382, %mul3A_383 : i32
    %dma_start3A_385 = arith.constant 1920 : i32
    %dma_start3A_386 = tpu.memref_slice %arg15[%dma_start3A_385] : memref<2048xf32, #tpu.memory_space<vmem>> -> memref<64xf32, #tpu.memory_space<vmem>>
    %dma_start3A_387 = tpu.memref_slice %arg11[%mul3A_384] : memref<1048576xf32, #tpu.memory_space<hbm>> -> memref<64xf32, #tpu.memory_space<hbm>>
    %dma_start3A_388 = tpu.memref_slice %arg11[%mul3A_384] : memref<1048576xf32, #tpu.memory_space<hbm>> -> memref<64xf32, #tpu.memory_space<hbm>>
    %dma_start3A_389 = arith.constant 1920 : i32
    %dma_start3A_390 = tpu.memref_slice %arg15[%dma_start3A_389] : memref<2048xf32, #tpu.memory_space<vmem>> -> memref<64xf32, #tpu.memory_space<vmem>>
    tpu.enqueue_dma source(%dma_start3A_390 : memref<64xf32, #tpu.memory_space<vmem>>) target(%dma_start3A_388 : memref<64xf32, #tpu.memory_space<hbm>>) target_semaphore(%arg30 : memref<!tpu.dma_semaphore, #tpu.memory_space<semaphore_mem>>)
    %eq3A_391 = arith.constant 14 : i32
    %eq3A_392 = vector.broadcast %eq3A_391 : i32 to vector<16xi32>
    %eq3A_393 = arith.cmpi eq, %iota3A_18, %eq3A_392 : vector<16xi32>
    %broadcast_in_dim3A_394 = vector.broadcast %reduce_sum3A_380 : f32 to vector<16xf32>
    %select_n3A_395 = arith.select %eq3A_393, %broadcast_in_dim3A_394, %select_n3A_342 : vector<16xi1>, vector<16xf32>
    %dma_wait3A_396 = arith.constant 0 : i32
    %dma_wait3A_397 = arith.constant 0 : i32
    %dma_wait3A_398 = tpu.memref_slice %arg5[%dma_wait3A_396, %dma_wait3A_397] : memref<64x1000000xf32, #tpu.memory_space<hbm>> -> memref<64x128xf32, #tpu.memory_space<hbm>>
    %dma_wait3A_399 = arith.constant 0 : i32
    %dma_wait3A_400 = arith.constant 0 : i32
    %dma_wait3A_401 = tpu.memref_slice %arg5[%dma_wait3A_399, %dma_wait3A_400] : memref<64x1000000xf32, #tpu.memory_space<hbm>> -> memref<64x128xf32, #tpu.memory_space<hbm>>
    tpu.wait_dma2 semaphore(%arg29 : memref<!tpu.dma_semaphore, #tpu.memory_space<semaphore_mem>>) src(%dma_wait3A_401 : memref<64x128xf32, #tpu.memory_space<hbm>>) dst(%arg27 : memref<64x128xf32, #tpu.memory_space<vmem>>)
    %broadcast_in_dim3A_402 = vector.broadcast %scan3A_31#7 : i32 to vector<16xi32>
    %gather3A_403 = tpu.vector_load_idx %arg27[%add3A_5, %broadcast_in_dim3A_402] : memref<64x128xf32, #tpu.memory_space<vmem>>[vector<16xi32>, vector<16xi32>], vector<16xf32>,
    %gather3A_404 = tpu.vector_load_idx %arg27[%add3A_9, %broadcast_in_dim3A_402] : memref<64x128xf32, #tpu.memory_space<vmem>>[vector<16xi32>, vector<16xi32>], vector<16xf32>,
    %gather3A_405 = tpu.vector_load_idx %arg27[%add3A_13, %broadcast_in_dim3A_402] : memref<64x128xf32, #tpu.memory_space<vmem>>[vector<16xi32>, vector<16xi32>], vector<16xf32>,
    %gather3A_406 = tpu.vector_load_idx %arg27[%add3A_17, %broadcast_in_dim3A_402] : memref<64x128xf32, #tpu.memory_space<vmem>>[vector<16xi32>, vector<16xi32>], vector<16xf32>,
    %get3A_407 = arith.constant 1984 : index
    %get3A_408 = tpu.vector_load %arg14[%get3A_407] {strides = array<i32>} : memref<2048xf32, #tpu.memory_space<vmem>>, vector<16xf32>,
    %mul3A_409 = arith.mulf %get3A_408, %gather3A_403 : vector<16xf32>
    %swap3A_410 = arith.constant 1984 : index
    %swap3A_411 = tpu.vector_load %arg15[%swap3A_410] {strides = array<i32>} : memref<2048xf32, #tpu.memory_space<vmem>>, vector<16xf32>,
    tpu.vector_store %arg15[%swap3A_410], %gather3A_403 {strides = array<i32>} : memref<2048xf32, #tpu.memory_space<vmem>>, vector<16xf32>,
    %swap3A_412 = arith.constant 2000 : index
    %swap3A_413 = tpu.vector_load %arg15[%swap3A_412] {strides = array<i32>} : memref<2048xf32, #tpu.memory_space<vmem>>, vector<16xf32>,
    tpu.vector_store %arg15[%swap3A_412], %gather3A_404 {strides = array<i32>} : memref<2048xf32, #tpu.memory_space<vmem>>, vector<16xf32>,
    %get3A_414 = arith.constant 2000 : index
    %get3A_415 = tpu.vector_load %arg14[%get3A_414] {strides = array<i32>} : memref<2048xf32, #tpu.memory_space<vmem>>, vector<16xf32>,
    %mul3A_416 = arith.mulf %get3A_415, %gather3A_404 : vector<16xf32>
    %add3A_417 = arith.addf %mul3A_409, %mul3A_416 : vector<16xf32>
    %swap3A_418 = arith.constant 2016 : index
    %swap3A_419 = tpu.vector_load %arg15[%swap3A_418] {strides = array<i32>} : memref<2048xf32, #tpu.memory_space<vmem>>, vector<16xf32>,
    tpu.vector_store %arg15[%swap3A_418], %gather3A_405 {strides = array<i32>} : memref<2048xf32, #tpu.memory_space<vmem>>, vector<16xf32>,
    %get3A_420 = arith.constant 2016 : index
    %get3A_421 = tpu.vector_load %arg14[%get3A_420] {strides = array<i32>} : memref<2048xf32, #tpu.memory_space<vmem>>, vector<16xf32>,
    %mul3A_422 = arith.mulf %get3A_421, %gather3A_405 : vector<16xf32>
    %add3A_423 = arith.addf %add3A_417, %mul3A_422 : vector<16xf32>
    %swap3A_424 = arith.constant 2032 : index
    %swap3A_425 = tpu.vector_load %arg15[%swap3A_424] {strides = array<i32>} : memref<2048xf32, #tpu.memory_space<vmem>>, vector<16xf32>,
    tpu.vector_store %arg15[%swap3A_424], %gather3A_406 {strides = array<i32>} : memref<2048xf32, #tpu.memory_space<vmem>>, vector<16xf32>,
    %get3A_426 = arith.constant 2032 : index
    %get3A_427 = tpu.vector_load %arg14[%get3A_426] {strides = array<i32>} : memref<2048xf32, #tpu.memory_space<vmem>>, vector<16xf32>,
    %mul3A_428 = arith.mulf %get3A_427, %gather3A_406 : vector<16xf32>
    %add3A_429 = arith.addf %add3A_423, %mul3A_428 : vector<16xf32>
    %reduce_sum3A_430 = arith.constant true
    %reduce_sum3A_431 = vector.broadcast %reduce_sum3A_430 : i1 to vector<16xi1>
    %reduce_sum3A_432 = tpu.scan <sum>, %add3A_429 masked %reduce_sum3A_431 : vector<16xf32>, vector<16xi1> -> vector<16xf32>
    %reduce_sum3A_433 = vector.extract %reduce_sum3A_432[15] : f32 from vector<16xf32>
    %add3A_434 = arith.constant 511 : i32
    %add3A_435 = arith.addi %mul3A_2, %add3A_434 : i32
    %mul3A_436 = arith.constant 64 : i32
    %mul3A_437 = arith.muli %add3A_435, %mul3A_436 : i32
    %dma_start3A_438 = arith.constant 1984 : i32
    %dma_start3A_439 = tpu.memref_slice %arg15[%dma_start3A_438] : memref<2048xf32, #tpu.memory_space<vmem>> -> memref<64xf32, #tpu.memory_space<vmem>>
    %dma_start3A_440 = tpu.memref_slice %arg11[%mul3A_437] : memref<1048576xf32, #tpu.memory_space<hbm>> -> memref<64xf32, #tpu.memory_space<hbm>>
    %dma_start3A_441 = tpu.memref_slice %arg11[%mul3A_437] : memref<1048576xf32, #tpu.memory_space<hbm>> -> memref<64xf32, #tpu.memory_space<hbm>>
    %dma_start3A_442 = arith.constant 1984 : i32
    %dma_start3A_443 = tpu.memref_slice %arg15[%dma_start3A_442] : memref<2048xf32, #tpu.memory_space<vmem>> -> memref<64xf32, #tpu.memory_space<vmem>>
    tpu.enqueue_dma source(%dma_start3A_443 : memref<64xf32, #tpu.memory_space<vmem>>) target(%dma_start3A_441 : memref<64xf32, #tpu.memory_space<hbm>>) target_semaphore(%arg30 : memref<!tpu.dma_semaphore, #tpu.memory_space<semaphore_mem>>)
    %eq3A_444 = arith.constant 15 : i32
    %eq3A_445 = vector.broadcast %eq3A_444 : i32 to vector<16xi32>
    %eq3A_446 = arith.cmpi eq, %iota3A_18, %eq3A_445 : vector<16xi32>
    %broadcast_in_dim3A_447 = vector.broadcast %reduce_sum3A_433 : f32 to vector<16xf32>
    %select_n3A_448 = arith.select %eq3A_446, %broadcast_in_dim3A_447, %select_n3A_395 : vector<16xi1>, vector<16xf32>
    %swap3A_449 = arith.constant 496 : index
    %swap3A_450 = tpu.vector_load %arg19[%swap3A_449] {strides = array<i32>} : memref<512xf32, #tpu.memory_space<vmem>>, vector<16xf32>,
    tpu.vector_store %arg19[%swap3A_449], %select_n3A_448 {strides = array<i32>} : memref<512xf32, #tpu.memory_space<vmem>>, vector<16xf32>,
    %dma_wait3A_451 = arith.constant 0 : i32
    %dma_wait3A_452 = tpu.memref_slice %arg15[%dma_wait3A_451] : memref<2048xf32, #tpu.memory_space<vmem>> -> memref<2048xf32, #tpu.memory_space<vmem>>
    %dma_wait3A_453 = arith.constant 0 : i32
    %dma_wait3A_454 = tpu.memref_slice %arg11[%dma_wait3A_453] : memref<1048576xf32, #tpu.memory_space<hbm>> -> memref<2048xf32, #tpu.memory_space<hbm>>
    %dma_wait3A_455 = arith.constant 0 : i32
    %dma_wait3A_456 = tpu.memref_slice %arg15[%dma_wait3A_455] : memref<2048xf32, #tpu.memory_space<vmem>> -> memref<2048xf32, #tpu.memory_space<vmem>>
    %dma_wait3A_457 = arith.constant 0 : i32
    %dma_wait3A_458 = tpu.memref_slice %arg11[%dma_wait3A_457] : memref<1048576xf32, #tpu.memory_space<hbm>> -> memref<2048xf32, #tpu.memory_space<hbm>>
    tpu.wait_dma2 semaphore(%arg30 : memref<!tpu.dma_semaphore, #tpu.memory_space<semaphore_mem>>) src(%dma_wait3A_458 : memref<2048xf32, #tpu.memory_space<hbm>>) dst(%dma_wait3A_456 : memref<2048xf32, #tpu.memory_space<vmem>>)
    %dma_wait3A_459 = arith.constant 0 : i32
    %dma_wait3A_460 = tpu.memref_slice %arg15[%dma_wait3A_459] : memref<2048xf32, #tpu.memory_space<vmem>> -> memref<512xf32, #tpu.memory_space<vmem>>
    %dma_wait3A_461 = arith.constant 0 : i32
    %dma_wait3A_462 = tpu.memref_slice %arg11[%dma_wait3A_461] : memref<1048576xf32, #tpu.memory_space<hbm>> -> memref<512xf32, #tpu.memory_space<hbm>>
    %dma_wait3A_463 = arith.constant 0 : i32
    %dma_wait3A_464 = tpu.memref_slice %arg15[%dma_wait3A_463] : memref<2048xf32, #tpu.memory_space<vmem>> -> memref<512xf32, #tpu.memory_space<vmem>>
    %dma_wait3A_465 = arith.constant 0 : i32
    %dma_wait3A_466 = tpu.memref_slice %arg11[%dma_wait3A_465] : memref<1048576xf32, #tpu.memory_space<hbm>> -> memref<512xf32, #tpu.memory_space<hbm>>
    tpu.wait_dma2 semaphore(%arg30 : memref<!tpu.dma_semaphore, #tpu.memory_space<semaphore_mem>>) src(%dma_wait3A_466 : memref<512xf32, #tpu.memory_space<hbm>>) dst(%dma_wait3A_464 : memref<512xf32, #tpu.memory_space<vmem>>)
    "tpu.region"() ({
      %run_scoped3A = tpu.sem_alloc : memref<!tpu.dma_semaphore, #tpu.memory_space<semaphore_mem>>
      tpu.enqueue_dma source(%arg7 : memref<64xf32, #tpu.memory_space<hbm>>) target(%arg17 : memref<64xf32, #tpu.memory_space<vmem>>) target_semaphore(%run_scoped3A : memref<!tpu.dma_semaphore, #tpu.memory_space<semaphore_mem>>)
      tpu.wait_dma2 semaphore(%run_scoped3A : memref<!tpu.dma_semaphore, #tpu.memory_space<semaphore_mem>>) src(%arg7 : memref<64xf32, #tpu.memory_space<hbm>>) dst(%arg17 : memref<64xf32, #tpu.memory_space<vmem>>)
      tpu.yield
    }) : () -> ()
    "tpu.region"() ({
      %run_scoped3A = tpu.sem_alloc : memref<!tpu.dma_semaphore, #tpu.memory_space<semaphore_mem>>
      tpu.enqueue_dma source(%arg8 : memref<16xf32, #tpu.memory_space<hbm>>) target(%arg18 : memref<16xf32, #tpu.memory_space<vmem>>) target_semaphore(%run_scoped3A : memref<!tpu.dma_semaphore, #tpu.memory_space<semaphore_mem>>)
      tpu.wait_dma2 semaphore(%run_scoped3A : memref<!tpu.dma_semaphore, #tpu.memory_space<semaphore_mem>>) src(%arg8 : memref<16xf32, #tpu.memory_space<hbm>>) dst(%arg18 : memref<16xf32, #tpu.memory_space<vmem>>)
      tpu.yield
    }) : () -> ()
    %broadcast_in_dim3A_467 = arith.constant 0 : i32
    %broadcast_in_dim3A_468 = vector.broadcast %broadcast_in_dim3A_467 : i32 to vector<16xi32>
    "tpu.region"() ({
      %run_scoped3A = tpu.sem_alloc : memref<!tpu.dma_semaphore, #tpu.memory_space<semaphore_mem>>
      %dma_start3A_528 = arith.constant 0 : i32
      %dma_start3A_529 = tpu.memref_slice %arg4[%dma_start3A_528] : memref<16384xi32, #tpu.memory_space<hbm>> -> memref<4096xi32, #tpu.memory_space<hbm>>
      %dma_start3A_530 = arith.constant 0 : i32
      %dma_start3A_531 = tpu.memref_slice %arg4[%dma_start3A_530] : memref<16384xi32, #tpu.memory_space<hbm>> -> memref<4096xi32, #tpu.memory_space<hbm>>
      tpu.enqueue_dma source(%dma_start3A_531 : memref<4096xi32, #tpu.memory_space<hbm>>) target(%arg16 : memref<4096xi32, #tpu.memory_space<vmem>>) target_semaphore(%run_scoped3A : memref<!tpu.dma_semaphore, #tpu.memory_space<semaphore_mem>>)
      %dma_wait3A_532 = arith.constant 0 : i32
      %dma_wait3A_533 = tpu.memref_slice %arg4[%dma_wait3A_532] : memref<16384xi32, #tpu.memory_space<hbm>> -> memref<4096xi32, #tpu.memory_space<hbm>>
      %dma_wait3A_534 = arith.constant 0 : i32
      %dma_wait3A_535 = tpu.memref_slice %arg4[%dma_wait3A_534] : memref<16384xi32, #tpu.memory_space<hbm>> -> memref<4096xi32, #tpu.memory_space<hbm>>
      tpu.wait_dma2 semaphore(%run_scoped3A : memref<!tpu.dma_semaphore, #tpu.memory_space<semaphore_mem>>) src(%dma_wait3A_535 : memref<4096xi32, #tpu.memory_space<hbm>>) dst(%arg16 : memref<4096xi32, #tpu.memory_space<vmem>>)
      tpu.yield
    }) : () -> ()
    %scan3A_469 = arith.constant 0 : i32
    %scan3A_470 = arith.constant 256 : i32
    %scan3A_471 = arith.addi %scan3A_469, %scan3A_470 : i32
    %scan3A_472 = arith.constant 1 : i32
    %scan3A_473 = scf.for %scan3A_528 = %scan3A_469 to %scan3A_471 step %scan3A_472 iter_args(%scan3A_529 = %broadcast_in_dim3A_468) -> (vector<16xi32>)  : i32 {
      %mul3A_530 = arith.constant 16 : i32
      %mul3A_531 = arith.muli %scan3A_528, %mul3A_530 : i32
      %get3A_532 = arith.index_cast %mul3A_531 : i32 to index
      %get3A_533 = tpu.vector_load %arg16[%get3A_532] {strides = array<i32>} : memref<4096xi32, #tpu.memory_space<vmem>>, vector<16xi32>,
      %add3A_534 = arith.addi %scan3A_529, %get3A_533 : vector<16xi32>
      scf.yield %add3A_534 : vector<16xi32>
    }
    %scan3A_474 = arith.constant 256 : i32
    "tpu.region"() ({
      %run_scoped3A = tpu.sem_alloc : memref<!tpu.dma_semaphore, #tpu.memory_space<semaphore_mem>>
      %dma_start3A_528 = arith.constant 4096 : i32
      %dma_start3A_529 = tpu.memref_slice %arg4[%dma_start3A_528] : memref<16384xi32, #tpu.memory_space<hbm>> -> memref<4096xi32, #tpu.memory_space<hbm>>
      %dma_start3A_530 = arith.constant 4096 : i32
      %dma_start3A_531 = tpu.memref_slice %arg4[%dma_start3A_530] : memref<16384xi32, #tpu.memory_space<hbm>> -> memref<4096xi32, #tpu.memory_space<hbm>>
      tpu.enqueue_dma source(%dma_start3A_531 : memref<4096xi32, #tpu.memory_space<hbm>>) target(%arg16 : memref<4096xi32, #tpu.memory_space<vmem>>) target_semaphore(%run_scoped3A : memref<!tpu.dma_semaphore, #tpu.memory_space<semaphore_mem>>)
      %dma_wait3A_532 = arith.constant 4096 : i32
      %dma_wait3A_533 = tpu.memref_slice %arg4[%dma_wait3A_532] : memref<16384xi32, #tpu.memory_space<hbm>> -> memref<4096xi32, #tpu.memory_space<hbm>>
      %dma_wait3A_534 = arith.constant 4096 : i32
      %dma_wait3A_535 = tpu.memref_slice %arg4[%dma_wait3A_534] : memref<16384xi32, #tpu.memory_space<hbm>> -> memref<4096xi32, #tpu.memory_space<hbm>>
      tpu.wait_dma2 semaphore(%run_scoped3A : memref<!tpu.dma_semaphore, #tpu.memory_space<semaphore_mem>>) src(%dma_wait3A_535 : memref<4096xi32, #tpu.memory_space<hbm>>) dst(%arg16 : memref<4096xi32, #tpu.memory_space<vmem>>)
      tpu.yield
    }) : () -> ()
    %scan3A_475 = arith.constant 0 : i32
    %scan3A_476 = arith.constant 256 : i32
    %scan3A_477 = arith.addi %scan3A_475, %scan3A_476 : i32
    %scan3A_478 = arith.constant 1 : i32
    %scan3A_479 = scf.for %scan3A_528 = %scan3A_475 to %scan3A_477 step %scan3A_478 iter_args(%scan3A_529 = %scan3A_473) -> (vector<16xi32>)  : i32 {
      %mul3A_530 = arith.constant 16 : i32
      %mul3A_531 = arith.muli %scan3A_528, %mul3A_530 : i32
      %get3A_532 = arith.index_cast %mul3A_531 : i32 to index
      %get3A_533 = tpu.vector_load %arg16[%get3A_532] {strides = array<i32>} : memref<4096xi32, #tpu.memory_space<vmem>>, vector<16xi32>,
      %add3A_534 = arith.addi %scan3A_529, %get3A_533 : vector<16xi32>
      scf.yield %add3A_534 : vector<16xi32>
    }
    %scan3A_480 = arith.constant 256 : i32
    "tpu.region"() ({
      %run_scoped3A = tpu.sem_alloc : memref<!tpu.dma_semaphore, #tpu.memory_space<semaphore_mem>>
      %dma_start3A_528 = arith.constant 8192 : i32
      %dma_start3A_529 = tpu.memref_slice %arg4[%dma_start3A_528] : memref<16384xi32, #tpu.memory_space<hbm>> -> memref<4096xi32, #tpu.memory_space<hbm>>
      %dma_start3A_530 = arith.constant 8192 : i32
      %dma_start3A_531 = tpu.memref_slice %arg4[%dma_start3A_530] : memref<16384xi32, #tpu.memory_space<hbm>> -> memref<4096xi32, #tpu.memory_space<hbm>>
      tpu.enqueue_dma source(%dma_start3A_531 : memref<4096xi32, #tpu.memory_space<hbm>>) target(%arg16 : memref<4096xi32, #tpu.memory_space<vmem>>) target_semaphore(%run_scoped3A : memref<!tpu.dma_semaphore, #tpu.memory_space<semaphore_mem>>)
      %dma_wait3A_532 = arith.constant 8192 : i32
      %dma_wait3A_533 = tpu.memref_slice %arg4[%dma_wait3A_532] : memref<16384xi32, #tpu.memory_space<hbm>> -> memref<4096xi32, #tpu.memory_space<hbm>>
      %dma_wait3A_534 = arith.constant 8192 : i32
      %dma_wait3A_535 = tpu.memref_slice %arg4[%dma_wait3A_534] : memref<16384xi32, #tpu.memory_space<hbm>> -> memref<4096xi32, #tpu.memory_space<hbm>>
      tpu.wait_dma2 semaphore(%run_scoped3A : memref<!tpu.dma_semaphore, #tpu.memory_space<semaphore_mem>>) src(%dma_wait3A_535 : memref<4096xi32, #tpu.memory_space<hbm>>) dst(%arg16 : memref<4096xi32, #tpu.memory_space<vmem>>)
      tpu.yield
    }) : () -> ()
    %scan3A_481 = arith.constant 0 : i32
    %scan3A_482 = arith.constant 256 : i32
    %scan3A_483 = arith.addi %scan3A_481, %scan3A_482 : i32
    %scan3A_484 = arith.constant 1 : i32
    %scan3A_485 = scf.for %scan3A_528 = %scan3A_481 to %scan3A_483 step %scan3A_484 iter_args(%scan3A_529 = %scan3A_479) -> (vector<16xi32>)  : i32 {
      %mul3A_530 = arith.constant 16 : i32
      %mul3A_531 = arith.muli %scan3A_528, %mul3A_530 : i32
      %get3A_532 = arith.index_cast %mul3A_531 : i32 to index
      %get3A_533 = tpu.vector_load %arg16[%get3A_532] {strides = array<i32>} : memref<4096xi32, #tpu.memory_space<vmem>>, vector<16xi32>,
      %add3A_534 = arith.addi %scan3A_529, %get3A_533 : vector<16xi32>
      scf.yield %add3A_534 : vector<16xi32>
    }
    %scan3A_486 = arith.constant 256 : i32
    "tpu.region"() ({
      %run_scoped3A = tpu.sem_alloc : memref<!tpu.dma_semaphore, #tpu.memory_space<semaphore_mem>>
      %dma_start3A_528 = arith.constant 12288 : i32
      %dma_start3A_529 = tpu.memref_slice %arg4[%dma_start3A_528] : memref<16384xi32, #tpu.memory_space<hbm>> -> memref<4096xi32, #tpu.memory_space<hbm>>
      %dma_start3A_530 = arith.constant 12288 : i32
      %dma_start3A_531 = tpu.memref_slice %arg4[%dma_start3A_530] : memref<16384xi32, #tpu.memory_space<hbm>> -> memref<4096xi32, #tpu.memory_space<hbm>>
      tpu.enqueue_dma source(%dma_start3A_531 : memref<4096xi32, #tpu.memory_space<hbm>>) target(%arg16 : memref<4096xi32, #tpu.memory_space<vmem>>) target_semaphore(%run_scoped3A : memref<!tpu.dma_semaphore, #tpu.memory_space<semaphore_mem>>)
      %dma_wait3A_532 = arith.constant 12288 : i32
      %dma_wait3A_533 = tpu.memref_slice %arg4[%dma_wait3A_532] : memref<16384xi32, #tpu.memory_space<hbm>> -> memref<4096xi32, #tpu.memory_space<hbm>>
      %dma_wait3A_534 = arith.constant 12288 : i32
      %dma_wait3A_535 = tpu.memref_slice %arg4[%dma_wait3A_534] : memref<16384xi32, #tpu.memory_space<hbm>> -> memref<4096xi32, #tpu.memory_space<hbm>>
      tpu.wait_dma2 semaphore(%run_scoped3A : memref<!tpu.dma_semaphore, #tpu.memory_space<semaphore_mem>>) src(%dma_wait3A_535 : memref<4096xi32, #tpu.memory_space<hbm>>) dst(%arg16 : memref<4096xi32, #tpu.memory_space<vmem>>)
      tpu.yield
    }) : () -> ()
    %scan3A_487 = arith.constant 0 : i32
    %scan3A_488 = arith.constant 256 : i32
    %scan3A_489 = arith.addi %scan3A_487, %scan3A_488 : i32
    %scan3A_490 = arith.constant 1 : i32
    %scan3A_491 = scf.for %scan3A_528 = %scan3A_487 to %scan3A_489 step %scan3A_490 iter_args(%scan3A_529 = %scan3A_485) -> (vector<16xi32>)  : i32 {
      %mul3A_530 = arith.constant 16 : i32
      %mul3A_531 = arith.muli %scan3A_528, %mul3A_530 : i32
      %get3A_532 = arith.index_cast %mul3A_531 : i32 to index
      %get3A_533 = tpu.vector_load %arg16[%get3A_532] {strides = array<i32>} : memref<4096xi32, #tpu.memory_space<vmem>>, vector<16xi32>,
      %add3A_534 = arith.addi %scan3A_529, %get3A_533 : vector<16xi32>
      scf.yield %add3A_534 : vector<16xi32>
    }
    %scan3A_492 = arith.constant 256 : i32
    %convert_element_type3A = arith.sitofp %scan3A_491 : vector<16xi32> to vector<16xf32>
    %reduce_sum3A_493 = arith.constant true
    %reduce_sum3A_494 = vector.broadcast %reduce_sum3A_493 : i1 to vector<16xi1>
    %reduce_sum3A_495 = tpu.scan <sum>, %convert_element_type3A masked %reduce_sum3A_494 : vector<16xf32>, vector<16xi1> -> vector<16xf32>
    %reduce_sum3A_496 = vector.extract %reduce_sum3A_495[15] : f32 from vector<16xf32>
    %get3A_497 = arith.constant 0 : index
    %get3A_498 = tpu.vector_load %arg17[%get3A_497] {strides = array<i32>} : memref<64xf32, #tpu.memory_space<vmem>>, vector<16xf32>,
    %get3A_499 = arith.constant 16 : index
    %get3A_500 = tpu.vector_load %arg17[%get3A_499] {strides = array<i32>} : memref<64xf32, #tpu.memory_space<vmem>>, vector<16xf32>,
    %add3A_501 = arith.addf %get3A_498, %get3A_500 : vector<16xf32>
    %reduce_sum3A_502 = arith.constant true
    %reduce_sum3A_503 = vector.broadcast %reduce_sum3A_502 : i1 to vector<16xi1>
    %reduce_sum3A_504 = tpu.scan <sum>, %add3A_501 masked %reduce_sum3A_503 : vector<16xf32>, vector<16xi1> -> vector<16xf32>
    %reduce_sum3A_505 = vector.extract %reduce_sum3A_504[15] : f32 from vector<16xf32>
    %get3A_506 = arith.constant 32 : index
    %get3A_507 = tpu.vector_load %arg17[%get3A_506] {strides = array<i32>} : memref<64xf32, #tpu.memory_space<vmem>>, vector<16xf32>,
    %get3A_508 = arith.constant 48 : index
    %get3A_509 = tpu.vector_load %arg17[%get3A_508] {strides = array<i32>} : memref<64xf32, #tpu.memory_space<vmem>>, vector<16xf32>,
    %add3A_510 = arith.addf %get3A_507, %get3A_509 : vector<16xf32>
    %reduce_sum3A_511 = arith.constant true
    %reduce_sum3A_512 = vector.broadcast %reduce_sum3A_511 : i1 to vector<16xi1>
    %reduce_sum3A_513 = tpu.scan <sum>, %add3A_510 masked %reduce_sum3A_512 : vector<16xf32>, vector<16xi1> -> vector<16xf32>
    %reduce_sum3A_514 = vector.extract %reduce_sum3A_513[15] : f32 from vector<16xf32>
    %sub3A = arith.constant 1.638400e+04 : f32
    %sub3A_515 = arith.subf %sub3A, %reduce_sum3A_496 : f32
    %mul3A_516 = arith.mulf %sub3A_515, %reduce_sum3A_505 : f32
    %mul3A_517 = arith.mulf %reduce_sum3A_496, %reduce_sum3A_514 : f32
    %add3A_518 = arith.addf %mul3A_516, %mul3A_517 : f32
    %get3A_519 = arith.constant 0 : index
    %get3A_520 = tpu.vector_load %arg18[%get3A_519] {strides = array<i32>} : memref<16xf32, #tpu.memory_space<vmem>>, vector<16xf32>,
    %slice3A = vector.extract_strided_slice %get3A_520 {offsets = [0], sizes = [1], strides = [1]} : vector<16xf32> to vector<1xf32>
    %squeeze3A = vector.extract %slice3A[0] : f32 from vector<1xf32>
    %add3A_521 = arith.addf %add3A_518, %squeeze3A : f32
    %scan3A_522 = arith.constant 0 : i32
    %scan3A_523 = arith.constant 0 : i32
    %scan3A_524 = arith.constant 32 : i32
    %scan3A_525 = arith.addi %scan3A_523, %scan3A_524 : i32
    %scan3A_526 = arith.constant 1 : i32
    scf.for %scan3A_528 = %scan3A_523 to %scan3A_525 step %scan3A_526  : i32 {
      %mul3A_529 = arith.constant 16 : i32
      %mul3A_530 = arith.muli %scan3A_528, %mul3A_529 : i32
      %get3A_531 = arith.index_cast %mul3A_530 : i32 to index
      %get3A_532 = tpu.vector_load %arg19[%get3A_531] {strides = array<i32>} : memref<512xf32, #tpu.memory_space<vmem>>, vector<16xf32>,
      %add3A_533 = vector.broadcast %add3A_521 : f32 to vector<16xf32>
      %add3A_534 = arith.addf %get3A_532, %add3A_533 : vector<16xf32>
      %mul3A_535 = arith.constant 16 : i32
      %mul3A_536 = arith.muli %scan3A_528, %mul3A_535 : i32
      %swap3A_537 = arith.index_cast %mul3A_536 : i32 to index
      %swap3A_538 = tpu.vector_load %arg19[%swap3A_537] {strides = array<i32>} : memref<512xf32, #tpu.memory_space<vmem>>, vector<16xf32>,
      tpu.vector_store %arg19[%swap3A_537], %add3A_534 {strides = array<i32>} : memref<512xf32, #tpu.memory_space<vmem>>, vector<16xf32>,
    }
    %scan3A_527 = arith.constant 32 : i32
    "tpu.region"() ({
      %run_scoped3A = tpu.sem_alloc : memref<!tpu.dma_semaphore, #tpu.memory_space<semaphore_mem>>
      %dma_start3A_528 = tpu.memref_slice %arg9[%mul3A_2] : memref<16384xf32, #tpu.memory_space<hbm>> -> memref<512xf32, #tpu.memory_space<hbm>>
      %dma_start3A_529 = tpu.memref_slice %arg9[%mul3A_2] : memref<16384xf32, #tpu.memory_space<hbm>> -> memref<512xf32, #tpu.memory_space<hbm>>
      tpu.enqueue_dma source(%arg19 : memref<512xf32, #tpu.memory_space<vmem>>) target(%dma_start3A_529 : memref<512xf32, #tpu.memory_space<hbm>>) target_semaphore(%run_scoped3A : memref<!tpu.dma_semaphore, #tpu.memory_space<semaphore_mem>>)
      %dma_wait3A_530 = tpu.memref_slice %arg9[%mul3A_2] : memref<16384xf32, #tpu.memory_space<hbm>> -> memref<512xf32, #tpu.memory_space<hbm>>
      %dma_wait3A_531 = tpu.memref_slice %arg9[%mul3A_2] : memref<16384xf32, #tpu.memory_space<hbm>> -> memref<512xf32, #tpu.memory_space<hbm>>
      tpu.wait_dma2 semaphore(%run_scoped3A : memref<!tpu.dma_semaphore, #tpu.memory_space<semaphore_mem>>) src(%arg19 : memref<512xf32, #tpu.memory_space<vmem>>) dst(%dma_wait3A_531 : memref<512xf32, #tpu.memory_space<hbm>>)
      tpu.yield
    }) : () -> ()
    return
  }
}

</mosaic_0001>

<sc_bundles>
// kernel: _sc_forward.3.cloned.1.call-start
scs
__scs_entry_jumppad:
0x0: {  	(pc) =	sbr.rel $0x88, $3  }
0x1: {  	(tag) =	ssettag $0x0;
	lr =	simm.s32 $0x1  }
0x2: {  	[smem:$0x3F9A] =	sst lr;
	_ =	strace $0xD0000000  }
0x3: {  	_ = 	snop  }
0x4: {  	_ = 	snop  }
0x5: {  	_ = 	snop  }
0x6: {  	_ = 	snop  }
0x7: {  	_ = 	snop  }
__scs_overlays_trampoline_lowered:
0x8: {  	[smem:$0x3FA9] =	sst s0  }
0x9: {  	[smem:$0x3FAA] =	sst s1  }
0xa: {  	[smem:$0x3FAB] =	sst s2  }
0xb: {  	[smem:$0x3FAC] =	sst s3  }
0xc: {  	[smem:$0x3FAD] =	sst s4  }
0xd: {  	[smem:$0x3FAE] =	sst s5  }
0xe: {  	[smem:$0x3FAF] =	sst s6  }
0xf: {  	[smem:$0x3FB0] =	sst s7  }
0x10: {  	[smem:$0x3FB1] =	sst s8  }
0x11: {  	[smem:$0x3FB2] =	sst s9;
	s0 =	simm.s32 @!p0 $0x0  }
0x12: {  	s1 =	sld [smem:$0x3F98];
	s0 =	simm.s32 @p0 $0x1  }
0x13: {  	[smem:$0x3FB3] =	sst s0;
	s0 =	simm.s32 @!p1 $0x0  }
0x14: {  	s2 =	sld [smem:$0x3F97];
	s0 =	simm.s32 @p1 $0x1  }
0x15: {  	[smem:$0x3FB4] =	sst s0;
	s0 =	simm.s32 @!p2 $0x0  }
0x16: {  	s3 =	sld [smem:$0x3FDB];
	s0 =	simm.s32 @p2 $0x1  }
0x17: {  	s4 =	simm.s32 $0x1BF5;
	[smem:$0x3FB6] =	sst s0  }
0x18: {  	s0 =	sld [smem:$0x3F99];
	_ =	swait.ge [sflag:s4], $0x0  }
0x19: {  	s7 =	sld [smem:$0x3F9A]  }
0x1a: {  	s8 =	sadd.s32 $0xFFFFE003, lr  }
0x1b: {  	s9 =	sadd.s32 $0xFFFFFEF7, lr;
	s5 =	simm.s32 $0xFFFFFFFF;
	p2 =	slt.u32 s8, $0xFFFFF086  }
0x1c: {  	p1 =	slt.u32 s9, $0xF7A;
	s5 =	simm.s32 @!p2 $0x0  }
0x1d: {  	s5 =	simm.s32 @p1 $0x1;
	p0 =	seq.s32 s7, s2  }
0x1e: {  	s7 =	smul.u32 @!p0 $0xF7A, s2;
	p2 =	seq.s32 @!p0 s5, $0x0  }
0x1f: {  	s9 =	smul.u32 $0xF7A, s1;
	s8 =	simm.s32 @!p0 $0x1BF5;
	p2 =	por !p2, p0  }
0x20: {  	[sflag:s8] =	ssyncset.s32 @!p0 $0xFFFFF086;
	s6 =	sadd.s32 @!p0 s3, s7;
	s7 =	simm.s32 @!p0 $0x108  }
0x21: {  	s3 =	sadd.s32 s3, s9;
	s6 =	sadd.s32 @!p0 $0x88, s6;
	s7 =	simm.s32 @p2 $0x1082  }
0x22: {  	[simem:s7], [sflag:s8] =	dma.local @!p0 [hbm:s6], $0xF7A  }
0x23: {  	s9 =	sor.u32 $0xD0000000, s2;
	s6 =	simm.s32 $0x108;
	_ =	swait.ge @!p0 [sflag:s8], $0x0  }
0x24: {  	s3 =	sadd.s32 $0x88, s3;
	s6 =	simm.s32 @!p1 $0x1082;
	[sflag:s4] =	ssyncset.s32 $0xFFFFF086  }
0x25: {  	[simem:s6], [sflag:s4] =	dma.local [hbm:s3], $0xF7A  }
0x26: {  	[smem:$0x3F9A] =	sst s1;
	(tag) =	ssettag s2;
	_ =	strace s9  }
0x27: {  	s1 =	sld [smem:$0x3FAA]  }
0x28: {  	s2 =	sld [smem:$0x3FAB]  }
0x29: {  	s4 =	sld [smem:$0x3FAD]  }
0x2a: {  	p0 =	seq.s32 s5, $0x0;
	s5 =	sld [smem:$0x3FAE]  }
0x2b: {  	s6 =	sld [smem:$0x3FAF]  }
0x2c: {  	s7 =	sld [smem:$0x3FB0]  }
0x2d: {  	s3 =	simm.s32 $0x108;
	s8 =	sld [smem:$0x3FB1]  }
0x2e: {  	s3 =	simm.s32 @!p0 $0x1082;
	s9 =	sld [smem:$0x3FB2]  }
0x2f: {  	lr =	sadd.s32 s0, s3;
	s0 =	sld [smem:$0x3FA9]  }
0x30: {  	s3 =	sld [smem:$0x3FAC]  }
0x31: {  	[smem:$0x3FB5] =	sst s10  }
0x32: {  	s10 =	sld [smem:$0x3FB3];
	_ =	sdelay $0x3  }
0x33: {  	p0 =	seq.s32 s10, $0x1;
	s10 =	sld [smem:$0x3FB5];
	_ =	sdelay $0x3  }
0x34: {  	[smem:$0x3FB5] =	sst s10  }
0x35: {  	s10 =	sld [smem:$0x3FB4];
	_ =	sdelay $0x3  }
0x36: {  	p1 =	seq.s32 s10, $0x1;
	s10 =	sld [smem:$0x3FB5];
	_ =	sdelay $0x3  }
0x37: {  	[smem:$0x3FB5] =	sst s10  }
0x38: {  	s10 =	sld [smem:$0x3FB6]  }
0x39: {  	_ = 	snop;
	(pc) =	sbr.ind lr, $3  }
0x3a: {  	_ = 	snop  }
0x3b: {  	_ = 	snop  }
0x3c: {  	p2 =	seq.s32 s10, $0x1;
	s10 =	sld [smem:$0x3FB5]  }
0x3d: {  	_ =	shalt  }
0x3e: {  	_ =	shalt  }
0x3f: {  	_ =	shalt  }
0x40: {  	_ =	shalt  }
0x41: {  	_ =	shalt  }
0x42: {  	_ =	shalt  }
0x43: {  	_ =	shalt  }
0x44: {  	_ =	shalt  }
0x45: {  	_ =	shalt  }
0x46: {  	_ =	shalt  }
0x47: {  	_ =	shalt  }
0x48: {  	_ =	shalt  }
0x49: {  	_ =	shalt  }
0x4a: {  	_ =	shalt  }
0x4b: {  	_ =	shalt  }
0x4c: {  	_ =	shalt  }
0x4d: {  	_ =	shalt  }
0x4e: {  	_ =	shalt  }
0x4f: {  	_ =	shalt  }
0x50: {  	_ =	shalt  }
0x51: {  	_ =	shalt  }
0x52: {  	_ =	shalt  }
0x53: {  	_ =	shalt  }
0x54: {  	_ =	shalt  }
0x55: {  	_ =	shalt  }
0x56: {  	_ =	shalt  }
0x57: {  	_ =	shalt  }
0x58: {  	_ =	shalt  }
0x59: {  	_ =	shalt  }
0x5a: {  	_ =	shalt  }
0x5b: {  	_ =	shalt  }
0x5c: {  	_ =	shalt  }
0x5d: {  	_ =	shalt  }
0x5e: {  	_ =	shalt  }
0x5f: {  	_ =	shalt  }
0x60: {  	_ =	shalt  }
0x61: {  	_ =	shalt  }
0x62: {  	_ =	shalt  }
0x63: {  	_ =	shalt  }
0x64: {  	_ =	shalt  }
0x65: {  	_ =	shalt  }
0x66: {  	_ =	shalt  }
0x67: {  	_ =	shalt  }
0x68: {  	_ =	shalt  }
0x69: {  	_ =	shalt  }
0x6a: {  	_ =	shalt  }
0x6b: {  	_ =	shalt  }
0x6c: {  	_ =	shalt  }
0x6d: {  	_ =	shalt  }
0x6e: {  	_ =	shalt  }
0x6f: {  	_ =	shalt  }
0x70: {  	_ =	shalt  }
0x71: {  	_ =	shalt  }
0x72: {  	_ =	shalt  }
0x73: {  	_ =	shalt  }
0x74: {  	_ =	shalt  }
0x75: {  	_ =	shalt  }
0x76: {  	_ =	shalt  }
0x77: {  	_ =	shalt  }
0x78: {  	_ =	shalt  }
0x79: {  	_ =	shalt  }
0x7a: {  	_ =	shalt  }
0x7b: {  	_ =	shalt  }
0x7c: {  	_ =	shalt  }
0x7d: {  	_ =	shalt  }
0x7e: {  	_ =	shalt  }
0x7f: {  	_ =	shalt  }
0x80: {  	_ =	shalt  }
0x81: {  	_ =	shalt  }
0x82: {  	_ =	shalt  }
0x83: {  	_ =	shalt  }
0x84: {  	_ =	shalt  }
0x85: {  	_ =	shalt  }
0x86: {  	_ =	shalt  }
0x87: {  	_ =	shalt  }
.Lfunc_end0:
.L_simem_size_0:
called_computation_lowered:
.L_overlay_start_0:
0x88: {  	s2 =	sld [smem:$0x3FD9]  }
0x89: {  	s3 =	sld [smem:$0x3FFE];
	_ =	sdelay $0x1  }
0x8a: {  	s1 =	srdreg.scid  }
0x8b: {  	s0 =	sand.u32 $0x1, s1  }
0x8c: {  	s30 =	sshll.u32 s0, $0xA;
	s2 =	sadd.s32 s3, s2  }
0x8d: {  	s2 =	sadd.s32 s2, s30  }
0x8e: {  	[smem:$0x3FC1] =	sst s2  }
0x8f: {  	_ = 	snop  }
0x90: {  	s2 =	sld [smem:$0x3FC9]  }
0x91: {  	s31 =	sld [smem:$0x3FC8]  }
0x92: {  	s4 =	sld [smem:$0x3FC7]  }
0x93: {  	s5 =	sld [smem:$0x3FC6]  }
0x94: {  	s6 =	sld [smem:$0x3FD0]  }
0x95: {  	s7 =	sld [smem:$0x3FC5]  }
0x96: {  	s8 =	sld [smem:$0x3FC4]  }
0x97: {  	s10 =	simm.s32 $0xA;
	s11 =	simm.s32 $0x10;
	s9 =	sld [smem:$0x3FC3]  }
0x98: {  	[smem:s11], [sflag:s10] =	dma.local [hbm:s6], $0x1  }
0x99: {  	_ =	swait.eq [sflag:s10], $0x1  }
0x9a: {  	s17 =	sld [smem:$0x10];
	[sflag:s10] =	ssyncset.done $0x0  }
0x9b: {  	s18 =	sld [smem:$0x11];
	[sflag:s10] =	ssyncadd.s32 $0xFFFFFFFF  }
0x9c: {  	s19 =	sld [smem:$0x12];
	(tm) =	ssettm $0x1  }
0x9d: {  	s12 =	sld [smem:$0x3FFB];
	_ =	sdelay $0x3  }
0x9e: {  	_ =	strace s12  }
0x9f: {  	s12 =	sld [smem:$0x3FFC];
	_ =	sdelay $0x3  }
0xa0: {  	_ =	strace s12  }
0xa1: {  	s12 =	sld [smem:$0x3FFD];
	_ =	sdelay $0x3  }
0xa2: {  	_ =	strace s12  }
0xa3: {  	_ =	strace $0x8FFFFFFF  }
0xa4: {  	s20 =	sld [smem:$0x3FDB];
	_ =	sdelay $0x1  }
0xa5: {  	s13 =	simm.s32 $_scs_section_size  }
0xa6: {  	s14 =	simm.s32 $_size__tile_overlayer_lowered;
	s15 =	simm.s32 $_tile_overlayer_lowered  }
0xa7: {  	s23 =	simm.s32 $0x1BFF;
	s22 =	sshll.u32 s15, $0x1;
	s12 =	sadd.s32 s13, s20  }
0xa8: {  	s16 =	simm.s32 $0x0;
	s21 =	sshll.u32 s14, $0x1;
	s14 =	sadd.s32 s22, s12  }
0xa9: {  	[timem:s16], [sflag:s23] =	dma.local [hbm:s14], s21  }
0xaa: {  	_ =	swait.ge [sflag:s23], s21  }
0xab: {  	s13 =	ssub.s32 $0x0, s21;
	[sflag:s23] =	ssyncset.done $0x0  }
0xac: {  	[sflag:s23] =	ssyncadd.s32 s13;
	_ =	sdelay $0x1  }
0xad: {  	s24 =	simm.s32 $0x1B8B  }
0xae: {  	_ =	swait.ge [sflag:s24], $0x1  }
0xaf: {  	[sflag:s24] =	ssyncset.done $0x0  }
0xb0: {  	s25 =	simm.s32 $0x1B8E;
	[sflag:s24] =	ssyncadd.s32 $0xFFFFFFFF  }
0xb1: {  	s26 =	simm.s32 $execute0_lowered;
	[smem:$0x3FD2] =	sst s25  }
0xb2: {  	s13 =	sshll.u32 s26, $0x1;
	_ =	strace $0x80000046;
	[dreg:$0x1] =	wrdreg $0xFFFFFFFF  }
0xb3: {  	s28 =	simm.s32 $_size_execute0_lowered;
	s12 =	sadd.s32 s12, s13;
	[dreg:$0x0] =	wrdreg $0x0  }
0xb4: {  	s13 =	sshll.u32 s28, $0x1;
	[dreg:$0x2] =	wrdreg s12  }
0xb5: {  	[dreg:$0x3] =	wrdreg s13  }
0xb6: {  	[dreg:$0x4] =	wrdreg $0xC0  }
0xb7: {  	_ =	task [dreg:s16], $0x5FFFF  }
0xb8: {  	[dreg:$0x1] =	wrdreg $0xFFFFFFFF  }
0xb9: {  	[dreg:$0x0] =	wrdreg $0x60  }
0xba: {  	[dreg:$0x2] =	wrdreg s2  }
0xbb: {  	[dreg:$0x3] =	wrdreg s31  }
0xbc: {  	[dreg:$0x4] =	wrdreg s4  }
0xbd: {  	[dreg:$0x5] =	wrdreg s5  }
0xbe: {  	[dreg:$0x6] =	wrdreg s7  }
0xbf: {  	[dreg:$0x7] =	wrdreg s8  }
0xc0: {  	[dreg:$0x8] =	wrdreg s9  }
0xc1: {  	[dreg:$0x9] =	wrdreg s17  }
0xc2: {  	[dreg:$0xa] =	wrdreg s18  }
0xc3: {  	[dreg:$0xb] =	wrdreg s19  }
0xc4: {  	[dreg:$0xc] =	wrdreg $0x9  }
0xc5: {  	_ =	task.clear_ibuf [dreg:s16], $0xDFFFF;
	_ =	strace $0x90000046  }
0xc6: {  	s29 =	simm.s32 $0x9;
	_ =	strace $0x80000048  }
0xc7: {  	_ =	swait.ge [sflag:s29], $0x1  }
0xc8: {  	[sflag:s29] =	ssyncadd.s32 $0xFFFFFFFF  }
0xc9: {  	_ =	strace $0x90000048  }
0xca: {  	_ =	sfence  }
0xcb: {  	s30 =	sld [smem:$0x0];
	_ =	sdelay $0x2  }
0xcc: {  	s31 =	sshll.u32 s1, $0xD;
	s1 =	sshrl.u32 s1, $0x2  }
0xcd: {  	s3 =	sand.u32 $0x4000, s31;
	s1 =	sadd.s32 s1, s30  }
0xce: {  	s0 =	sor.u32 s3, s0;
	s1 =	sshll.u32 s1, $0x11  }
0xcf: {  	s0 =	sor.u32 s1, s0  }
0xd0: {  	s0 =	sadd.s32 $0x8F2B, s0  }
0xd1: {  	[sflag:s0] =	ssyncadd.remote.s32 $0x1  }
0xd2: {  	_ =	sfence.sel $0xFFFF  }
0xd3: {  	[dreg:$0x0] =	wrdreg $0xFFFFFFFF;
	(pc) =	sbr.abs _section_cstart, $3  }
0xd4: {  	[dreg:$0x1] =	wrdreg $0xFFFFFFFF  }
0xd5: {  	_ =	task.clear_ibuf [dreg:s16], $0x2FFFF;
	_ =	strace $0x9FFFFFFF  }
0xd6: {  	(tm) =	ssettm $0x7FFFFFFF  }
0xd7: {  	_ =	shalt  }
tec
execute0_lowered:
.L_overlay_start_1:
0x0: {  	(tag) =	ssettag $0x1  }
0x1: {  	s0 =	rddreg [dreg:$0x0]  }
0x2: {  	s1 =	rddreg [dreg:$0x1]  }
0x3: {  	s7 =	rddreg [dreg:$0x2]  }
0x4: {  	s2 =	rddreg [dreg:$0x7]  }
0x5: {  	s9 =	rddreg [dreg:$0x9];
	s3 =	srdreg.scid;
	s8 =	simm.s32 $0x0  }
0x6: {  	s4 =	stileid.u32;
	s3 =	sand.u32 $0x1, s3;
	[smem:$0x7FF] =	sst s8  }
0x7: {  	s4 =	sshll.u32 s4, $0xA;
	s24 =	sadd.s32 $0x200, s7;
	s26 =	sadd.s32 $0x400, s7  }
0x8: {  	s5 =	sshll.u32 s3, $0x9;
	_ =	strace $0x80000047;
	[dreg:$0x16] =	wrdreg s24  }
0x9: {  	s31 =	sadd.s32 $0x600, s7;
	[dreg:$0x18] =	wrdreg s26;
	s6 =	sor.u32 s5, s4  }
0xa: {  	[dreg:$0x1b] =	wrdreg s31;
	s5 =	sshrl.u32 s6, $0x3  }
0xb: {  	s3 =	ssub.s32 $0x2, s3;
	[dreg:$0xb] =	wrdreg s6;
	s0 =	sadd.s32 s0, s5  }
0xc: {  	s15 =	sshrl.u32 s3, $0x1;
	s1 =	sadd.s32 s1, s5;
	[dreg:$0xc] =	wrdreg s0  }
0xd: {  	s3 =	ssub.s32 s3, s15;
	s25 =	sadd.s32 s2, s5;
	[dreg:$0xd] =	wrdreg s1  }
0xe: {  	s6 =	sshll.u32 s6, $0x3;
	s28 =	smax.u32 s3, $0x1;
	[dreg:$0x17] =	wrdreg s25  }
0xf: {  	s16 =	sadd.s32 s6, s9;
	s30 =	sadd.s32 $0xFFFFFFC0, s6;
	[dreg:$0x19] =	wrdreg s28  }
0x10: {  	s17 =	sadd.s32 $0xFC0, s16;
	[dreg:$0x1a] =	wrdreg s30  }
0x11: {  	s18 =	sadd.s32 $0xFC8, s16;
	[dreg:$0xe] =	wrdreg s17  }
0x12: {  	s19 =	sadd.s32 $0xFD0, s16;
	[dreg:$0xf] =	wrdreg s18  }
0x13: {  	s20 =	sadd.s32 $0xFD8, s16;
	[dreg:$0x10] =	wrdreg s19  }
0x14: {  	v0 =	vlaneseq.u32;
	s29 =	simm.s32 $0x1;
	vm0 =	vmmov $0x1;
	s21 =	sadd.s32 $0xFE0, s16;
	[dreg:$0x11] =	wrdreg s20  }
0x15: {  	vm1 =	vcmask $0x320;
	vm2 =	vcmask $0x720;
	vm3 =	vcmask $0xB20;
	s26 =	simm.s32 $0x400;
	s22 =	sadd.s32 $0xFE8, s16;
	[dreg:$0x12] =	wrdreg s21  }
0x16: {  	vm4 =	vcmask $0xF20;
	vm5 =	vcmask $0x1320;
	v0 =	vmul.u32 $0x80, v0;
	s4 =	simm.s32 $0x4;
	s23 =	sadd.s32 $0xFF0, s16;
	[dreg:$0x13] =	wrdreg s22  }
0x17: {  	vm6 =	vcmask $0x1720;
	vm7 =	vcmask $0x1B20;
	vm8 =	vcmask $0x2320;
	s6 =	simm.s32 $0x2;
	s0 =	sadd.s32 $0xFF8, s16;
	[dreg:$0x14] =	wrdreg s23  }
0x18: {  	v1 =	vor.u32 $0x800, v0;
	v2 =	vor.u32 $0x1000, v0;
	v3 =	vor.u32 $0x1800, v0;
	s1 =	simm.s32 $0x0;
	[dreg:$0x15] =	wrdreg s0;
	s23 =	simm.s32 $0x2700  }
.LBB2_1:
0x19: {  	[dreg:$0x1c] =	wrdreg s1  }
0x1a: {  	s0 =	rddreg [dreg:$0xc];
	s3 =	simm.s32 $0x200  }
0x1b: {  	s7 =	simm.s32 $0x0;
	s10 =	simm.s32 $0x0;
	s18 =	simm.s32 $0x0  }
0x1c: {  	[tilespmem:s8], [sflag:$0x4] =	stream.linear.gather [hbm4b:s0+s8], $0x200, $0x38;
	[tilespmem:$0x12700] =	vst v63  }
0x1d: {  	s1 =	simm.s32 $0x0;
	s2 =	simm.s32 $0x0;
	_ =	swait.ge [sflag:s4], $0x200  }
0x1e: {  	s14 =	simm.s32 $0x0;
	s5 =	simm.s32 $0x0;
	[sflag:s4] =	ssyncset.done $0x0  }
.Ltmp0:
0x1f: {  	s31 =	rddreg [dreg:$0xd];
	[sflag:s4] =	ssyncadd.s32 $0xFFFFFE00;
	(pc) =	sbr.rel .LBB2_2-.Ltmp0, $4  }
0x20: {  	[tilespmem:s3], [sflag:$0x4] =	stream.linear.gather [hbm4b:s31+s8], $0x200, $0x38;
	[tilespmem:$0x12700] =	vst v63  }
0x21: {  	s11 =	simm.s32 $0x0;
	s12 =	simm.s32 $0x0;
	_ =	swait.ge [sflag:s4], $0x200  }
0x22: {  	s19 =	simm.s32 $0x0;
	s0 =	simm.s32 $0x0;
	[sflag:s4] =	ssyncset.done $0x0  }
0x23: {  	v5 =	vimm.f32 $0.0e+00;
	s13 =	rddreg [dreg:$0x1a];
	[sflag:s4] =	ssyncadd.s32 $0xFFFFFE00;
	s4 =	simm.s32 $0x0  }
.LBB2_3:
0x24: {  	p0 =	seq.s32 s4, $0x1  }
0x25: {  	s4 =	simm.s32 @p0 $0x3  }
0x26: {  	_ =	swait.ge @p0 [sflag:s4], $0x600  }
0x27: {  	v4 =	vmov s19;
	[sflag:s4] =	ssyncset.done @p0 $0x0  }
0x28: {  	v4 =	vand.u32 $0x7F, v4;
	[sflag:s4] =	ssyncadd.s32 @p0 $0xFFFFFA00;
	s4 =	simm.s32 @!p0 $0x3  }
0x29: {  	v6 =	vbroadcast v4, $0x0;
	_ =	swait.ge @!p0 [sflag:s4], $0x800  }
0x2a: {  	[sflag:s4] =	ssyncset.done @!p0 $0x0  }
0x2b: {  	v8 =	vor.u32 v0, v6;
	[sflag:s4] =	ssyncadd.s32 @!p0 $0xFFFFF800  }
0x2c: {  	v9 =	vor.u32 v1, v6;
	v7 =	vld [tilespmem:s7+$0x0]  }
0x2d: {  	v4 =	vld [tilespmem:s3+$0x0];
	_ =	swait.ge [sflag:s6], $0x2000  }
0x2e: {  	[sflag:s6] =	ssyncset.done $0x0  }
0x2f: {  	v10 =	vor.u32 v2, v6;
	[sflag:s6] =	ssyncadd.s32 $0xFFFFE000  }
0x30: {  	s30 =	sadd.s32 $0xFFFFFE00, s18;
	v8 =	vld.idx.msk [tilespmem:v8+s23+$0x0], $0xffff  }
0x31: {  	v6 =	vor.u32 v3, v6;
	s4 =	sand.u32 $0x600, s30;
	v9 =	vld.idx.msk [tilespmem:v9+s23+$0x0], $0xffff  }
0x32: {  	v11 =	vld [tilespmem:s4+$0x400]  }
0x33: {  	v12 =	vld [tilespmem:s4+$0x410]  }
0x34: {  	v10 =	vld.idx.msk [tilespmem:v10+s23+$0x0], $0xffff  }
0x35: {  	v13 =	vld [tilespmem:s4+$0x420]  }
0x36: {  	v6 =	vld.idx.msk [tilespmem:v6+s23+$0x0], $0xffff  }
0x37: {  	v14 =	vld [tilespmem:s4+$0x430]  }
0x38: {  	v11 =	vmul.f32 v11, v8;
	v12 =	vmul.f32 v12, v9;
	_ =	sdelay $0x1  }
0x39: {  	v62 =	vmul.f32 v13, v10;
	v11 =	vadd.f32 v12, v11;
	_ =	sdelay $0x1  }
0x3a: {  	v63 =	vmul.f32 v14, v6;
	v11 =	vadd.f32 v62, v11;
	_ =	sdelay $0x1  }
0x3b: {  	v11 =	vadd.f32 v63, v11;
	_ =	sdelay $0x1  }
0x3c: {  	(xrf2) =	vadd.scan.msk.f32 $0xffff, v11;
	_ =	sdelay $0x8  }
0x3d: {  	[tilespmem:s4+$0xC00] =	vst v8  }
0x3e: {  	[tilespmem:s4+$0xC30] =	vst v6;
	v6, _, _ =	vpop (xrf2)  }
0x3f: {  	s31 =	sand.u32 $0x1FFFFFC0, s13;
	s20 =	smov.u32 s10;
	s15 =	simm.s32 $0x2;
	[tilespmem:s4+$0xC10] =	vst v9;
	v6 =	vbroadcast v6, $0xF  }
0x40: {  	p0 =	por $0x0, $0x0;
	s6 =	sadd.s32 s9, s31;
	[tilespmem:s4+$0xC20] =	vst v10;
	s4 =	sadd.s32 $0xC00, s4  }
0x41: {  	[hbm4b:s6+s8] =	stream.linear.scatter [tilespmem:s4], [sflag:$0x3], $0x40, $0x38;
	v5 =	vsel vm8, v6, v5;
	[tilespmem:$0x12700] =	vst v63  }
.LBB2_4:
0x42: {  	(v2sf) =	vpush v7, $0x0;
	_ =	sdelay $0xc  }
0x43: {  	v6 =	vmov @!p0 s12  }
0x44: {  	v8 =	vlaneseq.u32 @!p0;
	v6 =	vand.u32 @!p0 $0x7F, v6  }
0x45: {  	v11 =	vbroadcast @!p0 v6, $0x0;
	v6 =	vmul.u32 @!p0 $0x80, v8;
	s12 =	spop (v2sf)  }
0x46: {  	s22 =	rddreg [dreg:$0x3];
	s4 =	sand.u32 $0xFFFFF80, s12  }
0x47: {  	s3 =	simm.s32 $0x7A1400;
	s8 =	simm.s32 @!p0 $0x2;
	v12 =	vor.u32 @!p0 v6, v11;
	s4 =	sadd.s32 s22, s4  }
0x48: {  	v8 =	vor.u32 @!p0 $0x800, v6;
	[tilespmem:s23], [sflag:$0x1] =	stream.strided.gather [hbm4b:s4+s26], $0x2000, s3, s26, $0x38;
	[tilespmem:$0x12700] =	vst v63  }
0x49: {  	v9 =	vor.u32 @!p0 $0x1000, v6;
	v13 =	vor.u32 @!p0 v8, v11;
	_ =	swait.ge @!p0 [sflag:s8], $0x2000  }
0x4a: {  	v10 =	vor.u32 @!p0 $0x1800, v6;
	v14 =	vor.u32 @!p0 v9, v11;
	[sflag:s8] =	ssyncset.done @!p0 $0x0  }
0x4b: {  	v11 =	vor.u32 @!p0 v10, v11;
	s4 =	simm.s32 @!p0 $0x4700;
	[sflag:s8] =	ssyncadd.s32 @!p0 $0xFFFFE000  }
0x4c: {  	v12 =	vld.idx.msk @!p0 [tilespmem:v12+s4+$0x0], $0xffff;
	_ =	sdelay $0x1  }
0x4d: {  	s6 =	sadd.s32 @!p0 $0xFFFFFFF9, s20;
	v13 =	vld.idx.msk @!p0 [tilespmem:v13+s4+$0x0], $0xffff  }
0x4e: {  	s7 =	sshll.u32 @!p0 s6, $0x6;
	v14 =	vld.idx.msk @!p0 [tilespmem:v14+s4+$0x0], $0xffff  }
0x4f: {  	v11 =	vld.idx.msk @!p0 [tilespmem:v11+s4+$0x0], $0xffff;
	s4 =	sand.u32 @!p0 $0x640, s7  }
0x50: {  	s7 =	sand.u32 @!p0 $0x600, s7;
	v15 =	vld @!p0 [tilespmem:s4+$0x400];
	[tilespmem:s4+$0xC00] =	vst @!p0 v12  }
0x51: {  	v16 =	vld @!p0 [tilespmem:s7+$0x450];
	_ =	sdelay $0x1  }
0x52: {  	v17 =	vld @!p0 [tilespmem:s7+$0x460];
	_ =	sdelay $0x1  }
0x53: {  	v18 =	vld @!p0 [tilespmem:s7+$0x470]  }
0x54: {  	(v2sf) =	vpush v7, $0x1;
	[tilespmem:s7+$0xC50] =	vst @!p0 v13;
	v12 =	vmul.f32 @!p0 v15, v12;
	v13 =	vmul.f32 @!p0 v16, v13;
	_ =	sdelay $0x1  }
0x55: {  	v12 =	vadd.f32 @!p0 v13, v12;
	v13 =	vmul.f32 @!p0 v17, v14;
	_ =	sdelay $0x1  }
0x56: {  	v12 =	vadd.f32 @!p0 v13, v12;
	v13 =	vmul.f32 @!p0 v18, v11;
	_ =	sdelay $0x1  }
0x57: {  	v12 =	vadd.f32 @!p0 v13, v12;
	_ =	sdelay $0x1  }
0x58: {  	(xrf2) =	vadd.scan.msk.f32 @!p0 $0xffff, v12  }
0x59: {  	s30 =	rddreg [dreg:$0xb]  }
0x5a: {  	s6 =	sadd.s32 @!p0 s30, s6  }
0x5b: {  	s6 =	sshll.u32 @!p0 s6, $0x3  }
0x5c: {  	s6 =	sand.u32 @!p0 $0x1FFFFFC8, s6;
	[tilespmem:s7+$0xC60] =	vst @!p0 v14  }
0x5d: {  	s6 =	sadd.s32 @!p0 s9, s6;
	s4 =	sadd.s32 @!p0 $0xC00, s4;
	[tilespmem:s7+$0xC70] =	vst @!p0 v11;
	s7 =	simm.s32 @!p0 $0x0;
	v11 =	vmov @!p0 s11  }
0x5e: {  	[hbm4b:s6+s7] =	stream.linear.scatter @!p0 [tilespmem:s4], [sflag:$0x3], $0x40, $0x38;
	v11 =	vand.u32 @!p0 $0x7F, v11;
	[tilespmem:$0x12700] =	vst v63  }
0x5f: {  	s24 =	spop (v2sf);
	v12 =	vbroadcast @!p0 v11, $0x0  }
0x60: {  	s16 =	sand.u32 $0xFFFFF80, s24  }
0x61: {  	s25 =	simm.s32 $0x4700;
	s4 =	sadd.s32 s22, s16;
	v13 =	vor.u32 @!p0 v6, v12  }
0x62: {  	[tilespmem:s25], [sflag:$0x1] =	stream.strided.gather [hbm4b:s4+s26], $0x2000, s3, s26, $0x38;
	v14 =	vor.u32 @!p0 v8, v12;
	v11, _, _ =	vpop @!p0 (xrf2);
	[tilespmem:$0x12700] =	vst v63  }
0x63: {  	_ =	swait.ge @!p0 [sflag:s8], $0x2000  }
0x64: {  	[sflag:s8] =	ssyncset.done @!p0 $0x0  }
0x65: {  	s9 =	simm.s32 @!p0 $0x6700;
	s4 =	sadd.s32 @!p0 $0xFFFFFFFA, s20;
	v15 =	vor.u32 @!p0 v9, v12;
	[sflag:s8] =	ssyncadd.s32 @!p0 $0xFFFFE000  }
0x66: {  	s11 =	sshll.u32 @!p0 s4, $0x6;
	v13 =	vld.idx.msk @!p0 [tilespmem:v13+s9+$0x0], $0xffff  }
0x67: {  	s11 =	sand.u32 @!p0 $0x680, s11;
	v12 =	vor.u32 @!p0 v10, v12;
	v14 =	vld.idx.msk @!p0 [tilespmem:v14+s9+$0x0], $0xffff  }
0x68: {  	v16 =	vld @!p0 [tilespmem:s11+$0x400]  }
0x69: {  	v17 =	vld @!p0 [tilespmem:s11+$0x410]  }
0x6a: {  	v15 =	vld.idx.msk @!p0 [tilespmem:v15+s9+$0x0], $0xffff  }
0x6b: {  	v18 =	vld @!p0 [tilespmem:s11+$0x420]  }
0x6c: {  	v12 =	vld.idx.msk @!p0 [tilespmem:v12+s9+$0x0], $0xffff  }
0x6d: {  	v19 =	vld @!p0 [tilespmem:s11+$0x430]  }
0x6e: {  	(v2sf) =	vpush v7, $0x2;
	v16 =	vmul.f32 @!p0 v16, v13;
	v17 =	vmul.f32 @!p0 v17, v14;
	_ =	sdelay $0x1  }
0x6f: {  	v16 =	vadd.f32 @!p0 v17, v16;
	v17 =	vmul.f32 @!p0 v18, v15;
	_ =	sdelay $0x1  }
0x70: {  	v16 =	vadd.f32 @!p0 v17, v16;
	v17 =	vmul.f32 @!p0 v19, v12;
	_ =	sdelay $0x1  }
0x71: {  	v16 =	vadd.f32 @!p0 v17, v16;
	_ =	sdelay $0x1  }
0x72: {  	(xrf2) =	vadd.scan.msk.f32 @!p0 $0xffff, v16;
	_ =	sdelay $0x1  }
0x73: {  	s4 =	sadd.s32 @!p0 s30, s4;
	[tilespmem:s11+$0xC00] =	vst @!p0 v13  }
0x74: {  	s4 =	sshll.u32 @!p0 s4, $0x3;
	[tilespmem:s11+$0xC10] =	vst @!p0 v14  }
0x75: {  	s4 =	sand.u32 @!p0 $0x1FFFFFD0, s4;
	s6 =	rddreg [dreg:$0x9];
	[tilespmem:s11+$0xC20] =	vst @!p0 v15  }
0x76: {  	s9 =	sadd.s32 @!p0 $0xC00, s11;
	s4 =	sadd.s32 @!p0 s6, s4;
	[tilespmem:s11+$0xC30] =	vst @!p0 v12;
	v12 =	vmov @!p0 s5  }
0x77: {  	[hbm4b:s4+s7] =	stream.linear.scatter @!p0 [tilespmem:s9], [sflag:$0x3], $0x40, $0x38;
	v12 =	vand.u32 @!p0 $0x7F, v12;
	[tilespmem:$0x12700] =	vst v63  }
0x78: {  	v13 =	vbroadcast @!p0 v12, $0x0;
	s5 =	spop (v2sf)  }
0x79: {  	s17 =	sand.u32 $0xFFFFF80, s5  }
0x7a: {  	s28 =	simm.s32 $0x6700;
	v14 =	vor.u32 @!p0 v6, v13;
	s4 =	sadd.s32 s22, s17  }
0x7b: {  	[tilespmem:s28], [sflag:$0x1] =	stream.strided.gather [hbm4b:s4+s26], $0x2000, s3, s26, $0x38;
	v12, _, _ =	vpop @!p0 (xrf2);
	[tilespmem:$0x12700] =	vst v63  }
0x7c: {  	v15 =	vor.u32 @!p0 v8, v13;
	_ =	swait.ge @!p0 [sflag:s8], $0x2000  }
0x7d: {  	v16 =	vor.u32 @!p0 v9, v13;
	[sflag:s8] =	ssyncset.done @!p0 $0x0  }
0x7e: {  	v13 =	vor.u32 @!p0 v10, v13;
	s4 =	simm.s32 @!p0 $0x8700;
	[sflag:s8] =	ssyncadd.s32 @!p0 $0xFFFFE000  }
0x7f: {  	v14 =	vld.idx.msk @!p0 [tilespmem:v14+s4+$0x0], $0xffff;
	_ =	sdelay $0x1  }
0x80: {  	s9 =	sadd.s32 @!p0 $0xFFFFFFFB, s20;
	v15 =	vld.idx.msk @!p0 [tilespmem:v15+s4+$0x0], $0xffff  }
0x81: {  	s11 =	sshll.u32 @!p0 s9, $0x6;
	v16 =	vld.idx.msk @!p0 [tilespmem:v16+s4+$0x0], $0xffff  }
0x82: {  	v13 =	vld.idx.msk @!p0 [tilespmem:v13+s4+$0x0], $0xffff;
	s4 =	sand.u32 @!p0 $0x6C0, s11  }
0x83: {  	s11 =	sand.u32 @!p0 $0x680, s11;
	v17 =	vld @!p0 [tilespmem:s4+$0x400];
	[tilespmem:s4+$0xC00] =	vst @!p0 v14  }
0x84: {  	v18 =	vld @!p0 [tilespmem:s11+$0x450];
	_ =	sdelay $0x1  }
0x85: {  	v19 =	vld @!p0 [tilespmem:s11+$0x460];
	_ =	sdelay $0x1  }
0x86: {  	(v2sf) =	vpush v7, $0x3;
	v20 =	vld @!p0 [tilespmem:s11+$0x470]  }
0x87: {  	v14 =	vmul.f32 @!p0 v17, v14;
	v17 =	vmul.f32 @!p0 v18, v15;
	_ =	sdelay $0x1  }
0x88: {  	v14 =	vadd.f32 @!p0 v17, v14;
	v17 =	vmul.f32 @!p0 v19, v16;
	_ =	sdelay $0x1  }
0x89: {  	v14 =	vadd.f32 @!p0 v17, v14;
	v17 =	vmul.f32 @!p0 v20, v13;
	_ =	sdelay $0x1  }
0x8a: {  	v14 =	vadd.f32 @!p0 v17, v14;
	_ =	sdelay $0x1  }
0x8b: {  	(xrf2) =	vadd.scan.msk.f32 @!p0 $0xffff, v14;
	_ =	sdelay $0x2  }
0x8c: {  	[tilespmem:s11+$0xC50] =	vst @!p0 v15  }
0x8d: {  	s9 =	sadd.s32 @!p0 s30, s9;
	[tilespmem:s11+$0xC60] =	vst @!p0 v16  }
0x8e: {  	s9 =	sshll.u32 @!p0 s9, $0x3;
	[tilespmem:s11+$0xC70] =	vst @!p0 v13;
	v13 =	vmov @!p0 s14  }
0x8f: {  	s9 =	sand.u32 @!p0 $0x1FFFFFD8, s9;
	s6 =	rddreg [dreg:$0x9];
	v13 =	vand.u32 @!p0 $0x7F, v13;
	s31 =	spop (v2sf)  }
0x90: {  	s4 =	sadd.s32 @!p0 $0xC00, s4;
	s9 =	sadd.s32 @!p0 s6, s9;
	v14 =	vbroadcast @!p0 v13, $0x0;
	s19 =	sand.u32 $0xFFFFF80, s31  }
0x91: {  	[hbm4b:s9+s7] =	stream.linear.scatter @!p0 [tilespmem:s4], [sflag:$0x3], $0x40, $0x38;
	[tilespmem:$0x12700] =	vst v63  }
0x92: {  	s14 =	simm.s32 $0x8700;
	s4 =	sadd.s32 s22, s19;
	v15 =	vor.u32 @!p0 v6, v14  }
0x93: {  	v16 =	vor.u32 @!p0 v8, v14;
	[tilespmem:s14], [sflag:$0x1] =	stream.strided.gather [hbm4b:s4+s26], $0x2000, s3, s26, $0x38;
	v13, _, _ =	vpop @!p0 (xrf2);
	[tilespmem:$0x12700] =	vst v63  }
0x94: {  	_ =	swait.ge @!p0 [sflag:s8], $0x2000  }
0x95: {  	[sflag:s8] =	ssyncset.done @!p0 $0x0  }
0x96: {  	s9 =	simm.s32 @!p0 $0xA700;
	v17 =	vor.u32 @!p0 v9, v14;
	s4 =	sadd.s32 @!p0 $0xFFFFFFFC, s20;
	[sflag:s8] =	ssyncadd.s32 @!p0 $0xFFFFE000  }
0x97: {  	s11 =	sshll.u32 @!p0 s4, $0x6;
	v15 =	vld.idx.msk @!p0 [tilespmem:v15+s9+$0x0], $0xffff  }
0x98: {  	v14 =	vor.u32 @!p0 v10, v14;
	s11 =	sand.u32 @!p0 $0x700, s11;
	v16 =	vld.idx.msk @!p0 [tilespmem:v16+s9+$0x0], $0xffff  }
0x99: {  	v18 =	vld @!p0 [tilespmem:s11+$0x400]  }
0x9a: {  	v19 =	vld @!p0 [tilespmem:s11+$0x410]  }
0x9b: {  	v17 =	vld.idx.msk @!p0 [tilespmem:v17+s9+$0x0], $0xffff  }
0x9c: {  	v20 =	vld @!p0 [tilespmem:s11+$0x420]  }
0x9d: {  	v14 =	vld.idx.msk @!p0 [tilespmem:v14+s9+$0x0], $0xffff  }
0x9e: {  	v21 =	vld @!p0 [tilespmem:s11+$0x430]  }
0x9f: {  	(v2sf) =	vpush v7, $0x4;
	v18 =	vmul.f32 @!p0 v18, v15;
	v19 =	vmul.f32 @!p0 v19, v16;
	_ =	sdelay $0x1  }
0xa0: {  	v18 =	vadd.f32 @!p0 v19, v18;
	v19 =	vmul.f32 @!p0 v20, v17;
	_ =	sdelay $0x1  }
0xa1: {  	v18 =	vadd.f32 @!p0 v19, v18;
	v19 =	vmul.f32 @!p0 v21, v14;
	_ =	sdelay $0x1  }
0xa2: {  	v18 =	vadd.f32 @!p0 v19, v18;
	_ =	sdelay $0x1  }
0xa3: {  	(xrf2) =	vadd.scan.msk.f32 @!p0 $0xffff, v18;
	_ =	sdelay $0x1  }
0xa4: {  	s4 =	sadd.s32 @!p0 s30, s4;
	[tilespmem:s11+$0xC00] =	vst @!p0 v15  }
0xa5: {  	s4 =	sshll.u32 @!p0 s4, $0x3;
	[tilespmem:s11+$0xC10] =	vst @!p0 v16  }
0xa6: {  	s4 =	sand.u32 @!p0 $0x1FFFFFE0, s4;
	s6 =	rddreg [dreg:$0x9];
	[tilespmem:s11+$0xC20] =	vst @!p0 v17  }
0xa7: {  	s9 =	sadd.s32 @!p0 $0xC00, s11;
	s4 =	sadd.s32 @!p0 s6, s4;
	[tilespmem:s11+$0xC30] =	vst @!p0 v14;
	v14 =	vmov @!p0 s2  }
0xa8: {  	[hbm4b:s4+s7] =	stream.linear.scatter @!p0 [tilespmem:s9], [sflag:$0x3], $0x40, $0x38;
	v14 =	vand.u32 @!p0 $0x7F, v14;
	[tilespmem:$0x12700] =	vst v63  }
0xa9: {  	v15 =	vbroadcast @!p0 v14, $0x0;
	s9 =	spop (v2sf)  }
0xaa: {  	s21 =	sand.u32 $0xFFFFF80, s9  }
0xab: {  	s17 =	simm.s32 $0xA700;
	v16 =	vor.u32 @!p0 v6, v15;
	s2 =	sadd.s32 s22, s21  }
0xac: {  	[tilespmem:s17], [sflag:$0x1] =	stream.strided.gather [hbm4b:s2+s26], $0x2000, s3, s26, $0x38;
	v14, _, _ =	vpop @!p0 (xrf2);
	[tilespmem:$0x12700] =	vst v63  }
0xad: {  	v17 =	vor.u32 @!p0 v8, v15;
	_ =	swait.ge @!p0 [sflag:s8], $0x2000  }
0xae: {  	v18 =	vor.u32 @!p0 v9, v15;
	[sflag:s8] =	ssyncset.done @!p0 $0x0  }
0xaf: {  	v15 =	vor.u32 @!p0 v10, v15;
	s2 =	simm.s32 @!p0 $0xC700;
	[sflag:s8] =	ssyncadd.s32 @!p0 $0xFFFFE000  }
0xb0: {  	v16 =	vld.idx.msk @!p0 [tilespmem:v16+s2+$0x0], $0xffff;
	_ =	sdelay $0x1  }
0xb1: {  	s4 =	sadd.s32 @!p0 $0xFFFFFFFD, s20;
	v17 =	vld.idx.msk @!p0 [tilespmem:v17+s2+$0x0], $0xffff  }
0xb2: {  	s11 =	sshll.u32 @!p0 s4, $0x6;
	v18 =	vld.idx.msk @!p0 [tilespmem:v18+s2+$0x0], $0xffff  }
0xb3: {  	v15 =	vld.idx.msk @!p0 [tilespmem:v15+s2+$0x0], $0xffff;
	s2 =	sand.u32 @!p0 $0x740, s11  }
0xb4: {  	s11 =	sand.u32 @!p0 $0x700, s11;
	v19 =	vld @!p0 [tilespmem:s2+$0x400];
	[tilespmem:s2+$0xC00] =	vst @!p0 v16  }
0xb5: {  	v20 =	vld @!p0 [tilespmem:s11+$0x450];
	_ =	sdelay $0x1  }
0xb6: {  	v21 =	vld @!p0 [tilespmem:s11+$0x460];
	_ =	sdelay $0x1  }
0xb7: {  	v22 =	vld @!p0 [tilespmem:s11+$0x470]  }
0xb8: {  	(v2sf) =	vpush v7, $0x5;
	v16 =	vmul.f32 @!p0 v19, v16;
	v19 =	vmul.f32 @!p0 v20, v17;
	_ =	sdelay $0x1  }
0xb9: {  	v16 =	vadd.f32 @!p0 v19, v16;
	v19 =	vmul.f32 @!p0 v21, v18;
	_ =	sdelay $0x1  }
0xba: {  	v16 =	vadd.f32 @!p0 v19, v16;
	v19 =	vmul.f32 @!p0 v22, v15;
	_ =	sdelay $0x1  }
0xbb: {  	v16 =	vadd.f32 @!p0 v19, v16;
	_ =	sdelay $0x1  }
0xbc: {  	(xrf2) =	vadd.scan.msk.f32 @!p0 $0xffff, v16;
	_ =	sdelay $0x1  }
0xbd: {  	s4 =	sadd.s32 @!p0 s30, s4  }
0xbe: {  	s4 =	sshll.u32 @!p0 s4, $0x3;
	[tilespmem:s11+$0xC50] =	vst @!p0 v17  }
0xbf: {  	s4 =	sand.u32 @!p0 $0x1FFFFFE8, s4;
	s6 =	rddreg [dreg:$0x9];
	[tilespmem:s11+$0xC60] =	vst @!p0 v18  }
0xc0: {  	s4 =	sadd.s32 @!p0 s6, s4;
	s2 =	sadd.s32 @!p0 $0xC00, s2;
	[tilespmem:s11+$0xC70] =	vst @!p0 v15;
	v15 =	vmov @!p0 s1  }
0xc1: {  	[hbm4b:s4+s7] =	stream.linear.scatter @!p0 [tilespmem:s2], [sflag:$0x3], $0x40, $0x38;
	v15 =	vand.u32 @!p0 $0x7F, v15;
	[tilespmem:$0x12700] =	vst v63  }
0xc2: {  	s13 =	spop (v2sf);
	v15 =	vbroadcast @!p0 v15, $0x0  }
0xc3: {  	s4 =	sand.u32 $0xFFFFF80, s13  }
0xc4: {  	s11 =	simm.s32 $0xC700;
	s1 =	sadd.s32 s22, s4;
	v16 =	vor.u32 @!p0 v6, v15  }
0xc5: {  	[tilespmem:s11], [sflag:$0x1] =	stream.strided.gather [hbm4b:s1+s26], $0x2000, s3, s26, $0x38;
	v18 =	vor.u32 @!p0 v8, v15;
	v17, _, _ =	vpop @!p0 (xrf2);
	[tilespmem:$0x12700] =	vst v63  }
0xc6: {  	_ =	swait.ge @!p0 [sflag:s8], $0x2000  }
0xc7: {  	[sflag:s8] =	ssyncset.done @!p0 $0x0  }
0xc8: {  	s2 =	simm.s32 @!p0 $0xE700;
	s1 =	sadd.s32 @!p0 $0xFFFFFFFE, s20;
	v19 =	vor.u32 @!p0 v9, v15;
	[sflag:s8] =	ssyncadd.s32 @!p0 $0xFFFFE000  }
0xc9: {  	s4 =	sshll.u32 @!p0 s1, $0x6;
	v16 =	vld.idx.msk @!p0 [tilespmem:v16+s2+$0x0], $0xffff  }
0xca: {  	s4 =	sand.u32 @!p0 $0x780, s4;
	v15 =	vor.u32 @!p0 v10, v15;
	v18 =	vld.idx.msk @!p0 [tilespmem:v18+s2+$0x0], $0xffff  }
0xcb: {  	v20 =	vld @!p0 [tilespmem:s4+$0x400]  }
0xcc: {  	v21 =	vld @!p0 [tilespmem:s4+$0x410]  }
0xcd: {  	v19 =	vld.idx.msk @!p0 [tilespmem:v19+s2+$0x0], $0xffff  }
0xce: {  	v22 =	vld @!p0 [tilespmem:s4+$0x420]  }
0xcf: {  	v15 =	vld.idx.msk @!p0 [tilespmem:v15+s2+$0x0], $0xffff  }
0xd0: {  	v23 =	vld @!p0 [tilespmem:s4+$0x430]  }
0xd1: {  	(v2sf) =	vpush v7, $0x6;
	v20 =	vmul.f32 @!p0 v20, v16;
	v21 =	vmul.f32 @!p0 v21, v18;
	_ =	sdelay $0x1  }
0xd2: {  	v20 =	vadd.f32 @!p0 v21, v20;
	v21 =	vmul.f32 @!p0 v22, v19;
	_ =	sdelay $0x1  }
0xd3: {  	v20 =	vadd.f32 @!p0 v21, v20;
	v21 =	vmul.f32 @!p0 v23, v15;
	_ =	sdelay $0x1  }
0xd4: {  	v20 =	vadd.f32 @!p0 v21, v20;
	_ =	sdelay $0x1  }
0xd5: {  	(xrf2) =	vadd.scan.msk.f32 @!p0 $0xffff, v20  }
0xd6: {  	[tilespmem:s4+$0xC00] =	vst @!p0 v16  }
0xd7: {  	s1 =	sadd.s32 @!p0 s30, s1;
	[tilespmem:s4+$0xC10] =	vst @!p0 v18  }
0xd8: {  	s1 =	sshll.u32 @!p0 s1, $0x3;
	[tilespmem:s4+$0xC20] =	vst @!p0 v19  }
0xd9: {  	s1 =	sand.u32 @!p0 $0x1FFFFFF0, s1;
	s2 =	sadd.s32 @!p0 $0xC00, s4;
	[tilespmem:s4+$0xC30] =	vst @!p0 v15;
	s4 =	rddreg [dreg:$0x9]  }
0xda: {  	s1 =	sadd.s32 @!p0 s4, s1;
	v15 =	vmov @!p0 s0  }
0xdb: {  	[hbm4b:s1+s7] =	stream.linear.scatter @!p0 [tilespmem:s2], [sflag:$0x3], $0x40, $0x38;
	v15 =	vand.u32 @!p0 $0x7F, v15;
	[tilespmem:$0x12700] =	vst v63  }
0xdc: {  	v15 =	vbroadcast @!p0 v15, $0x0;
	s16 =	spop (v2sf)  }
0xdd: {  	s6 =	sand.u32 $0xFFFFF80, s16  }
0xde: {  	s10 =	simm.s32 $0xE700;
	v6 =	vor.u32 @!p0 v6, v15;
	s0 =	sadd.s32 s22, s6  }
0xdf: {  	[tilespmem:s10], [sflag:$0x1] =	stream.strided.gather [hbm4b:s0+s26], $0x2000, s3, s26, $0x38;
	v16, _, _ =	vpop @!p0 (xrf2);
	[tilespmem:$0x12700] =	vst v63  }
0xe0: {  	v8 =	vor.u32 @!p0 v8, v15;
	_ =	swait.ge @!p0 [sflag:s8], $0x2000  }
0xe1: {  	v9 =	vor.u32 @!p0 v9, v15;
	[sflag:s8] =	ssyncset.done @!p0 $0x0  }
0xe2: {  	v10 =	vor.u32 @!p0 v10, v15;
	s0 =	simm.s32 @!p0 $0x10700;
	[sflag:s8] =	ssyncadd.s32 @!p0 $0xFFFFE000  }
0xe3: {  	v6 =	vld.idx.msk @!p0 [tilespmem:v6+s0+$0x0], $0xffff;
	_ =	sdelay $0x1  }
0xe4: {  	s1 =	sadd.s32 @!p0 $0xFFFFFFFF, s20;
	v8 =	vld.idx.msk @!p0 [tilespmem:v8+s0+$0x0], $0xffff  }
0xe5: {  	s2 =	sshll.u32 @!p0 s1, $0x6;
	v9 =	vld.idx.msk @!p0 [tilespmem:v9+s0+$0x0], $0xffff  }
0xe6: {  	v10 =	vld.idx.msk @!p0 [tilespmem:v10+s0+$0x0], $0xffff;
	s0 =	sand.u32 @!p0 $0x7C0, s2  }
0xe7: {  	s2 =	sand.u32 @!p0 $0x780, s2;
	v15 =	vld @!p0 [tilespmem:s0+$0x400];
	[tilespmem:s0+$0xC00] =	vst @!p0 v6  }
0xe8: {  	v18 =	vld @!p0 [tilespmem:s2+$0x450];
	_ =	sdelay $0x1  }
0xe9: {  	v19 =	vld @!p0 [tilespmem:s2+$0x460];
	_ =	sdelay $0x1  }
0xea: {  	v20 =	vld @!p0 [tilespmem:s2+$0x470]  }
0xeb: {  	v6 =	vmul.f32 @!p0 v15, v6;
	v15 =	vmul.f32 @!p0 v18, v8;
	_ =	sdelay $0x1  }
0xec: {  	v6 =	vadd.f32 @!p0 v15, v6;
	v15 =	vmul.f32 @!p0 v19, v9  }
0xed: {  	v11 =	vbroadcast @!p0 v11, $0xF  }
0xee: {  	(v2sf) =	vpush v7, $0x7;
	v6 =	vadd.f32 @!p0 v15, v6;
	v15 =	vmul.f32 @!p0 v20, v10  }
0xef: {  	vm9 =	vcmask @!p0 $0x2724  }
0xf0: {  	v11 =	vsel @!p0 vm9, v11, v5;
	v12 =	vbroadcast @!p0 v12, $0xF;
	v6 =	vadd.f32 @!p0 v15, v6  }
0xf1: {  	vm9 =	vcmask @!p0 $0x2B28;
	v5 =	vpsel p0, v5, v11  }
0xf2: {  	v11 =	vbroadcast @!p0 v13, $0xF;
	(xrf2) =	vadd.scan.msk.f32 @!p0 $0xffff, v6;
	v6 =	vsel @!p0 vm9, v12, v5  }
0xf3: {  	vm9 =	vcmask @!p0 $0x2F2C;
	v5 =	vpsel p0, v5, v6  }
0xf4: {  	v6 =	vsel @!p0 vm9, v11, v5;
	v11 =	vbroadcast @!p0 v14, $0xF  }
0xf5: {  	vm9 =	vcmask @!p0 $0x3330;
	v5 =	vpsel p0, v5, v6  }
0xf6: {  	v6 =	vsel @!p0 vm9, v11, v5;
	v11 =	vbroadcast @!p0 v17, $0xF  }
0xf7: {  	vm9 =	vcmask @!p0 $0x3734;
	v5 =	vpsel p0, v5, v6  }
0xf8: {  	s1 =	sadd.s32 @!p0 s30, s1;
	[tilespmem:s2+$0xC50] =	vst @!p0 v8;
	v8 =	vbroadcast @!p0 v16, $0xF;
	v6 =	vsel @!p0 vm9, v11, v5  }
0xf9: {  	s1 =	sshll.u32 @!p0 s1, $0x3;
	[tilespmem:s2+$0xC60] =	vst @!p0 v9;
	vm9 =	vcmask @!p0 $0x3B38;
	v5 =	vpsel p0, v5, v6  }
0xfa: {  	s1 =	sand.u32 @!p0 $0x1FFFFFF8, s1;
	[tilespmem:s2+$0xC70] =	vst @!p0 v10;
	s2 =	rddreg [dreg:$0x9];
	v6 =	vsel @!p0 vm9, v8, v5  }
0xfb: {  	s0 =	sadd.s32 @!p0 $0xC00, s0;
	s1 =	sadd.s32 @!p0 s2, s1  }
0xfc: {  	[hbm4b:s1+s7] =	stream.linear.scatter @!p0 [tilespmem:s0], [sflag:$0x3], $0x40, $0x38;
	[tilespmem:$0x12700] =	vst v63  }
0xfd: {  	s21 =	spop (v2sf);
	vm9 =	vmmov @!p0 $0x7fff;
	v5 =	vpsel p0, v5, v6;
	v6, _, _ =	vpop @!p0 (xrf2)  }
0xfe: {  	s7 =	sand.u32 $0xFFFFF80, s21;
	v6 =	vsel @!p0 vm9, v5, v6  }
0xff: {  	s6 =	simm.s32 $0x10700;
	s0 =	sadd.s32 s22, s7;
	[tilespmem:s20+$0x24F0] =	vst @!p0 v6  }
0x100: {  	[tilespmem:s6], [sflag:$0x1] =	stream.strided.gather [hbm4b:s0+s26], $0x2000, s3, s26, $0x38;
	[tilespmem:$0x12700] =	vst v63  }
0x101: {  	_ =	swait.ge [sflag:s29], $0x2000  }
0x102: {  	(v2sf) =	vpush v7, $0x8;
	_ =	sdelay $0x2  }
0x103: {  	s8 =	sand.u32 $0x7F, s12  }
0x104: {  	v22 =	vor.u32 s8, v0  }
0x105: {  	v23 =	vor.u32 s8, v1  }
0x106: {  	v24 =	vor.u32 s8, v2  }
0x107: {  	v25 =	vor.u32 s8, v3;
	[sflag:s29] =	ssyncset.done $0x0  }
0x108: {  	[sflag:s29] =	ssyncadd.s32 $0xFFFFE000  }
0x109: {  	v8 =	vld.idx.msk [tilespmem:v22+s23+$0x0], $0xffff  }
0x10a: {  	v9 =	vld.idx.msk [tilespmem:v23+s23+$0x0], $0xffff  }
0x10b: {  	v10 =	vld.idx.msk [tilespmem:v24+s23+$0x0], $0xffff  }
0x10c: {  	v11 =	vld.idx.msk [tilespmem:v25+s23+$0x0], $0xffff  }
0x10d: {  	s19 =	sand.u32 $0x400, s18  }
0x10e: {  	[tilespmem:s19+$0x400] =	vst v8  }
0x10f: {  	[dreg:$0x1d] =	wrdreg s18;
	[tilespmem:s19+$0x410] =	vst v9;
	s18 =	spop (v2sf)  }
0x110: {  	[tilespmem:s19+$0x420] =	vst v10;
	s12 =	sand.u32 $0xFFFFF80, s18  }
0x111: {  	[tilespmem:s19+$0x430] =	vst v11;
	s0 =	sadd.s32 s22, s12  }
0x112: {  	[tilespmem:s23], [sflag:$0x1] =	stream.strided.gather [hbm4b:s0+s26], $0x2000, s3, s26, $0x38;
	[tilespmem:$0x12700] =	vst v63  }
0x113: {  	_ =	swait.ge [sflag:s29], $0x2000  }
0x114: {  	(v2sf) =	vpush v7, $0x9;
	_ =	sdelay $0x2  }
0x115: {  	s24 =	sand.u32 $0x7F, s24  }
0x116: {  	v26 =	vor.u32 s24, v0  }
0x117: {  	v27 =	vor.u32 s24, v1  }
0x118: {  	v28 =	vor.u32 s24, v2  }
0x119: {  	v29 =	vor.u32 s24, v3;
	[sflag:s29] =	ssyncset.done $0x0  }
0x11a: {  	[sflag:s29] =	ssyncadd.s32 $0xFFFFE000  }
0x11b: {  	v8 =	vld.idx.msk [tilespmem:v26+s25+$0x0], $0xffff  }
0x11c: {  	v9 =	vld.idx.msk [tilespmem:v27+s25+$0x0], $0xffff  }
0x11d: {  	s1 =	sor.u32 $0x1, s20;
	v10 =	vld.idx.msk [tilespmem:v28+s25+$0x0], $0xffff  }
0x11e: {  	s0 =	sshll.u32 s1, $0x6;
	v11 =	vld.idx.msk [tilespmem:v29+s25+$0x0], $0xffff  }
0x11f: {  	s2 =	sand.u32 $0x440, s0  }
0x120: {  	s12 =	sand.u32 $0x400, s0;
	[tilespmem:s2+$0x400] =	vst v8  }
0x121: {  	[tilespmem:s12+$0x450] =	vst v9;
	s24 =	spop (v2sf)  }
0x122: {  	[smem:$0x7F0] =	sst s1;
	[tilespmem:s12+$0x460] =	vst v10;
	s4 =	sand.u32 $0xFFFFF80, s24  }
0x123: {  	[smem:$0x7EF] =	sst s2;
	[tilespmem:s12+$0x470] =	vst v11;
	s0 =	sadd.s32 s22, s4  }
0x124: {  	[tilespmem:s25], [sflag:$0x1] =	stream.strided.gather [hbm4b:s0+s26], $0x2000, s3, s26, $0x38;
	[tilespmem:$0x12700] =	vst v63  }
0x125: {  	_ =	swait.ge [sflag:s29], $0x2000  }
0x126: {  	(v2sf) =	vpush v7, $0xA;
	_ =	sdelay $0x2  }
0x127: {  	s5 =	sand.u32 $0x7F, s5  }
0x128: {  	v30 =	vor.u32 s5, v0  }
0x129: {  	v31 =	vor.u32 s5, v1  }
0x12a: {  	v32 =	vor.u32 s5, v2  }
0x12b: {  	v33 =	vor.u32 s5, v3;
	[sflag:s29] =	ssyncset.done $0x0  }
0x12c: {  	[sflag:s29] =	ssyncadd.s32 $0xFFFFE000  }
0x12d: {  	v8 =	vld.idx.msk [tilespmem:v30+s28+$0x0], $0xffff  }
0x12e: {  	v9 =	vld.idx.msk [tilespmem:v31+s28+$0x0], $0xffff  }
0x12f: {  	s7 =	sor.u32 $0x2, s20;
	v10 =	vld.idx.msk [tilespmem:v32+s28+$0x0], $0xffff  }
0x130: {  	s0 =	sshll.u32 s7, $0x6;
	v11 =	vld.idx.msk [tilespmem:v33+s28+$0x0], $0xffff  }
0x131: {  	s5 =	sand.u32 $0x480, s0  }
0x132: {  	[tilespmem:s5+$0x400] =	vst v8  }
0x133: {  	[tilespmem:s5+$0x410] =	vst v9;
	s25 =	spop (v2sf)  }
0x134: {  	[tilespmem:s5+$0x420] =	vst v10;
	s8 =	sand.u32 $0xFFFFF80, s25  }
0x135: {  	[smem:$0x7F1] =	sst s7;
	[tilespmem:s5+$0x430] =	vst v11;
	s0 =	sadd.s32 s22, s8  }
0x136: {  	[tilespmem:s28], [sflag:$0x1] =	stream.strided.gather [hbm4b:s0+s26], $0x2000, s3, s26, $0x38;
	[tilespmem:$0x12700] =	vst v63  }
0x137: {  	_ =	swait.ge [sflag:s29], $0x2000  }
0x138: {  	(v2sf) =	vpush v7, $0xB;
	_ =	sdelay $0x2  }
0x139: {  	s23 =	sand.u32 $0x7F, s31  }
0x13a: {  	v34 =	vor.u32 s23, v0  }
0x13b: {  	v35 =	vor.u32 s23, v1  }
0x13c: {  	v36 =	vor.u32 s23, v2  }
0x13d: {  	v37 =	vor.u32 s23, v3;
	[sflag:s29] =	ssyncset.done $0x0  }
0x13e: {  	[sflag:s29] =	ssyncadd.s32 $0xFFFFE000  }
0x13f: {  	v8 =	vld.idx.msk [tilespmem:v34+s14+$0x0], $0xffff  }
0x140: {  	v9 =	vld.idx.msk [tilespmem:v35+s14+$0x0], $0xffff  }
0x141: {  	s28 =	sor.u32 $0x3, s20;
	v10 =	vld.idx.msk [tilespmem:v36+s14+$0x0], $0xffff  }
0x142: {  	s0 =	sshll.u32 s28, $0x6;
	v11 =	vld.idx.msk [tilespmem:v37+s14+$0x0], $0xffff  }
0x143: {  	s31 =	sand.u32 $0x4C0, s0  }
0x144: {  	s7 =	sand.u32 $0x480, s0;
	[tilespmem:s31+$0x400] =	vst v8  }
0x145: {  	[smem:$0x7F2] =	sst s31;
	[tilespmem:s7+$0x450] =	vst v9;
	s31 =	spop (v2sf)  }
0x146: {  	[tilespmem:s7+$0x460] =	vst v10;
	s2 =	sand.u32 $0xFFFFF80, s31  }
0x147: {  	[smem:$0x7F3] =	sst s28;
	[tilespmem:s7+$0x470] =	vst v11;
	s0 =	sadd.s32 s22, s2  }
0x148: {  	[tilespmem:s14], [sflag:$0x1] =	stream.strided.gather [hbm4b:s0+s26], $0x2000, s3, s26, $0x38;
	[tilespmem:$0x12700] =	vst v63  }
0x149: {  	_ =	swait.ge [sflag:s29], $0x2000  }
0x14a: {  	(v2sf) =	vpush v7, $0xC;
	_ =	sdelay $0x2  }
0x14b: {  	s4 =	sand.u32 $0x7F, s9  }
0x14c: {  	v38 =	vor.u32 s4, v0  }
0x14d: {  	v39 =	vor.u32 s4, v1  }
0x14e: {  	v40 =	vor.u32 s4, v2  }
0x14f: {  	v41 =	vor.u32 s4, v3;
	[sflag:s29] =	ssyncset.done $0x0  }
0x150: {  	[sflag:s29] =	ssyncadd.s32 $0xFFFFE000  }
0x151: {  	v8 =	vld.idx.msk [tilespmem:v38+s17+$0x0], $0xffff  }
0x152: {  	v9 =	vld.idx.msk [tilespmem:v39+s17+$0x0], $0xffff  }
0x153: {  	s8 =	sor.u32 $0x4, s20;
	v10 =	vld.idx.msk [tilespmem:v40+s17+$0x0], $0xffff  }
0x154: {  	s0 =	sshll.u32 s8, $0x6;
	v11 =	vld.idx.msk [tilespmem:v41+s17+$0x0], $0xffff  }
0x155: {  	s1 =	sand.u32 $0x500, s0  }
0x156: {  	[tilespmem:s1+$0x400] =	vst v8  }
0x157: {  	[tilespmem:s1+$0x410] =	vst v9;
	s28 =	spop (v2sf)  }
0x158: {  	[tilespmem:s1+$0x420] =	vst v10;
	s9 =	sand.u32 $0xFFFFF80, s28  }
0x159: {  	[smem:$0x7F4] =	sst s8;
	[tilespmem:s1+$0x430] =	vst v11;
	s0 =	sadd.s32 s22, s9  }
0x15a: {  	[tilespmem:s17], [sflag:$0x1] =	stream.strided.gather [hbm4b:s0+s26], $0x2000, s3, s26, $0x38;
	[tilespmem:$0x12700] =	vst v63  }
0x15b: {  	_ =	swait.ge [sflag:s29], $0x2000  }
0x15c: {  	(v2sf) =	vpush v7, $0xD;
	_ =	sdelay $0x2  }
0x15d: {  	s13 =	sand.u32 $0x7F, s13  }
0x15e: {  	v42 =	vor.u32 s13, v0  }
0x15f: {  	v43 =	vor.u32 s13, v1  }
0x160: {  	v44 =	vor.u32 s13, v2  }
0x161: {  	v45 =	vor.u32 s13, v3;
	[sflag:s29] =	ssyncset.done $0x0  }
0x162: {  	[sflag:s29] =	ssyncadd.s32 $0xFFFFE000  }
0x163: {  	v8 =	vld.idx.msk [tilespmem:v42+s11+$0x0], $0xffff  }
0x164: {  	v9 =	vld.idx.msk [tilespmem:v43+s11+$0x0], $0xffff  }
0x165: {  	s14 =	sor.u32 $0x5, s20;
	v10 =	vld.idx.msk [tilespmem:v44+s11+$0x0], $0xffff  }
0x166: {  	s0 =	sshll.u32 s14, $0x6;
	v11 =	vld.idx.msk [tilespmem:v45+s11+$0x0], $0xffff  }
0x167: {  	s17 =	sand.u32 $0x540, s0  }
0x168: {  	s9 =	sand.u32 $0x500, s0;
	[tilespmem:s17+$0x400] =	vst v8  }
0x169: {  	[tilespmem:s9+$0x450] =	vst v9;
	s0 =	spop (v2sf)  }
0x16a: {  	[smem:$0x7F6] =	sst s14;
	[tilespmem:s9+$0x460] =	vst v10;
	s23 =	sand.u32 $0xFFFFF80, s0  }
0x16b: {  	[smem:$0x7F5] =	sst s17;
	[tilespmem:s9+$0x470] =	vst v11;
	s4 =	sadd.s32 s22, s23  }
0x16c: {  	[tilespmem:s11], [sflag:$0x1] =	stream.strided.gather [hbm4b:s4+s26], $0x2000, s3, s26, $0x38;
	[tilespmem:$0x12700] =	vst v63  }
0x16d: {  	_ =	swait.ge [sflag:s29], $0x2000  }
0x16e: {  	(v2sf) =	vpush v7, $0xE;
	_ =	sdelay $0x2  }
0x16f: {  	s2 =	sand.u32 $0x7F, s16  }
0x170: {  	v46 =	vor.u32 s2, v0  }
0x171: {  	v47 =	vor.u32 s2, v1  }
0x172: {  	v48 =	vor.u32 s2, v2  }
0x173: {  	v49 =	vor.u32 s2, v3;
	[sflag:s29] =	ssyncset.done $0x0  }
0x174: {  	[sflag:s29] =	ssyncadd.s32 $0xFFFFE000  }
0x175: {  	v8 =	vld.idx.msk [tilespmem:v46+s10+$0x0], $0xffff  }
0x176: {  	v9 =	vld.idx.msk [tilespmem:v47+s10+$0x0], $0xffff  }
0x177: {  	s4 =	sor.u32 $0x6, s20;
	v10 =	vld.idx.msk [tilespmem:v48+s10+$0x0], $0xffff  }
0x178: {  	s8 =	sshll.u32 s4, $0x6;
	v11 =	vld.idx.msk [tilespmem:v49+s10+$0x0], $0xffff  }
0x179: {  	s17 =	sand.u32 $0x580, s8  }
0x17a: {  	[tilespmem:s17+$0x400] =	vst v8  }
0x17b: {  	[tilespmem:s17+$0x410] =	vst v9;
	s23 =	spop (v2sf)  }
0x17c: {  	[tilespmem:s17+$0x420] =	vst v10;
	s11 =	sand.u32 $0xFFFFF80, s23  }
0x17d: {  	[smem:$0x7F8] =	sst s4;
	[tilespmem:s17+$0x430] =	vst v11;
	s4 =	sadd.s32 s22, s11  }
0x17e: {  	[tilespmem:s10], [sflag:$0x1] =	stream.strided.gather [hbm4b:s4+s26], $0x2000, s3, s26, $0x38;
	[tilespmem:$0x12700] =	vst v63  }
0x17f: {  	_ =	swait.ge [sflag:s29], $0x2000  }
0x180: {  	(v2sf) =	vpush v7, $0xF;
	_ =	sdelay $0x2  }
0x181: {  	s14 =	sand.u32 $0x7F, s21  }
0x182: {  	v7 =	vor.u32 s14, v0  }
0x183: {  	v50 =	vor.u32 s14, v1  }
0x184: {  	v51 =	vor.u32 s14, v2  }
0x185: {  	v52 =	vor.u32 s14, v3;
	[sflag:s29] =	ssyncset.done $0x0  }
0x186: {  	[sflag:s29] =	ssyncadd.s32 $0xFFFFE000  }
0x187: {  	v7 =	vld.idx.msk [tilespmem:v7+s6+$0x0], $0xffff  }
0x188: {  	v8 =	vld.idx.msk [tilespmem:v50+s6+$0x0], $0xffff  }
0x189: {  	s16 =	sor.u32 $0x7, s20;
	v9 =	vld.idx.msk [tilespmem:v51+s6+$0x0], $0xffff  }
0x18a: {  	s21 =	sshll.u32 s16, $0x6;
	v10 =	vld.idx.msk [tilespmem:v52+s6+$0x0], $0xffff  }
0x18b: {  	s2 =	sand.u32 $0x5C0, s21  }
0x18c: {  	[smem:$0x7FA] =	sst s16;
	s16 =	sand.u32 $0x580, s21;
	[tilespmem:s2+$0x400] =	vst v7  }
0x18d: {  	[tilespmem:s16+$0x450] =	vst v8;
	s4 =	spop (v2sf)  }
0x18e: {  	[tilespmem:s16+$0x460] =	vst v9;
	s8 =	sand.u32 $0xFFFFF80, s4  }
0x18f: {  	[smem:$0x7F9] =	sst s2;
	[tilespmem:s16+$0x470] =	vst v10;
	s14 =	sadd.s32 s22, s8  }
0x190: {  	[tilespmem:s6], [sflag:$0x1] =	stream.strided.gather [hbm4b:s14+s26], $0x2000, s3, s26, $0x38;
	[tilespmem:$0x12700] =	vst v63  }
0x191: {  	_ =	swait.ge [sflag:s29], $0x2000  }
0x192: {  	(v2sf) =	vpush v4, $0x0;
	_ =	sdelay $0x2  }
0x193: {  	s10 =	sand.u32 $0x7F, s18  }
0x194: {  	v7 =	vor.u32 s10, v0  }
0x195: {  	v53 =	vor.u32 s10, v1  }
0x196: {  	v54 =	vor.u32 s10, v2  }
0x197: {  	v55 =	vor.u32 s10, v3;
	[sflag:s29] =	ssyncset.done $0x0  }
0x198: {  	s13 =	simm.s32 $0x2700;
	[sflag:s29] =	ssyncadd.s32 $0xFFFFE000  }
0x199: {  	v7 =	vld.idx.msk [tilespmem:v7+s13+$0x0], $0xffff  }
0x19a: {  	v8 =	vld.idx.msk [tilespmem:v53+s13+$0x0], $0xffff  }
0x19b: {  	v9 =	vld.idx.msk [tilespmem:v54+s13+$0x0], $0xffff  }
0x19c: {  	v10 =	vld.idx.msk [tilespmem:v55+s13+$0x0], $0xffff;
	_ =	sdelay $0x1  }
0x19d: {  	[tilespmem:s19+$0x600] =	vst v7  }
0x19e: {  	[tilespmem:s19+$0x610] =	vst v8;
	s14 =	spop (v2sf)  }
0x19f: {  	s10 =	rddreg [dreg:$0x4];
	[tilespmem:s19+$0x620] =	vst v9;
	s11 =	sand.u32 $0xFFFFF80, s14  }
0x1a0: {  	[tilespmem:s19+$0x630] =	vst v10;
	s18 =	sadd.s32 s10, s11  }
0x1a1: {  	[tilespmem:s13], [sflag:$0x2] =	stream.strided.gather [hbm4b:s18+s26], $0x2000, s3, s26, $0x38;
	[tilespmem:$0x12700] =	vst v63  }
0x1a2: {  	_ =	swait.ge [sflag:s29], $0x2000  }
0x1a3: {  	(v2sf) =	vpush v4, $0x1;
	_ =	sdelay $0x2  }
0x1a4: {  	s13 =	sand.u32 $0x7F, s24  }
0x1a5: {  	v7 =	vor.u32 s13, v0  }
0x1a6: {  	v56 =	vor.u32 s13, v1  }
0x1a7: {  	v57 =	vor.u32 s13, v2  }
0x1a8: {  	v58 =	vor.u32 s13, v3;
	[sflag:s29] =	ssyncset.done $0x0  }
0x1a9: {  	s18 =	simm.s32 $0x4700;
	[sflag:s29] =	ssyncadd.s32 $0xFFFFE000  }
0x1aa: {  	v7 =	vld.idx.msk [tilespmem:v7+s18+$0x0], $0xffff  }
0x1ab: {  	v8 =	vld.idx.msk [tilespmem:v56+s18+$0x0], $0xffff  }
0x1ac: {  	v9 =	vld.idx.msk [tilespmem:v57+s18+$0x0], $0xffff  }
0x1ad: {  	v10 =	vld.idx.msk [tilespmem:v58+s18+$0x0], $0xffff;
	_ =	sdelay $0x1  }
0x1ae: {  	[tilespmem:s19+$0x640] =	vst v7  }
0x1af: {  	[tilespmem:s19+$0x650] =	vst v8;
	s22 =	spop (v2sf)  }
0x1b0: {  	[tilespmem:s19+$0x660] =	vst v9;
	s21 =	sand.u32 $0xFFFFF80, s22  }
0x1b1: {  	s2 =	simm.s32 $0x4700;
	[tilespmem:s19+$0x670] =	vst v10;
	s18 =	sadd.s32 s10, s21  }
0x1b2: {  	[tilespmem:s2], [sflag:$0x2] =	stream.strided.gather [hbm4b:s18+s26], $0x2000, s3, s26, $0x38;
	[tilespmem:$0x12700] =	vst v63  }
0x1b3: {  	_ =	swait.ge [sflag:s29], $0x2000  }
0x1b4: {  	(v2sf) =	vpush v4, $0x2;
	_ =	sdelay $0x2  }
0x1b5: {  	s24 =	sand.u32 $0x7F, s25  }
0x1b6: {  	v7 =	vor.u32 s24, v0  }
0x1b7: {  	v59 =	vor.u32 s24, v1  }
0x1b8: {  	v60 =	vor.u32 s24, v2  }
0x1b9: {  	v61 =	vor.u32 s24, v3;
	[sflag:s29] =	ssyncset.done $0x0  }
0x1ba: {  	s25 =	simm.s32 $0x6700;
	[sflag:s29] =	ssyncadd.s32 $0xFFFFE000  }
0x1bb: {  	v7 =	vld.idx.msk [tilespmem:v7+s25+$0x0], $0xffff  }
0x1bc: {  	v8 =	vld.idx.msk [tilespmem:v59+s25+$0x0], $0xffff  }
0x1bd: {  	v9 =	vld.idx.msk [tilespmem:v60+s25+$0x0], $0xffff  }
0x1be: {  	v10 =	vld.idx.msk [tilespmem:v61+s25+$0x0], $0xffff;
	_ =	sdelay $0x1  }
0x1bf: {  	[tilespmem:s19+$0x680] =	vst v7  }
0x1c0: {  	[tilespmem:s19+$0x690] =	vst v8;
	s21 =	spop (v2sf)  }
0x1c1: {  	[tilespmem:s19+$0x6A0] =	vst v9;
	s11 =	sand.u32 $0xFFFFF80, s21  }
0x1c2: {  	s8 =	simm.s32 $0x6700;
	[tilespmem:s19+$0x6B0] =	vst v10;
	s18 =	sadd.s32 s10, s11  }
0x1c3: {  	[tilespmem:s8], [sflag:$0x2] =	stream.strided.gather [hbm4b:s18+s26], $0x2000, s3, s26, $0x38;
	[tilespmem:$0x12700] =	vst v63  }
0x1c4: {  	_ =	swait.ge [sflag:s29], $0x2000  }
0x1c5: {  	(v2sf) =	vpush v4, $0x3;
	_ =	sdelay $0x2  }
0x1c6: {  	s13 =	sand.u32 $0x7F, s31  }
0x1c7: {  	v7 =	vor.u32 s13, v0  }
0x1c8: {  	v62 =	vor.u32 s13, v1  }
0x1c9: {  	v63 =	vor.u32 s13, v2  }
0x1ca: {  	v12 =	vor.u32 s13, v3;
	[sflag:s29] =	ssyncset.done $0x0  }
0x1cb: {  	s18 =	simm.s32 $0x8700;
	[sflag:s29] =	ssyncadd.s32 $0xFFFFE000  }
0x1cc: {  	v7 =	vld.idx.msk [tilespmem:v7+s18+$0x0], $0xffff  }
0x1cd: {  	v8 =	vld.idx.msk [tilespmem:v62+s18+$0x0], $0xffff  }
0x1ce: {  	v9 =	vld.idx.msk [tilespmem:v63+s18+$0x0], $0xffff  }
0x1cf: {  	v10 =	vld.idx.msk [tilespmem:v12+s18+$0x0], $0xffff;
	_ =	sdelay $0x1  }
0x1d0: {  	[tilespmem:s19+$0x6C0] =	vst v7  }
0x1d1: {  	[tilespmem:s19+$0x6D0] =	vst v8;
	s25 =	spop (v2sf)  }
0x1d2: {  	[tilespmem:s19+$0x6E0] =	vst v9;
	s24 =	sand.u32 $0xFFFFF80, s25  }
0x1d3: {  	s31 =	simm.s32 $0x8700;
	[tilespmem:s19+$0x6F0] =	vst v10;
	s18 =	sadd.s32 s10, s24  }
0x1d4: {  	[tilespmem:s31], [sflag:$0x2] =	stream.strided.gather [hbm4b:s18+s26], $0x2000, s3, s26, $0x38;
	[tilespmem:$0x12700] =	vst v63  }
0x1d5: {  	_ =	swait.ge [sflag:s29], $0x2000  }
0x1d6: {  	(v2sf) =	vpush v4, $0x4;
	_ =	sdelay $0x2  }
0x1d7: {  	s28 =	sand.u32 $0x7F, s28  }
0x1d8: {  	v7 =	vor.u32 s28, v0  }
0x1d9: {  	v13 =	vor.u32 s28, v1  }
0x1da: {  	v14 =	vor.u32 s28, v2  }
0x1db: {  	v15 =	vor.u32 s28, v3;
	[sflag:s29] =	ssyncset.done $0x0  }
0x1dc: {  	s11 =	simm.s32 $0xA700;
	[sflag:s29] =	ssyncadd.s32 $0xFFFFE000  }
0x1dd: {  	v7 =	vld.idx.msk [tilespmem:v7+s11+$0x0], $0xffff  }
0x1de: {  	v8 =	vld.idx.msk [tilespmem:v13+s11+$0x0], $0xffff  }
0x1df: {  	v9 =	vld.idx.msk [tilespmem:v14+s11+$0x0], $0xffff  }
0x1e0: {  	v10 =	vld.idx.msk [tilespmem:v15+s11+$0x0], $0xffff;
	_ =	sdelay $0x1  }
0x1e1: {  	[tilespmem:s19+$0x700] =	vst v7  }
0x1e2: {  	[tilespmem:s19+$0x710] =	vst v8;
	s24 =	spop (v2sf)  }
0x1e3: {  	[tilespmem:s19+$0x720] =	vst v9;
	s13 =	sand.u32 $0xFFFFF80, s24  }
0x1e4: {  	s28 =	simm.s32 $0xA700;
	[tilespmem:s19+$0x730] =	vst v10;
	s18 =	sadd.s32 s10, s13  }
0x1e5: {  	[tilespmem:s28], [sflag:$0x2] =	stream.strided.gather [hbm4b:s18+s26], $0x2000, s3, s26, $0x38;
	[tilespmem:$0x12700] =	vst v63  }
0x1e6: {  	_ =	swait.ge [sflag:s29], $0x2000  }
0x1e7: {  	(v2sf) =	vpush v4, $0x5;
	_ =	sdelay $0x2  }
0x1e8: {  	s0 =	sand.u32 $0x7F, s0  }
0x1e9: {  	v7 =	vor.u32 s0, v0  }
0x1ea: {  	v16 =	vor.u32 s0, v1  }
0x1eb: {  	v17 =	vor.u32 s0, v2  }
0x1ec: {  	v18 =	vor.u32 s0, v3;
	[sflag:s29] =	ssyncset.done $0x0  }
0x1ed: {  	s11 =	simm.s32 $0xC700;
	[sflag:s29] =	ssyncadd.s32 $0xFFFFE000  }
0x1ee: {  	v7 =	vld.idx.msk [tilespmem:v7+s11+$0x0], $0xffff  }
0x1ef: {  	v8 =	vld.idx.msk [tilespmem:v16+s11+$0x0], $0xffff  }
0x1f0: {  	v9 =	vld.idx.msk [tilespmem:v17+s11+$0x0], $0xffff  }
0x1f1: {  	v10 =	vld.idx.msk [tilespmem:v18+s11+$0x0], $0xffff;
	_ =	sdelay $0x1  }
0x1f2: {  	[tilespmem:s19+$0x740] =	vst v7  }
0x1f3: {  	[tilespmem:s19+$0x750] =	vst v8;
	s18 =	spop (v2sf)  }
0x1f4: {  	[tilespmem:s19+$0x760] =	vst v9;
	s13 =	sand.u32 $0xFFFFF80, s18  }
0x1f5: {  	s11 =	simm.s32 $0xC700;
	[tilespmem:s19+$0x770] =	vst v10;
	s0 =	sadd.s32 s10, s13  }
0x1f6: {  	[tilespmem:s11], [sflag:$0x2] =	stream.strided.gather [hbm4b:s0+s26], $0x2000, s3, s26, $0x38;
	[tilespmem:$0x12700] =	vst v63  }
0x1f7: {  	_ =	swait.ge [sflag:s29], $0x2000  }
0x1f8: {  	(v2sf) =	vpush v4, $0x6;
	_ =	sdelay $0x2  }
0x1f9: {  	s13 =	sand.u32 $0x7F, s23  }
0x1fa: {  	v7 =	vor.u32 s13, v0  }
0x1fb: {  	v19 =	vor.u32 s13, v1  }
0x1fc: {  	v20 =	vor.u32 s13, v2  }
0x1fd: {  	v21 =	vor.u32 s13, v3;
	[sflag:s29] =	ssyncset.done $0x0  }
0x1fe: {  	s11 =	simm.s32 $0xE700;
	[sflag:s29] =	ssyncadd.s32 $0xFFFFE000  }
0x1ff: {  	v7 =	vld.idx.msk [tilespmem:v7+s11+$0x0], $0xffff  }
0x200: {  	v8 =	vld.idx.msk [tilespmem:v19+s11+$0x0], $0xffff  }
0x201: {  	v9 =	vld.idx.msk [tilespmem:v20+s11+$0x0], $0xffff  }
0x202: {  	v10 =	vld.idx.msk [tilespmem:v21+s11+$0x0], $0xffff;
	_ =	sdelay $0x1  }
0x203: {  	[tilespmem:s19+$0x780] =	vst v7  }
0x204: {  	[tilespmem:s19+$0x790] =	vst v8;
	s13 =	spop (v2sf)  }
0x205: {  	[tilespmem:s19+$0x7A0] =	vst v9;
	s0 =	sand.u32 $0xFFFFF80, s13  }
0x206: {  	s11 =	simm.s32 $0xE700;
	[tilespmem:s19+$0x7B0] =	vst v10;
	[smem:$0x7F7] =	sst s13;
	s0 =	sadd.s32 s10, s0  }
0x207: {  	[tilespmem:s11], [sflag:$0x2] =	stream.strided.gather [hbm4b:s0+s26], $0x2000, s3, s26, $0x38;
	[tilespmem:$0x12700] =	vst v63  }
0x208: {  	s13 =	sand.u32 $0x7F, s4;
	_ =	swait.ge [sflag:s29], $0x2000  }
0x209: {  	v7 =	vor.u32 s13, v0;
	(v2sf) =	vpush v4, $0x7  }
0x20a: {  	v22 =	vor.u32 s13, v1  }
0x20b: {  	v23 =	vor.u32 s13, v2  }
0x20c: {  	v24 =	vor.u32 s13, v3;
	[sflag:s29] =	ssyncset.done $0x0  }
0x20d: {  	[sflag:s29] =	ssyncadd.s32 $0xFFFFE000  }
0x20e: {  	v7 =	vld.idx.msk [tilespmem:v7+s6+$0x0], $0xffff  }
0x20f: {  	v8 =	vld.idx.msk [tilespmem:v22+s6+$0x0], $0xffff  }
0x210: {  	v9 =	vld.idx.msk [tilespmem:v23+s6+$0x0], $0xffff  }
0x211: {  	v10 =	vld.idx.msk [tilespmem:v24+s6+$0x0], $0xffff;
	_ =	sdelay $0x1  }
0x212: {  	[tilespmem:s19+$0x7C0] =	vst v7  }
0x213: {  	s4 =	sor.u32 s30, s20;
	[tilespmem:s19+$0x7D0] =	vst v8  }
0x214: {  	s0 =	sshll.u32 s4, $0x3;
	s13 =	rddreg [dreg:$0x8];
	[tilespmem:s19+$0x7E0] =	vst v9  }
0x215: {  	s11 =	sadd.s32 $0x400, s19;
	s20 =	sadd.s32 s13, s0;
	s13 =	simm.s32 $0x0;
	[tilespmem:s19+$0x7F0] =	vst v10  }
0x216: {  	[hbm4b:s20+s13] =	stream.linear.scatter [tilespmem:s11], [sflag:$0x3], $0x400, $0x38;
	[tilespmem:$0x12700] =	vst v63  }
0x217: {  	s20 =	spop (v2sf)  }
0x218: {  	s4 =	sand.u32 $0x7F, s14;
	s11 =	sand.u32 $0xFFFFF80, s20  }
0x219: {  	v7 =	vor.u32 s4, v0;
	s14 =	sadd.s32 s10, s11  }
0x21a: {  	v25 =	vor.u32 s4, v1;
	[tilespmem:s6], [sflag:$0x2] =	stream.strided.gather [hbm4b:s14+s26], $0x2000, s3, s26, $0x38;
	[tilespmem:$0x12700] =	vst v63  }
0x21b: {  	_ =	swait.ge [sflag:s15], $0x2000  }
0x21c: {  	[sflag:s15] =	ssyncset.done $0x0  }
0x21d: {  	s23 =	simm.s32 $0x2700;
	v26 =	vor.u32 s4, v2;
	[sflag:s15] =	ssyncadd.s32 $0xFFFFE000  }
0x21e: {  	v7 =	vld.idx.msk [tilespmem:v7+s23+$0x0], $0xffff  }
0x21f: {  	v27 =	vor.u32 s4, v3;
	v8 =	vld.idx.msk [tilespmem:v25+s23+$0x0], $0xffff  }
0x220: {  	v28 =	vld [tilespmem:s19+$0x400]  }
0x221: {  	v29 =	vld [tilespmem:s19+$0x410]  }
0x222: {  	v9 =	vld.idx.msk [tilespmem:v26+s23+$0x0], $0xffff  }
0x223: {  	v30 =	vld [tilespmem:s19+$0x420]  }
0x224: {  	v10 =	vld.idx.msk [tilespmem:v27+s23+$0x0], $0xffff  }
0x225: {  	v31 =	vld [tilespmem:s19+$0x430]  }
0x226: {  	(v2sf) =	vpush v4, $0x8;
	v11 =	vmul.f32 v28, v7;
	v12 =	vmul.f32 v29, v8;
	_ =	sdelay $0x1  }
0x227: {  	v32 =	vmul.f32 v30, v9;
	v11 =	vadd.f32 v12, v11;
	_ =	sdelay $0x1  }
0x228: {  	v33 =	vmul.f32 v31, v10;
	v11 =	vadd.f32 v32, v11;
	_ =	sdelay $0x1  }
0x229: {  	v11 =	vadd.f32 v33, v11;
	_ =	sdelay $0x1  }
0x22a: {  	(xrf2) =	vadd.scan.msk.f32 $0xffff, v11  }
0x22b: {  	[tilespmem:s19+$0xC00] =	vst v7  }
0x22c: {  	[tilespmem:s19+$0xC10] =	vst v8  }
0x22d: {  	[tilespmem:s19+$0xC20] =	vst v9  }
0x22e: {  	s14 =	sadd.s32 $0xC00, s19;
	[tilespmem:s19+$0xC30] =	vst v10;
	s19 =	rddreg [dreg:$0x9]  }
0x22f: {  	s0 =	sadd.s32 s19, s0  }
0x230: {  	[hbm4b:s0+s13] =	stream.linear.scatter [tilespmem:s14], [sflag:$0x3], $0x40, $0x38;
	[tilespmem:$0x12700] =	vst v63  }
0x231: {  	s19 =	spop (v2sf)  }
0x232: {  	s22 =	sand.u32 $0x7F, s22;
	s6 =	sand.u32 $0xFFFFF80, s19  }
0x233: {  	v34 =	vor.u32 s22, v0;
	s4 =	sadd.s32 s10, s6  }
0x234: {  	[tilespmem:s23], [sflag:$0x2] =	stream.strided.gather [hbm4b:s4+s26], $0x2000, s3, s26, $0x38;
	v7, _, _ =	vpop (xrf2);
	[tilespmem:$0x12700] =	vst v63  }
0x235: {  	v35 =	vor.u32 s22, v1;
	_ =	swait.ge [sflag:s15], $0x2000  }
0x236: {  	v36 =	vor.u32 s22, v2;
	[sflag:s15] =	ssyncset.done $0x0  }
0x237: {  	v37 =	vor.u32 s22, v3;
	[sflag:s15] =	ssyncadd.s32 $0xFFFFE000  }
0x238: {  	v8 =	vld.idx.msk [tilespmem:v34+s2+$0x0], $0xffff;
	_ =	sdelay $0x1  }
0x239: {  	s11 =	sld [smem:$0x7EF];
	v9 =	vld.idx.msk [tilespmem:v35+s2+$0x0], $0xffff  }
0x23a: {  	v10 =	vld.idx.msk [tilespmem:v36+s2+$0x0], $0xffff  }
0x23b: {  	v11 =	vld.idx.msk [tilespmem:v37+s2+$0x0], $0xffff  }
0x23c: {  	v38 =	vld [tilespmem:s11+$0x400];
	[tilespmem:s11+$0xC00] =	vst v8  }
0x23d: {  	v39 =	vld [tilespmem:s12+$0x450];
	_ =	sdelay $0x1  }
0x23e: {  	v40 =	vld [tilespmem:s12+$0x460];
	_ =	sdelay $0x1  }
0x23f: {  	v41 =	vld [tilespmem:s12+$0x470]  }
0x240: {  	(v2sf) =	vpush v4, $0x9;
	v8 =	vmul.f32 v38, v8;
	v42 =	vmul.f32 v39, v9;
	_ =	sdelay $0x1  }
0x241: {  	v43 =	vmul.f32 v40, v10;
	v8 =	vadd.f32 v42, v8;
	_ =	sdelay $0x1  }
0x242: {  	v44 =	vmul.f32 v41, v11;
	v8 =	vadd.f32 v43, v8;
	_ =	sdelay $0x1  }
0x243: {  	v8 =	vadd.f32 v44, v8;
	_ =	sdelay $0x1  }
0x244: {  	s14 =	sld [smem:$0x7F0];
	(xrf2) =	vadd.scan.msk.f32 $0xffff, v8;
	_ =	sdelay $0x2  }
0x245: {  	s0 =	sadd.s32 s30, s14;
	[tilespmem:s12+$0xC50] =	vst v9  }
0x246: {  	s22 =	rddreg [dreg:$0x9];
	s0 =	sshll.u32 s0, $0x3;
	[tilespmem:s12+$0xC60] =	vst v10  }
0x247: {  	s4 =	sadd.s32 $0xC00, s11;
	s0 =	sadd.s32 s22, s0;
	[tilespmem:s12+$0xC70] =	vst v11  }
0x248: {  	[hbm4b:s0+s13] =	stream.linear.scatter [tilespmem:s4], [sflag:$0x3], $0x40, $0x38;
	[tilespmem:$0x12700] =	vst v63  }
0x249: {  	s12 =	spop (v2sf)  }
0x24a: {  	s6 =	sand.u32 $0x7F, s21;
	s11 =	sand.u32 $0xFFFFF80, s12  }
0x24b: {  	v45 =	vor.u32 s6, v0;
	s4 =	sadd.s32 s10, s11  }
0x24c: {  	v46 =	vor.u32 s6, v1;
	[tilespmem:s2], [sflag:$0x2] =	stream.strided.gather [hbm4b:s4+s26], $0x2000, s3, s26, $0x38;
	v8, _, _ =	vpop (xrf2);
	[tilespmem:$0x12700] =	vst v63  }
0x24d: {  	_ =	swait.ge [sflag:s15], $0x2000  }
0x24e: {  	[sflag:s15] =	ssyncset.done $0x0  }
0x24f: {  	v47 =	vor.u32 s6, v2;
	[sflag:s15] =	ssyncadd.s32 $0xFFFFE000  }
0x250: {  	v9 =	vld.idx.msk [tilespmem:v45+s8+$0x0], $0xffff  }
0x251: {  	v48 =	vor.u32 s6, v3;
	v10 =	vld.idx.msk [tilespmem:v46+s8+$0x0], $0xffff  }
0x252: {  	v49 =	vld [tilespmem:s5+$0x400]  }
0x253: {  	v50 =	vld [tilespmem:s5+$0x410]  }
0x254: {  	v11 =	vld.idx.msk [tilespmem:v47+s8+$0x0], $0xffff  }
0x255: {  	v51 =	vld [tilespmem:s5+$0x420]  }
0x256: {  	v12 =	vld.idx.msk [tilespmem:v48+s8+$0x0], $0xffff  }
0x257: {  	v52 =	vld [tilespmem:s5+$0x430]  }
0x258: {  	(v2sf) =	vpush v4, $0xA;
	v13 =	vmul.f32 v49, v9;
	v14 =	vmul.f32 v50, v10;
	_ =	sdelay $0x1  }
0x259: {  	v53 =	vmul.f32 v51, v11;
	v13 =	vadd.f32 v14, v13;
	_ =	sdelay $0x1  }
0x25a: {  	v54 =	vmul.f32 v52, v12;
	v13 =	vadd.f32 v53, v13;
	_ =	sdelay $0x1  }
0x25b: {  	v13 =	vadd.f32 v54, v13;
	_ =	sdelay $0x1  }
0x25c: {  	s14 =	sld [smem:$0x7F1];
	(xrf2) =	vadd.scan.msk.f32 $0xffff, v13;
	_ =	sdelay $0x1  }
0x25d: {  	[tilespmem:s5+$0xC00] =	vst v9  }
0x25e: {  	s0 =	sadd.s32 s30, s14;
	[tilespmem:s5+$0xC10] =	vst v10  }
0x25f: {  	s22 =	rddreg [dreg:$0x9];
	s0 =	sshll.u32 s0, $0x3;
	[tilespmem:s5+$0xC20] =	vst v11  }
0x260: {  	s21 =	sadd.s32 $0xC00, s5;
	s0 =	sadd.s32 s22, s0;
	[tilespmem:s5+$0xC30] =	vst v12  }
0x261: {  	[hbm4b:s0+s13] =	stream.linear.scatter [tilespmem:s21], [sflag:$0x3], $0x40, $0x38;
	[tilespmem:$0x12700] =	vst v63  }
0x262: {  	s11 =	spop (v2sf)  }
0x263: {  	s5 =	sand.u32 $0x7F, s25;
	s6 =	sand.u32 $0xFFFFF80, s11  }
0x264: {  	v55 =	vor.u32 s5, v0;
	s4 =	sadd.s32 s10, s6  }
0x265: {  	[tilespmem:s8], [sflag:$0x2] =	stream.strided.gather [hbm4b:s4+s26], $0x2000, s3, s26, $0x38;
	v9, _, _ =	vpop (xrf2);
	[tilespmem:$0x12700] =	vst v63  }
0x266: {  	v56 =	vor.u32 s5, v1;
	_ =	swait.ge [sflag:s15], $0x2000  }
0x267: {  	v57 =	vor.u32 s5, v2;
	[sflag:s15] =	ssyncset.done $0x0  }
0x268: {  	v58 =	vor.u32 s5, v3;
	[sflag:s15] =	ssyncadd.s32 $0xFFFFE000  }
0x269: {  	v10 =	vld.idx.msk [tilespmem:v55+s31+$0x0], $0xffff;
	_ =	sdelay $0x1  }
0x26a: {  	s8 =	sld [smem:$0x7F2];
	v11 =	vld.idx.msk [tilespmem:v56+s31+$0x0], $0xffff  }
0x26b: {  	v12 =	vld.idx.msk [tilespmem:v57+s31+$0x0], $0xffff  }
0x26c: {  	v13 =	vld.idx.msk [tilespmem:v58+s31+$0x0], $0xffff  }
0x26d: {  	v59 =	vld [tilespmem:s8+$0x400];
	[tilespmem:s8+$0xC00] =	vst v10  }
0x26e: {  	v60 =	vld [tilespmem:s7+$0x450];
	_ =	sdelay $0x1  }
0x26f: {  	v61 =	vld [tilespmem:s7+$0x460];
	_ =	sdelay $0x1  }
0x270: {  	v62 =	vld [tilespmem:s7+$0x470]  }
0x271: {  	(v2sf) =	vpush v4, $0xB;
	v10 =	vmul.f32 v59, v10;
	v63 =	vmul.f32 v60, v11;
	_ =	sdelay $0x1  }
0x272: {  	v16 =	vmul.f32 v61, v12;
	v10 =	vadd.f32 v63, v10;
	_ =	sdelay $0x1  }
0x273: {  	v17 =	vmul.f32 v62, v13;
	v10 =	vadd.f32 v16, v10;
	_ =	sdelay $0x1  }
0x274: {  	v10 =	vadd.f32 v17, v10;
	_ =	sdelay $0x1  }
0x275: {  	s14 =	sld [smem:$0x7F3];
	(xrf2) =	vadd.scan.msk.f32 $0xffff, v10;
	_ =	sdelay $0x2  }
0x276: {  	s0 =	sadd.s32 s30, s14;
	[tilespmem:s7+$0xC50] =	vst v11  }
0x277: {  	s21 =	rddreg [dreg:$0x9];
	s0 =	sshll.u32 s0, $0x3;
	[tilespmem:s7+$0xC60] =	vst v12  }
0x278: {  	s2 =	sadd.s32 $0xC00, s8;
	s0 =	sadd.s32 s21, s0;
	[tilespmem:s7+$0xC70] =	vst v13  }
0x279: {  	[hbm4b:s0+s13] =	stream.linear.scatter [tilespmem:s2], [sflag:$0x3], $0x40, $0x38;
	[tilespmem:$0x12700] =	vst v63  }
0x27a: {  	s5 =	spop (v2sf)  }
0x27b: {  	s22 =	sand.u32 $0x7F, s24;
	s24 =	sand.u32 $0xFFFFF80, s5  }
0x27c: {  	v18 =	vor.u32 s22, v0;
	s2 =	sadd.s32 s10, s24  }
0x27d: {  	v19 =	vor.u32 s22, v1;
	[tilespmem:s31], [sflag:$0x2] =	stream.strided.gather [hbm4b:s2+s26], $0x2000, s3, s26, $0x38;
	v10, _, _ =	vpop (xrf2);
	[tilespmem:$0x12700] =	vst v63  }
0x27e: {  	_ =	swait.ge [sflag:s15], $0x2000  }
0x27f: {  	[sflag:s15] =	ssyncset.done $0x0  }
0x280: {  	v20 =	vor.u32 s22, v2;
	[sflag:s15] =	ssyncadd.s32 $0xFFFFE000  }
0x281: {  	v11 =	vld.idx.msk [tilespmem:v18+s28+$0x0], $0xffff  }
0x282: {  	v21 =	vor.u32 s22, v3;
	v12 =	vld.idx.msk [tilespmem:v19+s28+$0x0], $0xffff  }
0x283: {  	v22 =	vld [tilespmem:s1+$0x400]  }
0x284: {  	v23 =	vld [tilespmem:s1+$0x410]  }
0x285: {  	v13 =	vld.idx.msk [tilespmem:v20+s28+$0x0], $0xffff  }
0x286: {  	v24 =	vld [tilespmem:s1+$0x420]  }
0x287: {  	v14 =	vld.idx.msk [tilespmem:v21+s28+$0x0], $0xffff  }
0x288: {  	v25 =	vld [tilespmem:s1+$0x430]  }
0x289: {  	(v2sf) =	vpush v4, $0xC;
	v15 =	vmul.f32 v22, v11;
	v16 =	vmul.f32 v23, v12;
	_ =	sdelay $0x1  }
0x28a: {  	v26 =	vmul.f32 v24, v13;
	v15 =	vadd.f32 v16, v15;
	_ =	sdelay $0x1  }
0x28b: {  	v27 =	vmul.f32 v25, v14;
	v15 =	vadd.f32 v26, v15;
	_ =	sdelay $0x1  }
0x28c: {  	v15 =	vadd.f32 v27, v15;
	_ =	sdelay $0x1  }
0x28d: {  	s25 =	sld [smem:$0x7F4];
	(xrf2) =	vadd.scan.msk.f32 $0xffff, v15;
	_ =	sdelay $0x1  }
0x28e: {  	[tilespmem:s1+$0xC00] =	vst v11  }
0x28f: {  	s0 =	sadd.s32 s30, s25;
	[tilespmem:s1+$0xC10] =	vst v12  }
0x290: {  	s31 =	rddreg [dreg:$0x9];
	s0 =	sshll.u32 s0, $0x3;
	[tilespmem:s1+$0xC20] =	vst v13  }
0x291: {  	s0 =	sadd.s32 s31, s0;
	[tilespmem:s1+$0xC30] =	vst v14;
	s1 =	sadd.s32 $0xC00, s1  }
0x292: {  	[hbm4b:s0+s13] =	stream.linear.scatter [tilespmem:s1], [sflag:$0x3], $0x40, $0x38;
	[tilespmem:$0x12700] =	vst v63  }
0x293: {  	s14 =	spop (v2sf)  }
0x294: {  	s4 =	sand.u32 $0x7F, s18;
	s6 =	sand.u32 $0xFFFFF80, s14  }
0x295: {  	v28 =	vor.u32 s4, v0;
	s1 =	sadd.s32 s10, s6  }
0x296: {  	[tilespmem:s28], [sflag:$0x2] =	stream.strided.gather [hbm4b:s1+s26], $0x2000, s3, s26, $0x38;
	v29, _, _ =	vpop (xrf2);
	[tilespmem:$0x12700] =	vst v63  }
0x297: {  	v30 =	vor.u32 s4, v1;
	_ =	swait.ge [sflag:s15], $0x2000  }
0x298: {  	v31 =	vor.u32 s4, v2;
	[sflag:s15] =	ssyncset.done $0x0  }
0x299: {  	v32 =	vor.u32 s4, v3;
	s7 =	simm.s32 $0xC700;
	[sflag:s15] =	ssyncadd.s32 $0xFFFFE000  }
0x29a: {  	v11 =	vld.idx.msk [tilespmem:v28+s7+$0x0], $0xffff;
	_ =	sdelay $0x1  }
0x29b: {  	s21 =	sld [smem:$0x7F5];
	v13 =	vld.idx.msk [tilespmem:v30+s7+$0x0], $0xffff  }
0x29c: {  	v14 =	vld.idx.msk [tilespmem:v31+s7+$0x0], $0xffff  }
0x29d: {  	v15 =	vld.idx.msk [tilespmem:v32+s7+$0x0], $0xffff  }
0x29e: {  	v33 =	vld [tilespmem:s21+$0x400];
	[tilespmem:s21+$0xC00] =	vst v11  }
0x29f: {  	v34 =	vld [tilespmem:s9+$0x450];
	_ =	sdelay $0x1  }
0x2a0: {  	v35 =	vld [tilespmem:s9+$0x460];
	_ =	sdelay $0x1  }
0x2a1: {  	v36 =	vld [tilespmem:s9+$0x470]  }
0x2a2: {  	(v2sf) =	vpush v4, $0xD;
	v11 =	vmul.f32 v33, v11;
	v37 =	vmul.f32 v34, v13;
	_ =	sdelay $0x1  }
0x2a3: {  	v38 =	vmul.f32 v35, v14;
	v11 =	vadd.f32 v37, v11;
	_ =	sdelay $0x1  }
0x2a4: {  	v39 =	vmul.f32 v36, v15;
	v11 =	vadd.f32 v38, v11;
	_ =	sdelay $0x1  }
0x2a5: {  	v11 =	vadd.f32 v39, v11;
	_ =	sdelay $0x1  }
0x2a6: {  	s22 =	sld [smem:$0x7F6];
	(xrf2) =	vadd.scan.msk.f32 $0xffff, v11;
	_ =	sdelay $0x1  }
0x2a7: {  	[tilespmem:s9+$0xC50] =	vst v13  }
0x2a8: {  	s0 =	sadd.s32 s30, s22;
	[tilespmem:s9+$0xC60] =	vst v14  }
0x2a9: {  	s0 =	sshll.u32 s0, $0x3;
	[tilespmem:s9+$0xC70] =	vst v15;
	s9 =	rddreg [dreg:$0x9]  }
0x2aa: {  	s24 =	sld [smem:$0x7F7];
	s1 =	sadd.s32 $0xC00, s21;
	s0 =	sadd.s32 s9, s0  }
0x2ab: {  	[hbm4b:s0+s13] =	stream.linear.scatter [tilespmem:s1], [sflag:$0x3], $0x40, $0x38;
	[tilespmem:$0x12700] =	vst v63  }
0x2ac: {  	s2 =	spop (v2sf)  }
0x2ad: {  	s0 =	sand.u32 $0x7F, s24;
	s25 =	sand.u32 $0xFFFFF80, s2  }
0x2ae: {  	s8 =	simm.s32 $0xC700;
	v40 =	vor.u32 s0, v0;
	s1 =	sadd.s32 s10, s25  }
0x2af: {  	v42 =	vor.u32 s0, v1;
	[tilespmem:s8], [sflag:$0x2] =	stream.strided.gather [hbm4b:s1+s26], $0x2000, s3, s26, $0x38;
	v41, _, _ =	vpop (xrf2);
	[tilespmem:$0x12700] =	vst v63  }
0x2b0: {  	s18 =	rddreg [dreg:$0x1d];
	_ =	swait.ge [sflag:s15], $0x2000  }
0x2b1: {  	[sflag:s15] =	ssyncset.done $0x0  }
0x2b2: {  	s28 =	simm.s32 $0xE700;
	v43 =	vor.u32 s0, v2;
	[sflag:s15] =	ssyncadd.s32 $0xFFFFE000  }
0x2b3: {  	v11 =	vld.idx.msk [tilespmem:v40+s28+$0x0], $0xffff  }
0x2b4: {  	v44 =	vor.u32 s0, v3;
	v14 =	vld.idx.msk [tilespmem:v42+s28+$0x0], $0xffff  }
0x2b5: {  	v45 =	vld [tilespmem:s17+$0x400]  }
0x2b6: {  	v46 =	vld [tilespmem:s17+$0x410]  }
0x2b7: {  	v15 =	vld.idx.msk [tilespmem:v43+s28+$0x0], $0xffff  }
0x2b8: {  	v47 =	vld [tilespmem:s17+$0x420]  }
0x2b9: {  	v16 =	vld.idx.msk [tilespmem:v44+s28+$0x0], $0xffff  }
0x2ba: {  	v48 =	vld [tilespmem:s17+$0x430]  }
0x2bb: {  	(v2sf) =	vpush v4, $0xE;
	v17 =	vmul.f32 v45, v11;
	v18 =	vmul.f32 v46, v14;
	_ =	sdelay $0x1  }
0x2bc: {  	v49 =	vmul.f32 v47, v15;
	v17 =	vadd.f32 v18, v17;
	_ =	sdelay $0x1  }
0x2bd: {  	v50 =	vmul.f32 v48, v16;
	v17 =	vadd.f32 v49, v17;
	_ =	sdelay $0x1  }
0x2be: {  	v17 =	vadd.f32 v50, v17;
	_ =	sdelay $0x1  }
0x2bf: {  	s1 =	sld [smem:$0x7F8];
	(xrf2) =	vadd.scan.msk.f32 $0xffff, v17;
	_ =	sdelay $0x1  }
0x2c0: {  	[tilespmem:s17+$0xC00] =	vst v11  }
0x2c1: {  	s0 =	sadd.s32 s30, s1;
	[tilespmem:s17+$0xC10] =	vst v14  }
0x2c2: {  	s0 =	sshll.u32 s0, $0x3;
	[tilespmem:s17+$0xC20] =	vst v15  }
0x2c3: {  	s4 =	sadd.s32 $0xC00, s17;
	s0 =	sadd.s32 s9, s0;
	[tilespmem:s17+$0xC30] =	vst v16  }
0x2c4: {  	[hbm4b:s0+s13] =	stream.linear.scatter [tilespmem:s4], [sflag:$0x3], $0x40, $0x38;
	[tilespmem:$0x12700] =	vst v63  }
0x2c5: {  	s1 =	spop (v2sf)  }
0x2c6: {  	s7 =	sand.u32 $0x7F, s20;
	s8 =	sand.u32 $0xFFFFF80, s1  }
0x2c7: {  	s31 =	simm.s32 $0xE700;
	v51 =	vor.u32 s7, v0;
	s4 =	sadd.s32 s10, s8  }
0x2c8: {  	[tilespmem:s31], [sflag:$0x2] =	stream.strided.gather [hbm4b:s4+s26], $0x2000, s3, s26, $0x38;
	v52, _, _ =	vpop (xrf2);
	[tilespmem:$0x12700] =	vst v63  }
0x2c9: {  	v53 =	vor.u32 s7, v1;
	_ =	swait.ge [sflag:s15], $0x2000  }
0x2ca: {  	v54 =	vor.u32 s7, v2;
	[sflag:s15] =	ssyncset.done $0x0  }
0x2cb: {  	v55 =	vor.u32 s7, v3;
	[sflag:s15] =	ssyncadd.s32 $0xFFFFE000;
	s15 =	simm.s32 $0x10700  }
0x2cc: {  	v11 =	vld.idx.msk [tilespmem:v51+s15+$0x0], $0xffff;
	_ =	sdelay $0x1  }
0x2cd: {  	s20 =	sld [smem:$0x7F9];
	v15 =	vld.idx.msk [tilespmem:v53+s15+$0x0], $0xffff  }
0x2ce: {  	v16 =	vld.idx.msk [tilespmem:v54+s15+$0x0], $0xffff  }
0x2cf: {  	v17 =	vld.idx.msk [tilespmem:v55+s15+$0x0], $0xffff  }
0x2d0: {  	v56 =	vld [tilespmem:s20+$0x400];
	[tilespmem:s20+$0xC00] =	vst v11  }
0x2d1: {  	v57 =	vld [tilespmem:s16+$0x450]  }
0x2d2: {  	(v2sf) =	vpush v4, $0xF  }
0x2d3: {  	v58 =	vld [tilespmem:s16+$0x460];
	_ =	sdelay $0x1  }
0x2d4: {  	v59 =	vld [tilespmem:s16+$0x470]  }
0x2d5: {  	v11 =	vmul.f32 v56, v11;
	v60 =	vmul.f32 v57, v15;
	_ =	sdelay $0x1  }
0x2d6: {  	v61 =	vmul.f32 v58, v16;
	v11 =	vadd.f32 v60, v11;
	_ =	sdelay $0x1  }
0x2d7: {  	s21 =	sld [smem:$0x7FA];
	v62 =	vmul.f32 v59, v17;
	v11 =	vadd.f32 v61, v11;
	_ =	sdelay $0x1  }
0x2d8: {  	v11 =	vadd.f32 v62, v11  }
0x2d9: {  	s0 =	sadd.s32 s30, s21;
	[tilespmem:s16+$0xC50] =	vst v15  }
0x2da: {  	s0 =	sshll.u32 s0, $0x3;
	[tilespmem:s16+$0xC60] =	vst v16;
	(xrf2) =	vadd.scan.msk.f32 $0xffff, v11  }
0x2db: {  	s4 =	sadd.s32 $0xC00, s20;
	s0 =	sadd.s32 s9, s0;
	[tilespmem:s16+$0xC70] =	vst v17  }
0x2dc: {  	[hbm4b:s0+s13] =	stream.linear.scatter [tilespmem:s4], [sflag:$0x3], $0x40, $0x38;
	[tilespmem:$0x12700] =	vst v63  }
0x2dd: {  	s0 =	spop (v2sf)  }
0x2de: {  	v7 =	vbroadcast v7, $0xF;
	s22 =	sand.u32 $0xFFFFF80, s0  }
0x2df: {  	v5 =	vpsel p0, v5, v6;
	v6 =	vbroadcast v8, $0xF;
	s17 =	simm.s32 $0x10700;
	s24 =	rddreg [dreg:$0x1e];
	s4 =	sadd.s32 s10, s22  }
0x2e0: {  	v5 =	vsel vm0, v7, v5;
	v7 =	vbroadcast v9, $0xF;
	[tilespmem:s17], [sflag:$0x2] =	stream.strided.gather [hbm4b:s4+s26], $0x2000, s3, s26, $0x38;
	[tilespmem:$0x12700] =	vst v63  }
0x2e1: {  	v5 =	vsel vm1, v5, v6;
	v6 =	vbroadcast v10, $0xF;
	s4 =	sadd.s32 $0x1, s24  }
0x2e2: {  	v5 =	vsel vm2, v5, v7;
	v7 =	vbroadcast v29, $0xF;
	s28 =	sld [smem:$0x7FB];
	p0 =	sne.s32 s4, $0x20  }
.Ltmp1:
0x2e3: {  	v5 =	vsel vm3, v5, v6;
	v6 =	vbroadcast v41, $0xF;
	s31 =	sld [smem:$0x7FD];
	(pc) =	sbr.rel @!p0 .LBB2_5-.Ltmp1, $4  }
0x2e4: {  	v5 =	vsel vm4, v5, v7;
	v7 =	vbroadcast v52, $0xF;
	s30 =	sld [smem:$0x7FC];
	v63, _, _ =	vpop (xrf2)  }
0x2e5: {  	s6 =	simm.s32 $0x2;
	s18 =	sadd.s32 $0x400, s18;
	v5 =	vsel vm5, v5, v6;
	v6 =	vbroadcast v63, $0xF  }
0x2e6: {  	s8 =	simm.s32 $0x0;
	s25 =	rddreg [dreg:$0x1f];
	v5 =	vsel vm6, v5, v7;
	s7 =	sadd.s32 $0x10, s31  }
0x2e7: {  	s13 =	sadd.s32 $0x80, s28;
	s10 =	sadd.s32 $0x10, s25;
	s3 =	sadd.s32 $0x10, s30;
	v5 =	vsel vm7, v5, v6  }
.LBB2_2:
0x2e8: {  	p0 =	seq.s32 s4, $0x0  }
.Ltmp2:
0x2e9: {  	[dreg:$0x1e] =	wrdreg s4;
	(pc) =	sbr.rel @!p0 .LBB2_3-.Ltmp2, $4  }
0x2ea: {  	[dreg:$0x1f] =	wrdreg s10  }
0x2eb: {  	[smem:$0x7FB] =	sst s13  }
0x2ec: {  	[smem:$0x7FC] =	sst s3  }
0x2ed: {  	[smem:$0x7FD] =	sst s7  }
.Ltmp3:
0x2ee: {  	v7 =	vld [tilespmem:$0x0];
	(pc) =	sbr.rel .LBB2_4-.Ltmp3, $2  }
0x2ef: {  	_ =	sdelay $0x2  }
0x2f0: {  	s20 =	simm.s32 $0x0;
	p0 =	por $0x1, $0x1;
	v4 =	vld [tilespmem:$0x200];
	s15 =	simm.s32 $0x2  }
.LBB2_5:
0x2f1: {  	v16 =	vand.u32 $0x7F, v4  }
0x2f2: {  	v4 =	vbroadcast v16, $0x8;
	_ =	sdelay $0x1  }
0x2f3: {  	v6 =	vor.u32 v0, v4  }
0x2f4: {  	v7 =	vor.u32 v1, v4;
	v10 =	vor.u32 v2, v4;
	v4 =	vor.u32 v3, v4;
	_ =	sdelay $0x1  }
0x2f5: {  	_ =	swait.ge [sflag:s6], $0x2000  }
0x2f6: {  	[sflag:s6] =	ssyncset.done $0x0  }
0x2f7: {  	[sflag:s6] =	ssyncadd.s32 $0xFFFFE000  }
0x2f8: {  	v20 =	vld.idx.msk [tilespmem:v4+s23+$0x0], $0xffff  }
0x2f9: {  	v4 =	vld [tilespmem:$0xA00];
	_ =	sdelay $0x4  }
0x2fa: {  	[tilespmem:$0x1FFA0] =	vst v4;
	v4 =	vld [tilespmem:$0xA10];
	_ =	sdelay $0x3  }
0x2fb: {  	v12 =	vld.idx.msk [tilespmem:v6+s23+$0x0], $0xffff  }
0x2fc: {  	[tilespmem:$0x1FFB0] =	vst v4;
	v4 =	vld [tilespmem:$0xA20]  }
0x2fd: {  	v13 =	vld.idx.msk [tilespmem:v7+s23+$0x0], $0xffff  }
0x2fe: {  	v10 =	vld.idx.msk [tilespmem:v10+s23+$0x0], $0xffff;
	_ =	sdelay $0x1  }
0x2ff: {  	[tilespmem:$0x1200] =	vst v12  }
0x300: {  	[tilespmem:$0x1FFC0] =	vst v4;
	v4 =	vld [tilespmem:$0xA30]  }
0x301: {  	[tilespmem:$0x1210] =	vst v13  }
0x302: {  	v11 =	vbroadcast v16, $0x9;
	[tilespmem:$0x1220] =	vst v10  }
0x303: {  	s0 =	simm.s32 $0x0;
	s2 =	simm.s32 $0x1200;
	s1 =	rddreg [dreg:$0xe];
	[tilespmem:$0x1230] =	vst v20  }
0x304: {  	v14 =	vor.u32 v0, v11;
	[hbm4b:s1+s0] =	stream.linear.scatter [tilespmem:s2], [sflag:$0x3], $0x40, $0x38;
	[tilespmem:$0x12700] =	vst v63  }
0x305: {  	[tilespmem:$0x1FFD0] =	vst v4  }
0x306: {  	v15 =	vor.u32 v1, v11;
	_ =	swait.ge [sflag:s6], $0x2000  }
0x307: {  	v19 =	vor.u32 v2, v11;
	[sflag:s6] =	ssyncset.done $0x0  }
0x308: {  	s25 =	simm.s32 $0x4700;
	v11 =	vor.u32 v3, v11;
	[sflag:s6] =	ssyncadd.s32 $0xFFFFE000  }
0x309: {  	v18 =	vld.idx.msk [tilespmem:v14+s25+$0x0], $0xffff  }
0x30a: {  	v4 =	vld [tilespmem:$0xA60]  }
0x30b: {  	v17 =	vld.idx.msk [tilespmem:v15+s25+$0x0], $0xffff  }
0x30c: {  	v14 =	vld.idx.msk [tilespmem:v19+s25+$0x0], $0xffff  }
0x30d: {  	v11 =	vld.idx.msk [tilespmem:v11+s25+$0x0], $0xffff  }
0x30e: {  	[tilespmem:$0x1240] =	vst v18  }
0x30f: {  	[tilespmem:$0x1FFE0] =	vst v4;
	v4 =	vld [tilespmem:$0xA70]  }
0x310: {  	[tilespmem:$0x1250] =	vst v17  }
0x311: {  	v22 =	vbroadcast v16, $0xA;
	[tilespmem:$0x1260] =	vst v14  }
0x312: {  	s30 =	simm.s32 $0x1240;
	s28 =	rddreg [dreg:$0xf];
	v15 =	vld [tilespmem:$0xA40];
	[tilespmem:$0x1270] =	vst v11  }
0x313: {  	v23 =	vor.u32 v0, v22;
	v21 =	vld [tilespmem:$0xA50];
	[hbm4b:s28+s0] =	stream.linear.scatter [tilespmem:s30], [sflag:$0x3], $0x40, $0x38  }
0x314: {  	v24 =	vor.u32 v1, v22;
	[tilespmem:$0x1FFF0] =	vst v4  }
0x315: {  	v25 =	vor.u32 v2, v22;
	_ =	swait.ge [sflag:s6], $0x2000  }
0x316: {  	v22 =	vor.u32 v3, v22;
	[sflag:s6] =	ssyncset.done $0x0  }
0x317: {  	s31 =	simm.s32 $0x6700;
	[sflag:s6] =	ssyncadd.s32 $0xFFFFE000  }
0x318: {  	v26 =	vld.idx.msk [tilespmem:v23+s31+$0x0], $0xffff  }
0x319: {  	v24 =	vld.idx.msk [tilespmem:v24+s31+$0x0], $0xffff  }
0x31a: {  	v23 =	vld.idx.msk [tilespmem:v25+s31+$0x0], $0xffff  }
0x31b: {  	v22 =	vld.idx.msk [tilespmem:v22+s31+$0x0], $0xffff;
	_ =	sdelay $0x1  }
0x31c: {  	[tilespmem:$0x1280] =	vst v26  }
0x31d: {  	v28 =	vbroadcast v16, $0xB;
	v25 =	vld [tilespmem:$0xA80];
	[tilespmem:$0x1290] =	vst v24  }
0x31e: {  	v27 =	vld [tilespmem:$0xA90];
	[tilespmem:$0x12A0] =	vst v23  }
0x31f: {  	s3 =	simm.s32 $0x1280;
	v31 =	vor.u32 v0, v28;
	s2 =	rddreg [dreg:$0x10];
	v29 =	vld [tilespmem:$0xAA0];
	[tilespmem:$0x12B0] =	vst v22  }
0x320: {  	v32 =	vor.u32 v1, v28;
	v30 =	vld [tilespmem:$0xAB0];
	[hbm4b:s2+s0] =	stream.linear.scatter [tilespmem:s3], [sflag:$0x3], $0x40, $0x38  }
0x321: {  	v33 =	vor.u32 v2, v28;
	_ =	swait.ge [sflag:s6], $0x2000  }
0x322: {  	v28 =	vor.u32 v3, v28;
	[sflag:s6] =	ssyncset.done $0x0  }
0x323: {  	s4 =	simm.s32 $0x8700;
	[sflag:s6] =	ssyncadd.s32 $0xFFFFE000  }
0x324: {  	v31 =	vld.idx.msk [tilespmem:v31+s4+$0x0], $0xffff  }
0x325: {  	v32 =	vld.idx.msk [tilespmem:v32+s4+$0x0], $0xffff  }
0x326: {  	v33 =	vld.idx.msk [tilespmem:v33+s4+$0x0], $0xffff  }
0x327: {  	v28 =	vld.idx.msk [tilespmem:v28+s4+$0x0], $0xffff;
	_ =	sdelay $0x1  }
0x328: {  	[tilespmem:$0x12C0] =	vst v31  }
0x329: {  	v36 =	vbroadcast v16, $0xC;
	v34 =	vld [tilespmem:$0xAC0];
	[tilespmem:$0x12D0] =	vst v32  }
0x32a: {  	v35 =	vld [tilespmem:$0xAD0];
	[tilespmem:$0x12E0] =	vst v33  }
0x32b: {  	s7 =	simm.s32 $0x12C0;
	v39 =	vor.u32 v0, v36;
	s5 =	rddreg [dreg:$0x11];
	v37 =	vld [tilespmem:$0xAE0];
	[tilespmem:$0x12F0] =	vst v28  }
0x32c: {  	v40 =	vor.u32 v1, v36;
	v38 =	vld [tilespmem:$0xAF0];
	[hbm4b:s5+s0] =	stream.linear.scatter [tilespmem:s7], [sflag:$0x3], $0x40, $0x38  }
0x32d: {  	v41 =	vor.u32 v2, v36;
	_ =	swait.ge [sflag:s6], $0x2000  }
0x32e: {  	v36 =	vor.u32 v3, v36;
	[sflag:s6] =	ssyncset.done $0x0  }
0x32f: {  	s10 =	simm.s32 $0xA700;
	[sflag:s6] =	ssyncadd.s32 $0xFFFFE000  }
0x330: {  	v39 =	vld.idx.msk [tilespmem:v39+s10+$0x0], $0xffff  }
0x331: {  	v40 =	vld.idx.msk [tilespmem:v40+s10+$0x0], $0xffff  }
0x332: {  	v41 =	vld.idx.msk [tilespmem:v41+s10+$0x0], $0xffff  }
0x333: {  	v36 =	vld.idx.msk [tilespmem:v36+s10+$0x0], $0xffff;
	_ =	sdelay $0x1  }
0x334: {  	[tilespmem:$0x1300] =	vst v39  }
0x335: {  	v44 =	vbroadcast v16, $0xD;
	v42 =	vld [tilespmem:$0xB00];
	[tilespmem:$0x1310] =	vst v40  }
0x336: {  	v43 =	vld [tilespmem:$0xB10];
	[tilespmem:$0x1320] =	vst v41  }
0x337: {  	s12 =	simm.s32 $0x1300;
	v47 =	vor.u32 v0, v44;
	s11 =	rddreg [dreg:$0x12];
	v45 =	vld [tilespmem:$0xB20];
	[tilespmem:$0x1330] =	vst v36  }
0x338: {  	v48 =	vor.u32 v1, v44;
	v46 =	vld [tilespmem:$0xB30];
	[hbm4b:s11+s0] =	stream.linear.scatter [tilespmem:s12], [sflag:$0x3], $0x40, $0x38  }
0x339: {  	v49 =	vor.u32 v2, v44;
	_ =	swait.ge [sflag:s6], $0x2000  }
0x33a: {  	v44 =	vor.u32 v3, v44;
	[sflag:s6] =	ssyncset.done $0x0  }
0x33b: {  	s13 =	simm.s32 $0xC700;
	[sflag:s6] =	ssyncadd.s32 $0xFFFFE000  }
0x33c: {  	v47 =	vld.idx.msk [tilespmem:v47+s13+$0x0], $0xffff  }
0x33d: {  	v48 =	vld.idx.msk [tilespmem:v48+s13+$0x0], $0xffff  }
0x33e: {  	v49 =	vld.idx.msk [tilespmem:v49+s13+$0x0], $0xffff  }
0x33f: {  	v44 =	vld.idx.msk [tilespmem:v44+s13+$0x0], $0xffff;
	_ =	sdelay $0x1  }
0x340: {  	[tilespmem:$0x1340] =	vst v47  }
0x341: {  	v52 =	vbroadcast v16, $0xE;
	v50 =	vld [tilespmem:$0xB40];
	[tilespmem:$0x1350] =	vst v48  }
0x342: {  	v51 =	vld [tilespmem:$0xB50];
	[tilespmem:$0x1360] =	vst v49  }
0x343: {  	s15 =	simm.s32 $0x1340;
	v55 =	vor.u32 v0, v52;
	s14 =	rddreg [dreg:$0x13];
	v53 =	vld [tilespmem:$0xB60];
	[tilespmem:$0x1370] =	vst v44  }
0x344: {  	v56 =	vor.u32 v1, v52;
	v54 =	vld [tilespmem:$0xB70];
	[hbm4b:s14+s0] =	stream.linear.scatter [tilespmem:s15], [sflag:$0x3], $0x40, $0x38  }
0x345: {  	v57 =	vor.u32 v2, v52;
	_ =	swait.ge [sflag:s6], $0x2000  }
0x346: {  	v52 =	vor.u32 v3, v52;
	[sflag:s6] =	ssyncset.done $0x0  }
0x347: {  	s16 =	simm.s32 $0xE700;
	[sflag:s6] =	ssyncadd.s32 $0xFFFFE000  }
0x348: {  	v55 =	vld.idx.msk [tilespmem:v55+s16+$0x0], $0xffff  }
0x349: {  	v56 =	vld.idx.msk [tilespmem:v56+s16+$0x0], $0xffff  }
0x34a: {  	v57 =	vld.idx.msk [tilespmem:v57+s16+$0x0], $0xffff  }
0x34b: {  	v52 =	vld.idx.msk [tilespmem:v52+s16+$0x0], $0xffff;
	_ =	sdelay $0x1  }
0x34c: {  	[tilespmem:$0x1380] =	vst v55  }
0x34d: {  	v58 =	vld [tilespmem:$0xB80];
	[tilespmem:$0x1390] =	vst v56  }
0x34e: {  	v16 =	vbroadcast v16, $0xF;
	v59 =	vld [tilespmem:$0xB90];
	[tilespmem:$0x13A0] =	vst v57  }
0x34f: {  	s18 =	simm.s32 $0x1380;
	s17 =	rddreg [dreg:$0x14];
	v60 =	vld [tilespmem:$0xBA0];
	[tilespmem:$0x13B0] =	vst v52  }
0x350: {  	v62 =	vor.u32 v0, v16;
	v61 =	vld [tilespmem:$0xBB0];
	[hbm4b:s17+s0] =	stream.linear.scatter [tilespmem:s18], [sflag:$0x3], $0x40, $0x38  }
0x351: {  	v63 =	vor.u32 v1, v16;
	_ =	swait.ge [sflag:s6], $0x2000  }
0x352: {  	v19 =	vld [tilespmem:$0x1FFA0]  }
0x353: {  	[sflag:s6] =	ssyncset.done $0x0  }
0x354: {  	s19 =	simm.s32 $0x10700;
	[sflag:s6] =	ssyncadd.s32 $0xFFFFE000  }
0x355: {  	v7 =	vor.u32 v2, v16;
	v62 =	vld.idx.msk [tilespmem:v62+s19+$0x0], $0xffff  }
0x356: {  	v63 =	vld.idx.msk [tilespmem:v63+s19+$0x0], $0xffff  }
0x357: {  	v12 =	vmul.f32 v19, v12;
	v19 =	vld [tilespmem:$0x1FFB0]  }
0x358: {  	v4 =	vld [tilespmem:$0xBC0]  }
0x359: {  	v6 =	vld [tilespmem:$0xBD0]  }
0x35a: {  	v16 =	vor.u32 v3, v16;
	v9 =	vld.idx.msk [tilespmem:v7+s19+$0x0], $0xffff  }
0x35b: {  	v7 =	vld [tilespmem:$0xBE0]  }
0x35c: {  	v18 =	vmul.f32 v15, v18;
	v13 =	vmul.f32 v19, v13;
	v19 =	vld [tilespmem:$0x1FFC0]  }
0x35d: {  	v30 =	vmul.f32 v30, v22;
	v34 =	vmul.f32 v34, v31  }
0x35e: {  	v4 =	vmul.f32 v4, v62;
	v6 =	vmul.f32 v6, v63  }
0x35f: {  	v35 =	vmul.f32 v35, v32;
	v37 =	vmul.f32 v37, v33;
	v16 =	vld.idx.msk [tilespmem:v16+s19+$0x0], $0xffff  }
0x360: {  	v39 =	vmul.f32 v42, v39;
	v8 =	vld [tilespmem:$0xBF0];
	v4 =	vadd.f32 v6, v4;
	v6 =	vmul.f32 v7, v9  }
0x361: {  	v10 =	vmul.f32 v19, v10;
	v19 =	vmul.f32 v25, v26;
	v25 =	vld [tilespmem:$0x1FFE0]  }
0x362: {  	v4 =	vadd.f32 v6, v4;
	v6 =	vmul.f32 v21, v17;
	v21 =	vmul.f32 v27, v24;
	v24 =	vld [tilespmem:$0x1FFD0]  }
0x363: {  	v42 =	vmul.f32 v43, v40;
	v27 =	vmul.f32 v29, v23;
	v29 =	vld [tilespmem:$0x1FFF0]  }
0x364: {  	v43 =	vmul.f32 v38, v28;
	v47 =	vmul.f32 v50, v47  }
0x365: {  	v48 =	vmul.f32 v51, v48;
	v50 =	vmul.f32 v58, v55;
	v7 =	vadd.f32 v13, v12  }
0x366: {  	v8 =	vmul.f32 v8, v16;
	v6 =	vadd.f32 v6, v18;
	v12 =	vmul.f32 v25, v14  }
0x367: {  	v55 =	vadd.f32 v48, v47;
	v15 =	vmul.f32 v24, v20;
	v7 =	vadd.f32 v10, v7  }
0x368: {  	v4 =	vadd.f32 v8, v4;
	v11 =	vmul.f32 v29, v11;
	v6 =	vadd.f32 v12, v6  }
0x369: {  	v45 =	vmul.f32 v45, v41;
	v26 =	vadd.f32 v21, v19;
	v7 =	vadd.f32 v15, v7  }
0x36a: {  	v51 =	vmul.f32 v59, v56;
	v6 =	vadd.f32 v11, v6;
	v11 =	vadd.f32 v35, v34  }
0x36b: {  	v56 =	vmul.f32 v53, v49;
	(xrf2) =	vadd.scan.msk.f32 $0xffff, v4;
	v10 =	vadd.f32 v42, v39;
	v8 =	vadd.f32 v27, v26  }
0x36c: {  	v57 =	vmul.f32 v60, v57;
	v13 =	vadd.f32 v51, v50;
	(xrf2) =	vadd.scan.msk.f32 $0xffff, v7;
	v11 =	vadd.f32 v37, v11  }
0x36d: {  	v4 =	vadd.f32 v45, v10;
	v8 =	vadd.f32 v30, v8;
	v7 =	vmul.f32 v46, v36;
	(xrf2) =	vadd.scan.msk.f32 $0xffff, v6  }
0x36e: {  	v58 =	vmul.f32 v54, v44;
	v10 =	vadd.f32 v56, v55;
	v6 =	vadd.f32 v43, v11  }
0x36f: {  	v59 =	vmul.f32 v61, v52;
	v4 =	vadd.f32 v7, v4;
	v7 =	vadd.f32 v57, v13;
	(xrf2) =	vadd.scan.msk.f32 $0xffff, v8  }
0x370: {  	(xrf2) =	vadd.scan.msk.f32 $0xffff, v6  }
0x371: {  	v6 =	vadd.f32 v58, v10;
	(xrf2) =	vadd.scan.msk.f32 $0xffff, v4;
	v4 =	vadd.f32 v59, v7;
	_ =	sdelay $0x1  }
0x372: {  	(xrf2) =	vadd.scan.msk.f32 $0xffff, v6  }
0x373: {  	(xrf2) =	vadd.scan.msk.f32 $0xffff, v4  }
0x374: {  	v4, _, _ =	vpop (xrf2)  }
0x375: {  	v6, _, _ =	vpop (xrf2)  }
0x376: {  	v7, _, _ =	vpop (xrf2);
	v6 =	vbroadcast v6, $0xF  }
0x377: {  	v7 =	vbroadcast v7, $0xF;
	_ =	sdelay $0x1  }
0x378: {  	v60, _, _ =	vpop (xrf2)  }
0x379: {  	vm9 =	vmmov $0x1ff;
	v5 =	vsel vm8, v6, v5;
	v8 =	vbroadcast v60, $0xF;
	v6, _, _ =	vpop (xrf2)  }
0x37a: {  	v5 =	vsel vm9, v5, v7;
	vm9 =	vmmov $0x3ff;
	v7, _, _ =	vpop (xrf2);
	v6 =	vbroadcast v6, $0xF  }
0x37b: {  	v5 =	vsel vm9, v5, v8;
	vm9 =	vmmov $0x7ff;
	v61, _, _ =	vpop (xrf2);
	v7 =	vbroadcast v7, $0xF  }
0x37c: {  	[tilespmem:$0x13C0] =	vst v62;
	v5 =	vsel vm9, v5, v6;
	vm9 =	vmmov $0xfff;
	v6 =	vbroadcast v61, $0xF;
	v62, _, _ =	vpop (xrf2)  }
0x37d: {  	[tilespmem:$0x13D0] =	vst v63;
	v5 =	vsel vm9, v5, v7;
	vm9 =	vmmov $0x1fff;
	v7 =	vbroadcast v62, $0xF  }
0x37e: {  	[tilespmem:$0x13E0] =	vst v9;
	v5 =	vsel vm9, v5, v6;
	vm9 =	vmmov $0x3fff  }
0x37f: {  	s21 =	simm.s32 $0x13C0;
	s20 =	rddreg [dreg:$0x15];
	[tilespmem:$0x13F0] =	vst v16;
	v5 =	vsel vm9, v5, v7;
	vm9 =	vmmov $0x7fff  }
0x380: {  	[hbm4b:s20+s0] =	stream.linear.scatter [tilespmem:s21], [sflag:$0x3], $0x40, $0x38;
	v4 =	vsel vm9, v5, v4;
	[tilespmem:$0x12700] =	vst v63  }
0x381: {  	s22 =	simm.s32 $0x3;
	[tilespmem:$0x26F0] =	vst v4  }
0x382: {  	_ =	swait.ge [sflag:s22], $0x800  }
0x383: {  	[sflag:s22] =	ssyncset.done $0x0  }
0x384: {  	[sflag:s22] =	ssyncadd.s32 $0xFFFFF800  }
0x385: {  	_ =	swait.ge [sflag:s22], $0x200  }
0x386: {  	[sflag:s22] =	ssyncset.done $0x0  }
0x387: {  	[sflag:s22] =	ssyncadd.s32 $0xFFFFFE00  }
0x388: {  	s24 =	simm.s32 $0x2400;
	s4 =	simm.s32 $0x4;
	s1 =	rddreg [dreg:$0x5]  }
0x389: {  	[tilespmem:s24], [sflag:$0x4] =	stream.linear.gather [hbm4b:s1+s0], $0x80, $0x38;
	[tilespmem:$0x12700] =	vst v63  }
0x38a: {  	_ =	swait.ge [sflag:s4], $0x80  }
0x38b: {  	[sflag:s4] =	ssyncset.done $0x0  }
0x38c: {  	[sflag:s4] =	ssyncadd.s32 $0xFFFFFF80  }
0x38d: {  	s28 =	simm.s32 $0x2480;
	s25 =	rddreg [dreg:$0x6]  }
0x38e: {  	[tilespmem:s28], [sflag:$0x4] =	stream.linear.gather [hbm4b:s25+s0], $0x80, $0x38;
	[tilespmem:$0x12700] =	vst v63  }
0x38f: {  	_ =	swait.ge [sflag:s4], $0x80  }
0x390: {  	[sflag:s4] =	ssyncset.done $0x0  }
0x391: {  	[sflag:s4] =	ssyncadd.s32 $0xFFFFFF80  }
0x392: {  	s2 =	simm.s32 $0x1400;
	s30 =	rddreg [dreg:$0x2]  }
0x393: {  	[tilespmem:s2], [sflag:$0x4] =	stream.linear.gather [hbm4b:s30+s0], $0x1000, $0x38;
	[tilespmem:$0x12700] =	vst v63  }
0x394: {  	_ =	swait.ge [sflag:s4], $0x1000  }
0x395: {  	[sflag:s4] =	ssyncset.done $0x0  }
0x396: {  	s31 =	simm.s32 $0x0;
	[sflag:s4] =	ssyncadd.s32 $0xFFFFF000  }
0x397: {  	v4 =	vimm.s32 $0x0;
	s0 =	simm.s32 $0x40;
	v5 =	vld [tilespmem:s31+$0x1400]  }
.LBB2_6:
0x398: {  	p0 =	sne.s32 s0, $0x3FC0  }
.Ltmp4:
0x399: {  	_ = 	snop;
	(pc) =	sbr.rel @p0 .LBB2_6-.Ltmp4, $3  }
0x39a: {  	_ =	sdelay $0x1  }
0x39b: {  	s1 =	sshra.s32 s0, $0x2;
	s0 =	sadd.s32 $0x40, s0;
	v4 =	vadd.s32 v4, v5  }
0x39c: {  	v5 =	vld [tilespmem:s1+$0x1400]  }
0x39d: {  	s0 =	simm.s32 $0x0;
	s1 =	rddreg [dreg:$0x16]  }
0x39e: {  	[tilespmem:s2], [sflag:$0x4] =	stream.linear.gather [hbm4b:s1+s0], $0x1000, $0x38;
	[tilespmem:$0x12700] =	vst v63  }
0x39f: {  	_ =	swait.ge [sflag:s4], $0x1000  }
0x3a0: {  	[sflag:s4] =	ssyncset.done $0x0  }
0x3a1: {  	s31 =	simm.s32 $0x0;
	[sflag:s4] =	ssyncadd.s32 $0xFFFFF000  }
0x3a2: {  	s0 =	simm.s32 $0x40;
	v4 =	vadd.s32 v4, v5;
	v5 =	vld [tilespmem:s31+$0x1400]  }
.LBB2_8:
0x3a3: {  	p0 =	sne.s32 s0, $0x3FC0  }
.Ltmp5:
0x3a4: {  	_ = 	snop;
	(pc) =	sbr.rel @p0 .LBB2_8-.Ltmp5, $3  }
0x3a5: {  	_ =	sdelay $0x1  }
0x3a6: {  	s1 =	sshra.s32 s0, $0x2;
	s0 =	sadd.s32 $0x40, s0;
	v4 =	vadd.s32 v4, v5  }
0x3a7: {  	v5 =	vld [tilespmem:s1+$0x1400]  }
0x3a8: {  	s0 =	simm.s32 $0x0;
	s1 =	rddreg [dreg:$0x18]  }
0x3a9: {  	[tilespmem:s2], [sflag:$0x4] =	stream.linear.gather [hbm4b:s1+s0], $0x1000, $0x38;
	[tilespmem:$0x12700] =	vst v63  }
0x3aa: {  	_ =	swait.ge [sflag:s4], $0x1000  }
0x3ab: {  	[sflag:s4] =	ssyncset.done $0x0  }
0x3ac: {  	s31 =	simm.s32 $0x0;
	[sflag:s4] =	ssyncadd.s32 $0xFFFFF000  }
0x3ad: {  	s0 =	simm.s32 $0x40;
	v4 =	vadd.s32 v4, v5;
	v5 =	vld [tilespmem:s31+$0x1400]  }
.LBB2_10:
0x3ae: {  	p0 =	sne.s32 s0, $0x3FC0  }
.Ltmp6:
0x3af: {  	_ = 	snop;
	(pc) =	sbr.rel @p0 .LBB2_10-.Ltmp6, $3  }
0x3b0: {  	_ =	sdelay $0x1  }
0x3b1: {  	s1 =	sshra.s32 s0, $0x2;
	s0 =	sadd.s32 $0x40, s0;
	v4 =	vadd.s32 v4, v5  }
0x3b2: {  	v5 =	vld [tilespmem:s1+$0x1400]  }
0x3b3: {  	s0 =	simm.s32 $0x0;
	s1 =	rddreg [dreg:$0x1b]  }
0x3b4: {  	[tilespmem:s2], [sflag:$0x4] =	stream.linear.gather [hbm4b:s1+s0], $0x1000, $0x38;
	[tilespmem:$0x12700] =	vst v63  }
0x3b5: {  	_ =	swait.ge [sflag:s4], $0x1000  }
0x3b6: {  	[sflag:s4] =	ssyncset.done $0x0  }
0x3b7: {  	s31 =	simm.s32 $0x0;
	[sflag:s4] =	ssyncadd.s32 $0xFFFFF000  }
0x3b8: {  	s0 =	simm.s32 $0x40;
	v4 =	vadd.s32 v4, v5;
	v5 =	vld [tilespmem:s31+$0x1400]  }
.LBB2_12:
0x3b9: {  	p0 =	sne.s32 s0, $0x3FC0  }
.Ltmp7:
0x3ba: {  	_ = 	snop;
	(pc) =	sbr.rel @p0 .LBB2_12-.Ltmp7, $3  }
0x3bb: {  	_ =	sdelay $0x1  }
0x3bc: {  	s1 =	sshra.s32 s0, $0x2;
	s0 =	sadd.s32 $0x40, s0;
	v4 =	vadd.s32 v4, v5  }
0x3bd: {  	v5 =	vld [tilespmem:s1+$0x1400]  }
0x3be: {  	v6 =	vld [tilespmem:$0x2400]  }
0x3bf: {  	v7 =	vld [tilespmem:$0x2410]  }
0x3c0: {  	v8 =	vld [tilespmem:$0x2420]  }
0x3c1: {  	v9 =	vld [tilespmem:$0x2430]  }
0x3c2: {  	v4 =	vadd.s32 v4, v5  }
0x3c3: {  	v4 =	vcvt.s32.f32 v4;
	_ =	sdelay $0x1  }
0x3c4: {  	(xrf2) =	vadd.scan.msk.f32 $0xffff, v4;
	v4 =	vadd.f32 v7, v6  }
0x3c5: {  	v5 =	vadd.f32 v9, v8  }
0x3c6: {  	(xrf2) =	vadd.scan.msk.f32 $0xffff, v4  }
0x3c7: {  	(xrf2) =	vadd.scan.msk.f32 $0xffff, v5;
	_ =	sdelay $0x6  }
0x3c8: {  	v4, _, _ =	vpop (xrf2)  }
0x3c9: {  	(v2sf) =	vpush v4, $0xF  }
0x3ca: {  	v4, _, _ =	vpop (xrf2)  }
0x3cb: {  	v5 =	vld [tilespmem:$0x2480];
	(v2sf) =	vpush v4, $0xF;
	v4, _, _ =	vpop (xrf2)  }
0x3cc: {  	(v2sf) =	vpush v4, $0xF;
	_ =	sdelay $0x3  }
0x3cd: {  	(v2sf) =	vpush v5, $0x0;
	_ =	sdelay $0x7  }
0x3ce: {  	s0 =	spop (v2sf)  }
0x3cf: {  	s1 =	ssub.f32 $1.638400000e+04, s0  }
0x3d0: {  	s2 =	spop (v2sf)  }
0x3d1: {  	s3 =	spop (v2sf);
	s1 =	smul.f32 s2, s1  }
0x3d2: {  	s0 =	smul.f32 s3, s0;
	_ =	sdelay $0x1  }
0x3d3: {  	s0 =	sadd.f32 s0, s1  }
0x3d4: {  	s31 =	spop (v2sf)  }
0x3d5: {  	s0 =	sadd.f32 s0, s31;
	_ =	sdelay $0x1  }
0x3d6: {  	s1 =	simm.s32 $0x40;
	v4 =	vmov s0;
	s0 =	simm.s32 $0x0  }
.LBB2_14:
0x3d7: {  	p0 =	sne.s32 s1, $0x7C0;
	v5 =	vld [tilespmem:s0+$0x2500];
	_ =	sdelay $0x2  }
.Ltmp8:
0x3d8: {  	(pc) =	sbr.rel @p0 .LBB2_14-.Ltmp8, $3  }
0x3d9: {  	_ = 	snop  }
0x3da: {  	v5 =	vadd.f32 v5, v4;
	_ =	sdelay $0x1  }
0x3db: {  	[tilespmem:s0+$0x2500] =	vst v5;
	s0 =	sshra.s32 s1, $0x2;
	s1 =	sadd.s32 $0x40, s1  }
0x3dc: {  	v5 =	vld [tilespmem:s0+$0x2500];
	_ =	sdelay $0x4  }
0x3dd: {  	v4 =	vadd.f32 v5, v4;
	_ =	sdelay $0x1  }
0x3de: {  	s28 =	rddreg [dreg:$0x17];
	s1 =	simm.s32 $0x2500;
	[tilespmem:s0+$0x2500] =	vst v4  }
0x3df: {  	[hbm4b:s28+s8] =	stream.linear.scatter [tilespmem:s1], [sflag:$0x4], $0x200, $0x38;
	[tilespmem:$0x12700] =	vst v63  }
0x3e0: {  	_ =	swait.ge [sflag:s4], $0x200  }
0x3e1: {  	s30 =	rddreg [dreg:$0x1c]  }
0x3e2: {  	s31 =	rddreg [dreg:$0x19];
	s1 =	sadd.s32 $0x1, s30  }
0x3e3: {  	p0 =	sne.s32 s1, s31  }
.Ltmp9:
0x3e4: {  	_ = 	snop;
	(pc) =	sbr.rel @p0 .LBB2_1-.Ltmp9, $3  }
0x3e5: {  	_ =	sdelay $0x1  }
0x3e6: {  	[sflag:s4] =	ssyncset.done $0x0  }
0x3e7: {  	[sflag:s4] =	ssyncadd.s32 $0xFFFFFE00  }
0x3e8: {  	_ =	sfence.sel $0x180000  }
0x3e9: {  	[bflag:$0x0] =	sbarrier.arrive $0xFFFF  }
0x3ea: {  	_ =	strace $0x90000047  }
0x3eb: {  	s0 =	stileid.u32;
	[bflag:$0x2] =	sbarrier.arrive $0xFFFF  }
0x3ec: {  	p0 =	sne.s32 s0, $0x0;
	s0 =	rddreg [dreg:$0xa]  }
0x3ed: {  	s0 =	sadd.s32 @!p0 $0x100000, s0  }
0x3ee: {  	[sflag:s0] =	ssyncadd.tile.s32 @!p0 $0x1;
	_ =	shalt  }
.Lfunc_end2:
_tile_overlayer_lowered:
.L_overlay_start_2:
0x3ef: {  	(tag) =	ssettag $0x2  }
0x3f0: {  	s0 =	rddreg [dreg:$0x0];
	s2 =	stileid.u32  }
0x3f1: {  	s1 =	rddreg [dreg:$0x1];
	p0 =	sne.s32 s2, $0x0  }
0x3f2: {  	s3 =	rddreg [dreg:$0x2];
	[bflag:$0x3] =	sbarrier.arrive $0xFFFF;
	s2 =	simm.s32 @!p0 $0x1C04  }
0x3f3: {  	[timem:s3], [sflag:s2] =	dma.local @!p0 [hbm:s0], s1  }
0x3f4: {  	s0 =	simm.s32 @!p0 $0x4  }
0x3f5: {  	_ =	swait.ge @!p0 [sflag:s0], s1  }
0x3f6: {  	s1 =	ssub.s32 @!p0 $0x0, s1;
	[sflag:s0] =	ssyncset.done @!p0 $0x0  }
0x3f7: {  	[sflag:s0] =	ssyncadd.s32 @!p0 s1  }
0x3f8: {  	[bflag:$0x3] =	sbarrier.arrive $0xFFFF  }
0x3f9: {  	_ =	shalt  }

</sc_bundles>
